<compile_context>
chip_gen: v7x
topology: tpu7x:2x2x1
jax: 0.10.2.dev20260603
libtpu: 0.0.44.dev20260713+nightly
codegen_flags: <defaults>
</compile_context>

<pallas_src>
import functools

import jax
import jax.numpy as jnp
from jax import lax
from jax.experimental import pallas as pl
from jax.experimental.pallas import tpu as pltpu
from jax.experimental.pallas import tpu_sc as plsc

NC, NS, L = 2, 16, 16
NW = NC * NS

N_NODES = 100000
N_PAD = 102400
N_PER_W = N_PAD // NW
N_EDGES = 6400000
E_PER_W = N_EDGES // NW
CHUNK = 8000
N_CHUNKS = E_PER_W // CHUNK
GROWS = 128
NG = N_PER_W // GROWS
HSUB = 640
NHS = N_PER_W // HSUB
MAX_DEG = 256
EMB = 64

_mesh = dict(core_axis_name="c", subcore_axis_name="s")


@functools.partial(
    pl.kernel,
    out_type=jax.ShapeDtypeStruct((NW, N_PAD), jnp.int32),
    mesh=plsc.VectorSubcoreMesh(**_mesh),
    scratch_types=[
        pltpu.VMEM((CHUNK,), jnp.int32),
        pltpu.VMEM((CHUNK,), jnp.int32),
        pltpu.VMEM((N_PAD,), jnp.int32),
        pltpu.SemaphoreType.DMA,
        pltpu.SemaphoreType.DMA,
    ],
    compiler_params=pltpu.CompilerParams(needs_layout_passes=False,
                                         use_tc_tiling_on_sc=False),
)
def _hist_kernel(edges_hbm, hists_hbm, ebuf0, ebuf1, hist, sem0, sem1):
    wid = lax.axis_index("s") * NC + lax.axis_index("c")
    zeros = jnp.zeros((L,), jnp.int32)
    ones = jnp.ones((L,), jnp.int32)

    @plsc.parallel_loop(0, N_PAD, step=L, unroll=8)
    def _(i):
        hist[pl.ds(i, L)] = zeros

    base = wid * E_PER_W
    bufs = (ebuf0, ebuf1)
    sems = (sem0, sem1)
    desc = pltpu.async_copy(
        edges_hbm.at[pl.ds(base, CHUNK)], ebuf0, sem0)
    for c in range(N_CHUNKS):
        nxt = None
        if c + 1 < N_CHUNKS:
            b = (c + 1) % 2
            nxt = pltpu.async_copy(
                edges_hbm.at[pl.ds(base + (c + 1) * CHUNK, CHUNK)],
                bufs[b], sems[b])
        desc.wait()
        buf = bufs[c % 2]

        @plsc.parallel_loop(0, CHUNK, step=L, unroll=8)
        def _(i):
            ids = buf[pl.ds(i, L)]
            plsc.addupdate_scatter(hist, [ids], ones)

        desc = nxt

    pltpu.sync_copy(hist, hists_hbm.at[wid])


@functools.partial(
    pl.kernel,
    out_type=jax.ShapeDtypeStruct((N_NODES, EMB), jnp.float32),
    mesh=plsc.VectorSubcoreMesh(**_mesh),
    scratch_types=[
        pltpu.VMEM((NW, HSUB), jnp.int32),
        pltpu.VMEM((N_PER_W,), jnp.int32),
        pltpu.VMEM((GROWS, EMB), jnp.float32),
        pltpu.VMEM((GROWS, EMB), jnp.float32),
        pltpu.VMEM_SHARED((MAX_DEG + 1, EMB), jnp.float32),
        pltpu.SemaphoreType.DMA,
        pltpu.SemaphoreType.DMA,
    ],
    compiler_params=pltpu.CompilerParams(needs_layout_passes=False,
                                         use_tc_tiling_on_sc=False),
)
def _lookup_kernel(hists_hbm, table_hbm, out_hbm, hsl, didx, rows0, rows1,
                   table_sp, gsem0, gsem1):
    wid = lax.axis_index("s") * NC + lax.axis_index("c")
    nbase = wid * N_PER_W

    @pl.when(lax.axis_index("s") == 0)
    def _():
        pltpu.sync_copy(table_hbm, table_sp)

    for s in range(NHS):
        pltpu.sync_copy(hists_hbm.at[:, pl.ds(nbase + s * HSUB, HSUB)], hsl)

        @plsc.parallel_loop(0, HSUB, step=L, unroll=2)
        def _(i):
            acc = hsl[0, pl.ds(i, L)]
            for t in range(1, NW):
                acc = acc + hsl[t, pl.ds(i, L)]
            acc = jnp.minimum(acc, MAX_DEG)
            didx[pl.ds(s * HSUB + i, L)] = acc

    plsc.subcore_barrier()

    gsems = (gsem0, gsem1)
    rbufs = (rows0, rows1)

    def gather_pipeline(chunks):
        o0, n0 = chunks[0]
        desc = pltpu.async_copy(
            table_sp.at[didx.at[pl.ds(o0, n0)]], rbufs[0].at[pl.ds(0, n0)],
            gsems[0])
        for j, (oj, nj) in enumerate(chunks):
            nxt = None
            if j + 1 < len(chunks):
                b = (j + 1) % 2
                on, nn = chunks[j + 1]
                nxt = pltpu.async_copy(
                    table_sp.at[didx.at[pl.ds(on, nn)]],
                    rbufs[b].at[pl.ds(0, nn)], gsems[b])
            desc.wait()
            pltpu.sync_copy(rbufs[j % 2].at[pl.ds(0, nj)],
                            out_hbm.at[pl.ds(nbase + oj, nj)])
            desc = nxt

    full_chunks = [(j * GROWS, GROWS) for j in range(NG)]
    last_rows = N_NODES - (NW - 1) * N_PER_W
    last_chunks = ([(j * GROWS, GROWS) for j in range(last_rows // GROWS)]
                   + ([(last_rows // GROWS * GROWS, last_rows % GROWS)]
                      if last_rows % GROWS else []))

    @pl.when(wid < NW - 1)
    def _():
        gather_pipeline(full_chunks)

    @pl.when(wid == NW - 1)
    def _():
        gather_pipeline(last_chunks)


def kernel(edge_index, num_nodes, table):
    hists = _hist_kernel(edge_index[0])
    return _lookup_kernel(hists, table)

# --- scband reference (transcript-rebuilt; emitter-appended) ---
"""Pipeline reference for scband-cent-encoder-59803124630042 (READ-ONLY COPY).

The authoritative reference and input builder live on the scoring server;
editing this copy changes nothing except your own understanding.
"""

import jax, jax.numpy as jnp
import numpy as np

MAX_DEGREE = 256
EMBED_DIM = 64
NUM_NODES = 100000
NUM_EDGES = 6400000

def setup_inputs(seed: int = 0) -> dict:
    key = jax.random.key(seed)
    k1, k2 = jax.random.split(key)
    edge_index = jax.random.randint(k1, (2, NUM_EDGES), 0, NUM_NODES)
    table = jax.random.normal(k2, (MAX_DEGREE + 1, EMBED_DIM), dtype=jnp.float32) * 0.02
    return {"edge_index": edge_index, "num_nodes": NUM_NODES, "table": table}

def reference(edge_index, num_nodes, table):
    # degree histogram over source nodes (torch_geometric.utils.degree)
    deg = jnp.bincount(edge_index[0], length=NUM_NODES)
    deg = jnp.where(jnp.arange(NUM_NODES) < num_nodes, deg, 0)
    # clamp to embedding table range
    deg = jnp.clip(deg, 0, table.shape[0] - 1)
    # embedding lookup
    return jnp.take(table, deg, axis=0)

if __name__ == "__main__":
    import jax
    _d = setup_inputs()
    print(jax.jit(kernel)(*tuple(_d.values())))

</pallas_src>

<mosaic_0001>
#map = affine_map<(d0, d1) -> (0)>
#map1 = affine_map<(d0, d1) -> (0, 0)>
module attributes {stable_mosaic.version = 14 : i64} {
  func.func @_hist_kernel(%arg0: i32, %arg1: i32, %arg2: memref<6400000xi32, #tpu.memory_space<hbm>>, %arg3: memref<32x102400xi32, #tpu.memory_space<hbm>>, %arg4: memref<8000xi32, #tpu.memory_space<vmem>>, %arg5: memref<8000xi32, #tpu.memory_space<vmem>>, %arg6: memref<102400xi32, #tpu.memory_space<vmem>>, %arg7: memref<!tpu.dma_semaphore, #tpu.memory_space<semaphore_mem>>, %arg8: memref<!tpu.dma_semaphore, #tpu.memory_space<semaphore_mem>>) attributes {dimension_semantics = [#tpu.dimension_semantics<core_parallel>, #tpu.dimension_semantics<subcore_parallel>], iteration_bounds = array<i64: 2, 16>, scalar_prefetch = 0 : i64, scratch_operands = 5 : i64, tpu.core_type = #tpu.core_type<sc_vector_subcore>, window_params = [{transform_indices = #map}, {transform_indices = #map1}]} {
    %mul3A = arith.constant 2 : i32
    %mul3A_0 = arith.muli %arg1, %mul3A : i32
    %add3A = arith.addi %mul3A_0, %arg0 : i32
    %broadcast_in_dim3A = arith.constant 0 : i32
    %broadcast_in_dim3A_1 = vector.broadcast %broadcast_in_dim3A : i32 to vector<16xi32>
    %broadcast_in_dim3A_2 = arith.constant 1 : i32
    %broadcast_in_dim3A_3 = vector.broadcast %broadcast_in_dim3A_2 : i32 to vector<16xi32>
    %parallel_loop3A = arith.constant 0 : i32
    %parallel_loop3A_4 = arith.constant 102400 : i32
    %parallel_loop3A_5 = arith.constant 16 : i32
    scf.for %parallel_loop3A_229 = %parallel_loop3A to %parallel_loop3A_4 step %parallel_loop3A_5  : i32 {
      %parallel_loop3A_230 = arith.index_cast %parallel_loop3A_229 : i32 to index
      %parallel_loop3A_231 = tpu.vector_load %arg6[%parallel_loop3A_230] {strides = array<i32>} : memref<102400xi32, #tpu.memory_space<vmem>>, vector<16xi32>,
      tpu.vector_store %arg6[%parallel_loop3A_230], %broadcast_in_dim3A_1 {strides = array<i32>} : memref<102400xi32, #tpu.memory_space<vmem>>, vector<16xi32>,
    } {sc.loop_unroll_factor = 8 : i64, sc.parallel_access}
    %mul3A_6 = arith.constant 200000 : i32
    %mul3A_7 = arith.muli %add3A, %mul3A_6 : i32
    %dma_start3A = tpu.memref_slice %arg2[%mul3A_7] : memref<6400000xi32, #tpu.memory_space<hbm>> -> memref<8000xi32, #tpu.memory_space<hbm>>
    %dma_start3A_8 = tpu.memref_slice %arg2[%mul3A_7] : memref<6400000xi32, #tpu.memory_space<hbm>> -> memref<8000xi32, #tpu.memory_space<hbm>>
    tpu.enqueue_dma source(%dma_start3A_8 : memref<8000xi32, #tpu.memory_space<hbm>>) target(%arg4 : memref<8000xi32, #tpu.memory_space<vmem>>) target_semaphore(%arg7 : memref<!tpu.dma_semaphore, #tpu.memory_space<semaphore_mem>>)
    %add3A_9 = arith.constant 8000 : i32
    %add3A_10 = arith.addi %mul3A_7, %add3A_9 : i32
    %dma_start3A_11 = tpu.memref_slice %arg2[%add3A_10] : memref<6400000xi32, #tpu.memory_space<hbm>> -> memref<8000xi32, #tpu.memory_space<hbm>>
    %dma_start3A_12 = tpu.memref_slice %arg2[%add3A_10] : memref<6400000xi32, #tpu.memory_space<hbm>> -> memref<8000xi32, #tpu.memory_space<hbm>>
    tpu.enqueue_dma source(%dma_start3A_12 : memref<8000xi32, #tpu.memory_space<hbm>>) target(%arg5 : memref<8000xi32, #tpu.memory_space<vmem>>) target_semaphore(%arg8 : memref<!tpu.dma_semaphore, #tpu.memory_space<semaphore_mem>>)
    %dma_wait3A = tpu.memref_slice %arg2[%mul3A_7] : memref<6400000xi32, #tpu.memory_space<hbm>> -> memref<8000xi32, #tpu.memory_space<hbm>>
    %dma_wait3A_13 = tpu.memref_slice %arg2[%mul3A_7] : memref<6400000xi32, #tpu.memory_space<hbm>> -> memref<8000xi32, #tpu.memory_space<hbm>>
    tpu.wait_dma2 semaphore(%arg7 : memref<!tpu.dma_semaphore, #tpu.memory_space<semaphore_mem>>) src(%dma_wait3A_13 : memref<8000xi32, #tpu.memory_space<hbm>>) dst(%arg4 : memref<8000xi32, #tpu.memory_space<vmem>>)
    %parallel_loop3A_14 = arith.constant 0 : i32
    %parallel_loop3A_15 = arith.constant 8000 : i32
    %parallel_loop3A_16 = arith.constant 16 : i32
    scf.for %parallel_loop3A_229 = %parallel_loop3A_14 to %parallel_loop3A_15 step %parallel_loop3A_16  : i32 {
      %parallel_loop3A_230 = arith.index_cast %parallel_loop3A_229 : i32 to index
      %parallel_loop3A_231 = tpu.vector_load %arg4[%parallel_loop3A_230] {strides = array<i32>} : memref<8000xi32, #tpu.memory_space<vmem>>, vector<16xi32>,
      tpu.vector_store_idx %arg6[%parallel_loop3A_231], %broadcast_in_dim3A_3 {add = true} : memref<102400xi32, #tpu.memory_space<vmem>>[vector<16xi32>], vector<16xi32>,
    } {sc.loop_unroll_factor = 8 : i64, sc.parallel_access}
    %add3A_17 = arith.constant 16000 : i32
    %add3A_18 = arith.addi %mul3A_7, %add3A_17 : i32
    %dma_start3A_19 = tpu.memref_slice %arg2[%add3A_18] : memref<6400000xi32, #tpu.memory_space<hbm>> -> memref<8000xi32, #tpu.memory_space<hbm>>
    %dma_start3A_20 = tpu.memref_slice %arg2[%add3A_18] : memref<6400000xi32, #tpu.memory_space<hbm>> -> memref<8000xi32, #tpu.memory_space<hbm>>
    tpu.enqueue_dma source(%dma_start3A_20 : memref<8000xi32, #tpu.memory_space<hbm>>) target(%arg4 : memref<8000xi32, #tpu.memory_space<vmem>>) target_semaphore(%arg7 : memref<!tpu.dma_semaphore, #tpu.memory_space<semaphore_mem>>)
    %dma_wait3A_21 = tpu.memref_slice %arg2[%add3A_10] : memref<6400000xi32, #tpu.memory_space<hbm>> -> memref<8000xi32, #tpu.memory_space<hbm>>
    %dma_wait3A_22 = tpu.memref_slice %arg2[%add3A_10] : memref<6400000xi32, #tpu.memory_space<hbm>> -> memref<8000xi32, #tpu.memory_space<hbm>>
    tpu.wait_dma2 semaphore(%arg8 : memref<!tpu.dma_semaphore, #tpu.memory_space<semaphore_mem>>) src(%dma_wait3A_22 : memref<8000xi32, #tpu.memory_space<hbm>>) dst(%arg5 : memref<8000xi32, #tpu.memory_space<vmem>>)
    %parallel_loop3A_23 = arith.constant 0 : i32
    %parallel_loop3A_24 = arith.constant 8000 : i32
    %parallel_loop3A_25 = arith.constant 16 : i32
    scf.for %parallel_loop3A_229 = %parallel_loop3A_23 to %parallel_loop3A_24 step %parallel_loop3A_25  : i32 {
      %parallel_loop3A_230 = arith.index_cast %parallel_loop3A_229 : i32 to index
      %parallel_loop3A_231 = tpu.vector_load %arg5[%parallel_loop3A_230] {strides = array<i32>} : memref<8000xi32, #tpu.memory_space<vmem>>, vector<16xi32>,
      tpu.vector_store_idx %arg6[%parallel_loop3A_231], %broadcast_in_dim3A_3 {add = true} : memref<102400xi32, #tpu.memory_space<vmem>>[vector<16xi32>], vector<16xi32>,
    } {sc.loop_unroll_factor = 8 : i64, sc.parallel_access}
    %add3A_26 = arith.constant 24000 : i32
    %add3A_27 = arith.addi %mul3A_7, %add3A_26 : i32
    %dma_start3A_28 = tpu.memref_slice %arg2[%add3A_27] : memref<6400000xi32, #tpu.memory_space<hbm>> -> memref<8000xi32, #tpu.memory_space<hbm>>
    %dma_start3A_29 = tpu.memref_slice %arg2[%add3A_27] : memref<6400000xi32, #tpu.memory_space<hbm>> -> memref<8000xi32, #tpu.memory_space<hbm>>
    tpu.enqueue_dma source(%dma_start3A_29 : memref<8000xi32, #tpu.memory_space<hbm>>) target(%arg5 : memref<8000xi32, #tpu.memory_space<vmem>>) target_semaphore(%arg8 : memref<!tpu.dma_semaphore, #tpu.memory_space<semaphore_mem>>)
    %dma_wait3A_30 = tpu.memref_slice %arg2[%add3A_18] : memref<6400000xi32, #tpu.memory_space<hbm>> -> memref<8000xi32, #tpu.memory_space<hbm>>
    %dma_wait3A_31 = tpu.memref_slice %arg2[%add3A_18] : memref<6400000xi32, #tpu.memory_space<hbm>> -> memref<8000xi32, #tpu.memory_space<hbm>>
    tpu.wait_dma2 semaphore(%arg7 : memref<!tpu.dma_semaphore, #tpu.memory_space<semaphore_mem>>) src(%dma_wait3A_31 : memref<8000xi32, #tpu.memory_space<hbm>>) dst(%arg4 : memref<8000xi32, #tpu.memory_space<vmem>>)
    %parallel_loop3A_32 = arith.constant 0 : i32
    %parallel_loop3A_33 = arith.constant 8000 : i32
    %parallel_loop3A_34 = arith.constant 16 : i32
    scf.for %parallel_loop3A_229 = %parallel_loop3A_32 to %parallel_loop3A_33 step %parallel_loop3A_34  : i32 {
      %parallel_loop3A_230 = arith.index_cast %parallel_loop3A_229 : i32 to index
      %parallel_loop3A_231 = tpu.vector_load %arg4[%parallel_loop3A_230] {strides = array<i32>} : memref<8000xi32, #tpu.memory_space<vmem>>, vector<16xi32>,
      tpu.vector_store_idx %arg6[%parallel_loop3A_231], %broadcast_in_dim3A_3 {add = true} : memref<102400xi32, #tpu.memory_space<vmem>>[vector<16xi32>], vector<16xi32>,
    } {sc.loop_unroll_factor = 8 : i64, sc.parallel_access}
    %add3A_35 = arith.constant 32000 : i32
    %add3A_36 = arith.addi %mul3A_7, %add3A_35 : i32
    %dma_start3A_37 = tpu.memref_slice %arg2[%add3A_36] : memref<6400000xi32, #tpu.memory_space<hbm>> -> memref<8000xi32, #tpu.memory_space<hbm>>
    %dma_start3A_38 = tpu.memref_slice %arg2[%add3A_36] : memref<6400000xi32, #tpu.memory_space<hbm>> -> memref<8000xi32, #tpu.memory_space<hbm>>
    tpu.enqueue_dma source(%dma_start3A_38 : memref<8000xi32, #tpu.memory_space<hbm>>) target(%arg4 : memref<8000xi32, #tpu.memory_space<vmem>>) target_semaphore(%arg7 : memref<!tpu.dma_semaphore, #tpu.memory_space<semaphore_mem>>)
    %dma_wait3A_39 = tpu.memref_slice %arg2[%add3A_27] : memref<6400000xi32, #tpu.memory_space<hbm>> -> memref<8000xi32, #tpu.memory_space<hbm>>
    %dma_wait3A_40 = tpu.memref_slice %arg2[%add3A_27] : memref<6400000xi32, #tpu.memory_space<hbm>> -> memref<8000xi32, #tpu.memory_space<hbm>>
    tpu.wait_dma2 semaphore(%arg8 : memref<!tpu.dma_semaphore, #tpu.memory_space<semaphore_mem>>) src(%dma_wait3A_40 : memref<8000xi32, #tpu.memory_space<hbm>>) dst(%arg5 : memref<8000xi32, #tpu.memory_space<vmem>>)
    %parallel_loop3A_41 = arith.constant 0 : i32
    %parallel_loop3A_42 = arith.constant 8000 : i32
    %parallel_loop3A_43 = arith.constant 16 : i32
    scf.for %parallel_loop3A_229 = %parallel_loop3A_41 to %parallel_loop3A_42 step %parallel_loop3A_43  : i32 {
      %parallel_loop3A_230 = arith.index_cast %parallel_loop3A_229 : i32 to index
      %parallel_loop3A_231 = tpu.vector_load %arg5[%parallel_loop3A_230] {strides = array<i32>} : memref<8000xi32, #tpu.memory_space<vmem>>, vector<16xi32>,
      tpu.vector_store_idx %arg6[%parallel_loop3A_231], %broadcast_in_dim3A_3 {add = true} : memref<102400xi32, #tpu.memory_space<vmem>>[vector<16xi32>], vector<16xi32>,
    } {sc.loop_unroll_factor = 8 : i64, sc.parallel_access}
    %add3A_44 = arith.constant 40000 : i32
    %add3A_45 = arith.addi %mul3A_7, %add3A_44 : i32
    %dma_start3A_46 = tpu.memref_slice %arg2[%add3A_45] : memref<6400000xi32, #tpu.memory_space<hbm>> -> memref<8000xi32, #tpu.memory_space<hbm>>
    %dma_start3A_47 = tpu.memref_slice %arg2[%add3A_45] : memref<6400000xi32, #tpu.memory_space<hbm>> -> memref<8000xi32, #tpu.memory_space<hbm>>
    tpu.enqueue_dma source(%dma_start3A_47 : memref<8000xi32, #tpu.memory_space<hbm>>) target(%arg5 : memref<8000xi32, #tpu.memory_space<vmem>>) target_semaphore(%arg8 : memref<!tpu.dma_semaphore, #tpu.memory_space<semaphore_mem>>)
    %dma_wait3A_48 = tpu.memref_slice %arg2[%add3A_36] : memref<6400000xi32, #tpu.memory_space<hbm>> -> memref<8000xi32, #tpu.memory_space<hbm>>
    %dma_wait3A_49 = tpu.memref_slice %arg2[%add3A_36] : memref<6400000xi32, #tpu.memory_space<hbm>> -> memref<8000xi32, #tpu.memory_space<hbm>>
    tpu.wait_dma2 semaphore(%arg7 : memref<!tpu.dma_semaphore, #tpu.memory_space<semaphore_mem>>) src(%dma_wait3A_49 : memref<8000xi32, #tpu.memory_space<hbm>>) dst(%arg4 : memref<8000xi32, #tpu.memory_space<vmem>>)
    %parallel_loop3A_50 = arith.constant 0 : i32
    %parallel_loop3A_51 = arith.constant 8000 : i32
    %parallel_loop3A_52 = arith.constant 16 : i32
    scf.for %parallel_loop3A_229 = %parallel_loop3A_50 to %parallel_loop3A_51 step %parallel_loop3A_52  : i32 {
      %parallel_loop3A_230 = arith.index_cast %parallel_loop3A_229 : i32 to index
      %parallel_loop3A_231 = tpu.vector_load %arg4[%parallel_loop3A_230] {strides = array<i32>} : memref<8000xi32, #tpu.memory_space<vmem>>, vector<16xi32>,
      tpu.vector_store_idx %arg6[%parallel_loop3A_231], %broadcast_in_dim3A_3 {add = true} : memref<102400xi32, #tpu.memory_space<vmem>>[vector<16xi32>], vector<16xi32>,
    } {sc.loop_unroll_factor = 8 : i64, sc.parallel_access}
    %add3A_53 = arith.constant 48000 : i32
    %add3A_54 = arith.addi %mul3A_7, %add3A_53 : i32
    %dma_start3A_55 = tpu.memref_slice %arg2[%add3A_54] : memref<6400000xi32, #tpu.memory_space<hbm>> -> memref<8000xi32, #tpu.memory_space<hbm>>
    %dma_start3A_56 = tpu.memref_slice %arg2[%add3A_54] : memref<6400000xi32, #tpu.memory_space<hbm>> -> memref<8000xi32, #tpu.memory_space<hbm>>
    tpu.enqueue_dma source(%dma_start3A_56 : memref<8000xi32, #tpu.memory_space<hbm>>) target(%arg4 : memref<8000xi32, #tpu.memory_space<vmem>>) target_semaphore(%arg7 : memref<!tpu.dma_semaphore, #tpu.memory_space<semaphore_mem>>)
    %dma_wait3A_57 = tpu.memref_slice %arg2[%add3A_45] : memref<6400000xi32, #tpu.memory_space<hbm>> -> memref<8000xi32, #tpu.memory_space<hbm>>
    %dma_wait3A_58 = tpu.memref_slice %arg2[%add3A_45] : memref<6400000xi32, #tpu.memory_space<hbm>> -> memref<8000xi32, #tpu.memory_space<hbm>>
    tpu.wait_dma2 semaphore(%arg8 : memref<!tpu.dma_semaphore, #tpu.memory_space<semaphore_mem>>) src(%dma_wait3A_58 : memref<8000xi32, #tpu.memory_space<hbm>>) dst(%arg5 : memref<8000xi32, #tpu.memory_space<vmem>>)
    %parallel_loop3A_59 = arith.constant 0 : i32
    %parallel_loop3A_60 = arith.constant 8000 : i32
    %parallel_loop3A_61 = arith.constant 16 : i32
    scf.for %parallel_loop3A_229 = %parallel_loop3A_59 to %parallel_loop3A_60 step %parallel_loop3A_61  : i32 {
      %parallel_loop3A_230 = arith.index_cast %parallel_loop3A_229 : i32 to index
      %parallel_loop3A_231 = tpu.vector_load %arg5[%parallel_loop3A_230] {strides = array<i32>} : memref<8000xi32, #tpu.memory_space<vmem>>, vector<16xi32>,
      tpu.vector_store_idx %arg6[%parallel_loop3A_231], %broadcast_in_dim3A_3 {add = true} : memref<102400xi32, #tpu.memory_space<vmem>>[vector<16xi32>], vector<16xi32>,
    } {sc.loop_unroll_factor = 8 : i64, sc.parallel_access}
    %add3A_62 = arith.constant 56000 : i32
    %add3A_63 = arith.addi %mul3A_7, %add3A_62 : i32
    %dma_start3A_64 = tpu.memref_slice %arg2[%add3A_63] : memref<6400000xi32, #tpu.memory_space<hbm>> -> memref<8000xi32, #tpu.memory_space<hbm>>
    %dma_start3A_65 = tpu.memref_slice %arg2[%add3A_63] : memref<6400000xi32, #tpu.memory_space<hbm>> -> memref<8000xi32, #tpu.memory_space<hbm>>
    tpu.enqueue_dma source(%dma_start3A_65 : memref<8000xi32, #tpu.memory_space<hbm>>) target(%arg5 : memref<8000xi32, #tpu.memory_space<vmem>>) target_semaphore(%arg8 : memref<!tpu.dma_semaphore, #tpu.memory_space<semaphore_mem>>)
    %dma_wait3A_66 = tpu.memref_slice %arg2[%add3A_54] : memref<6400000xi32, #tpu.memory_space<hbm>> -> memref<8000xi32, #tpu.memory_space<hbm>>
    %dma_wait3A_67 = tpu.memref_slice %arg2[%add3A_54] : memref<6400000xi32, #tpu.memory_space<hbm>> -> memref<8000xi32, #tpu.memory_space<hbm>>
    tpu.wait_dma2 semaphore(%arg7 : memref<!tpu.dma_semaphore, #tpu.memory_space<semaphore_mem>>) src(%dma_wait3A_67 : memref<8000xi32, #tpu.memory_space<hbm>>) dst(%arg4 : memref<8000xi32, #tpu.memory_space<vmem>>)
    %parallel_loop3A_68 = arith.constant 0 : i32
    %parallel_loop3A_69 = arith.constant 8000 : i32
    %parallel_loop3A_70 = arith.constant 16 : i32
    scf.for %parallel_loop3A_229 = %parallel_loop3A_68 to %parallel_loop3A_69 step %parallel_loop3A_70  : i32 {
      %parallel_loop3A_230 = arith.index_cast %parallel_loop3A_229 : i32 to index
      %parallel_loop3A_231 = tpu.vector_load %arg4[%parallel_loop3A_230] {strides = array<i32>} : memref<8000xi32, #tpu.memory_space<vmem>>, vector<16xi32>,
      tpu.vector_store_idx %arg6[%parallel_loop3A_231], %broadcast_in_dim3A_3 {add = true} : memref<102400xi32, #tpu.memory_space<vmem>>[vector<16xi32>], vector<16xi32>,
    } {sc.loop_unroll_factor = 8 : i64, sc.parallel_access}
    %add3A_71 = arith.constant 64000 : i32
    %add3A_72 = arith.addi %mul3A_7, %add3A_71 : i32
    %dma_start3A_73 = tpu.memref_slice %arg2[%add3A_72] : memref<6400000xi32, #tpu.memory_space<hbm>> -> memref<8000xi32, #tpu.memory_space<hbm>>
    %dma_start3A_74 = tpu.memref_slice %arg2[%add3A_72] : memref<6400000xi32, #tpu.memory_space<hbm>> -> memref<8000xi32, #tpu.memory_space<hbm>>
    tpu.enqueue_dma source(%dma_start3A_74 : memref<8000xi32, #tpu.memory_space<hbm>>) target(%arg4 : memref<8000xi32, #tpu.memory_space<vmem>>) target_semaphore(%arg7 : memref<!tpu.dma_semaphore, #tpu.memory_space<semaphore_mem>>)
    %dma_wait3A_75 = tpu.memref_slice %arg2[%add3A_63] : memref<6400000xi32, #tpu.memory_space<hbm>> -> memref<8000xi32, #tpu.memory_space<hbm>>
    %dma_wait3A_76 = tpu.memref_slice %arg2[%add3A_63] : memref<6400000xi32, #tpu.memory_space<hbm>> -> memref<8000xi32, #tpu.memory_space<hbm>>
    tpu.wait_dma2 semaphore(%arg8 : memref<!tpu.dma_semaphore, #tpu.memory_space<semaphore_mem>>) src(%dma_wait3A_76 : memref<8000xi32, #tpu.memory_space<hbm>>) dst(%arg5 : memref<8000xi32, #tpu.memory_space<vmem>>)
    %parallel_loop3A_77 = arith.constant 0 : i32
    %parallel_loop3A_78 = arith.constant 8000 : i32
    %parallel_loop3A_79 = arith.constant 16 : i32
    scf.for %parallel_loop3A_229 = %parallel_loop3A_77 to %parallel_loop3A_78 step %parallel_loop3A_79  : i32 {
      %parallel_loop3A_230 = arith.index_cast %parallel_loop3A_229 : i32 to index
      %parallel_loop3A_231 = tpu.vector_load %arg5[%parallel_loop3A_230] {strides = array<i32>} : memref<8000xi32, #tpu.memory_space<vmem>>, vector<16xi32>,
      tpu.vector_store_idx %arg6[%parallel_loop3A_231], %broadcast_in_dim3A_3 {add = true} : memref<102400xi32, #tpu.memory_space<vmem>>[vector<16xi32>], vector<16xi32>,
    } {sc.loop_unroll_factor = 8 : i64, sc.parallel_access}
    %add3A_80 = arith.constant 72000 : i32
    %add3A_81 = arith.addi %mul3A_7, %add3A_80 : i32
    %dma_start3A_82 = tpu.memref_slice %arg2[%add3A_81] : memref<6400000xi32, #tpu.memory_space<hbm>> -> memref<8000xi32, #tpu.memory_space<hbm>>
    %dma_start3A_83 = tpu.memref_slice %arg2[%add3A_81] : memref<6400000xi32, #tpu.memory_space<hbm>> -> memref<8000xi32, #tpu.memory_space<hbm>>
    tpu.enqueue_dma source(%dma_start3A_83 : memref<8000xi32, #tpu.memory_space<hbm>>) target(%arg5 : memref<8000xi32, #tpu.memory_space<vmem>>) target_semaphore(%arg8 : memref<!tpu.dma_semaphore, #tpu.memory_space<semaphore_mem>>)
    %dma_wait3A_84 = tpu.memref_slice %arg2[%add3A_72] : memref<6400000xi32, #tpu.memory_space<hbm>> -> memref<8000xi32, #tpu.memory_space<hbm>>
    %dma_wait3A_85 = tpu.memref_slice %arg2[%add3A_72] : memref<6400000xi32, #tpu.memory_space<hbm>> -> memref<8000xi32, #tpu.memory_space<hbm>>
    tpu.wait_dma2 semaphore(%arg7 : memref<!tpu.dma_semaphore, #tpu.memory_space<semaphore_mem>>) src(%dma_wait3A_85 : memref<8000xi32, #tpu.memory_space<hbm>>) dst(%arg4 : memref<8000xi32, #tpu.memory_space<vmem>>)
    %parallel_loop3A_86 = arith.constant 0 : i32
    %parallel_loop3A_87 = arith.constant 8000 : i32
    %parallel_loop3A_88 = arith.constant 16 : i32
    scf.for %parallel_loop3A_229 = %parallel_loop3A_86 to %parallel_loop3A_87 step %parallel_loop3A_88  : i32 {
      %parallel_loop3A_230 = arith.index_cast %parallel_loop3A_229 : i32 to index
      %parallel_loop3A_231 = tpu.vector_load %arg4[%parallel_loop3A_230] {strides = array<i32>} : memref<8000xi32, #tpu.memory_space<vmem>>, vector<16xi32>,
      tpu.vector_store_idx %arg6[%parallel_loop3A_231], %broadcast_in_dim3A_3 {add = true} : memref<102400xi32, #tpu.memory_space<vmem>>[vector<16xi32>], vector<16xi32>,
    } {sc.loop_unroll_factor = 8 : i64, sc.parallel_access}
    %add3A_89 = arith.constant 80000 : i32
    %add3A_90 = arith.addi %mul3A_7, %add3A_89 : i32
    %dma_start3A_91 = tpu.memref_slice %arg2[%add3A_90] : memref<6400000xi32, #tpu.memory_space<hbm>> -> memref<8000xi32, #tpu.memory_space<hbm>>
    %dma_start3A_92 = tpu.memref_slice %arg2[%add3A_90] : memref<6400000xi32, #tpu.memory_space<hbm>> -> memref<8000xi32, #tpu.memory_space<hbm>>
    tpu.enqueue_dma source(%dma_start3A_92 : memref<8000xi32, #tpu.memory_space<hbm>>) target(%arg4 : memref<8000xi32, #tpu.memory_space<vmem>>) target_semaphore(%arg7 : memref<!tpu.dma_semaphore, #tpu.memory_space<semaphore_mem>>)
    %dma_wait3A_93 = tpu.memref_slice %arg2[%add3A_81] : memref<6400000xi32, #tpu.memory_space<hbm>> -> memref<8000xi32, #tpu.memory_space<hbm>>
    %dma_wait3A_94 = tpu.memref_slice %arg2[%add3A_81] : memref<6400000xi32, #tpu.memory_space<hbm>> -> memref<8000xi32, #tpu.memory_space<hbm>>
    tpu.wait_dma2 semaphore(%arg8 : memref<!tpu.dma_semaphore, #tpu.memory_space<semaphore_mem>>) src(%dma_wait3A_94 : memref<8000xi32, #tpu.memory_space<hbm>>) dst(%arg5 : memref<8000xi32, #tpu.memory_space<vmem>>)
    %parallel_loop3A_95 = arith.constant 0 : i32
    %parallel_loop3A_96 = arith.constant 8000 : i32
    %parallel_loop3A_97 = arith.constant 16 : i32
    scf.for %parallel_loop3A_229 = %parallel_loop3A_95 to %parallel_loop3A_96 step %parallel_loop3A_97  : i32 {
      %parallel_loop3A_230 = arith.index_cast %parallel_loop3A_229 : i32 to index
      %parallel_loop3A_231 = tpu.vector_load %arg5[%parallel_loop3A_230] {strides = array<i32>} : memref<8000xi32, #tpu.memory_space<vmem>>, vector<16xi32>,
      tpu.vector_store_idx %arg6[%parallel_loop3A_231], %broadcast_in_dim3A_3 {add = true} : memref<102400xi32, #tpu.memory_space<vmem>>[vector<16xi32>], vector<16xi32>,
    } {sc.loop_unroll_factor = 8 : i64, sc.parallel_access}
    %add3A_98 = arith.constant 88000 : i32
    %add3A_99 = arith.addi %mul3A_7, %add3A_98 : i32
    %dma_start3A_100 = tpu.memref_slice %arg2[%add3A_99] : memref<6400000xi32, #tpu.memory_space<hbm>> -> memref<8000xi32, #tpu.memory_space<hbm>>
    %dma_start3A_101 = tpu.memref_slice %arg2[%add3A_99] : memref<6400000xi32, #tpu.memory_space<hbm>> -> memref<8000xi32, #tpu.memory_space<hbm>>
    tpu.enqueue_dma source(%dma_start3A_101 : memref<8000xi32, #tpu.memory_space<hbm>>) target(%arg5 : memref<8000xi32, #tpu.memory_space<vmem>>) target_semaphore(%arg8 : memref<!tpu.dma_semaphore, #tpu.memory_space<semaphore_mem>>)
    %dma_wait3A_102 = tpu.memref_slice %arg2[%add3A_90] : memref<6400000xi32, #tpu.memory_space<hbm>> -> memref<8000xi32, #tpu.memory_space<hbm>>
    %dma_wait3A_103 = tpu.memref_slice %arg2[%add3A_90] : memref<6400000xi32, #tpu.memory_space<hbm>> -> memref<8000xi32, #tpu.memory_space<hbm>>
    tpu.wait_dma2 semaphore(%arg7 : memref<!tpu.dma_semaphore, #tpu.memory_space<semaphore_mem>>) src(%dma_wait3A_103 : memref<8000xi32, #tpu.memory_space<hbm>>) dst(%arg4 : memref<8000xi32, #tpu.memory_space<vmem>>)
    %parallel_loop3A_104 = arith.constant 0 : i32
    %parallel_loop3A_105 = arith.constant 8000 : i32
    %parallel_loop3A_106 = arith.constant 16 : i32
    scf.for %parallel_loop3A_229 = %parallel_loop3A_104 to %parallel_loop3A_105 step %parallel_loop3A_106  : i32 {
      %parallel_loop3A_230 = arith.index_cast %parallel_loop3A_229 : i32 to index
      %parallel_loop3A_231 = tpu.vector_load %arg4[%parallel_loop3A_230] {strides = array<i32>} : memref<8000xi32, #tpu.memory_space<vmem>>, vector<16xi32>,
      tpu.vector_store_idx %arg6[%parallel_loop3A_231], %broadcast_in_dim3A_3 {add = true} : memref<102400xi32, #tpu.memory_space<vmem>>[vector<16xi32>], vector<16xi32>,
    } {sc.loop_unroll_factor = 8 : i64, sc.parallel_access}
    %add3A_107 = arith.constant 96000 : i32
    %add3A_108 = arith.addi %mul3A_7, %add3A_107 : i32
    %dma_start3A_109 = tpu.memref_slice %arg2[%add3A_108] : memref<6400000xi32, #tpu.memory_space<hbm>> -> memref<8000xi32, #tpu.memory_space<hbm>>
    %dma_start3A_110 = tpu.memref_slice %arg2[%add3A_108] : memref<6400000xi32, #tpu.memory_space<hbm>> -> memref<8000xi32, #tpu.memory_space<hbm>>
    tpu.enqueue_dma source(%dma_start3A_110 : memref<8000xi32, #tpu.memory_space<hbm>>) target(%arg4 : memref<8000xi32, #tpu.memory_space<vmem>>) target_semaphore(%arg7 : memref<!tpu.dma_semaphore, #tpu.memory_space<semaphore_mem>>)
    %dma_wait3A_111 = tpu.memref_slice %arg2[%add3A_99] : memref<6400000xi32, #tpu.memory_space<hbm>> -> memref<8000xi32, #tpu.memory_space<hbm>>
    %dma_wait3A_112 = tpu.memref_slice %arg2[%add3A_99] : memref<6400000xi32, #tpu.memory_space<hbm>> -> memref<8000xi32, #tpu.memory_space<hbm>>
    tpu.wait_dma2 semaphore(%arg8 : memref<!tpu.dma_semaphore, #tpu.memory_space<semaphore_mem>>) src(%dma_wait3A_112 : memref<8000xi32, #tpu.memory_space<hbm>>) dst(%arg5 : memref<8000xi32, #tpu.memory_space<vmem>>)
    %parallel_loop3A_113 = arith.constant 0 : i32
    %parallel_loop3A_114 = arith.constant 8000 : i32
    %parallel_loop3A_115 = arith.constant 16 : i32
    scf.for %parallel_loop3A_229 = %parallel_loop3A_113 to %parallel_loop3A_114 step %parallel_loop3A_115  : i32 {
      %parallel_loop3A_230 = arith.index_cast %parallel_loop3A_229 : i32 to index
      %parallel_loop3A_231 = tpu.vector_load %arg5[%parallel_loop3A_230] {strides = array<i32>} : memref<8000xi32, #tpu.memory_space<vmem>>, vector<16xi32>,
      tpu.vector_store_idx %arg6[%parallel_loop3A_231], %broadcast_in_dim3A_3 {add = true} : memref<102400xi32, #tpu.memory_space<vmem>>[vector<16xi32>], vector<16xi32>,
    } {sc.loop_unroll_factor = 8 : i64, sc.parallel_access}
    %add3A_116 = arith.constant 104000 : i32
    %add3A_117 = arith.addi %mul3A_7, %add3A_116 : i32
    %dma_start3A_118 = tpu.memref_slice %arg2[%add3A_117] : memref<6400000xi32, #tpu.memory_space<hbm>> -> memref<8000xi32, #tpu.memory_space<hbm>>
    %dma_start3A_119 = tpu.memref_slice %arg2[%add3A_117] : memref<6400000xi32, #tpu.memory_space<hbm>> -> memref<8000xi32, #tpu.memory_space<hbm>>
    tpu.enqueue_dma source(%dma_start3A_119 : memref<8000xi32, #tpu.memory_space<hbm>>) target(%arg5 : memref<8000xi32, #tpu.memory_space<vmem>>) target_semaphore(%arg8 : memref<!tpu.dma_semaphore, #tpu.memory_space<semaphore_mem>>)
    %dma_wait3A_120 = tpu.memref_slice %arg2[%add3A_108] : memref<6400000xi32, #tpu.memory_space<hbm>> -> memref<8000xi32, #tpu.memory_space<hbm>>
    %dma_wait3A_121 = tpu.memref_slice %arg2[%add3A_108] : memref<6400000xi32, #tpu.memory_space<hbm>> -> memref<8000xi32, #tpu.memory_space<hbm>>
    tpu.wait_dma2 semaphore(%arg7 : memref<!tpu.dma_semaphore, #tpu.memory_space<semaphore_mem>>) src(%dma_wait3A_121 : memref<8000xi32, #tpu.memory_space<hbm>>) dst(%arg4 : memref<8000xi32, #tpu.memory_space<vmem>>)
    %parallel_loop3A_122 = arith.constant 0 : i32
    %parallel_loop3A_123 = arith.constant 8000 : i32
    %parallel_loop3A_124 = arith.constant 16 : i32
    scf.for %parallel_loop3A_229 = %parallel_loop3A_122 to %parallel_loop3A_123 step %parallel_loop3A_124  : i32 {
      %parallel_loop3A_230 = arith.index_cast %parallel_loop3A_229 : i32 to index
      %parallel_loop3A_231 = tpu.vector_load %arg4[%parallel_loop3A_230] {strides = array<i32>} : memref<8000xi32, #tpu.memory_space<vmem>>, vector<16xi32>,
      tpu.vector_store_idx %arg6[%parallel_loop3A_231], %broadcast_in_dim3A_3 {add = true} : memref<102400xi32, #tpu.memory_space<vmem>>[vector<16xi32>], vector<16xi32>,
    } {sc.loop_unroll_factor = 8 : i64, sc.parallel_access}
    %add3A_125 = arith.constant 112000 : i32
    %add3A_126 = arith.addi %mul3A_7, %add3A_125 : i32
    %dma_start3A_127 = tpu.memref_slice %arg2[%add3A_126] : memref<6400000xi32, #tpu.memory_space<hbm>> -> memref<8000xi32, #tpu.memory_space<hbm>>
    %dma_start3A_128 = tpu.memref_slice %arg2[%add3A_126] : memref<6400000xi32, #tpu.memory_space<hbm>> -> memref<8000xi32, #tpu.memory_space<hbm>>
    tpu.enqueue_dma source(%dma_start3A_128 : memref<8000xi32, #tpu.memory_space<hbm>>) target(%arg4 : memref<8000xi32, #tpu.memory_space<vmem>>) target_semaphore(%arg7 : memref<!tpu.dma_semaphore, #tpu.memory_space<semaphore_mem>>)
    %dma_wait3A_129 = tpu.memref_slice %arg2[%add3A_117] : memref<6400000xi32, #tpu.memory_space<hbm>> -> memref<8000xi32, #tpu.memory_space<hbm>>
    %dma_wait3A_130 = tpu.memref_slice %arg2[%add3A_117] : memref<6400000xi32, #tpu.memory_space<hbm>> -> memref<8000xi32, #tpu.memory_space<hbm>>
    tpu.wait_dma2 semaphore(%arg8 : memref<!tpu.dma_semaphore, #tpu.memory_space<semaphore_mem>>) src(%dma_wait3A_130 : memref<8000xi32, #tpu.memory_space<hbm>>) dst(%arg5 : memref<8000xi32, #tpu.memory_space<vmem>>)
    %parallel_loop3A_131 = arith.constant 0 : i32
    %parallel_loop3A_132 = arith.constant 8000 : i32
    %parallel_loop3A_133 = arith.constant 16 : i32
    scf.for %parallel_loop3A_229 = %parallel_loop3A_131 to %parallel_loop3A_132 step %parallel_loop3A_133  : i32 {
      %parallel_loop3A_230 = arith.index_cast %parallel_loop3A_229 : i32 to index
      %parallel_loop3A_231 = tpu.vector_load %arg5[%parallel_loop3A_230] {strides = array<i32>} : memref<8000xi32, #tpu.memory_space<vmem>>, vector<16xi32>,
      tpu.vector_store_idx %arg6[%parallel_loop3A_231], %broadcast_in_dim3A_3 {add = true} : memref<102400xi32, #tpu.memory_space<vmem>>[vector<16xi32>], vector<16xi32>,
    } {sc.loop_unroll_factor = 8 : i64, sc.parallel_access}
    %add3A_134 = arith.constant 120000 : i32
    %add3A_135 = arith.addi %mul3A_7, %add3A_134 : i32
    %dma_start3A_136 = tpu.memref_slice %arg2[%add3A_135] : memref<6400000xi32, #tpu.memory_space<hbm>> -> memref<8000xi32, #tpu.memory_space<hbm>>
    %dma_start3A_137 = tpu.memref_slice %arg2[%add3A_135] : memref<6400000xi32, #tpu.memory_space<hbm>> -> memref<8000xi32, #tpu.memory_space<hbm>>
    tpu.enqueue_dma source(%dma_start3A_137 : memref<8000xi32, #tpu.memory_space<hbm>>) target(%arg5 : memref<8000xi32, #tpu.memory_space<vmem>>) target_semaphore(%arg8 : memref<!tpu.dma_semaphore, #tpu.memory_space<semaphore_mem>>)
    %dma_wait3A_138 = tpu.memref_slice %arg2[%add3A_126] : memref<6400000xi32, #tpu.memory_space<hbm>> -> memref<8000xi32, #tpu.memory_space<hbm>>
    %dma_wait3A_139 = tpu.memref_slice %arg2[%add3A_126] : memref<6400000xi32, #tpu.memory_space<hbm>> -> memref<8000xi32, #tpu.memory_space<hbm>>
    tpu.wait_dma2 semaphore(%arg7 : memref<!tpu.dma_semaphore, #tpu.memory_space<semaphore_mem>>) src(%dma_wait3A_139 : memref<8000xi32, #tpu.memory_space<hbm>>) dst(%arg4 : memref<8000xi32, #tpu.memory_space<vmem>>)
    %parallel_loop3A_140 = arith.constant 0 : i32
    %parallel_loop3A_141 = arith.constant 8000 : i32
    %parallel_loop3A_142 = arith.constant 16 : i32
    scf.for %parallel_loop3A_229 = %parallel_loop3A_140 to %parallel_loop3A_141 step %parallel_loop3A_142  : i32 {
      %parallel_loop3A_230 = arith.index_cast %parallel_loop3A_229 : i32 to index
      %parallel_loop3A_231 = tpu.vector_load %arg4[%parallel_loop3A_230] {strides = array<i32>} : memref<8000xi32, #tpu.memory_space<vmem>>, vector<16xi32>,
      tpu.vector_store_idx %arg6[%parallel_loop3A_231], %broadcast_in_dim3A_3 {add = true} : memref<102400xi32, #tpu.memory_space<vmem>>[vector<16xi32>], vector<16xi32>,
    } {sc.loop_unroll_factor = 8 : i64, sc.parallel_access}
    %add3A_143 = arith.constant 128000 : i32
    %add3A_144 = arith.addi %mul3A_7, %add3A_143 : i32
    %dma_start3A_145 = tpu.memref_slice %arg2[%add3A_144] : memref<6400000xi32, #tpu.memory_space<hbm>> -> memref<8000xi32, #tpu.memory_space<hbm>>
    %dma_start3A_146 = tpu.memref_slice %arg2[%add3A_144] : memref<6400000xi32, #tpu.memory_space<hbm>> -> memref<8000xi32, #tpu.memory_space<hbm>>
    tpu.enqueue_dma source(%dma_start3A_146 : memref<8000xi32, #tpu.memory_space<hbm>>) target(%arg4 : memref<8000xi32, #tpu.memory_space<vmem>>) target_semaphore(%arg7 : memref<!tpu.dma_semaphore, #tpu.memory_space<semaphore_mem>>)
    %dma_wait3A_147 = tpu.memref_slice %arg2[%add3A_135] : memref<6400000xi32, #tpu.memory_space<hbm>> -> memref<8000xi32, #tpu.memory_space<hbm>>
    %dma_wait3A_148 = tpu.memref_slice %arg2[%add3A_135] : memref<6400000xi32, #tpu.memory_space<hbm>> -> memref<8000xi32, #tpu.memory_space<hbm>>
    tpu.wait_dma2 semaphore(%arg8 : memref<!tpu.dma_semaphore, #tpu.memory_space<semaphore_mem>>) src(%dma_wait3A_148 : memref<8000xi32, #tpu.memory_space<hbm>>) dst(%arg5 : memref<8000xi32, #tpu.memory_space<vmem>>)
    %parallel_loop3A_149 = arith.constant 0 : i32
    %parallel_loop3A_150 = arith.constant 8000 : i32
    %parallel_loop3A_151 = arith.constant 16 : i32
    scf.for %parallel_loop3A_229 = %parallel_loop3A_149 to %parallel_loop3A_150 step %parallel_loop3A_151  : i32 {
      %parallel_loop3A_230 = arith.index_cast %parallel_loop3A_229 : i32 to index
      %parallel_loop3A_231 = tpu.vector_load %arg5[%parallel_loop3A_230] {strides = array<i32>} : memref<8000xi32, #tpu.memory_space<vmem>>, vector<16xi32>,
      tpu.vector_store_idx %arg6[%parallel_loop3A_231], %broadcast_in_dim3A_3 {add = true} : memref<102400xi32, #tpu.memory_space<vmem>>[vector<16xi32>], vector<16xi32>,
    } {sc.loop_unroll_factor = 8 : i64, sc.parallel_access}
    %add3A_152 = arith.constant 136000 : i32
    %add3A_153 = arith.addi %mul3A_7, %add3A_152 : i32
    %dma_start3A_154 = tpu.memref_slice %arg2[%add3A_153] : memref<6400000xi32, #tpu.memory_space<hbm>> -> memref<8000xi32, #tpu.memory_space<hbm>>
    %dma_start3A_155 = tpu.memref_slice %arg2[%add3A_153] : memref<6400000xi32, #tpu.memory_space<hbm>> -> memref<8000xi32, #tpu.memory_space<hbm>>
    tpu.enqueue_dma source(%dma_start3A_155 : memref<8000xi32, #tpu.memory_space<hbm>>) target(%arg5 : memref<8000xi32, #tpu.memory_space<vmem>>) target_semaphore(%arg8 : memref<!tpu.dma_semaphore, #tpu.memory_space<semaphore_mem>>)
    %dma_wait3A_156 = tpu.memref_slice %arg2[%add3A_144] : memref<6400000xi32, #tpu.memory_space<hbm>> -> memref<8000xi32, #tpu.memory_space<hbm>>
    %dma_wait3A_157 = tpu.memref_slice %arg2[%add3A_144] : memref<6400000xi32, #tpu.memory_space<hbm>> -> memref<8000xi32, #tpu.memory_space<hbm>>
    tpu.wait_dma2 semaphore(%arg7 : memref<!tpu.dma_semaphore, #tpu.memory_space<semaphore_mem>>) src(%dma_wait3A_157 : memref<8000xi32, #tpu.memory_space<hbm>>) dst(%arg4 : memref<8000xi32, #tpu.memory_space<vmem>>)
    %parallel_loop3A_158 = arith.constant 0 : i32
    %parallel_loop3A_159 = arith.constant 8000 : i32
    %parallel_loop3A_160 = arith.constant 16 : i32
    scf.for %parallel_loop3A_229 = %parallel_loop3A_158 to %parallel_loop3A_159 step %parallel_loop3A_160  : i32 {
      %parallel_loop3A_230 = arith.index_cast %parallel_loop3A_229 : i32 to index
      %parallel_loop3A_231 = tpu.vector_load %arg4[%parallel_loop3A_230] {strides = array<i32>} : memref<8000xi32, #tpu.memory_space<vmem>>, vector<16xi32>,
      tpu.vector_store_idx %arg6[%parallel_loop3A_231], %broadcast_in_dim3A_3 {add = true} : memref<102400xi32, #tpu.memory_space<vmem>>[vector<16xi32>], vector<16xi32>,
    } {sc.loop_unroll_factor = 8 : i64, sc.parallel_access}
    %add3A_161 = arith.constant 144000 : i32
    %add3A_162 = arith.addi %mul3A_7, %add3A_161 : i32
    %dma_start3A_163 = tpu.memref_slice %arg2[%add3A_162] : memref<6400000xi32, #tpu.memory_space<hbm>> -> memref<8000xi32, #tpu.memory_space<hbm>>
    %dma_start3A_164 = tpu.memref_slice %arg2[%add3A_162] : memref<6400000xi32, #tpu.memory_space<hbm>> -> memref<8000xi32, #tpu.memory_space<hbm>>
    tpu.enqueue_dma source(%dma_start3A_164 : memref<8000xi32, #tpu.memory_space<hbm>>) target(%arg4 : memref<8000xi32, #tpu.memory_space<vmem>>) target_semaphore(%arg7 : memref<!tpu.dma_semaphore, #tpu.memory_space<semaphore_mem>>)
    %dma_wait3A_165 = tpu.memref_slice %arg2[%add3A_153] : memref<6400000xi32, #tpu.memory_space<hbm>> -> memref<8000xi32, #tpu.memory_space<hbm>>
    %dma_wait3A_166 = tpu.memref_slice %arg2[%add3A_153] : memref<6400000xi32, #tpu.memory_space<hbm>> -> memref<8000xi32, #tpu.memory_space<hbm>>
    tpu.wait_dma2 semaphore(%arg8 : memref<!tpu.dma_semaphore, #tpu.memory_space<semaphore_mem>>) src(%dma_wait3A_166 : memref<8000xi32, #tpu.memory_space<hbm>>) dst(%arg5 : memref<8000xi32, #tpu.memory_space<vmem>>)
    %parallel_loop3A_167 = arith.constant 0 : i32
    %parallel_loop3A_168 = arith.constant 8000 : i32
    %parallel_loop3A_169 = arith.constant 16 : i32
    scf.for %parallel_loop3A_229 = %parallel_loop3A_167 to %parallel_loop3A_168 step %parallel_loop3A_169  : i32 {
      %parallel_loop3A_230 = arith.index_cast %parallel_loop3A_229 : i32 to index
      %parallel_loop3A_231 = tpu.vector_load %arg5[%parallel_loop3A_230] {strides = array<i32>} : memref<8000xi32, #tpu.memory_space<vmem>>, vector<16xi32>,
      tpu.vector_store_idx %arg6[%parallel_loop3A_231], %broadcast_in_dim3A_3 {add = true} : memref<102400xi32, #tpu.memory_space<vmem>>[vector<16xi32>], vector<16xi32>,
    } {sc.loop_unroll_factor = 8 : i64, sc.parallel_access}
    %add3A_170 = arith.constant 152000 : i32
    %add3A_171 = arith.addi %mul3A_7, %add3A_170 : i32
    %dma_start3A_172 = tpu.memref_slice %arg2[%add3A_171] : memref<6400000xi32, #tpu.memory_space<hbm>> -> memref<8000xi32, #tpu.memory_space<hbm>>
    %dma_start3A_173 = tpu.memref_slice %arg2[%add3A_171] : memref<6400000xi32, #tpu.memory_space<hbm>> -> memref<8000xi32, #tpu.memory_space<hbm>>
    tpu.enqueue_dma source(%dma_start3A_173 : memref<8000xi32, #tpu.memory_space<hbm>>) target(%arg5 : memref<8000xi32, #tpu.memory_space<vmem>>) target_semaphore(%arg8 : memref<!tpu.dma_semaphore, #tpu.memory_space<semaphore_mem>>)
    %dma_wait3A_174 = tpu.memref_slice %arg2[%add3A_162] : memref<6400000xi32, #tpu.memory_space<hbm>> -> memref<8000xi32, #tpu.memory_space<hbm>>
    %dma_wait3A_175 = tpu.memref_slice %arg2[%add3A_162] : memref<6400000xi32, #tpu.memory_space<hbm>> -> memref<8000xi32, #tpu.memory_space<hbm>>
    tpu.wait_dma2 semaphore(%arg7 : memref<!tpu.dma_semaphore, #tpu.memory_space<semaphore_mem>>) src(%dma_wait3A_175 : memref<8000xi32, #tpu.memory_space<hbm>>) dst(%arg4 : memref<8000xi32, #tpu.memory_space<vmem>>)
    %parallel_loop3A_176 = arith.constant 0 : i32
    %parallel_loop3A_177 = arith.constant 8000 : i32
    %parallel_loop3A_178 = arith.constant 16 : i32
    scf.for %parallel_loop3A_229 = %parallel_loop3A_176 to %parallel_loop3A_177 step %parallel_loop3A_178  : i32 {
      %parallel_loop3A_230 = arith.index_cast %parallel_loop3A_229 : i32 to index
      %parallel_loop3A_231 = tpu.vector_load %arg4[%parallel_loop3A_230] {strides = array<i32>} : memref<8000xi32, #tpu.memory_space<vmem>>, vector<16xi32>,
      tpu.vector_store_idx %arg6[%parallel_loop3A_231], %broadcast_in_dim3A_3 {add = true} : memref<102400xi32, #tpu.memory_space<vmem>>[vector<16xi32>], vector<16xi32>,
    } {sc.loop_unroll_factor = 8 : i64, sc.parallel_access}
    %add3A_179 = arith.constant 160000 : i32
    %add3A_180 = arith.addi %mul3A_7, %add3A_179 : i32
    %dma_start3A_181 = tpu.memref_slice %arg2[%add3A_180] : memref<6400000xi32, #tpu.memory_space<hbm>> -> memref<8000xi32, #tpu.memory_space<hbm>>
    %dma_start3A_182 = tpu.memref_slice %arg2[%add3A_180] : memref<6400000xi32, #tpu.memory_space<hbm>> -> memref<8000xi32, #tpu.memory_space<hbm>>
    tpu.enqueue_dma source(%dma_start3A_182 : memref<8000xi32, #tpu.memory_space<hbm>>) target(%arg4 : memref<8000xi32, #tpu.memory_space<vmem>>) target_semaphore(%arg7 : memref<!tpu.dma_semaphore, #tpu.memory_space<semaphore_mem>>)
    %dma_wait3A_183 = tpu.memref_slice %arg2[%add3A_171] : memref<6400000xi32, #tpu.memory_space<hbm>> -> memref<8000xi32, #tpu.memory_space<hbm>>
    %dma_wait3A_184 = tpu.memref_slice %arg2[%add3A_171] : memref<6400000xi32, #tpu.memory_space<hbm>> -> memref<8000xi32, #tpu.memory_space<hbm>>
    tpu.wait_dma2 semaphore(%arg8 : memref<!tpu.dma_semaphore, #tpu.memory_space<semaphore_mem>>) src(%dma_wait3A_184 : memref<8000xi32, #tpu.memory_space<hbm>>) dst(%arg5 : memref<8000xi32, #tpu.memory_space<vmem>>)
    %parallel_loop3A_185 = arith.constant 0 : i32
    %parallel_loop3A_186 = arith.constant 8000 : i32
    %parallel_loop3A_187 = arith.constant 16 : i32
    scf.for %parallel_loop3A_229 = %parallel_loop3A_185 to %parallel_loop3A_186 step %parallel_loop3A_187  : i32 {
      %parallel_loop3A_230 = arith.index_cast %parallel_loop3A_229 : i32 to index
      %parallel_loop3A_231 = tpu.vector_load %arg5[%parallel_loop3A_230] {strides = array<i32>} : memref<8000xi32, #tpu.memory_space<vmem>>, vector<16xi32>,
      tpu.vector_store_idx %arg6[%parallel_loop3A_231], %broadcast_in_dim3A_3 {add = true} : memref<102400xi32, #tpu.memory_space<vmem>>[vector<16xi32>], vector<16xi32>,
    } {sc.loop_unroll_factor = 8 : i64, sc.parallel_access}
    %add3A_188 = arith.constant 168000 : i32
    %add3A_189 = arith.addi %mul3A_7, %add3A_188 : i32
    %dma_start3A_190 = tpu.memref_slice %arg2[%add3A_189] : memref<6400000xi32, #tpu.memory_space<hbm>> -> memref<8000xi32, #tpu.memory_space<hbm>>
    %dma_start3A_191 = tpu.memref_slice %arg2[%add3A_189] : memref<6400000xi32, #tpu.memory_space<hbm>> -> memref<8000xi32, #tpu.memory_space<hbm>>
    tpu.enqueue_dma source(%dma_start3A_191 : memref<8000xi32, #tpu.memory_space<hbm>>) target(%arg5 : memref<8000xi32, #tpu.memory_space<vmem>>) target_semaphore(%arg8 : memref<!tpu.dma_semaphore, #tpu.memory_space<semaphore_mem>>)
    %dma_wait3A_192 = tpu.memref_slice %arg2[%add3A_180] : memref<6400000xi32, #tpu.memory_space<hbm>> -> memref<8000xi32, #tpu.memory_space<hbm>>
    %dma_wait3A_193 = tpu.memref_slice %arg2[%add3A_180] : memref<6400000xi32, #tpu.memory_space<hbm>> -> memref<8000xi32, #tpu.memory_space<hbm>>
    tpu.wait_dma2 semaphore(%arg7 : memref<!tpu.dma_semaphore, #tpu.memory_space<semaphore_mem>>) src(%dma_wait3A_193 : memref<8000xi32, #tpu.memory_space<hbm>>) dst(%arg4 : memref<8000xi32, #tpu.memory_space<vmem>>)
    %parallel_loop3A_194 = arith.constant 0 : i32
    %parallel_loop3A_195 = arith.constant 8000 : i32
    %parallel_loop3A_196 = arith.constant 16 : i32
    scf.for %parallel_loop3A_229 = %parallel_loop3A_194 to %parallel_loop3A_195 step %parallel_loop3A_196  : i32 {
      %parallel_loop3A_230 = arith.index_cast %parallel_loop3A_229 : i32 to index
      %parallel_loop3A_231 = tpu.vector_load %arg4[%parallel_loop3A_230] {strides = array<i32>} : memref<8000xi32, #tpu.memory_space<vmem>>, vector<16xi32>,
      tpu.vector_store_idx %arg6[%parallel_loop3A_231], %broadcast_in_dim3A_3 {add = true} : memref<102400xi32, #tpu.memory_space<vmem>>[vector<16xi32>], vector<16xi32>,
    } {sc.loop_unroll_factor = 8 : i64, sc.parallel_access}
    %add3A_197 = arith.constant 176000 : i32
    %add3A_198 = arith.addi %mul3A_7, %add3A_197 : i32
    %dma_start3A_199 = tpu.memref_slice %arg2[%add3A_198] : memref<6400000xi32, #tpu.memory_space<hbm>> -> memref<8000xi32, #tpu.memory_space<hbm>>
    %dma_start3A_200 = tpu.memref_slice %arg2[%add3A_198] : memref<6400000xi32, #tpu.memory_space<hbm>> -> memref<8000xi32, #tpu.memory_space<hbm>>
    tpu.enqueue_dma source(%dma_start3A_200 : memref<8000xi32, #tpu.memory_space<hbm>>) target(%arg4 : memref<8000xi32, #tpu.memory_space<vmem>>) target_semaphore(%arg7 : memref<!tpu.dma_semaphore, #tpu.memory_space<semaphore_mem>>)
    %dma_wait3A_201 = tpu.memref_slice %arg2[%add3A_189] : memref<6400000xi32, #tpu.memory_space<hbm>> -> memref<8000xi32, #tpu.memory_space<hbm>>
    %dma_wait3A_202 = tpu.memref_slice %arg2[%add3A_189] : memref<6400000xi32, #tpu.memory_space<hbm>> -> memref<8000xi32, #tpu.memory_space<hbm>>
    tpu.wait_dma2 semaphore(%arg8 : memref<!tpu.dma_semaphore, #tpu.memory_space<semaphore_mem>>) src(%dma_wait3A_202 : memref<8000xi32, #tpu.memory_space<hbm>>) dst(%arg5 : memref<8000xi32, #tpu.memory_space<vmem>>)
    %parallel_loop3A_203 = arith.constant 0 : i32
    %parallel_loop3A_204 = arith.constant 8000 : i32
    %parallel_loop3A_205 = arith.constant 16 : i32
    scf.for %parallel_loop3A_229 = %parallel_loop3A_203 to %parallel_loop3A_204 step %parallel_loop3A_205  : i32 {
      %parallel_loop3A_230 = arith.index_cast %parallel_loop3A_229 : i32 to index
      %parallel_loop3A_231 = tpu.vector_load %arg5[%parallel_loop3A_230] {strides = array<i32>} : memref<8000xi32, #tpu.memory_space<vmem>>, vector<16xi32>,
      tpu.vector_store_idx %arg6[%parallel_loop3A_231], %broadcast_in_dim3A_3 {add = true} : memref<102400xi32, #tpu.memory_space<vmem>>[vector<16xi32>], vector<16xi32>,
    } {sc.loop_unroll_factor = 8 : i64, sc.parallel_access}
    %add3A_206 = arith.constant 184000 : i32
    %add3A_207 = arith.addi %mul3A_7, %add3A_206 : i32
    %dma_start3A_208 = tpu.memref_slice %arg2[%add3A_207] : memref<6400000xi32, #tpu.memory_space<hbm>> -> memref<8000xi32, #tpu.memory_space<hbm>>
    %dma_start3A_209 = tpu.memref_slice %arg2[%add3A_207] : memref<6400000xi32, #tpu.memory_space<hbm>> -> memref<8000xi32, #tpu.memory_space<hbm>>
    tpu.enqueue_dma source(%dma_start3A_209 : memref<8000xi32, #tpu.memory_space<hbm>>) target(%arg5 : memref<8000xi32, #tpu.memory_space<vmem>>) target_semaphore(%arg8 : memref<!tpu.dma_semaphore, #tpu.memory_space<semaphore_mem>>)
    %dma_wait3A_210 = tpu.memref_slice %arg2[%add3A_198] : memref<6400000xi32, #tpu.memory_space<hbm>> -> memref<8000xi32, #tpu.memory_space<hbm>>
    %dma_wait3A_211 = tpu.memref_slice %arg2[%add3A_198] : memref<6400000xi32, #tpu.memory_space<hbm>> -> memref<8000xi32, #tpu.memory_space<hbm>>
    tpu.wait_dma2 semaphore(%arg7 : memref<!tpu.dma_semaphore, #tpu.memory_space<semaphore_mem>>) src(%dma_wait3A_211 : memref<8000xi32, #tpu.memory_space<hbm>>) dst(%arg4 : memref<8000xi32, #tpu.memory_space<vmem>>)
    %parallel_loop3A_212 = arith.constant 0 : i32
    %parallel_loop3A_213 = arith.constant 8000 : i32
    %parallel_loop3A_214 = arith.constant 16 : i32
    scf.for %parallel_loop3A_229 = %parallel_loop3A_212 to %parallel_loop3A_213 step %parallel_loop3A_214  : i32 {
      %parallel_loop3A_230 = arith.index_cast %parallel_loop3A_229 : i32 to index
      %parallel_loop3A_231 = tpu.vector_load %arg4[%parallel_loop3A_230] {strides = array<i32>} : memref<8000xi32, #tpu.memory_space<vmem>>, vector<16xi32>,
      tpu.vector_store_idx %arg6[%parallel_loop3A_231], %broadcast_in_dim3A_3 {add = true} : memref<102400xi32, #tpu.memory_space<vmem>>[vector<16xi32>], vector<16xi32>,
    } {sc.loop_unroll_factor = 8 : i64, sc.parallel_access}
    %add3A_215 = arith.constant 192000 : i32
    %add3A_216 = arith.addi %mul3A_7, %add3A_215 : i32
    %dma_start3A_217 = tpu.memref_slice %arg2[%add3A_216] : memref<6400000xi32, #tpu.memory_space<hbm>> -> memref<8000xi32, #tpu.memory_space<hbm>>
    %dma_start3A_218 = tpu.memref_slice %arg2[%add3A_216] : memref<6400000xi32, #tpu.memory_space<hbm>> -> memref<8000xi32, #tpu.memory_space<hbm>>
    tpu.enqueue_dma source(%dma_start3A_218 : memref<8000xi32, #tpu.memory_space<hbm>>) target(%arg4 : memref<8000xi32, #tpu.memory_space<vmem>>) target_semaphore(%arg7 : memref<!tpu.dma_semaphore, #tpu.memory_space<semaphore_mem>>)
    %dma_wait3A_219 = tpu.memref_slice %arg2[%add3A_207] : memref<6400000xi32, #tpu.memory_space<hbm>> -> memref<8000xi32, #tpu.memory_space<hbm>>
    %dma_wait3A_220 = tpu.memref_slice %arg2[%add3A_207] : memref<6400000xi32, #tpu.memory_space<hbm>> -> memref<8000xi32, #tpu.memory_space<hbm>>
    tpu.wait_dma2 semaphore(%arg8 : memref<!tpu.dma_semaphore, #tpu.memory_space<semaphore_mem>>) src(%dma_wait3A_220 : memref<8000xi32, #tpu.memory_space<hbm>>) dst(%arg5 : memref<8000xi32, #tpu.memory_space<vmem>>)
    %parallel_loop3A_221 = arith.constant 0 : i32
    %parallel_loop3A_222 = arith.constant 8000 : i32
    %parallel_loop3A_223 = arith.constant 16 : i32
    scf.for %parallel_loop3A_229 = %parallel_loop3A_221 to %parallel_loop3A_222 step %parallel_loop3A_223  : i32 {
      %parallel_loop3A_230 = arith.index_cast %parallel_loop3A_229 : i32 to index
      %parallel_loop3A_231 = tpu.vector_load %arg5[%parallel_loop3A_230] {strides = array<i32>} : memref<8000xi32, #tpu.memory_space<vmem>>, vector<16xi32>,
      tpu.vector_store_idx %arg6[%parallel_loop3A_231], %broadcast_in_dim3A_3 {add = true} : memref<102400xi32, #tpu.memory_space<vmem>>[vector<16xi32>], vector<16xi32>,
    } {sc.loop_unroll_factor = 8 : i64, sc.parallel_access}
    %dma_wait3A_224 = tpu.memref_slice %arg2[%add3A_216] : memref<6400000xi32, #tpu.memory_space<hbm>> -> memref<8000xi32, #tpu.memory_space<hbm>>
    %dma_wait3A_225 = tpu.memref_slice %arg2[%add3A_216] : memref<6400000xi32, #tpu.memory_space<hbm>> -> memref<8000xi32, #tpu.memory_space<hbm>>
    tpu.wait_dma2 semaphore(%arg7 : memref<!tpu.dma_semaphore, #tpu.memory_space<semaphore_mem>>) src(%dma_wait3A_225 : memref<8000xi32, #tpu.memory_space<hbm>>) dst(%arg4 : memref<8000xi32, #tpu.memory_space<vmem>>)
    %parallel_loop3A_226 = arith.constant 0 : i32
    %parallel_loop3A_227 = arith.constant 8000 : i32
    %parallel_loop3A_228 = arith.constant 16 : i32
    scf.for %parallel_loop3A_229 = %parallel_loop3A_226 to %parallel_loop3A_227 step %parallel_loop3A_228  : i32 {
      %parallel_loop3A_230 = arith.index_cast %parallel_loop3A_229 : i32 to index
      %parallel_loop3A_231 = tpu.vector_load %arg4[%parallel_loop3A_230] {strides = array<i32>} : memref<8000xi32, #tpu.memory_space<vmem>>, vector<16xi32>,
      tpu.vector_store_idx %arg6[%parallel_loop3A_231], %broadcast_in_dim3A_3 {add = true} : memref<102400xi32, #tpu.memory_space<vmem>>[vector<16xi32>], vector<16xi32>,
    } {sc.loop_unroll_factor = 8 : i64, sc.parallel_access}
    "tpu.region"() ({
      %run_scoped3A = tpu.sem_alloc : memref<!tpu.dma_semaphore, #tpu.memory_space<semaphore_mem>>
      %dma_start3A_229 = arith.constant 0 : i32
      %dma_start3A_230 = tpu.memref_slice %arg3[%add3A, %dma_start3A_229] : memref<32x102400xi32, #tpu.memory_space<hbm>> -> memref<1x102400xi32, #tpu.memory_space<hbm>>
      %dma_start3A_231 = tpu.memref_squeeze %dma_start3A_230 : memref<1x102400xi32, #tpu.memory_space<hbm>> -> memref<102400xi32, #tpu.memory_space<hbm>>
      %dma_start3A_232 = arith.constant 0 : i32
      %dma_start3A_233 = tpu.memref_slice %arg3[%add3A, %dma_start3A_232] : memref<32x102400xi32, #tpu.memory_space<hbm>> -> memref<1x102400xi32, #tpu.memory_space<hbm>>
      %dma_start3A_234 = tpu.memref_squeeze %dma_start3A_233 : memref<1x102400xi32, #tpu.memory_space<hbm>> -> memref<102400xi32, #tpu.memory_space<hbm>>
      tpu.enqueue_dma source(%arg6 : memref<102400xi32, #tpu.memory_space<vmem>>) target(%dma_start3A_234 : memref<102400xi32, #tpu.memory_space<hbm>>) target_semaphore(%run_scoped3A : memref<!tpu.dma_semaphore, #tpu.memory_space<semaphore_mem>>)
      %dma_wait3A_235 = arith.constant 0 : i32
      %dma_wait3A_236 = tpu.memref_slice %arg3[%add3A, %dma_wait3A_235] : memref<32x102400xi32, #tpu.memory_space<hbm>> -> memref<1x102400xi32, #tpu.memory_space<hbm>>
      %dma_wait3A_237 = tpu.memref_squeeze %dma_wait3A_236 : memref<1x102400xi32, #tpu.memory_space<hbm>> -> memref<102400xi32, #tpu.memory_space<hbm>>
      %dma_wait3A_238 = arith.constant 0 : i32
      %dma_wait3A_239 = tpu.memref_slice %arg3[%add3A, %dma_wait3A_238] : memref<32x102400xi32, #tpu.memory_space<hbm>> -> memref<1x102400xi32, #tpu.memory_space<hbm>>
      %dma_wait3A_240 = tpu.memref_squeeze %dma_wait3A_239 : memref<1x102400xi32, #tpu.memory_space<hbm>> -> memref<102400xi32, #tpu.memory_space<hbm>>
      tpu.wait_dma2 semaphore(%run_scoped3A : memref<!tpu.dma_semaphore, #tpu.memory_space<semaphore_mem>>) src(%arg6 : memref<102400xi32, #tpu.memory_space<vmem>>) dst(%dma_wait3A_240 : memref<102400xi32, #tpu.memory_space<hbm>>)
      tpu.yield
    }) : () -> ()
    return
  }
}

#map = affine_map<(d0, d1) -> (0, 0)>
module attributes {stable_mosaic.version = 14 : i64} {
  func.func @_lookup_kernel(%arg0: i32, %arg1: i32, %arg2: memref<32x102400xi32, #tpu.memory_space<hbm>>, %arg3: memref<257x64xf32, #tpu.memory_space<hbm>>, %arg4: memref<100000x64xf32, #tpu.memory_space<hbm>>, %arg5: memref<32x640xi32, #tpu.memory_space<vmem>>, %arg6: memref<3200xi32, #tpu.memory_space<vmem>>, %arg7: memref<128x64xf32, #tpu.memory_space<vmem>>, %arg8: memref<128x64xf32, #tpu.memory_space<vmem>>, %arg9: memref<257x64xf32, #tpu.memory_space<vmem_shared>>, %arg10: memref<!tpu.dma_semaphore, #tpu.memory_space<semaphore_mem>>, %arg11: memref<!tpu.dma_semaphore, #tpu.memory_space<semaphore_mem>>) attributes {dimension_semantics = [#tpu.dimension_semantics<core_parallel>, #tpu.dimension_semantics<subcore_parallel>], iteration_bounds = array<i64: 2, 16>, scalar_prefetch = 0 : i64, scratch_operands = 7 : i64, tpu.core_type = #tpu.core_type<sc_vector_subcore>, window_params = [{transform_indices = #map}, {transform_indices = #map}, {transform_indices = #map}]} {
    %mul3A = arith.constant 2 : i32
    %mul3A_0 = arith.muli %arg1, %mul3A : i32
    %add3A = arith.addi %mul3A_0, %arg0 : i32
    %mul3A_1 = arith.constant 3200 : i32
    %mul3A_2 = arith.muli %add3A, %mul3A_1 : i32
    %eq3A = arith.constant 0 : i32
    %eq3A_3 = arith.cmpi eq, %arg1, %eq3A : i32
    %convert_element_type3A = arith.extui %eq3A_3 : i1 to i32
    %cond3A = arith.constant 0 : i32
    %cond3A_4 = arith.cmpi ne, %convert_element_type3A, %cond3A : i32
    scf.if %cond3A_4 {
      "tpu.region"() ({
        %run_scoped3A = tpu.sem_alloc : memref<!tpu.dma_semaphore, #tpu.memory_space<semaphore_mem>>
        tpu.enqueue_dma source(%arg3 : memref<257x64xf32, #tpu.memory_space<hbm>>) target(%arg9 : memref<257x64xf32, #tpu.memory_space<vmem_shared>>) target_semaphore(%run_scoped3A : memref<!tpu.dma_semaphore, #tpu.memory_space<semaphore_mem>>)
        tpu.wait_dma2 semaphore(%run_scoped3A : memref<!tpu.dma_semaphore, #tpu.memory_space<semaphore_mem>>) src(%arg3 : memref<257x64xf32, #tpu.memory_space<hbm>>) dst(%arg9 : memref<257x64xf32, #tpu.memory_space<vmem_shared>>)
        tpu.yield
      }) : () -> ()
    } else {
    }
    %add3A_5 = arith.constant 0 : i32
    %add3A_6 = arith.addi %mul3A_2, %add3A_5 : i32
    "tpu.region"() ({
      %run_scoped3A = tpu.sem_alloc : memref<!tpu.dma_semaphore, #tpu.memory_space<semaphore_mem>>
      %dma_start3A = arith.constant 0 : i32
      %dma_start3A_38 = tpu.memref_slice %arg2[%dma_start3A, %add3A_6] : memref<32x102400xi32, #tpu.memory_space<hbm>> -> memref<32x640xi32, #tpu.memory_space<hbm>>
      %dma_start3A_39 = arith.constant 0 : i32
      %dma_start3A_40 = tpu.memref_slice %arg2[%dma_start3A_39, %add3A_6] : memref<32x102400xi32, #tpu.memory_space<hbm>> -> memref<32x640xi32, #tpu.memory_space<hbm>>
      tpu.enqueue_dma source(%dma_start3A_40 : memref<32x640xi32, #tpu.memory_space<hbm>>) target(%arg5 : memref<32x640xi32, #tpu.memory_space<vmem>>) target_semaphore(%run_scoped3A : memref<!tpu.dma_semaphore, #tpu.memory_space<semaphore_mem>>)
      %dma_wait3A = arith.constant 0 : i32
      %dma_wait3A_41 = tpu.memref_slice %arg2[%dma_wait3A, %add3A_6] : memref<32x102400xi32, #tpu.memory_space<hbm>> -> memref<32x640xi32, #tpu.memory_space<hbm>>
      %dma_wait3A_42 = arith.constant 0 : i32
      %dma_wait3A_43 = tpu.memref_slice %arg2[%dma_wait3A_42, %add3A_6] : memref<32x102400xi32, #tpu.memory_space<hbm>> -> memref<32x640xi32, #tpu.memory_space<hbm>>
      tpu.wait_dma2 semaphore(%run_scoped3A : memref<!tpu.dma_semaphore, #tpu.memory_space<semaphore_mem>>) src(%dma_wait3A_43 : memref<32x640xi32, #tpu.memory_space<hbm>>) dst(%arg5 : memref<32x640xi32, #tpu.memory_space<vmem>>)
      tpu.yield
    }) : () -> ()
    %parallel_loop3A = arith.constant 0 : i32
    %parallel_loop3A_7 = arith.constant 640 : i32
    %parallel_loop3A_8 = arith.constant 16 : i32
    scf.for %parallel_loop3A_38 = %parallel_loop3A to %parallel_loop3A_7 step %parallel_loop3A_8  : i32 {
      %parallel_loop3A_39 = arith.constant 0 : i32
      %parallel_loop3A_40 = arith.index_cast %parallel_loop3A_39 : i32 to index
      %parallel_loop3A_41 = arith.index_cast %parallel_loop3A_38 : i32 to index
      %parallel_loop3A_42 = tpu.vector_load %arg5[%parallel_loop3A_40, %parallel_loop3A_41] {strides = array<i32>} : memref<32x640xi32, #tpu.memory_space<vmem>>, vector<16xi32>,
      %parallel_loop3A_43 = arith.constant 1 : i32
      %parallel_loop3A_44 = arith.index_cast %parallel_loop3A_43 : i32 to index
      %parallel_loop3A_45 = arith.index_cast %parallel_loop3A_38 : i32 to index
      %parallel_loop3A_46 = tpu.vector_load %arg5[%parallel_loop3A_44, %parallel_loop3A_45] {strides = array<i32>} : memref<32x640xi32, #tpu.memory_space<vmem>>, vector<16xi32>,
      %parallel_loop3A_47 = arith.addi %parallel_loop3A_42, %parallel_loop3A_46 : vector<16xi32>
      %parallel_loop3A_48 = arith.constant 2 : i32
      %parallel_loop3A_49 = arith.index_cast %parallel_loop3A_48 : i32 to index
      %parallel_loop3A_50 = arith.index_cast %parallel_loop3A_38 : i32 to index
      %parallel_loop3A_51 = tpu.vector_load %arg5[%parallel_loop3A_49, %parallel_loop3A_50] {strides = array<i32>} : memref<32x640xi32, #tpu.memory_space<vmem>>, vector<16xi32>,
      %parallel_loop3A_52 = arith.addi %parallel_loop3A_47, %parallel_loop3A_51 : vector<16xi32>
      %parallel_loop3A_53 = arith.constant 3 : i32
      %parallel_loop3A_54 = arith.index_cast %parallel_loop3A_53 : i32 to index
      %parallel_loop3A_55 = arith.index_cast %parallel_loop3A_38 : i32 to index
      %parallel_loop3A_56 = tpu.vector_load %arg5[%parallel_loop3A_54, %parallel_loop3A_55] {strides = array<i32>} : memref<32x640xi32, #tpu.memory_space<vmem>>, vector<16xi32>,
      %parallel_loop3A_57 = arith.addi %parallel_loop3A_52, %parallel_loop3A_56 : vector<16xi32>
      %parallel_loop3A_58 = arith.constant 4 : i32
      %parallel_loop3A_59 = arith.index_cast %parallel_loop3A_58 : i32 to index
      %parallel_loop3A_60 = arith.index_cast %parallel_loop3A_38 : i32 to index
      %parallel_loop3A_61 = tpu.vector_load %arg5[%parallel_loop3A_59, %parallel_loop3A_60] {strides = array<i32>} : memref<32x640xi32, #tpu.memory_space<vmem>>, vector<16xi32>,
      %parallel_loop3A_62 = arith.addi %parallel_loop3A_57, %parallel_loop3A_61 : vector<16xi32>
      %parallel_loop3A_63 = arith.constant 5 : i32
      %parallel_loop3A_64 = arith.index_cast %parallel_loop3A_63 : i32 to index
      %parallel_loop3A_65 = arith.index_cast %parallel_loop3A_38 : i32 to index
      %parallel_loop3A_66 = tpu.vector_load %arg5[%parallel_loop3A_64, %parallel_loop3A_65] {strides = array<i32>} : memref<32x640xi32, #tpu.memory_space<vmem>>, vector<16xi32>,
      %parallel_loop3A_67 = arith.addi %parallel_loop3A_62, %parallel_loop3A_66 : vector<16xi32>
      %parallel_loop3A_68 = arith.constant 6 : i32
      %parallel_loop3A_69 = arith.index_cast %parallel_loop3A_68 : i32 to index
      %parallel_loop3A_70 = arith.index_cast %parallel_loop3A_38 : i32 to index
      %parallel_loop3A_71 = tpu.vector_load %arg5[%parallel_loop3A_69, %parallel_loop3A_70] {strides = array<i32>} : memref<32x640xi32, #tpu.memory_space<vmem>>, vector<16xi32>,
      %parallel_loop3A_72 = arith.addi %parallel_loop3A_67, %parallel_loop3A_71 : vector<16xi32>
      %parallel_loop3A_73 = arith.constant 7 : i32
      %parallel_loop3A_74 = arith.index_cast %parallel_loop3A_73 : i32 to index
      %parallel_loop3A_75 = arith.index_cast %parallel_loop3A_38 : i32 to index
      %parallel_loop3A_76 = tpu.vector_load %arg5[%parallel_loop3A_74, %parallel_loop3A_75] {strides = array<i32>} : memref<32x640xi32, #tpu.memory_space<vmem>>, vector<16xi32>,
      %parallel_loop3A_77 = arith.addi %parallel_loop3A_72, %parallel_loop3A_76 : vector<16xi32>
      %parallel_loop3A_78 = arith.constant 8 : i32
      %parallel_loop3A_79 = arith.index_cast %parallel_loop3A_78 : i32 to index
      %parallel_loop3A_80 = arith.index_cast %parallel_loop3A_38 : i32 to index
      %parallel_loop3A_81 = tpu.vector_load %arg5[%parallel_loop3A_79, %parallel_loop3A_80] {strides = array<i32>} : memref<32x640xi32, #tpu.memory_space<vmem>>, vector<16xi32>,
      %parallel_loop3A_82 = arith.addi %parallel_loop3A_77, %parallel_loop3A_81 : vector<16xi32>
      %parallel_loop3A_83 = arith.constant 9 : i32
      %parallel_loop3A_84 = arith.index_cast %parallel_loop3A_83 : i32 to index
      %parallel_loop3A_85 = arith.index_cast %parallel_loop3A_38 : i32 to index
      %parallel_loop3A_86 = tpu.vector_load %arg5[%parallel_loop3A_84, %parallel_loop3A_85] {strides = array<i32>} : memref<32x640xi32, #tpu.memory_space<vmem>>, vector<16xi32>,
      %parallel_loop3A_87 = arith.addi %parallel_loop3A_82, %parallel_loop3A_86 : vector<16xi32>
      %parallel_loop3A_88 = arith.constant 10 : i32
      %parallel_loop3A_89 = arith.index_cast %parallel_loop3A_88 : i32 to index
      %parallel_loop3A_90 = arith.index_cast %parallel_loop3A_38 : i32 to index
      %parallel_loop3A_91 = tpu.vector_load %arg5[%parallel_loop3A_89, %parallel_loop3A_90] {strides = array<i32>} : memref<32x640xi32, #tpu.memory_space<vmem>>, vector<16xi32>,
      %parallel_loop3A_92 = arith.addi %parallel_loop3A_87, %parallel_loop3A_91 : vector<16xi32>
      %parallel_loop3A_93 = arith.constant 11 : i32
      %parallel_loop3A_94 = arith.index_cast %parallel_loop3A_93 : i32 to index
      %parallel_loop3A_95 = arith.index_cast %parallel_loop3A_38 : i32 to index
      %parallel_loop3A_96 = tpu.vector_load %arg5[%parallel_loop3A_94, %parallel_loop3A_95] {strides = array<i32>} : memref<32x640xi32, #tpu.memory_space<vmem>>, vector<16xi32>,
      %parallel_loop3A_97 = arith.addi %parallel_loop3A_92, %parallel_loop3A_96 : vector<16xi32>
      %parallel_loop3A_98 = arith.constant 12 : i32
      %parallel_loop3A_99 = arith.index_cast %parallel_loop3A_98 : i32 to index
      %parallel_loop3A_100 = arith.index_cast %parallel_loop3A_38 : i32 to index
      %parallel_loop3A_101 = tpu.vector_load %arg5[%parallel_loop3A_99, %parallel_loop3A_100] {strides = array<i32>} : memref<32x640xi32, #tpu.memory_space<vmem>>, vector<16xi32>,
      %parallel_loop3A_102 = arith.addi %parallel_loop3A_97, %parallel_loop3A_101 : vector<16xi32>
      %parallel_loop3A_103 = arith.constant 13 : i32
      %parallel_loop3A_104 = arith.index_cast %parallel_loop3A_103 : i32 to index
      %parallel_loop3A_105 = arith.index_cast %parallel_loop3A_38 : i32 to index
      %parallel_loop3A_106 = tpu.vector_load %arg5[%parallel_loop3A_104, %parallel_loop3A_105] {strides = array<i32>} : memref<32x640xi32, #tpu.memory_space<vmem>>, vector<16xi32>,
      %parallel_loop3A_107 = arith.addi %parallel_loop3A_102, %parallel_loop3A_106 : vector<16xi32>
      %parallel_loop3A_108 = arith.constant 14 : i32
      %parallel_loop3A_109 = arith.index_cast %parallel_loop3A_108 : i32 to index
      %parallel_loop3A_110 = arith.index_cast %parallel_loop3A_38 : i32 to index
      %parallel_loop3A_111 = tpu.vector_load %arg5[%parallel_loop3A_109, %parallel_loop3A_110] {strides = array<i32>} : memref<32x640xi32, #tpu.memory_space<vmem>>, vector<16xi32>,
      %parallel_loop3A_112 = arith.addi %parallel_loop3A_107, %parallel_loop3A_111 : vector<16xi32>
      %parallel_loop3A_113 = arith.constant 15 : i32
      %parallel_loop3A_114 = arith.index_cast %parallel_loop3A_113 : i32 to index
      %parallel_loop3A_115 = arith.index_cast %parallel_loop3A_38 : i32 to index
      %parallel_loop3A_116 = tpu.vector_load %arg5[%parallel_loop3A_114, %parallel_loop3A_115] {strides = array<i32>} : memref<32x640xi32, #tpu.memory_space<vmem>>, vector<16xi32>,
      %parallel_loop3A_117 = arith.addi %parallel_loop3A_112, %parallel_loop3A_116 : vector<16xi32>
      %parallel_loop3A_118 = arith.constant 16 : i32
      %parallel_loop3A_119 = arith.index_cast %parallel_loop3A_118 : i32 to index
      %parallel_loop3A_120 = arith.index_cast %parallel_loop3A_38 : i32 to index
      %parallel_loop3A_121 = tpu.vector_load %arg5[%parallel_loop3A_119, %parallel_loop3A_120] {strides = array<i32>} : memref<32x640xi32, #tpu.memory_space<vmem>>, vector<16xi32>,
      %parallel_loop3A_122 = arith.addi %parallel_loop3A_117, %parallel_loop3A_121 : vector<16xi32>
      %parallel_loop3A_123 = arith.constant 17 : i32
      %parallel_loop3A_124 = arith.index_cast %parallel_loop3A_123 : i32 to index
      %parallel_loop3A_125 = arith.index_cast %parallel_loop3A_38 : i32 to index
      %parallel_loop3A_126 = tpu.vector_load %arg5[%parallel_loop3A_124, %parallel_loop3A_125] {strides = array<i32>} : memref<32x640xi32, #tpu.memory_space<vmem>>, vector<16xi32>,
      %parallel_loop3A_127 = arith.addi %parallel_loop3A_122, %parallel_loop3A_126 : vector<16xi32>
      %parallel_loop3A_128 = arith.constant 18 : i32
      %parallel_loop3A_129 = arith.index_cast %parallel_loop3A_128 : i32 to index
      %parallel_loop3A_130 = arith.index_cast %parallel_loop3A_38 : i32 to index
      %parallel_loop3A_131 = tpu.vector_load %arg5[%parallel_loop3A_129, %parallel_loop3A_130] {strides = array<i32>} : memref<32x640xi32, #tpu.memory_space<vmem>>, vector<16xi32>,
      %parallel_loop3A_132 = arith.addi %parallel_loop3A_127, %parallel_loop3A_131 : vector<16xi32>
      %parallel_loop3A_133 = arith.constant 19 : i32
      %parallel_loop3A_134 = arith.index_cast %parallel_loop3A_133 : i32 to index
      %parallel_loop3A_135 = arith.index_cast %parallel_loop3A_38 : i32 to index
      %parallel_loop3A_136 = tpu.vector_load %arg5[%parallel_loop3A_134, %parallel_loop3A_135] {strides = array<i32>} : memref<32x640xi32, #tpu.memory_space<vmem>>, vector<16xi32>,
      %parallel_loop3A_137 = arith.addi %parallel_loop3A_132, %parallel_loop3A_136 : vector<16xi32>
      %parallel_loop3A_138 = arith.constant 20 : i32
      %parallel_loop3A_139 = arith.index_cast %parallel_loop3A_138 : i32 to index
      %parallel_loop3A_140 = arith.index_cast %parallel_loop3A_38 : i32 to index
      %parallel_loop3A_141 = tpu.vector_load %arg5[%parallel_loop3A_139, %parallel_loop3A_140] {strides = array<i32>} : memref<32x640xi32, #tpu.memory_space<vmem>>, vector<16xi32>,
      %parallel_loop3A_142 = arith.addi %parallel_loop3A_137, %parallel_loop3A_141 : vector<16xi32>
      %parallel_loop3A_143 = arith.constant 21 : i32
      %parallel_loop3A_144 = arith.index_cast %parallel_loop3A_143 : i32 to index
      %parallel_loop3A_145 = arith.index_cast %parallel_loop3A_38 : i32 to index
      %parallel_loop3A_146 = tpu.vector_load %arg5[%parallel_loop3A_144, %parallel_loop3A_145] {strides = array<i32>} : memref<32x640xi32, #tpu.memory_space<vmem>>, vector<16xi32>,
      %parallel_loop3A_147 = arith.addi %parallel_loop3A_142, %parallel_loop3A_146 : vector<16xi32>
      %parallel_loop3A_148 = arith.constant 22 : i32
      %parallel_loop3A_149 = arith.index_cast %parallel_loop3A_148 : i32 to index
      %parallel_loop3A_150 = arith.index_cast %parallel_loop3A_38 : i32 to index
      %parallel_loop3A_151 = tpu.vector_load %arg5[%parallel_loop3A_149, %parallel_loop3A_150] {strides = array<i32>} : memref<32x640xi32, #tpu.memory_space<vmem>>, vector<16xi32>,
      %parallel_loop3A_152 = arith.addi %parallel_loop3A_147, %parallel_loop3A_151 : vector<16xi32>
      %parallel_loop3A_153 = arith.constant 23 : i32
      %parallel_loop3A_154 = arith.index_cast %parallel_loop3A_153 : i32 to index
      %parallel_loop3A_155 = arith.index_cast %parallel_loop3A_38 : i32 to index
      %parallel_loop3A_156 = tpu.vector_load %arg5[%parallel_loop3A_154, %parallel_loop3A_155] {strides = array<i32>} : memref<32x640xi32, #tpu.memory_space<vmem>>, vector<16xi32>,
      %parallel_loop3A_157 = arith.addi %parallel_loop3A_152, %parallel_loop3A_156 : vector<16xi32>
      %parallel_loop3A_158 = arith.constant 24 : i32
      %parallel_loop3A_159 = arith.index_cast %parallel_loop3A_158 : i32 to index
      %parallel_loop3A_160 = arith.index_cast %parallel_loop3A_38 : i32 to index
      %parallel_loop3A_161 = tpu.vector_load %arg5[%parallel_loop3A_159, %parallel_loop3A_160] {strides = array<i32>} : memref<32x640xi32, #tpu.memory_space<vmem>>, vector<16xi32>,
      %parallel_loop3A_162 = arith.addi %parallel_loop3A_157, %parallel_loop3A_161 : vector<16xi32>
      %parallel_loop3A_163 = arith.constant 25 : i32
      %parallel_loop3A_164 = arith.index_cast %parallel_loop3A_163 : i32 to index
      %parallel_loop3A_165 = arith.index_cast %parallel_loop3A_38 : i32 to index
      %parallel_loop3A_166 = tpu.vector_load %arg5[%parallel_loop3A_164, %parallel_loop3A_165] {strides = array<i32>} : memref<32x640xi32, #tpu.memory_space<vmem>>, vector<16xi32>,
      %parallel_loop3A_167 = arith.addi %parallel_loop3A_162, %parallel_loop3A_166 : vector<16xi32>
      %parallel_loop3A_168 = arith.constant 26 : i32
      %parallel_loop3A_169 = arith.index_cast %parallel_loop3A_168 : i32 to index
      %parallel_loop3A_170 = arith.index_cast %parallel_loop3A_38 : i32 to index
      %parallel_loop3A_171 = tpu.vector_load %arg5[%parallel_loop3A_169, %parallel_loop3A_170] {strides = array<i32>} : memref<32x640xi32, #tpu.memory_space<vmem>>, vector<16xi32>,
      %parallel_loop3A_172 = arith.addi %parallel_loop3A_167, %parallel_loop3A_171 : vector<16xi32>
      %parallel_loop3A_173 = arith.constant 27 : i32
      %parallel_loop3A_174 = arith.index_cast %parallel_loop3A_173 : i32 to index
      %parallel_loop3A_175 = arith.index_cast %parallel_loop3A_38 : i32 to index
      %parallel_loop3A_176 = tpu.vector_load %arg5[%parallel_loop3A_174, %parallel_loop3A_175] {strides = array<i32>} : memref<32x640xi32, #tpu.memory_space<vmem>>, vector<16xi32>,
      %parallel_loop3A_177 = arith.addi %parallel_loop3A_172, %parallel_loop3A_176 : vector<16xi32>
      %parallel_loop3A_178 = arith.constant 28 : i32
      %parallel_loop3A_179 = arith.index_cast %parallel_loop3A_178 : i32 to index
      %parallel_loop3A_180 = arith.index_cast %parallel_loop3A_38 : i32 to index
      %parallel_loop3A_181 = tpu.vector_load %arg5[%parallel_loop3A_179, %parallel_loop3A_180] {strides = array<i32>} : memref<32x640xi32, #tpu.memory_space<vmem>>, vector<16xi32>,
      %parallel_loop3A_182 = arith.addi %parallel_loop3A_177, %parallel_loop3A_181 : vector<16xi32>
      %parallel_loop3A_183 = arith.constant 29 : i32
      %parallel_loop3A_184 = arith.index_cast %parallel_loop3A_183 : i32 to index
      %parallel_loop3A_185 = arith.index_cast %parallel_loop3A_38 : i32 to index
      %parallel_loop3A_186 = tpu.vector_load %arg5[%parallel_loop3A_184, %parallel_loop3A_185] {strides = array<i32>} : memref<32x640xi32, #tpu.memory_space<vmem>>, vector<16xi32>,
      %parallel_loop3A_187 = arith.addi %parallel_loop3A_182, %parallel_loop3A_186 : vector<16xi32>
      %parallel_loop3A_188 = arith.constant 30 : i32
      %parallel_loop3A_189 = arith.index_cast %parallel_loop3A_188 : i32 to index
      %parallel_loop3A_190 = arith.index_cast %parallel_loop3A_38 : i32 to index
      %parallel_loop3A_191 = tpu.vector_load %arg5[%parallel_loop3A_189, %parallel_loop3A_190] {strides = array<i32>} : memref<32x640xi32, #tpu.memory_space<vmem>>, vector<16xi32>,
      %parallel_loop3A_192 = arith.addi %parallel_loop3A_187, %parallel_loop3A_191 : vector<16xi32>
      %parallel_loop3A_193 = arith.constant 31 : i32
      %parallel_loop3A_194 = arith.index_cast %parallel_loop3A_193 : i32 to index
      %parallel_loop3A_195 = arith.index_cast %parallel_loop3A_38 : i32 to index
      %parallel_loop3A_196 = tpu.vector_load %arg5[%parallel_loop3A_194, %parallel_loop3A_195] {strides = array<i32>} : memref<32x640xi32, #tpu.memory_space<vmem>>, vector<16xi32>,
      %parallel_loop3A_197 = arith.addi %parallel_loop3A_192, %parallel_loop3A_196 : vector<16xi32>
      %parallel_loop3A_198 = arith.constant 256 : i32
      %parallel_loop3A_199 = vector.broadcast %parallel_loop3A_198 : i32 to vector<16xi32>
      %parallel_loop3A_200 = arith.minsi %parallel_loop3A_197, %parallel_loop3A_199 : vector<16xi32>
      %parallel_loop3A_201 = arith.constant 0 : i32
      %parallel_loop3A_202 = arith.addi %parallel_loop3A_201, %parallel_loop3A_38 : i32
      %parallel_loop3A_203 = arith.index_cast %parallel_loop3A_202 : i32 to index
      %parallel_loop3A_204 = tpu.vector_load %arg6[%parallel_loop3A_203] {strides = array<i32>} : memref<3200xi32, #tpu.memory_space<vmem>>, vector<16xi32>,
      tpu.vector_store %arg6[%parallel_loop3A_203], %parallel_loop3A_200 {strides = array<i32>} : memref<3200xi32, #tpu.memory_space<vmem>>, vector<16xi32>,
    } {sc.loop_unroll_factor = 2 : i64, sc.parallel_access}
    %add3A_9 = arith.constant 640 : i32
    %add3A_10 = arith.addi %mul3A_2, %add3A_9 : i32
    "tpu.region"() ({
      %run_scoped3A = tpu.sem_alloc : memref<!tpu.dma_semaphore, #tpu.memory_space<semaphore_mem>>
      %dma_start3A = arith.constant 0 : i32
      %dma_start3A_38 = tpu.memref_slice %arg2[%dma_start3A, %add3A_10] : memref<32x102400xi32, #tpu.memory_space<hbm>> -> memref<32x640xi32, #tpu.memory_space<hbm>>
      %dma_start3A_39 = arith.constant 0 : i32
      %dma_start3A_40 = tpu.memref_slice %arg2[%dma_start3A_39, %add3A_10] : memref<32x102400xi32, #tpu.memory_space<hbm>> -> memref<32x640xi32, #tpu.memory_space<hbm>>
      tpu.enqueue_dma source(%dma_start3A_40 : memref<32x640xi32, #tpu.memory_space<hbm>>) target(%arg5 : memref<32x640xi32, #tpu.memory_space<vmem>>) target_semaphore(%run_scoped3A : memref<!tpu.dma_semaphore, #tpu.memory_space<semaphore_mem>>)
      %dma_wait3A = arith.constant 0 : i32
      %dma_wait3A_41 = tpu.memref_slice %arg2[%dma_wait3A, %add3A_10] : memref<32x102400xi32, #tpu.memory_space<hbm>> -> memref<32x640xi32, #tpu.memory_space<hbm>>
      %dma_wait3A_42 = arith.constant 0 : i32
      %dma_wait3A_43 = tpu.memref_slice %arg2[%dma_wait3A_42, %add3A_10] : memref<32x102400xi32, #tpu.memory_space<hbm>> -> memref<32x640xi32, #tpu.memory_space<hbm>>
      tpu.wait_dma2 semaphore(%run_scoped3A : memref<!tpu.dma_semaphore, #tpu.memory_space<semaphore_mem>>) src(%dma_wait3A_43 : memref<32x640xi32, #tpu.memory_space<hbm>>) dst(%arg5 : memref<32x640xi32, #tpu.memory_space<vmem>>)
      tpu.yield
    }) : () -> ()
    %parallel_loop3A_11 = arith.constant 0 : i32
    %parallel_loop3A_12 = arith.constant 640 : i32
    %parallel_loop3A_13 = arith.constant 16 : i32
    scf.for %parallel_loop3A_38 = %parallel_loop3A_11 to %parallel_loop3A_12 step %parallel_loop3A_13  : i32 {
      %parallel_loop3A_39 = arith.constant 0 : i32
      %parallel_loop3A_40 = arith.index_cast %parallel_loop3A_39 : i32 to index
      %parallel_loop3A_41 = arith.index_cast %parallel_loop3A_38 : i32 to index
      %parallel_loop3A_42 = tpu.vector_load %arg5[%parallel_loop3A_40, %parallel_loop3A_41] {strides = array<i32>} : memref<32x640xi32, #tpu.memory_space<vmem>>, vector<16xi32>,
      %parallel_loop3A_43 = arith.constant 1 : i32
      %parallel_loop3A_44 = arith.index_cast %parallel_loop3A_43 : i32 to index
      %parallel_loop3A_45 = arith.index_cast %parallel_loop3A_38 : i32 to index
      %parallel_loop3A_46 = tpu.vector_load %arg5[%parallel_loop3A_44, %parallel_loop3A_45] {strides = array<i32>} : memref<32x640xi32, #tpu.memory_space<vmem>>, vector<16xi32>,
      %parallel_loop3A_47 = arith.addi %parallel_loop3A_42, %parallel_loop3A_46 : vector<16xi32>
      %parallel_loop3A_48 = arith.constant 2 : i32
      %parallel_loop3A_49 = arith.index_cast %parallel_loop3A_48 : i32 to index
      %parallel_loop3A_50 = arith.index_cast %parallel_loop3A_38 : i32 to index
      %parallel_loop3A_51 = tpu.vector_load %arg5[%parallel_loop3A_49, %parallel_loop3A_50] {strides = array<i32>} : memref<32x640xi32, #tpu.memory_space<vmem>>, vector<16xi32>,
      %parallel_loop3A_52 = arith.addi %parallel_loop3A_47, %parallel_loop3A_51 : vector<16xi32>
      %parallel_loop3A_53 = arith.constant 3 : i32
      %parallel_loop3A_54 = arith.index_cast %parallel_loop3A_53 : i32 to index
      %parallel_loop3A_55 = arith.index_cast %parallel_loop3A_38 : i32 to index
      %parallel_loop3A_56 = tpu.vector_load %arg5[%parallel_loop3A_54, %parallel_loop3A_55] {strides = array<i32>} : memref<32x640xi32, #tpu.memory_space<vmem>>, vector<16xi32>,
      %parallel_loop3A_57 = arith.addi %parallel_loop3A_52, %parallel_loop3A_56 : vector<16xi32>
      %parallel_loop3A_58 = arith.constant 4 : i32
      %parallel_loop3A_59 = arith.index_cast %parallel_loop3A_58 : i32 to index
      %parallel_loop3A_60 = arith.index_cast %parallel_loop3A_38 : i32 to index
      %parallel_loop3A_61 = tpu.vector_load %arg5[%parallel_loop3A_59, %parallel_loop3A_60] {strides = array<i32>} : memref<32x640xi32, #tpu.memory_space<vmem>>, vector<16xi32>,
      %parallel_loop3A_62 = arith.addi %parallel_loop3A_57, %parallel_loop3A_61 : vector<16xi32>
      %parallel_loop3A_63 = arith.constant 5 : i32
      %parallel_loop3A_64 = arith.index_cast %parallel_loop3A_63 : i32 to index
      %parallel_loop3A_65 = arith.index_cast %parallel_loop3A_38 : i32 to index
      %parallel_loop3A_66 = tpu.vector_load %arg5[%parallel_loop3A_64, %parallel_loop3A_65] {strides = array<i32>} : memref<32x640xi32, #tpu.memory_space<vmem>>, vector<16xi32>,
      %parallel_loop3A_67 = arith.addi %parallel_loop3A_62, %parallel_loop3A_66 : vector<16xi32>
      %parallel_loop3A_68 = arith.constant 6 : i32
      %parallel_loop3A_69 = arith.index_cast %parallel_loop3A_68 : i32 to index
      %parallel_loop3A_70 = arith.index_cast %parallel_loop3A_38 : i32 to index
      %parallel_loop3A_71 = tpu.vector_load %arg5[%parallel_loop3A_69, %parallel_loop3A_70] {strides = array<i32>} : memref<32x640xi32, #tpu.memory_space<vmem>>, vector<16xi32>,
      %parallel_loop3A_72 = arith.addi %parallel_loop3A_67, %parallel_loop3A_71 : vector<16xi32>
      %parallel_loop3A_73 = arith.constant 7 : i32
      %parallel_loop3A_74 = arith.index_cast %parallel_loop3A_73 : i32 to index
      %parallel_loop3A_75 = arith.index_cast %parallel_loop3A_38 : i32 to index
      %parallel_loop3A_76 = tpu.vector_load %arg5[%parallel_loop3A_74, %parallel_loop3A_75] {strides = array<i32>} : memref<32x640xi32, #tpu.memory_space<vmem>>, vector<16xi32>,
      %parallel_loop3A_77 = arith.addi %parallel_loop3A_72, %parallel_loop3A_76 : vector<16xi32>
      %parallel_loop3A_78 = arith.constant 8 : i32
      %parallel_loop3A_79 = arith.index_cast %parallel_loop3A_78 : i32 to index
      %parallel_loop3A_80 = arith.index_cast %parallel_loop3A_38 : i32 to index
      %parallel_loop3A_81 = tpu.vector_load %arg5[%parallel_loop3A_79, %parallel_loop3A_80] {strides = array<i32>} : memref<32x640xi32, #tpu.memory_space<vmem>>, vector<16xi32>,
      %parallel_loop3A_82 = arith.addi %parallel_loop3A_77, %parallel_loop3A_81 : vector<16xi32>
      %parallel_loop3A_83 = arith.constant 9 : i32
      %parallel_loop3A_84 = arith.index_cast %parallel_loop3A_83 : i32 to index
      %parallel_loop3A_85 = arith.index_cast %parallel_loop3A_38 : i32 to index
      %parallel_loop3A_86 = tpu.vector_load %arg5[%parallel_loop3A_84, %parallel_loop3A_85] {strides = array<i32>} : memref<32x640xi32, #tpu.memory_space<vmem>>, vector<16xi32>,
      %parallel_loop3A_87 = arith.addi %parallel_loop3A_82, %parallel_loop3A_86 : vector<16xi32>
      %parallel_loop3A_88 = arith.constant 10 : i32
      %parallel_loop3A_89 = arith.index_cast %parallel_loop3A_88 : i32 to index
      %parallel_loop3A_90 = arith.index_cast %parallel_loop3A_38 : i32 to index
      %parallel_loop3A_91 = tpu.vector_load %arg5[%parallel_loop3A_89, %parallel_loop3A_90] {strides = array<i32>} : memref<32x640xi32, #tpu.memory_space<vmem>>, vector<16xi32>,
      %parallel_loop3A_92 = arith.addi %parallel_loop3A_87, %parallel_loop3A_91 : vector<16xi32>
      %parallel_loop3A_93 = arith.constant 11 : i32
      %parallel_loop3A_94 = arith.index_cast %parallel_loop3A_93 : i32 to index
      %parallel_loop3A_95 = arith.index_cast %parallel_loop3A_38 : i32 to index
      %parallel_loop3A_96 = tpu.vector_load %arg5[%parallel_loop3A_94, %parallel_loop3A_95] {strides = array<i32>} : memref<32x640xi32, #tpu.memory_space<vmem>>, vector<16xi32>,
      %parallel_loop3A_97 = arith.addi %parallel_loop3A_92, %parallel_loop3A_96 : vector<16xi32>
      %parallel_loop3A_98 = arith.constant 12 : i32
      %parallel_loop3A_99 = arith.index_cast %parallel_loop3A_98 : i32 to index
      %parallel_loop3A_100 = arith.index_cast %parallel_loop3A_38 : i32 to index
      %parallel_loop3A_101 = tpu.vector_load %arg5[%parallel_loop3A_99, %parallel_loop3A_100] {strides = array<i32>} : memref<32x640xi32, #tpu.memory_space<vmem>>, vector<16xi32>,
      %parallel_loop3A_102 = arith.addi %parallel_loop3A_97, %parallel_loop3A_101 : vector<16xi32>
      %parallel_loop3A_103 = arith.constant 13 : i32
      %parallel_loop3A_104 = arith.index_cast %parallel_loop3A_103 : i32 to index
      %parallel_loop3A_105 = arith.index_cast %parallel_loop3A_38 : i32 to index
      %parallel_loop3A_106 = tpu.vector_load %arg5[%parallel_loop3A_104, %parallel_loop3A_105] {strides = array<i32>} : memref<32x640xi32, #tpu.memory_space<vmem>>, vector<16xi32>,
      %parallel_loop3A_107 = arith.addi %parallel_loop3A_102, %parallel_loop3A_106 : vector<16xi32>
      %parallel_loop3A_108 = arith.constant 14 : i32
      %parallel_loop3A_109 = arith.index_cast %parallel_loop3A_108 : i32 to index
      %parallel_loop3A_110 = arith.index_cast %parallel_loop3A_38 : i32 to index
      %parallel_loop3A_111 = tpu.vector_load %arg5[%parallel_loop3A_109, %parallel_loop3A_110] {strides = array<i32>} : memref<32x640xi32, #tpu.memory_space<vmem>>, vector<16xi32>,
      %parallel_loop3A_112 = arith.addi %parallel_loop3A_107, %parallel_loop3A_111 : vector<16xi32>
      %parallel_loop3A_113 = arith.constant 15 : i32
      %parallel_loop3A_114 = arith.index_cast %parallel_loop3A_113 : i32 to index
      %parallel_loop3A_115 = arith.index_cast %parallel_loop3A_38 : i32 to index
      %parallel_loop3A_116 = tpu.vector_load %arg5[%parallel_loop3A_114, %parallel_loop3A_115] {strides = array<i32>} : memref<32x640xi32, #tpu.memory_space<vmem>>, vector<16xi32>,
      %parallel_loop3A_117 = arith.addi %parallel_loop3A_112, %parallel_loop3A_116 : vector<16xi32>
      %parallel_loop3A_118 = arith.constant 16 : i32
      %parallel_loop3A_119 = arith.index_cast %parallel_loop3A_118 : i32 to index
      %parallel_loop3A_120 = arith.index_cast %parallel_loop3A_38 : i32 to index
      %parallel_loop3A_121 = tpu.vector_load %arg5[%parallel_loop3A_119, %parallel_loop3A_120] {strides = array<i32>} : memref<32x640xi32, #tpu.memory_space<vmem>>, vector<16xi32>,
      %parallel_loop3A_122 = arith.addi %parallel_loop3A_117, %parallel_loop3A_121 : vector<16xi32>
      %parallel_loop3A_123 = arith.constant 17 : i32
      %parallel_loop3A_124 = arith.index_cast %parallel_loop3A_123 : i32 to index
      %parallel_loop3A_125 = arith.index_cast %parallel_loop3A_38 : i32 to index
      %parallel_loop3A_126 = tpu.vector_load %arg5[%parallel_loop3A_124, %parallel_loop3A_125] {strides = array<i32>} : memref<32x640xi32, #tpu.memory_space<vmem>>, vector<16xi32>,
      %parallel_loop3A_127 = arith.addi %parallel_loop3A_122, %parallel_loop3A_126 : vector<16xi32>
      %parallel_loop3A_128 = arith.constant 18 : i32
      %parallel_loop3A_129 = arith.index_cast %parallel_loop3A_128 : i32 to index
      %parallel_loop3A_130 = arith.index_cast %parallel_loop3A_38 : i32 to index
      %parallel_loop3A_131 = tpu.vector_load %arg5[%parallel_loop3A_129, %parallel_loop3A_130] {strides = array<i32>} : memref<32x640xi32, #tpu.memory_space<vmem>>, vector<16xi32>,
      %parallel_loop3A_132 = arith.addi %parallel_loop3A_127, %parallel_loop3A_131 : vector<16xi32>
      %parallel_loop3A_133 = arith.constant 19 : i32
      %parallel_loop3A_134 = arith.index_cast %parallel_loop3A_133 : i32 to index
      %parallel_loop3A_135 = arith.index_cast %parallel_loop3A_38 : i32 to index
      %parallel_loop3A_136 = tpu.vector_load %arg5[%parallel_loop3A_134, %parallel_loop3A_135] {strides = array<i32>} : memref<32x640xi32, #tpu.memory_space<vmem>>, vector<16xi32>,
      %parallel_loop3A_137 = arith.addi %parallel_loop3A_132, %parallel_loop3A_136 : vector<16xi32>
      %parallel_loop3A_138 = arith.constant 20 : i32
      %parallel_loop3A_139 = arith.index_cast %parallel_loop3A_138 : i32 to index
      %parallel_loop3A_140 = arith.index_cast %parallel_loop3A_38 : i32 to index
      %parallel_loop3A_141 = tpu.vector_load %arg5[%parallel_loop3A_139, %parallel_loop3A_140] {strides = array<i32>} : memref<32x640xi32, #tpu.memory_space<vmem>>, vector<16xi32>,
      %parallel_loop3A_142 = arith.addi %parallel_loop3A_137, %parallel_loop3A_141 : vector<16xi32>
      %parallel_loop3A_143 = arith.constant 21 : i32
      %parallel_loop3A_144 = arith.index_cast %parallel_loop3A_143 : i32 to index
      %parallel_loop3A_145 = arith.index_cast %parallel_loop3A_38 : i32 to index
      %parallel_loop3A_146 = tpu.vector_load %arg5[%parallel_loop3A_144, %parallel_loop3A_145] {strides = array<i32>} : memref<32x640xi32, #tpu.memory_space<vmem>>, vector<16xi32>,
      %parallel_loop3A_147 = arith.addi %parallel_loop3A_142, %parallel_loop3A_146 : vector<16xi32>
      %parallel_loop3A_148 = arith.constant 22 : i32
      %parallel_loop3A_149 = arith.index_cast %parallel_loop3A_148 : i32 to index
      %parallel_loop3A_150 = arith.index_cast %parallel_loop3A_38 : i32 to index
      %parallel_loop3A_151 = tpu.vector_load %arg5[%parallel_loop3A_149, %parallel_loop3A_150] {strides = array<i32>} : memref<32x640xi32, #tpu.memory_space<vmem>>, vector<16xi32>,
      %parallel_loop3A_152 = arith.addi %parallel_loop3A_147, %parallel_loop3A_151 : vector<16xi32>
      %parallel_loop3A_153 = arith.constant 23 : i32
      %parallel_loop3A_154 = arith.index_cast %parallel_loop3A_153 : i32 to index
      %parallel_loop3A_155 = arith.index_cast %parallel_loop3A_38 : i32 to index
      %parallel_loop3A_156 = tpu.vector_load %arg5[%parallel_loop3A_154, %parallel_loop3A_155] {strides = array<i32>} : memref<32x640xi32, #tpu.memory_space<vmem>>, vector<16xi32>,
      %parallel_loop3A_157 = arith.addi %parallel_loop3A_152, %parallel_loop3A_156 : vector<16xi32>
      %parallel_loop3A_158 = arith.constant 24 : i32
      %parallel_loop3A_159 = arith.index_cast %parallel_loop3A_158 : i32 to index
      %parallel_loop3A_160 = arith.index_cast %parallel_loop3A_38 : i32 to index
      %parallel_loop3A_161 = tpu.vector_load %arg5[%parallel_loop3A_159, %parallel_loop3A_160] {strides = array<i32>} : memref<32x640xi32, #tpu.memory_space<vmem>>, vector<16xi32>,
      %parallel_loop3A_162 = arith.addi %parallel_loop3A_157, %parallel_loop3A_161 : vector<16xi32>
      %parallel_loop3A_163 = arith.constant 25 : i32
      %parallel_loop3A_164 = arith.index_cast %parallel_loop3A_163 : i32 to index
      %parallel_loop3A_165 = arith.index_cast %parallel_loop3A_38 : i32 to index
      %parallel_loop3A_166 = tpu.vector_load %arg5[%parallel_loop3A_164, %parallel_loop3A_165] {strides = array<i32>} : memref<32x640xi32, #tpu.memory_space<vmem>>, vector<16xi32>,
      %parallel_loop3A_167 = arith.addi %parallel_loop3A_162, %parallel_loop3A_166 : vector<16xi32>
      %parallel_loop3A_168 = arith.constant 26 : i32
      %parallel_loop3A_169 = arith.index_cast %parallel_loop3A_168 : i32 to index
      %parallel_loop3A_170 = arith.index_cast %parallel_loop3A_38 : i32 to index
      %parallel_loop3A_171 = tpu.vector_load %arg5[%parallel_loop3A_169, %parallel_loop3A_170] {strides = array<i32>} : memref<32x640xi32, #tpu.memory_space<vmem>>, vector<16xi32>,
      %parallel_loop3A_172 = arith.addi %parallel_loop3A_167, %parallel_loop3A_171 : vector<16xi32>
      %parallel_loop3A_173 = arith.constant 27 : i32
      %parallel_loop3A_174 = arith.index_cast %parallel_loop3A_173 : i32 to index
      %parallel_loop3A_175 = arith.index_cast %parallel_loop3A_38 : i32 to index
      %parallel_loop3A_176 = tpu.vector_load %arg5[%parallel_loop3A_174, %parallel_loop3A_175] {strides = array<i32>} : memref<32x640xi32, #tpu.memory_space<vmem>>, vector<16xi32>,
      %parallel_loop3A_177 = arith.addi %parallel_loop3A_172, %parallel_loop3A_176 : vector<16xi32>
      %parallel_loop3A_178 = arith.constant 28 : i32
      %parallel_loop3A_179 = arith.index_cast %parallel_loop3A_178 : i32 to index
      %parallel_loop3A_180 = arith.index_cast %parallel_loop3A_38 : i32 to index
      %parallel_loop3A_181 = tpu.vector_load %arg5[%parallel_loop3A_179, %parallel_loop3A_180] {strides = array<i32>} : memref<32x640xi32, #tpu.memory_space<vmem>>, vector<16xi32>,
      %parallel_loop3A_182 = arith.addi %parallel_loop3A_177, %parallel_loop3A_181 : vector<16xi32>
      %parallel_loop3A_183 = arith.constant 29 : i32
      %parallel_loop3A_184 = arith.index_cast %parallel_loop3A_183 : i32 to index
      %parallel_loop3A_185 = arith.index_cast %parallel_loop3A_38 : i32 to index
      %parallel_loop3A_186 = tpu.vector_load %arg5[%parallel_loop3A_184, %parallel_loop3A_185] {strides = array<i32>} : memref<32x640xi32, #tpu.memory_space<vmem>>, vector<16xi32>,
      %parallel_loop3A_187 = arith.addi %parallel_loop3A_182, %parallel_loop3A_186 : vector<16xi32>
      %parallel_loop3A_188 = arith.constant 30 : i32
      %parallel_loop3A_189 = arith.index_cast %parallel_loop3A_188 : i32 to index
      %parallel_loop3A_190 = arith.index_cast %parallel_loop3A_38 : i32 to index
      %parallel_loop3A_191 = tpu.vector_load %arg5[%parallel_loop3A_189, %parallel_loop3A_190] {strides = array<i32>} : memref<32x640xi32, #tpu.memory_space<vmem>>, vector<16xi32>,
      %parallel_loop3A_192 = arith.addi %parallel_loop3A_187, %parallel_loop3A_191 : vector<16xi32>
      %parallel_loop3A_193 = arith.constant 31 : i32
      %parallel_loop3A_194 = arith.index_cast %parallel_loop3A_193 : i32 to index
      %parallel_loop3A_195 = arith.index_cast %parallel_loop3A_38 : i32 to index
      %parallel_loop3A_196 = tpu.vector_load %arg5[%parallel_loop3A_194, %parallel_loop3A_195] {strides = array<i32>} : memref<32x640xi32, #tpu.memory_space<vmem>>, vector<16xi32>,
      %parallel_loop3A_197 = arith.addi %parallel_loop3A_192, %parallel_loop3A_196 : vector<16xi32>
      %parallel_loop3A_198 = arith.constant 256 : i32
      %parallel_loop3A_199 = vector.broadcast %parallel_loop3A_198 : i32 to vector<16xi32>
      %parallel_loop3A_200 = arith.minsi %parallel_loop3A_197, %parallel_loop3A_199 : vector<16xi32>
      %parallel_loop3A_201 = arith.constant 640 : i32
      %parallel_loop3A_202 = arith.addi %parallel_loop3A_201, %parallel_loop3A_38 : i32
      %parallel_loop3A_203 = arith.index_cast %parallel_loop3A_202 : i32 to index
      %parallel_loop3A_204 = tpu.vector_load %arg6[%parallel_loop3A_203] {strides = array<i32>} : memref<3200xi32, #tpu.memory_space<vmem>>, vector<16xi32>,
      tpu.vector_store %arg6[%parallel_loop3A_203], %parallel_loop3A_200 {strides = array<i32>} : memref<3200xi32, #tpu.memory_space<vmem>>, vector<16xi32>,
    } {sc.loop_unroll_factor = 2 : i64, sc.parallel_access}
    %add3A_14 = arith.constant 1280 : i32
    %add3A_15 = arith.addi %mul3A_2, %add3A_14 : i32
    "tpu.region"() ({
      %run_scoped3A = tpu.sem_alloc : memref<!tpu.dma_semaphore, #tpu.memory_space<semaphore_mem>>
      %dma_start3A = arith.constant 0 : i32
      %dma_start3A_38 = tpu.memref_slice %arg2[%dma_start3A, %add3A_15] : memref<32x102400xi32, #tpu.memory_space<hbm>> -> memref<32x640xi32, #tpu.memory_space<hbm>>
      %dma_start3A_39 = arith.constant 0 : i32
      %dma_start3A_40 = tpu.memref_slice %arg2[%dma_start3A_39, %add3A_15] : memref<32x102400xi32, #tpu.memory_space<hbm>> -> memref<32x640xi32, #tpu.memory_space<hbm>>
      tpu.enqueue_dma source(%dma_start3A_40 : memref<32x640xi32, #tpu.memory_space<hbm>>) target(%arg5 : memref<32x640xi32, #tpu.memory_space<vmem>>) target_semaphore(%run_scoped3A : memref<!tpu.dma_semaphore, #tpu.memory_space<semaphore_mem>>)
      %dma_wait3A = arith.constant 0 : i32
      %dma_wait3A_41 = tpu.memref_slice %arg2[%dma_wait3A, %add3A_15] : memref<32x102400xi32, #tpu.memory_space<hbm>> -> memref<32x640xi32, #tpu.memory_space<hbm>>
      %dma_wait3A_42 = arith.constant 0 : i32
      %dma_wait3A_43 = tpu.memref_slice %arg2[%dma_wait3A_42, %add3A_15] : memref<32x102400xi32, #tpu.memory_space<hbm>> -> memref<32x640xi32, #tpu.memory_space<hbm>>
      tpu.wait_dma2 semaphore(%run_scoped3A : memref<!tpu.dma_semaphore, #tpu.memory_space<semaphore_mem>>) src(%dma_wait3A_43 : memref<32x640xi32, #tpu.memory_space<hbm>>) dst(%arg5 : memref<32x640xi32, #tpu.memory_space<vmem>>)
      tpu.yield
    }) : () -> ()
    %parallel_loop3A_16 = arith.constant 0 : i32
    %parallel_loop3A_17 = arith.constant 640 : i32
    %parallel_loop3A_18 = arith.constant 16 : i32
    scf.for %parallel_loop3A_38 = %parallel_loop3A_16 to %parallel_loop3A_17 step %parallel_loop3A_18  : i32 {
      %parallel_loop3A_39 = arith.constant 0 : i32
      %parallel_loop3A_40 = arith.index_cast %parallel_loop3A_39 : i32 to index
      %parallel_loop3A_41 = arith.index_cast %parallel_loop3A_38 : i32 to index
      %parallel_loop3A_42 = tpu.vector_load %arg5[%parallel_loop3A_40, %parallel_loop3A_41] {strides = array<i32>} : memref<32x640xi32, #tpu.memory_space<vmem>>, vector<16xi32>,
      %parallel_loop3A_43 = arith.constant 1 : i32
      %parallel_loop3A_44 = arith.index_cast %parallel_loop3A_43 : i32 to index
      %parallel_loop3A_45 = arith.index_cast %parallel_loop3A_38 : i32 to index
      %parallel_loop3A_46 = tpu.vector_load %arg5[%parallel_loop3A_44, %parallel_loop3A_45] {strides = array<i32>} : memref<32x640xi32, #tpu.memory_space<vmem>>, vector<16xi32>,
      %parallel_loop3A_47 = arith.addi %parallel_loop3A_42, %parallel_loop3A_46 : vector<16xi32>
      %parallel_loop3A_48 = arith.constant 2 : i32
      %parallel_loop3A_49 = arith.index_cast %parallel_loop3A_48 : i32 to index
      %parallel_loop3A_50 = arith.index_cast %parallel_loop3A_38 : i32 to index
      %parallel_loop3A_51 = tpu.vector_load %arg5[%parallel_loop3A_49, %parallel_loop3A_50] {strides = array<i32>} : memref<32x640xi32, #tpu.memory_space<vmem>>, vector<16xi32>,
      %parallel_loop3A_52 = arith.addi %parallel_loop3A_47, %parallel_loop3A_51 : vector<16xi32>
      %parallel_loop3A_53 = arith.constant 3 : i32
      %parallel_loop3A_54 = arith.index_cast %parallel_loop3A_53 : i32 to index
      %parallel_loop3A_55 = arith.index_cast %parallel_loop3A_38 : i32 to index
      %parallel_loop3A_56 = tpu.vector_load %arg5[%parallel_loop3A_54, %parallel_loop3A_55] {strides = array<i32>} : memref<32x640xi32, #tpu.memory_space<vmem>>, vector<16xi32>,
      %parallel_loop3A_57 = arith.addi %parallel_loop3A_52, %parallel_loop3A_56 : vector<16xi32>
      %parallel_loop3A_58 = arith.constant 4 : i32
      %parallel_loop3A_59 = arith.index_cast %parallel_loop3A_58 : i32 to index
      %parallel_loop3A_60 = arith.index_cast %parallel_loop3A_38 : i32 to index
      %parallel_loop3A_61 = tpu.vector_load %arg5[%parallel_loop3A_59, %parallel_loop3A_60] {strides = array<i32>} : memref<32x640xi32, #tpu.memory_space<vmem>>, vector<16xi32>,
      %parallel_loop3A_62 = arith.addi %parallel_loop3A_57, %parallel_loop3A_61 : vector<16xi32>
      %parallel_loop3A_63 = arith.constant 5 : i32
      %parallel_loop3A_64 = arith.index_cast %parallel_loop3A_63 : i32 to index
      %parallel_loop3A_65 = arith.index_cast %parallel_loop3A_38 : i32 to index
      %parallel_loop3A_66 = tpu.vector_load %arg5[%parallel_loop3A_64, %parallel_loop3A_65] {strides = array<i32>} : memref<32x640xi32, #tpu.memory_space<vmem>>, vector<16xi32>,
      %parallel_loop3A_67 = arith.addi %parallel_loop3A_62, %parallel_loop3A_66 : vector<16xi32>
      %parallel_loop3A_68 = arith.constant 6 : i32
      %parallel_loop3A_69 = arith.index_cast %parallel_loop3A_68 : i32 to index
      %parallel_loop3A_70 = arith.index_cast %parallel_loop3A_38 : i32 to index
      %parallel_loop3A_71 = tpu.vector_load %arg5[%parallel_loop3A_69, %parallel_loop3A_70] {strides = array<i32>} : memref<32x640xi32, #tpu.memory_space<vmem>>, vector<16xi32>,
      %parallel_loop3A_72 = arith.addi %parallel_loop3A_67, %parallel_loop3A_71 : vector<16xi32>
      %parallel_loop3A_73 = arith.constant 7 : i32
      %parallel_loop3A_74 = arith.index_cast %parallel_loop3A_73 : i32 to index
      %parallel_loop3A_75 = arith.index_cast %parallel_loop3A_38 : i32 to index
      %parallel_loop3A_76 = tpu.vector_load %arg5[%parallel_loop3A_74, %parallel_loop3A_75] {strides = array<i32>} : memref<32x640xi32, #tpu.memory_space<vmem>>, vector<16xi32>,
      %parallel_loop3A_77 = arith.addi %parallel_loop3A_72, %parallel_loop3A_76 : vector<16xi32>
      %parallel_loop3A_78 = arith.constant 8 : i32
      %parallel_loop3A_79 = arith.index_cast %parallel_loop3A_78 : i32 to index
      %parallel_loop3A_80 = arith.index_cast %parallel_loop3A_38 : i32 to index
      %parallel_loop3A_81 = tpu.vector_load %arg5[%parallel_loop3A_79, %parallel_loop3A_80] {strides = array<i32>} : memref<32x640xi32, #tpu.memory_space<vmem>>, vector<16xi32>,
      %parallel_loop3A_82 = arith.addi %parallel_loop3A_77, %parallel_loop3A_81 : vector<16xi32>
      %parallel_loop3A_83 = arith.constant 9 : i32
      %parallel_loop3A_84 = arith.index_cast %parallel_loop3A_83 : i32 to index
      %parallel_loop3A_85 = arith.index_cast %parallel_loop3A_38 : i32 to index
      %parallel_loop3A_86 = tpu.vector_load %arg5[%parallel_loop3A_84, %parallel_loop3A_85] {strides = array<i32>} : memref<32x640xi32, #tpu.memory_space<vmem>>, vector<16xi32>,
      %parallel_loop3A_87 = arith.addi %parallel_loop3A_82, %parallel_loop3A_86 : vector<16xi32>
      %parallel_loop3A_88 = arith.constant 10 : i32
      %parallel_loop3A_89 = arith.index_cast %parallel_loop3A_88 : i32 to index
      %parallel_loop3A_90 = arith.index_cast %parallel_loop3A_38 : i32 to index
      %parallel_loop3A_91 = tpu.vector_load %arg5[%parallel_loop3A_89, %parallel_loop3A_90] {strides = array<i32>} : memref<32x640xi32, #tpu.memory_space<vmem>>, vector<16xi32>,
      %parallel_loop3A_92 = arith.addi %parallel_loop3A_87, %parallel_loop3A_91 : vector<16xi32>
      %parallel_loop3A_93 = arith.constant 11 : i32
      %parallel_loop3A_94 = arith.index_cast %parallel_loop3A_93 : i32 to index
      %parallel_loop3A_95 = arith.index_cast %parallel_loop3A_38 : i32 to index
      %parallel_loop3A_96 = tpu.vector_load %arg5[%parallel_loop3A_94, %parallel_loop3A_95] {strides = array<i32>} : memref<32x640xi32, #tpu.memory_space<vmem>>, vector<16xi32>,
      %parallel_loop3A_97 = arith.addi %parallel_loop3A_92, %parallel_loop3A_96 : vector<16xi32>
      %parallel_loop3A_98 = arith.constant 12 : i32
      %parallel_loop3A_99 = arith.index_cast %parallel_loop3A_98 : i32 to index
      %parallel_loop3A_100 = arith.index_cast %parallel_loop3A_38 : i32 to index
      %parallel_loop3A_101 = tpu.vector_load %arg5[%parallel_loop3A_99, %parallel_loop3A_100] {strides = array<i32>} : memref<32x640xi32, #tpu.memory_space<vmem>>, vector<16xi32>,
      %parallel_loop3A_102 = arith.addi %parallel_loop3A_97, %parallel_loop3A_101 : vector<16xi32>
      %parallel_loop3A_103 = arith.constant 13 : i32
      %parallel_loop3A_104 = arith.index_cast %parallel_loop3A_103 : i32 to index
      %parallel_loop3A_105 = arith.index_cast %parallel_loop3A_38 : i32 to index
      %parallel_loop3A_106 = tpu.vector_load %arg5[%parallel_loop3A_104, %parallel_loop3A_105] {strides = array<i32>} : memref<32x640xi32, #tpu.memory_space<vmem>>, vector<16xi32>,
      %parallel_loop3A_107 = arith.addi %parallel_loop3A_102, %parallel_loop3A_106 : vector<16xi32>
      %parallel_loop3A_108 = arith.constant 14 : i32
      %parallel_loop3A_109 = arith.index_cast %parallel_loop3A_108 : i32 to index
      %parallel_loop3A_110 = arith.index_cast %parallel_loop3A_38 : i32 to index
      %parallel_loop3A_111 = tpu.vector_load %arg5[%parallel_loop3A_109, %parallel_loop3A_110] {strides = array<i32>} : memref<32x640xi32, #tpu.memory_space<vmem>>, vector<16xi32>,
      %parallel_loop3A_112 = arith.addi %parallel_loop3A_107, %parallel_loop3A_111 : vector<16xi32>
      %parallel_loop3A_113 = arith.constant 15 : i32
      %parallel_loop3A_114 = arith.index_cast %parallel_loop3A_113 : i32 to index
      %parallel_loop3A_115 = arith.index_cast %parallel_loop3A_38 : i32 to index
      %parallel_loop3A_116 = tpu.vector_load %arg5[%parallel_loop3A_114, %parallel_loop3A_115] {strides = array<i32>} : memref<32x640xi32, #tpu.memory_space<vmem>>, vector<16xi32>,
      %parallel_loop3A_117 = arith.addi %parallel_loop3A_112, %parallel_loop3A_116 : vector<16xi32>
      %parallel_loop3A_118 = arith.constant 16 : i32
      %parallel_loop3A_119 = arith.index_cast %parallel_loop3A_118 : i32 to index
      %parallel_loop3A_120 = arith.index_cast %parallel_loop3A_38 : i32 to index
      %parallel_loop3A_121 = tpu.vector_load %arg5[%parallel_loop3A_119, %parallel_loop3A_120] {strides = array<i32>} : memref<32x640xi32, #tpu.memory_space<vmem>>, vector<16xi32>,
      %parallel_loop3A_122 = arith.addi %parallel_loop3A_117, %parallel_loop3A_121 : vector<16xi32>
      %parallel_loop3A_123 = arith.constant 17 : i32
      %parallel_loop3A_124 = arith.index_cast %parallel_loop3A_123 : i32 to index
      %parallel_loop3A_125 = arith.index_cast %parallel_loop3A_38 : i32 to index
      %parallel_loop3A_126 = tpu.vector_load %arg5[%parallel_loop3A_124, %parallel_loop3A_125] {strides = array<i32>} : memref<32x640xi32, #tpu.memory_space<vmem>>, vector<16xi32>,
      %parallel_loop3A_127 = arith.addi %parallel_loop3A_122, %parallel_loop3A_126 : vector<16xi32>
      %parallel_loop3A_128 = arith.constant 18 : i32
      %parallel_loop3A_129 = arith.index_cast %parallel_loop3A_128 : i32 to index
      %parallel_loop3A_130 = arith.index_cast %parallel_loop3A_38 : i32 to index
      %parallel_loop3A_131 = tpu.vector_load %arg5[%parallel_loop3A_129, %parallel_loop3A_130] {strides = array<i32>} : memref<32x640xi32, #tpu.memory_space<vmem>>, vector<16xi32>,
      %parallel_loop3A_132 = arith.addi %parallel_loop3A_127, %parallel_loop3A_131 : vector<16xi32>
      %parallel_loop3A_133 = arith.constant 19 : i32
      %parallel_loop3A_134 = arith.index_cast %parallel_loop3A_133 : i32 to index
      %parallel_loop3A_135 = arith.index_cast %parallel_loop3A_38 : i32 to index
      %parallel_loop3A_136 = tpu.vector_load %arg5[%parallel_loop3A_134, %parallel_loop3A_135] {strides = array<i32>} : memref<32x640xi32, #tpu.memory_space<vmem>>, vector<16xi32>,
      %parallel_loop3A_137 = arith.addi %parallel_loop3A_132, %parallel_loop3A_136 : vector<16xi32>
      %parallel_loop3A_138 = arith.constant 20 : i32
      %parallel_loop3A_139 = arith.index_cast %parallel_loop3A_138 : i32 to index
      %parallel_loop3A_140 = arith.index_cast %parallel_loop3A_38 : i32 to index
      %parallel_loop3A_141 = tpu.vector_load %arg5[%parallel_loop3A_139, %parallel_loop3A_140] {strides = array<i32>} : memref<32x640xi32, #tpu.memory_space<vmem>>, vector<16xi32>,
      %parallel_loop3A_142 = arith.addi %parallel_loop3A_137, %parallel_loop3A_141 : vector<16xi32>
      %parallel_loop3A_143 = arith.constant 21 : i32
      %parallel_loop3A_144 = arith.index_cast %parallel_loop3A_143 : i32 to index
      %parallel_loop3A_145 = arith.index_cast %parallel_loop3A_38 : i32 to index
      %parallel_loop3A_146 = tpu.vector_load %arg5[%parallel_loop3A_144, %parallel_loop3A_145] {strides = array<i32>} : memref<32x640xi32, #tpu.memory_space<vmem>>, vector<16xi32>,
      %parallel_loop3A_147 = arith.addi %parallel_loop3A_142, %parallel_loop3A_146 : vector<16xi32>
      %parallel_loop3A_148 = arith.constant 22 : i32
      %parallel_loop3A_149 = arith.index_cast %parallel_loop3A_148 : i32 to index
      %parallel_loop3A_150 = arith.index_cast %parallel_loop3A_38 : i32 to index
      %parallel_loop3A_151 = tpu.vector_load %arg5[%parallel_loop3A_149, %parallel_loop3A_150] {strides = array<i32>} : memref<32x640xi32, #tpu.memory_space<vmem>>, vector<16xi32>,
      %parallel_loop3A_152 = arith.addi %parallel_loop3A_147, %parallel_loop3A_151 : vector<16xi32>
      %parallel_loop3A_153 = arith.constant 23 : i32
      %parallel_loop3A_154 = arith.index_cast %parallel_loop3A_153 : i32 to index
      %parallel_loop3A_155 = arith.index_cast %parallel_loop3A_38 : i32 to index
      %parallel_loop3A_156 = tpu.vector_load %arg5[%parallel_loop3A_154, %parallel_loop3A_155] {strides = array<i32>} : memref<32x640xi32, #tpu.memory_space<vmem>>, vector<16xi32>,
      %parallel_loop3A_157 = arith.addi %parallel_loop3A_152, %parallel_loop3A_156 : vector<16xi32>
      %parallel_loop3A_158 = arith.constant 24 : i32
      %parallel_loop3A_159 = arith.index_cast %parallel_loop3A_158 : i32 to index
      %parallel_loop3A_160 = arith.index_cast %parallel_loop3A_38 : i32 to index
      %parallel_loop3A_161 = tpu.vector_load %arg5[%parallel_loop3A_159, %parallel_loop3A_160] {strides = array<i32>} : memref<32x640xi32, #tpu.memory_space<vmem>>, vector<16xi32>,
      %parallel_loop3A_162 = arith.addi %parallel_loop3A_157, %parallel_loop3A_161 : vector<16xi32>
      %parallel_loop3A_163 = arith.constant 25 : i32
      %parallel_loop3A_164 = arith.index_cast %parallel_loop3A_163 : i32 to index
      %parallel_loop3A_165 = arith.index_cast %parallel_loop3A_38 : i32 to index
      %parallel_loop3A_166 = tpu.vector_load %arg5[%parallel_loop3A_164, %parallel_loop3A_165] {strides = array<i32>} : memref<32x640xi32, #tpu.memory_space<vmem>>, vector<16xi32>,
      %parallel_loop3A_167 = arith.addi %parallel_loop3A_162, %parallel_loop3A_166 : vector<16xi32>
      %parallel_loop3A_168 = arith.constant 26 : i32
      %parallel_loop3A_169 = arith.index_cast %parallel_loop3A_168 : i32 to index
      %parallel_loop3A_170 = arith.index_cast %parallel_loop3A_38 : i32 to index
      %parallel_loop3A_171 = tpu.vector_load %arg5[%parallel_loop3A_169, %parallel_loop3A_170] {strides = array<i32>} : memref<32x640xi32, #tpu.memory_space<vmem>>, vector<16xi32>,
      %parallel_loop3A_172 = arith.addi %parallel_loop3A_167, %parallel_loop3A_171 : vector<16xi32>
      %parallel_loop3A_173 = arith.constant 27 : i32
      %parallel_loop3A_174 = arith.index_cast %parallel_loop3A_173 : i32 to index
      %parallel_loop3A_175 = arith.index_cast %parallel_loop3A_38 : i32 to index
      %parallel_loop3A_176 = tpu.vector_load %arg5[%parallel_loop3A_174, %parallel_loop3A_175] {strides = array<i32>} : memref<32x640xi32, #tpu.memory_space<vmem>>, vector<16xi32>,
      %parallel_loop3A_177 = arith.addi %parallel_loop3A_172, %parallel_loop3A_176 : vector<16xi32>
      %parallel_loop3A_178 = arith.constant 28 : i32
      %parallel_loop3A_179 = arith.index_cast %parallel_loop3A_178 : i32 to index
      %parallel_loop3A_180 = arith.index_cast %parallel_loop3A_38 : i32 to index
      %parallel_loop3A_181 = tpu.vector_load %arg5[%parallel_loop3A_179, %parallel_loop3A_180] {strides = array<i32>} : memref<32x640xi32, #tpu.memory_space<vmem>>, vector<16xi32>,
      %parallel_loop3A_182 = arith.addi %parallel_loop3A_177, %parallel_loop3A_181 : vector<16xi32>
      %parallel_loop3A_183 = arith.constant 29 : i32
      %parallel_loop3A_184 = arith.index_cast %parallel_loop3A_183 : i32 to index
      %parallel_loop3A_185 = arith.index_cast %parallel_loop3A_38 : i32 to index
      %parallel_loop3A_186 = tpu.vector_load %arg5[%parallel_loop3A_184, %parallel_loop3A_185] {strides = array<i32>} : memref<32x640xi32, #tpu.memory_space<vmem>>, vector<16xi32>,
      %parallel_loop3A_187 = arith.addi %parallel_loop3A_182, %parallel_loop3A_186 : vector<16xi32>
      %parallel_loop3A_188 = arith.constant 30 : i32
      %parallel_loop3A_189 = arith.index_cast %parallel_loop3A_188 : i32 to index
      %parallel_loop3A_190 = arith.index_cast %parallel_loop3A_38 : i32 to index
      %parallel_loop3A_191 = tpu.vector_load %arg5[%parallel_loop3A_189, %parallel_loop3A_190] {strides = array<i32>} : memref<32x640xi32, #tpu.memory_space<vmem>>, vector<16xi32>,
      %parallel_loop3A_192 = arith.addi %parallel_loop3A_187, %parallel_loop3A_191 : vector<16xi32>
      %parallel_loop3A_193 = arith.constant 31 : i32
      %parallel_loop3A_194 = arith.index_cast %parallel_loop3A_193 : i32 to index
      %parallel_loop3A_195 = arith.index_cast %parallel_loop3A_38 : i32 to index
      %parallel_loop3A_196 = tpu.vector_load %arg5[%parallel_loop3A_194, %parallel_loop3A_195] {strides = array<i32>} : memref<32x640xi32, #tpu.memory_space<vmem>>, vector<16xi32>,
      %parallel_loop3A_197 = arith.addi %parallel_loop3A_192, %parallel_loop3A_196 : vector<16xi32>
      %parallel_loop3A_198 = arith.constant 256 : i32
      %parallel_loop3A_199 = vector.broadcast %parallel_loop3A_198 : i32 to vector<16xi32>
      %parallel_loop3A_200 = arith.minsi %parallel_loop3A_197, %parallel_loop3A_199 : vector<16xi32>
      %parallel_loop3A_201 = arith.constant 1280 : i32
      %parallel_loop3A_202 = arith.addi %parallel_loop3A_201, %parallel_loop3A_38 : i32
      %parallel_loop3A_203 = arith.index_cast %parallel_loop3A_202 : i32 to index
      %parallel_loop3A_204 = tpu.vector_load %arg6[%parallel_loop3A_203] {strides = array<i32>} : memref<3200xi32, #tpu.memory_space<vmem>>, vector<16xi32>,
      tpu.vector_store %arg6[%parallel_loop3A_203], %parallel_loop3A_200 {strides = array<i32>} : memref<3200xi32, #tpu.memory_space<vmem>>, vector<16xi32>,
    } {sc.loop_unroll_factor = 2 : i64, sc.parallel_access}
    %add3A_19 = arith.constant 1920 : i32
    %add3A_20 = arith.addi %mul3A_2, %add3A_19 : i32
    "tpu.region"() ({
      %run_scoped3A = tpu.sem_alloc : memref<!tpu.dma_semaphore, #tpu.memory_space<semaphore_mem>>
      %dma_start3A = arith.constant 0 : i32
      %dma_start3A_38 = tpu.memref_slice %arg2[%dma_start3A, %add3A_20] : memref<32x102400xi32, #tpu.memory_space<hbm>> -> memref<32x640xi32, #tpu.memory_space<hbm>>
      %dma_start3A_39 = arith.constant 0 : i32
      %dma_start3A_40 = tpu.memref_slice %arg2[%dma_start3A_39, %add3A_20] : memref<32x102400xi32, #tpu.memory_space<hbm>> -> memref<32x640xi32, #tpu.memory_space<hbm>>
      tpu.enqueue_dma source(%dma_start3A_40 : memref<32x640xi32, #tpu.memory_space<hbm>>) target(%arg5 : memref<32x640xi32, #tpu.memory_space<vmem>>) target_semaphore(%run_scoped3A : memref<!tpu.dma_semaphore, #tpu.memory_space<semaphore_mem>>)
      %dma_wait3A = arith.constant 0 : i32
      %dma_wait3A_41 = tpu.memref_slice %arg2[%dma_wait3A, %add3A_20] : memref<32x102400xi32, #tpu.memory_space<hbm>> -> memref<32x640xi32, #tpu.memory_space<hbm>>
      %dma_wait3A_42 = arith.constant 0 : i32
      %dma_wait3A_43 = tpu.memref_slice %arg2[%dma_wait3A_42, %add3A_20] : memref<32x102400xi32, #tpu.memory_space<hbm>> -> memref<32x640xi32, #tpu.memory_space<hbm>>
      tpu.wait_dma2 semaphore(%run_scoped3A : memref<!tpu.dma_semaphore, #tpu.memory_space<semaphore_mem>>) src(%dma_wait3A_43 : memref<32x640xi32, #tpu.memory_space<hbm>>) dst(%arg5 : memref<32x640xi32, #tpu.memory_space<vmem>>)
      tpu.yield
    }) : () -> ()
    %parallel_loop3A_21 = arith.constant 0 : i32
    %parallel_loop3A_22 = arith.constant 640 : i32
    %parallel_loop3A_23 = arith.constant 16 : i32
    scf.for %parallel_loop3A_38 = %parallel_loop3A_21 to %parallel_loop3A_22 step %parallel_loop3A_23  : i32 {
      %parallel_loop3A_39 = arith.constant 0 : i32
      %parallel_loop3A_40 = arith.index_cast %parallel_loop3A_39 : i32 to index
      %parallel_loop3A_41 = arith.index_cast %parallel_loop3A_38 : i32 to index
      %parallel_loop3A_42 = tpu.vector_load %arg5[%parallel_loop3A_40, %parallel_loop3A_41] {strides = array<i32>} : memref<32x640xi32, #tpu.memory_space<vmem>>, vector<16xi32>,
      %parallel_loop3A_43 = arith.constant 1 : i32
      %parallel_loop3A_44 = arith.index_cast %parallel_loop3A_43 : i32 to index
      %parallel_loop3A_45 = arith.index_cast %parallel_loop3A_38 : i32 to index
      %parallel_loop3A_46 = tpu.vector_load %arg5[%parallel_loop3A_44, %parallel_loop3A_45] {strides = array<i32>} : memref<32x640xi32, #tpu.memory_space<vmem>>, vector<16xi32>,
      %parallel_loop3A_47 = arith.addi %parallel_loop3A_42, %parallel_loop3A_46 : vector<16xi32>
      %parallel_loop3A_48 = arith.constant 2 : i32
      %parallel_loop3A_49 = arith.index_cast %parallel_loop3A_48 : i32 to index
      %parallel_loop3A_50 = arith.index_cast %parallel_loop3A_38 : i32 to index
      %parallel_loop3A_51 = tpu.vector_load %arg5[%parallel_loop3A_49, %parallel_loop3A_50] {strides = array<i32>} : memref<32x640xi32, #tpu.memory_space<vmem>>, vector<16xi32>,
      %parallel_loop3A_52 = arith.addi %parallel_loop3A_47, %parallel_loop3A_51 : vector<16xi32>
      %parallel_loop3A_53 = arith.constant 3 : i32
      %parallel_loop3A_54 = arith.index_cast %parallel_loop3A_53 : i32 to index
      %parallel_loop3A_55 = arith.index_cast %parallel_loop3A_38 : i32 to index
      %parallel_loop3A_56 = tpu.vector_load %arg5[%parallel_loop3A_54, %parallel_loop3A_55] {strides = array<i32>} : memref<32x640xi32, #tpu.memory_space<vmem>>, vector<16xi32>,
      %parallel_loop3A_57 = arith.addi %parallel_loop3A_52, %parallel_loop3A_56 : vector<16xi32>
      %parallel_loop3A_58 = arith.constant 4 : i32
      %parallel_loop3A_59 = arith.index_cast %parallel_loop3A_58 : i32 to index
      %parallel_loop3A_60 = arith.index_cast %parallel_loop3A_38 : i32 to index
      %parallel_loop3A_61 = tpu.vector_load %arg5[%parallel_loop3A_59, %parallel_loop3A_60] {strides = array<i32>} : memref<32x640xi32, #tpu.memory_space<vmem>>, vector<16xi32>,
      %parallel_loop3A_62 = arith.addi %parallel_loop3A_57, %parallel_loop3A_61 : vector<16xi32>
      %parallel_loop3A_63 = arith.constant 5 : i32
      %parallel_loop3A_64 = arith.index_cast %parallel_loop3A_63 : i32 to index
      %parallel_loop3A_65 = arith.index_cast %parallel_loop3A_38 : i32 to index
      %parallel_loop3A_66 = tpu.vector_load %arg5[%parallel_loop3A_64, %parallel_loop3A_65] {strides = array<i32>} : memref<32x640xi32, #tpu.memory_space<vmem>>, vector<16xi32>,
      %parallel_loop3A_67 = arith.addi %parallel_loop3A_62, %parallel_loop3A_66 : vector<16xi32>
      %parallel_loop3A_68 = arith.constant 6 : i32
      %parallel_loop3A_69 = arith.index_cast %parallel_loop3A_68 : i32 to index
      %parallel_loop3A_70 = arith.index_cast %parallel_loop3A_38 : i32 to index
      %parallel_loop3A_71 = tpu.vector_load %arg5[%parallel_loop3A_69, %parallel_loop3A_70] {strides = array<i32>} : memref<32x640xi32, #tpu.memory_space<vmem>>, vector<16xi32>,
      %parallel_loop3A_72 = arith.addi %parallel_loop3A_67, %parallel_loop3A_71 : vector<16xi32>
      %parallel_loop3A_73 = arith.constant 7 : i32
      %parallel_loop3A_74 = arith.index_cast %parallel_loop3A_73 : i32 to index
      %parallel_loop3A_75 = arith.index_cast %parallel_loop3A_38 : i32 to index
      %parallel_loop3A_76 = tpu.vector_load %arg5[%parallel_loop3A_74, %parallel_loop3A_75] {strides = array<i32>} : memref<32x640xi32, #tpu.memory_space<vmem>>, vector<16xi32>,
      %parallel_loop3A_77 = arith.addi %parallel_loop3A_72, %parallel_loop3A_76 : vector<16xi32>
      %parallel_loop3A_78 = arith.constant 8 : i32
      %parallel_loop3A_79 = arith.index_cast %parallel_loop3A_78 : i32 to index
      %parallel_loop3A_80 = arith.index_cast %parallel_loop3A_38 : i32 to index
      %parallel_loop3A_81 = tpu.vector_load %arg5[%parallel_loop3A_79, %parallel_loop3A_80] {strides = array<i32>} : memref<32x640xi32, #tpu.memory_space<vmem>>, vector<16xi32>,
      %parallel_loop3A_82 = arith.addi %parallel_loop3A_77, %parallel_loop3A_81 : vector<16xi32>
      %parallel_loop3A_83 = arith.constant 9 : i32
      %parallel_loop3A_84 = arith.index_cast %parallel_loop3A_83 : i32 to index
      %parallel_loop3A_85 = arith.index_cast %parallel_loop3A_38 : i32 to index
      %parallel_loop3A_86 = tpu.vector_load %arg5[%parallel_loop3A_84, %parallel_loop3A_85] {strides = array<i32>} : memref<32x640xi32, #tpu.memory_space<vmem>>, vector<16xi32>,
      %parallel_loop3A_87 = arith.addi %parallel_loop3A_82, %parallel_loop3A_86 : vector<16xi32>
      %parallel_loop3A_88 = arith.constant 10 : i32
      %parallel_loop3A_89 = arith.index_cast %parallel_loop3A_88 : i32 to index
      %parallel_loop3A_90 = arith.index_cast %parallel_loop3A_38 : i32 to index
      %parallel_loop3A_91 = tpu.vector_load %arg5[%parallel_loop3A_89, %parallel_loop3A_90] {strides = array<i32>} : memref<32x640xi32, #tpu.memory_space<vmem>>, vector<16xi32>,
      %parallel_loop3A_92 = arith.addi %parallel_loop3A_87, %parallel_loop3A_91 : vector<16xi32>
      %parallel_loop3A_93 = arith.constant 11 : i32
      %parallel_loop3A_94 = arith.index_cast %parallel_loop3A_93 : i32 to index
      %parallel_loop3A_95 = arith.index_cast %parallel_loop3A_38 : i32 to index
      %parallel_loop3A_96 = tpu.vector_load %arg5[%parallel_loop3A_94, %parallel_loop3A_95] {strides = array<i32>} : memref<32x640xi32, #tpu.memory_space<vmem>>, vector<16xi32>,
      %parallel_loop3A_97 = arith.addi %parallel_loop3A_92, %parallel_loop3A_96 : vector<16xi32>
      %parallel_loop3A_98 = arith.constant 12 : i32
      %parallel_loop3A_99 = arith.index_cast %parallel_loop3A_98 : i32 to index
      %parallel_loop3A_100 = arith.index_cast %parallel_loop3A_38 : i32 to index
      %parallel_loop3A_101 = tpu.vector_load %arg5[%parallel_loop3A_99, %parallel_loop3A_100] {strides = array<i32>} : memref<32x640xi32, #tpu.memory_space<vmem>>, vector<16xi32>,
      %parallel_loop3A_102 = arith.addi %parallel_loop3A_97, %parallel_loop3A_101 : vector<16xi32>
      %parallel_loop3A_103 = arith.constant 13 : i32
      %parallel_loop3A_104 = arith.index_cast %parallel_loop3A_103 : i32 to index
      %parallel_loop3A_105 = arith.index_cast %parallel_loop3A_38 : i32 to index
      %parallel_loop3A_106 = tpu.vector_load %arg5[%parallel_loop3A_104, %parallel_loop3A_105] {strides = array<i32>} : memref<32x640xi32, #tpu.memory_space<vmem>>, vector<16xi32>,
      %parallel_loop3A_107 = arith.addi %parallel_loop3A_102, %parallel_loop3A_106 : vector<16xi32>
      %parallel_loop3A_108 = arith.constant 14 : i32
      %parallel_loop3A_109 = arith.index_cast %parallel_loop3A_108 : i32 to index
      %parallel_loop3A_110 = arith.index_cast %parallel_loop3A_38 : i32 to index
      %parallel_loop3A_111 = tpu.vector_load %arg5[%parallel_loop3A_109, %parallel_loop3A_110] {strides = array<i32>} : memref<32x640xi32, #tpu.memory_space<vmem>>, vector<16xi32>,
      %parallel_loop3A_112 = arith.addi %parallel_loop3A_107, %parallel_loop3A_111 : vector<16xi32>
      %parallel_loop3A_113 = arith.constant 15 : i32
      %parallel_loop3A_114 = arith.index_cast %parallel_loop3A_113 : i32 to index
      %parallel_loop3A_115 = arith.index_cast %parallel_loop3A_38 : i32 to index
      %parallel_loop3A_116 = tpu.vector_load %arg5[%parallel_loop3A_114, %parallel_loop3A_115] {strides = array<i32>} : memref<32x640xi32, #tpu.memory_space<vmem>>, vector<16xi32>,
      %parallel_loop3A_117 = arith.addi %parallel_loop3A_112, %parallel_loop3A_116 : vector<16xi32>
      %parallel_loop3A_118 = arith.constant 16 : i32
      %parallel_loop3A_119 = arith.index_cast %parallel_loop3A_118 : i32 to index
      %parallel_loop3A_120 = arith.index_cast %parallel_loop3A_38 : i32 to index
      %parallel_loop3A_121 = tpu.vector_load %arg5[%parallel_loop3A_119, %parallel_loop3A_120] {strides = array<i32>} : memref<32x640xi32, #tpu.memory_space<vmem>>, vector<16xi32>,
      %parallel_loop3A_122 = arith.addi %parallel_loop3A_117, %parallel_loop3A_121 : vector<16xi32>
      %parallel_loop3A_123 = arith.constant 17 : i32
      %parallel_loop3A_124 = arith.index_cast %parallel_loop3A_123 : i32 to index
      %parallel_loop3A_125 = arith.index_cast %parallel_loop3A_38 : i32 to index
      %parallel_loop3A_126 = tpu.vector_load %arg5[%parallel_loop3A_124, %parallel_loop3A_125] {strides = array<i32>} : memref<32x640xi32, #tpu.memory_space<vmem>>, vector<16xi32>,
      %parallel_loop3A_127 = arith.addi %parallel_loop3A_122, %parallel_loop3A_126 : vector<16xi32>
      %parallel_loop3A_128 = arith.constant 18 : i32
      %parallel_loop3A_129 = arith.index_cast %parallel_loop3A_128 : i32 to index
      %parallel_loop3A_130 = arith.index_cast %parallel_loop3A_38 : i32 to index
      %parallel_loop3A_131 = tpu.vector_load %arg5[%parallel_loop3A_129, %parallel_loop3A_130] {strides = array<i32>} : memref<32x640xi32, #tpu.memory_space<vmem>>, vector<16xi32>,
      %parallel_loop3A_132 = arith.addi %parallel_loop3A_127, %parallel_loop3A_131 : vector<16xi32>
      %parallel_loop3A_133 = arith.constant 19 : i32
      %parallel_loop3A_134 = arith.index_cast %parallel_loop3A_133 : i32 to index
      %parallel_loop3A_135 = arith.index_cast %parallel_loop3A_38 : i32 to index
      %parallel_loop3A_136 = tpu.vector_load %arg5[%parallel_loop3A_134, %parallel_loop3A_135] {strides = array<i32>} : memref<32x640xi32, #tpu.memory_space<vmem>>, vector<16xi32>,
      %parallel_loop3A_137 = arith.addi %parallel_loop3A_132, %parallel_loop3A_136 : vector<16xi32>
      %parallel_loop3A_138 = arith.constant 20 : i32
      %parallel_loop3A_139 = arith.index_cast %parallel_loop3A_138 : i32 to index
      %parallel_loop3A_140 = arith.index_cast %parallel_loop3A_38 : i32 to index
      %parallel_loop3A_141 = tpu.vector_load %arg5[%parallel_loop3A_139, %parallel_loop3A_140] {strides = array<i32>} : memref<32x640xi32, #tpu.memory_space<vmem>>, vector<16xi32>,
      %parallel_loop3A_142 = arith.addi %parallel_loop3A_137, %parallel_loop3A_141 : vector<16xi32>
      %parallel_loop3A_143 = arith.constant 21 : i32
      %parallel_loop3A_144 = arith.index_cast %parallel_loop3A_143 : i32 to index
      %parallel_loop3A_145 = arith.index_cast %parallel_loop3A_38 : i32 to index
      %parallel_loop3A_146 = tpu.vector_load %arg5[%parallel_loop3A_144, %parallel_loop3A_145] {strides = array<i32>} : memref<32x640xi32, #tpu.memory_space<vmem>>, vector<16xi32>,
      %parallel_loop3A_147 = arith.addi %parallel_loop3A_142, %parallel_loop3A_146 : vector<16xi32>
      %parallel_loop3A_148 = arith.constant 22 : i32
      %parallel_loop3A_149 = arith.index_cast %parallel_loop3A_148 : i32 to index
      %parallel_loop3A_150 = arith.index_cast %parallel_loop3A_38 : i32 to index
      %parallel_loop3A_151 = tpu.vector_load %arg5[%parallel_loop3A_149, %parallel_loop3A_150] {strides = array<i32>} : memref<32x640xi32, #tpu.memory_space<vmem>>, vector<16xi32>,
      %parallel_loop3A_152 = arith.addi %parallel_loop3A_147, %parallel_loop3A_151 : vector<16xi32>
      %parallel_loop3A_153 = arith.constant 23 : i32
      %parallel_loop3A_154 = arith.index_cast %parallel_loop3A_153 : i32 to index
      %parallel_loop3A_155 = arith.index_cast %parallel_loop3A_38 : i32 to index
      %parallel_loop3A_156 = tpu.vector_load %arg5[%parallel_loop3A_154, %parallel_loop3A_155] {strides = array<i32>} : memref<32x640xi32, #tpu.memory_space<vmem>>, vector<16xi32>,
      %parallel_loop3A_157 = arith.addi %parallel_loop3A_152, %parallel_loop3A_156 : vector<16xi32>
      %parallel_loop3A_158 = arith.constant 24 : i32
      %parallel_loop3A_159 = arith.index_cast %parallel_loop3A_158 : i32 to index
      %parallel_loop3A_160 = arith.index_cast %parallel_loop3A_38 : i32 to index
      %parallel_loop3A_161 = tpu.vector_load %arg5[%parallel_loop3A_159, %parallel_loop3A_160] {strides = array<i32>} : memref<32x640xi32, #tpu.memory_space<vmem>>, vector<16xi32>,
      %parallel_loop3A_162 = arith.addi %parallel_loop3A_157, %parallel_loop3A_161 : vector<16xi32>
      %parallel_loop3A_163 = arith.constant 25 : i32
      %parallel_loop3A_164 = arith.index_cast %parallel_loop3A_163 : i32 to index
      %parallel_loop3A_165 = arith.index_cast %parallel_loop3A_38 : i32 to index
      %parallel_loop3A_166 = tpu.vector_load %arg5[%parallel_loop3A_164, %parallel_loop3A_165] {strides = array<i32>} : memref<32x640xi32, #tpu.memory_space<vmem>>, vector<16xi32>,
      %parallel_loop3A_167 = arith.addi %parallel_loop3A_162, %parallel_loop3A_166 : vector<16xi32>
      %parallel_loop3A_168 = arith.constant 26 : i32
      %parallel_loop3A_169 = arith.index_cast %parallel_loop3A_168 : i32 to index
      %parallel_loop3A_170 = arith.index_cast %parallel_loop3A_38 : i32 to index
      %parallel_loop3A_171 = tpu.vector_load %arg5[%parallel_loop3A_169, %parallel_loop3A_170] {strides = array<i32>} : memref<32x640xi32, #tpu.memory_space<vmem>>, vector<16xi32>,
      %parallel_loop3A_172 = arith.addi %parallel_loop3A_167, %parallel_loop3A_171 : vector<16xi32>
      %parallel_loop3A_173 = arith.constant 27 : i32
      %parallel_loop3A_174 = arith.index_cast %parallel_loop3A_173 : i32 to index
      %parallel_loop3A_175 = arith.index_cast %parallel_loop3A_38 : i32 to index
      %parallel_loop3A_176 = tpu.vector_load %arg5[%parallel_loop3A_174, %parallel_loop3A_175] {strides = array<i32>} : memref<32x640xi32, #tpu.memory_space<vmem>>, vector<16xi32>,
      %parallel_loop3A_177 = arith.addi %parallel_loop3A_172, %parallel_loop3A_176 : vector<16xi32>
      %parallel_loop3A_178 = arith.constant 28 : i32
      %parallel_loop3A_179 = arith.index_cast %parallel_loop3A_178 : i32 to index
      %parallel_loop3A_180 = arith.index_cast %parallel_loop3A_38 : i32 to index
      %parallel_loop3A_181 = tpu.vector_load %arg5[%parallel_loop3A_179, %parallel_loop3A_180] {strides = array<i32>} : memref<32x640xi32, #tpu.memory_space<vmem>>, vector<16xi32>,
      %parallel_loop3A_182 = arith.addi %parallel_loop3A_177, %parallel_loop3A_181 : vector<16xi32>
      %parallel_loop3A_183 = arith.constant 29 : i32
      %parallel_loop3A_184 = arith.index_cast %parallel_loop3A_183 : i32 to index
      %parallel_loop3A_185 = arith.index_cast %parallel_loop3A_38 : i32 to index
      %parallel_loop3A_186 = tpu.vector_load %arg5[%parallel_loop3A_184, %parallel_loop3A_185] {strides = array<i32>} : memref<32x640xi32, #tpu.memory_space<vmem>>, vector<16xi32>,
      %parallel_loop3A_187 = arith.addi %parallel_loop3A_182, %parallel_loop3A_186 : vector<16xi32>
      %parallel_loop3A_188 = arith.constant 30 : i32
      %parallel_loop3A_189 = arith.index_cast %parallel_loop3A_188 : i32 to index
      %parallel_loop3A_190 = arith.index_cast %parallel_loop3A_38 : i32 to index
      %parallel_loop3A_191 = tpu.vector_load %arg5[%parallel_loop3A_189, %parallel_loop3A_190] {strides = array<i32>} : memref<32x640xi32, #tpu.memory_space<vmem>>, vector<16xi32>,
      %parallel_loop3A_192 = arith.addi %parallel_loop3A_187, %parallel_loop3A_191 : vector<16xi32>
      %parallel_loop3A_193 = arith.constant 31 : i32
      %parallel_loop3A_194 = arith.index_cast %parallel_loop3A_193 : i32 to index
      %parallel_loop3A_195 = arith.index_cast %parallel_loop3A_38 : i32 to index
      %parallel_loop3A_196 = tpu.vector_load %arg5[%parallel_loop3A_194, %parallel_loop3A_195] {strides = array<i32>} : memref<32x640xi32, #tpu.memory_space<vmem>>, vector<16xi32>,
      %parallel_loop3A_197 = arith.addi %parallel_loop3A_192, %parallel_loop3A_196 : vector<16xi32>
      %parallel_loop3A_198 = arith.constant 256 : i32
      %parallel_loop3A_199 = vector.broadcast %parallel_loop3A_198 : i32 to vector<16xi32>
      %parallel_loop3A_200 = arith.minsi %parallel_loop3A_197, %parallel_loop3A_199 : vector<16xi32>
      %parallel_loop3A_201 = arith.constant 1920 : i32
      %parallel_loop3A_202 = arith.addi %parallel_loop3A_201, %parallel_loop3A_38 : i32
      %parallel_loop3A_203 = arith.index_cast %parallel_loop3A_202 : i32 to index
      %parallel_loop3A_204 = tpu.vector_load %arg6[%parallel_loop3A_203] {strides = array<i32>} : memref<3200xi32, #tpu.memory_space<vmem>>, vector<16xi32>,
      tpu.vector_store %arg6[%parallel_loop3A_203], %parallel_loop3A_200 {strides = array<i32>} : memref<3200xi32, #tpu.memory_space<vmem>>, vector<16xi32>,
    } {sc.loop_unroll_factor = 2 : i64, sc.parallel_access}
    %add3A_24 = arith.constant 2560 : i32
    %add3A_25 = arith.addi %mul3A_2, %add3A_24 : i32
    "tpu.region"() ({
      %run_scoped3A = tpu.sem_alloc : memref<!tpu.dma_semaphore, #tpu.memory_space<semaphore_mem>>
      %dma_start3A = arith.constant 0 : i32
      %dma_start3A_38 = tpu.memref_slice %arg2[%dma_start3A, %add3A_25] : memref<32x102400xi32, #tpu.memory_space<hbm>> -> memref<32x640xi32, #tpu.memory_space<hbm>>
      %dma_start3A_39 = arith.constant 0 : i32
      %dma_start3A_40 = tpu.memref_slice %arg2[%dma_start3A_39, %add3A_25] : memref<32x102400xi32, #tpu.memory_space<hbm>> -> memref<32x640xi32, #tpu.memory_space<hbm>>
      tpu.enqueue_dma source(%dma_start3A_40 : memref<32x640xi32, #tpu.memory_space<hbm>>) target(%arg5 : memref<32x640xi32, #tpu.memory_space<vmem>>) target_semaphore(%run_scoped3A : memref<!tpu.dma_semaphore, #tpu.memory_space<semaphore_mem>>)
      %dma_wait3A = arith.constant 0 : i32
      %dma_wait3A_41 = tpu.memref_slice %arg2[%dma_wait3A, %add3A_25] : memref<32x102400xi32, #tpu.memory_space<hbm>> -> memref<32x640xi32, #tpu.memory_space<hbm>>
      %dma_wait3A_42 = arith.constant 0 : i32
      %dma_wait3A_43 = tpu.memref_slice %arg2[%dma_wait3A_42, %add3A_25] : memref<32x102400xi32, #tpu.memory_space<hbm>> -> memref<32x640xi32, #tpu.memory_space<hbm>>
      tpu.wait_dma2 semaphore(%run_scoped3A : memref<!tpu.dma_semaphore, #tpu.memory_space<semaphore_mem>>) src(%dma_wait3A_43 : memref<32x640xi32, #tpu.memory_space<hbm>>) dst(%arg5 : memref<32x640xi32, #tpu.memory_space<vmem>>)
      tpu.yield
    }) : () -> ()
    %parallel_loop3A_26 = arith.constant 0 : i32
    %parallel_loop3A_27 = arith.constant 640 : i32
    %parallel_loop3A_28 = arith.constant 16 : i32
    scf.for %parallel_loop3A_38 = %parallel_loop3A_26 to %parallel_loop3A_27 step %parallel_loop3A_28  : i32 {
      %parallel_loop3A_39 = arith.constant 0 : i32
      %parallel_loop3A_40 = arith.index_cast %parallel_loop3A_39 : i32 to index
      %parallel_loop3A_41 = arith.index_cast %parallel_loop3A_38 : i32 to index
      %parallel_loop3A_42 = tpu.vector_load %arg5[%parallel_loop3A_40, %parallel_loop3A_41] {strides = array<i32>} : memref<32x640xi32, #tpu.memory_space<vmem>>, vector<16xi32>,
      %parallel_loop3A_43 = arith.constant 1 : i32
      %parallel_loop3A_44 = arith.index_cast %parallel_loop3A_43 : i32 to index
      %parallel_loop3A_45 = arith.index_cast %parallel_loop3A_38 : i32 to index
      %parallel_loop3A_46 = tpu.vector_load %arg5[%parallel_loop3A_44, %parallel_loop3A_45] {strides = array<i32>} : memref<32x640xi32, #tpu.memory_space<vmem>>, vector<16xi32>,
      %parallel_loop3A_47 = arith.addi %parallel_loop3A_42, %parallel_loop3A_46 : vector<16xi32>
      %parallel_loop3A_48 = arith.constant 2 : i32
      %parallel_loop3A_49 = arith.index_cast %parallel_loop3A_48 : i32 to index
      %parallel_loop3A_50 = arith.index_cast %parallel_loop3A_38 : i32 to index
      %parallel_loop3A_51 = tpu.vector_load %arg5[%parallel_loop3A_49, %parallel_loop3A_50] {strides = array<i32>} : memref<32x640xi32, #tpu.memory_space<vmem>>, vector<16xi32>,
      %parallel_loop3A_52 = arith.addi %parallel_loop3A_47, %parallel_loop3A_51 : vector<16xi32>
      %parallel_loop3A_53 = arith.constant 3 : i32
      %parallel_loop3A_54 = arith.index_cast %parallel_loop3A_53 : i32 to index
      %parallel_loop3A_55 = arith.index_cast %parallel_loop3A_38 : i32 to index
      %parallel_loop3A_56 = tpu.vector_load %arg5[%parallel_loop3A_54, %parallel_loop3A_55] {strides = array<i32>} : memref<32x640xi32, #tpu.memory_space<vmem>>, vector<16xi32>,
      %parallel_loop3A_57 = arith.addi %parallel_loop3A_52, %parallel_loop3A_56 : vector<16xi32>
      %parallel_loop3A_58 = arith.constant 4 : i32
      %parallel_loop3A_59 = arith.index_cast %parallel_loop3A_58 : i32 to index
      %parallel_loop3A_60 = arith.index_cast %parallel_loop3A_38 : i32 to index
      %parallel_loop3A_61 = tpu.vector_load %arg5[%parallel_loop3A_59, %parallel_loop3A_60] {strides = array<i32>} : memref<32x640xi32, #tpu.memory_space<vmem>>, vector<16xi32>,
      %parallel_loop3A_62 = arith.addi %parallel_loop3A_57, %parallel_loop3A_61 : vector<16xi32>
      %parallel_loop3A_63 = arith.constant 5 : i32
      %parallel_loop3A_64 = arith.index_cast %parallel_loop3A_63 : i32 to index
      %parallel_loop3A_65 = arith.index_cast %parallel_loop3A_38 : i32 to index
      %parallel_loop3A_66 = tpu.vector_load %arg5[%parallel_loop3A_64, %parallel_loop3A_65] {strides = array<i32>} : memref<32x640xi32, #tpu.memory_space<vmem>>, vector<16xi32>,
      %parallel_loop3A_67 = arith.addi %parallel_loop3A_62, %parallel_loop3A_66 : vector<16xi32>
      %parallel_loop3A_68 = arith.constant 6 : i32
      %parallel_loop3A_69 = arith.index_cast %parallel_loop3A_68 : i32 to index
      %parallel_loop3A_70 = arith.index_cast %parallel_loop3A_38 : i32 to index
      %parallel_loop3A_71 = tpu.vector_load %arg5[%parallel_loop3A_69, %parallel_loop3A_70] {strides = array<i32>} : memref<32x640xi32, #tpu.memory_space<vmem>>, vector<16xi32>,
      %parallel_loop3A_72 = arith.addi %parallel_loop3A_67, %parallel_loop3A_71 : vector<16xi32>
      %parallel_loop3A_73 = arith.constant 7 : i32
      %parallel_loop3A_74 = arith.index_cast %parallel_loop3A_73 : i32 to index
      %parallel_loop3A_75 = arith.index_cast %parallel_loop3A_38 : i32 to index
      %parallel_loop3A_76 = tpu.vector_load %arg5[%parallel_loop3A_74, %parallel_loop3A_75] {strides = array<i32>} : memref<32x640xi32, #tpu.memory_space<vmem>>, vector<16xi32>,
      %parallel_loop3A_77 = arith.addi %parallel_loop3A_72, %parallel_loop3A_76 : vector<16xi32>
      %parallel_loop3A_78 = arith.constant 8 : i32
      %parallel_loop3A_79 = arith.index_cast %parallel_loop3A_78 : i32 to index
      %parallel_loop3A_80 = arith.index_cast %parallel_loop3A_38 : i32 to index
      %parallel_loop3A_81 = tpu.vector_load %arg5[%parallel_loop3A_79, %parallel_loop3A_80] {strides = array<i32>} : memref<32x640xi32, #tpu.memory_space<vmem>>, vector<16xi32>,
      %parallel_loop3A_82 = arith.addi %parallel_loop3A_77, %parallel_loop3A_81 : vector<16xi32>
      %parallel_loop3A_83 = arith.constant 9 : i32
      %parallel_loop3A_84 = arith.index_cast %parallel_loop3A_83 : i32 to index
      %parallel_loop3A_85 = arith.index_cast %parallel_loop3A_38 : i32 to index
      %parallel_loop3A_86 = tpu.vector_load %arg5[%parallel_loop3A_84, %parallel_loop3A_85] {strides = array<i32>} : memref<32x640xi32, #tpu.memory_space<vmem>>, vector<16xi32>,
      %parallel_loop3A_87 = arith.addi %parallel_loop3A_82, %parallel_loop3A_86 : vector<16xi32>
      %parallel_loop3A_88 = arith.constant 10 : i32
      %parallel_loop3A_89 = arith.index_cast %parallel_loop3A_88 : i32 to index
      %parallel_loop3A_90 = arith.index_cast %parallel_loop3A_38 : i32 to index
      %parallel_loop3A_91 = tpu.vector_load %arg5[%parallel_loop3A_89, %parallel_loop3A_90] {strides = array<i32>} : memref<32x640xi32, #tpu.memory_space<vmem>>, vector<16xi32>,
      %parallel_loop3A_92 = arith.addi %parallel_loop3A_87, %parallel_loop3A_91 : vector<16xi32>
      %parallel_loop3A_93 = arith.constant 11 : i32
      %parallel_loop3A_94 = arith.index_cast %parallel_loop3A_93 : i32 to index
      %parallel_loop3A_95 = arith.index_cast %parallel_loop3A_38 : i32 to index
      %parallel_loop3A_96 = tpu.vector_load %arg5[%parallel_loop3A_94, %parallel_loop3A_95] {strides = array<i32>} : memref<32x640xi32, #tpu.memory_space<vmem>>, vector<16xi32>,
      %parallel_loop3A_97 = arith.addi %parallel_loop3A_92, %parallel_loop3A_96 : vector<16xi32>
      %parallel_loop3A_98 = arith.constant 12 : i32
      %parallel_loop3A_99 = arith.index_cast %parallel_loop3A_98 : i32 to index
      %parallel_loop3A_100 = arith.index_cast %parallel_loop3A_38 : i32 to index
      %parallel_loop3A_101 = tpu.vector_load %arg5[%parallel_loop3A_99, %parallel_loop3A_100] {strides = array<i32>} : memref<32x640xi32, #tpu.memory_space<vmem>>, vector<16xi32>,
      %parallel_loop3A_102 = arith.addi %parallel_loop3A_97, %parallel_loop3A_101 : vector<16xi32>
      %parallel_loop3A_103 = arith.constant 13 : i32
      %parallel_loop3A_104 = arith.index_cast %parallel_loop3A_103 : i32 to index
      %parallel_loop3A_105 = arith.index_cast %parallel_loop3A_38 : i32 to index
      %parallel_loop3A_106 = tpu.vector_load %arg5[%parallel_loop3A_104, %parallel_loop3A_105] {strides = array<i32>} : memref<32x640xi32, #tpu.memory_space<vmem>>, vector<16xi32>,
      %parallel_loop3A_107 = arith.addi %parallel_loop3A_102, %parallel_loop3A_106 : vector<16xi32>
      %parallel_loop3A_108 = arith.constant 14 : i32
      %parallel_loop3A_109 = arith.index_cast %parallel_loop3A_108 : i32 to index
      %parallel_loop3A_110 = arith.index_cast %parallel_loop3A_38 : i32 to index
      %parallel_loop3A_111 = tpu.vector_load %arg5[%parallel_loop3A_109, %parallel_loop3A_110] {strides = array<i32>} : memref<32x640xi32, #tpu.memory_space<vmem>>, vector<16xi32>,
      %parallel_loop3A_112 = arith.addi %parallel_loop3A_107, %parallel_loop3A_111 : vector<16xi32>
      %parallel_loop3A_113 = arith.constant 15 : i32
      %parallel_loop3A_114 = arith.index_cast %parallel_loop3A_113 : i32 to index
      %parallel_loop3A_115 = arith.index_cast %parallel_loop3A_38 : i32 to index
      %parallel_loop3A_116 = tpu.vector_load %arg5[%parallel_loop3A_114, %parallel_loop3A_115] {strides = array<i32>} : memref<32x640xi32, #tpu.memory_space<vmem>>, vector<16xi32>,
      %parallel_loop3A_117 = arith.addi %parallel_loop3A_112, %parallel_loop3A_116 : vector<16xi32>
      %parallel_loop3A_118 = arith.constant 16 : i32
      %parallel_loop3A_119 = arith.index_cast %parallel_loop3A_118 : i32 to index
      %parallel_loop3A_120 = arith.index_cast %parallel_loop3A_38 : i32 to index
      %parallel_loop3A_121 = tpu.vector_load %arg5[%parallel_loop3A_119, %parallel_loop3A_120] {strides = array<i32>} : memref<32x640xi32, #tpu.memory_space<vmem>>, vector<16xi32>,
      %parallel_loop3A_122 = arith.addi %parallel_loop3A_117, %parallel_loop3A_121 : vector<16xi32>
      %parallel_loop3A_123 = arith.constant 17 : i32
      %parallel_loop3A_124 = arith.index_cast %parallel_loop3A_123 : i32 to index
      %parallel_loop3A_125 = arith.index_cast %parallel_loop3A_38 : i32 to index
      %parallel_loop3A_126 = tpu.vector_load %arg5[%parallel_loop3A_124, %parallel_loop3A_125] {strides = array<i32>} : memref<32x640xi32, #tpu.memory_space<vmem>>, vector<16xi32>,
      %parallel_loop3A_127 = arith.addi %parallel_loop3A_122, %parallel_loop3A_126 : vector<16xi32>
      %parallel_loop3A_128 = arith.constant 18 : i32
      %parallel_loop3A_129 = arith.index_cast %parallel_loop3A_128 : i32 to index
      %parallel_loop3A_130 = arith.index_cast %parallel_loop3A_38 : i32 to index
      %parallel_loop3A_131 = tpu.vector_load %arg5[%parallel_loop3A_129, %parallel_loop3A_130] {strides = array<i32>} : memref<32x640xi32, #tpu.memory_space<vmem>>, vector<16xi32>,
      %parallel_loop3A_132 = arith.addi %parallel_loop3A_127, %parallel_loop3A_131 : vector<16xi32>
      %parallel_loop3A_133 = arith.constant 19 : i32
      %parallel_loop3A_134 = arith.index_cast %parallel_loop3A_133 : i32 to index
      %parallel_loop3A_135 = arith.index_cast %parallel_loop3A_38 : i32 to index
      %parallel_loop3A_136 = tpu.vector_load %arg5[%parallel_loop3A_134, %parallel_loop3A_135] {strides = array<i32>} : memref<32x640xi32, #tpu.memory_space<vmem>>, vector<16xi32>,
      %parallel_loop3A_137 = arith.addi %parallel_loop3A_132, %parallel_loop3A_136 : vector<16xi32>
      %parallel_loop3A_138 = arith.constant 20 : i32
      %parallel_loop3A_139 = arith.index_cast %parallel_loop3A_138 : i32 to index
      %parallel_loop3A_140 = arith.index_cast %parallel_loop3A_38 : i32 to index
      %parallel_loop3A_141 = tpu.vector_load %arg5[%parallel_loop3A_139, %parallel_loop3A_140] {strides = array<i32>} : memref<32x640xi32, #tpu.memory_space<vmem>>, vector<16xi32>,
      %parallel_loop3A_142 = arith.addi %parallel_loop3A_137, %parallel_loop3A_141 : vector<16xi32>
      %parallel_loop3A_143 = arith.constant 21 : i32
      %parallel_loop3A_144 = arith.index_cast %parallel_loop3A_143 : i32 to index
      %parallel_loop3A_145 = arith.index_cast %parallel_loop3A_38 : i32 to index
      %parallel_loop3A_146 = tpu.vector_load %arg5[%parallel_loop3A_144, %parallel_loop3A_145] {strides = array<i32>} : memref<32x640xi32, #tpu.memory_space<vmem>>, vector<16xi32>,
      %parallel_loop3A_147 = arith.addi %parallel_loop3A_142, %parallel_loop3A_146 : vector<16xi32>
      %parallel_loop3A_148 = arith.constant 22 : i32
      %parallel_loop3A_149 = arith.index_cast %parallel_loop3A_148 : i32 to index
      %parallel_loop3A_150 = arith.index_cast %parallel_loop3A_38 : i32 to index
      %parallel_loop3A_151 = tpu.vector_load %arg5[%parallel_loop3A_149, %parallel_loop3A_150] {strides = array<i32>} : memref<32x640xi32, #tpu.memory_space<vmem>>, vector<16xi32>,
      %parallel_loop3A_152 = arith.addi %parallel_loop3A_147, %parallel_loop3A_151 : vector<16xi32>
      %parallel_loop3A_153 = arith.constant 23 : i32
      %parallel_loop3A_154 = arith.index_cast %parallel_loop3A_153 : i32 to index
      %parallel_loop3A_155 = arith.index_cast %parallel_loop3A_38 : i32 to index
      %parallel_loop3A_156 = tpu.vector_load %arg5[%parallel_loop3A_154, %parallel_loop3A_155] {strides = array<i32>} : memref<32x640xi32, #tpu.memory_space<vmem>>, vector<16xi32>,
      %parallel_loop3A_157 = arith.addi %parallel_loop3A_152, %parallel_loop3A_156 : vector<16xi32>
      %parallel_loop3A_158 = arith.constant 24 : i32
      %parallel_loop3A_159 = arith.index_cast %parallel_loop3A_158 : i32 to index
      %parallel_loop3A_160 = arith.index_cast %parallel_loop3A_38 : i32 to index
      %parallel_loop3A_161 = tpu.vector_load %arg5[%parallel_loop3A_159, %parallel_loop3A_160] {strides = array<i32>} : memref<32x640xi32, #tpu.memory_space<vmem>>, vector<16xi32>,
      %parallel_loop3A_162 = arith.addi %parallel_loop3A_157, %parallel_loop3A_161 : vector<16xi32>
      %parallel_loop3A_163 = arith.constant 25 : i32
      %parallel_loop3A_164 = arith.index_cast %parallel_loop3A_163 : i32 to index
      %parallel_loop3A_165 = arith.index_cast %parallel_loop3A_38 : i32 to index
      %parallel_loop3A_166 = tpu.vector_load %arg5[%parallel_loop3A_164, %parallel_loop3A_165] {strides = array<i32>} : memref<32x640xi32, #tpu.memory_space<vmem>>, vector<16xi32>,
      %parallel_loop3A_167 = arith.addi %parallel_loop3A_162, %parallel_loop3A_166 : vector<16xi32>
      %parallel_loop3A_168 = arith.constant 26 : i32
      %parallel_loop3A_169 = arith.index_cast %parallel_loop3A_168 : i32 to index
      %parallel_loop3A_170 = arith.index_cast %parallel_loop3A_38 : i32 to index
      %parallel_loop3A_171 = tpu.vector_load %arg5[%parallel_loop3A_169, %parallel_loop3A_170] {strides = array<i32>} : memref<32x640xi32, #tpu.memory_space<vmem>>, vector<16xi32>,
      %parallel_loop3A_172 = arith.addi %parallel_loop3A_167, %parallel_loop3A_171 : vector<16xi32>
      %parallel_loop3A_173 = arith.constant 27 : i32
      %parallel_loop3A_174 = arith.index_cast %parallel_loop3A_173 : i32 to index
      %parallel_loop3A_175 = arith.index_cast %parallel_loop3A_38 : i32 to index
      %parallel_loop3A_176 = tpu.vector_load %arg5[%parallel_loop3A_174, %parallel_loop3A_175] {strides = array<i32>} : memref<32x640xi32, #tpu.memory_space<vmem>>, vector<16xi32>,
      %parallel_loop3A_177 = arith.addi %parallel_loop3A_172, %parallel_loop3A_176 : vector<16xi32>
      %parallel_loop3A_178 = arith.constant 28 : i32
      %parallel_loop3A_179 = arith.index_cast %parallel_loop3A_178 : i32 to index
      %parallel_loop3A_180 = arith.index_cast %parallel_loop3A_38 : i32 to index
      %parallel_loop3A_181 = tpu.vector_load %arg5[%parallel_loop3A_179, %parallel_loop3A_180] {strides = array<i32>} : memref<32x640xi32, #tpu.memory_space<vmem>>, vector<16xi32>,
      %parallel_loop3A_182 = arith.addi %parallel_loop3A_177, %parallel_loop3A_181 : vector<16xi32>
      %parallel_loop3A_183 = arith.constant 29 : i32
      %parallel_loop3A_184 = arith.index_cast %parallel_loop3A_183 : i32 to index
      %parallel_loop3A_185 = arith.index_cast %parallel_loop3A_38 : i32 to index
      %parallel_loop3A_186 = tpu.vector_load %arg5[%parallel_loop3A_184, %parallel_loop3A_185] {strides = array<i32>} : memref<32x640xi32, #tpu.memory_space<vmem>>, vector<16xi32>,
      %parallel_loop3A_187 = arith.addi %parallel_loop3A_182, %parallel_loop3A_186 : vector<16xi32>
      %parallel_loop3A_188 = arith.constant 30 : i32
      %parallel_loop3A_189 = arith.index_cast %parallel_loop3A_188 : i32 to index
      %parallel_loop3A_190 = arith.index_cast %parallel_loop3A_38 : i32 to index
      %parallel_loop3A_191 = tpu.vector_load %arg5[%parallel_loop3A_189, %parallel_loop3A_190] {strides = array<i32>} : memref<32x640xi32, #tpu.memory_space<vmem>>, vector<16xi32>,
      %parallel_loop3A_192 = arith.addi %parallel_loop3A_187, %parallel_loop3A_191 : vector<16xi32>
      %parallel_loop3A_193 = arith.constant 31 : i32
      %parallel_loop3A_194 = arith.index_cast %parallel_loop3A_193 : i32 to index
      %parallel_loop3A_195 = arith.index_cast %parallel_loop3A_38 : i32 to index
      %parallel_loop3A_196 = tpu.vector_load %arg5[%parallel_loop3A_194, %parallel_loop3A_195] {strides = array<i32>} : memref<32x640xi32, #tpu.memory_space<vmem>>, vector<16xi32>,
      %parallel_loop3A_197 = arith.addi %parallel_loop3A_192, %parallel_loop3A_196 : vector<16xi32>
      %parallel_loop3A_198 = arith.constant 256 : i32
      %parallel_loop3A_199 = vector.broadcast %parallel_loop3A_198 : i32 to vector<16xi32>
      %parallel_loop3A_200 = arith.minsi %parallel_loop3A_197, %parallel_loop3A_199 : vector<16xi32>
      %parallel_loop3A_201 = arith.constant 2560 : i32
      %parallel_loop3A_202 = arith.addi %parallel_loop3A_201, %parallel_loop3A_38 : i32
      %parallel_loop3A_203 = arith.index_cast %parallel_loop3A_202 : i32 to index
      %parallel_loop3A_204 = tpu.vector_load %arg6[%parallel_loop3A_203] {strides = array<i32>} : memref<3200xi32, #tpu.memory_space<vmem>>, vector<16xi32>,
      tpu.vector_store %arg6[%parallel_loop3A_203], %parallel_loop3A_200 {strides = array<i32>} : memref<3200xi32, #tpu.memory_space<vmem>>, vector<16xi32>,
    } {sc.loop_unroll_factor = 2 : i64, sc.parallel_access}
    %barrier3A = arith.constant 0 : index
    tpu.barrier barrier_id(%barrier3A)
    %lt3A = arith.constant 31 : i32
    %lt3A_29 = arith.cmpi slt, %add3A, %lt3A : i32
    %convert_element_type3A_30 = arith.extui %lt3A_29 : i1 to i32
    %cond3A_31 = arith.constant 0 : i32
    %cond3A_32 = arith.cmpi ne, %convert_element_type3A_30, %cond3A_31 : i32
    scf.if %cond3A_32 {
      %dma_start3A = arith.constant 0 : i32
      %dma_start3A_38 = arith.constant 0 : i32
      %dma_start3A_39 = tpu.memref_slice %arg7[%dma_start3A, %dma_start3A_38] : memref<128x64xf32, #tpu.memory_space<vmem>> -> memref<128x64xf32, #tpu.memory_space<vmem>>
      %dma_start3A_40 = arith.constant 0 : i32
      %dma_start3A_41 = tpu.memref_slice %arg6[%dma_start3A_40] : memref<3200xi32, #tpu.memory_space<vmem>> -> memref<128xi32, #tpu.memory_space<vmem>>
      %dma_start3A_42 = arith.constant 0 : i32
      %dma_start3A_43 = arith.constant 0 : i32
      %dma_start3A_44 = tpu.memref_slice %arg9[%dma_start3A_42, %dma_start3A_43] : memref<257x64xf32, #tpu.memory_space<vmem_shared>> -> memref<257x64xf32, #tpu.memory_space<vmem_shared>>
      tpu.enqueue_indirect_dma source(%dma_start3A_44 : memref<257x64xf32, #tpu.memory_space<vmem_shared>>) target(%dma_start3A_39 : memref<128x64xf32, #tpu.memory_space<vmem>>) offsets(%dma_start3A_41 : memref<128xi32, #tpu.memory_space<vmem>>) semaphore(%arg10 : memref<!tpu.dma_semaphore, #tpu.memory_space<semaphore_mem>>)
      %dma_start3A_45 = arith.constant 0 : i32
      %dma_start3A_46 = arith.constant 0 : i32
      %dma_start3A_47 = tpu.memref_slice %arg8[%dma_start3A_45, %dma_start3A_46] : memref<128x64xf32, #tpu.memory_space<vmem>> -> memref<128x64xf32, #tpu.memory_space<vmem>>
      %dma_start3A_48 = arith.constant 128 : i32
      %dma_start3A_49 = tpu.memref_slice %arg6[%dma_start3A_48] : memref<3200xi32, #tpu.memory_space<vmem>> -> memref<128xi32, #tpu.memory_space<vmem>>
      %dma_start3A_50 = arith.constant 0 : i32
      %dma_start3A_51 = arith.constant 0 : i32
      %dma_start3A_52 = tpu.memref_slice %arg9[%dma_start3A_50, %dma_start3A_51] : memref<257x64xf32, #tpu.memory_space<vmem_shared>> -> memref<257x64xf32, #tpu.memory_space<vmem_shared>>
      tpu.enqueue_indirect_dma source(%dma_start3A_52 : memref<257x64xf32, #tpu.memory_space<vmem_shared>>) target(%dma_start3A_47 : memref<128x64xf32, #tpu.memory_space<vmem>>) offsets(%dma_start3A_49 : memref<128xi32, #tpu.memory_space<vmem>>) semaphore(%arg11 : memref<!tpu.dma_semaphore, #tpu.memory_space<semaphore_mem>>)
      %dma_wait3A = arith.constant 0 : i32
      %dma_wait3A_53 = arith.constant 0 : i32
      %dma_wait3A_54 = tpu.memref_slice %arg7[%dma_wait3A, %dma_wait3A_53] : memref<128x64xf32, #tpu.memory_space<vmem>> -> memref<128x64xf32, #tpu.memory_space<vmem>>
      %dma_wait3A_55 = arith.constant 0 : i32
      %dma_wait3A_56 = tpu.memref_slice %arg6[%dma_wait3A_55] : memref<3200xi32, #tpu.memory_space<vmem>> -> memref<128xi32, #tpu.memory_space<vmem>>
      %dma_wait3A_57 = arith.constant 0 : i32
      %dma_wait3A_58 = arith.constant 0 : i32
      %dma_wait3A_59 = tpu.memref_slice %arg9[%dma_wait3A_57, %dma_wait3A_58] : memref<257x64xf32, #tpu.memory_space<vmem_shared>> -> memref<257x64xf32, #tpu.memory_space<vmem_shared>>
      tpu.wait_indirect_dma semaphore(%arg10 : memref<!tpu.dma_semaphore, #tpu.memory_space<semaphore_mem>>) src(%dma_wait3A_59 : memref<257x64xf32, #tpu.memory_space<vmem_shared>>) dst(%dma_wait3A_54 : memref<128x64xf32, #tpu.memory_space<vmem>>)
      %add3A_60 = arith.constant 0 : i32
      %add3A_61 = arith.addi %mul3A_2, %add3A_60 : i32
      "tpu.region"() ({
        %run_scoped3A = tpu.sem_alloc : memref<!tpu.dma_semaphore, #tpu.memory_space<semaphore_mem>>
        %dma_start3A_486 = arith.constant 0 : i32
        %dma_start3A_487 = arith.constant 0 : i32
        %dma_start3A_488 = tpu.memref_slice %arg7[%dma_start3A_486, %dma_start3A_487] : memref<128x64xf32, #tpu.memory_space<vmem>> -> memref<128x64xf32, #tpu.memory_space<vmem>>
        %dma_start3A_489 = arith.constant 0 : i32
        %dma_start3A_490 = tpu.memref_slice %arg4[%add3A_61, %dma_start3A_489] : memref<100000x64xf32, #tpu.memory_space<hbm>> -> memref<128x64xf32, #tpu.memory_space<hbm>>
        %dma_start3A_491 = arith.constant 0 : i32
        %dma_start3A_492 = tpu.memref_slice %arg4[%add3A_61, %dma_start3A_491] : memref<100000x64xf32, #tpu.memory_space<hbm>> -> memref<128x64xf32, #tpu.memory_space<hbm>>
        %dma_start3A_493 = arith.constant 0 : i32
        %dma_start3A_494 = arith.constant 0 : i32
        %dma_start3A_495 = tpu.memref_slice %arg7[%dma_start3A_493, %dma_start3A_494] : memref<128x64xf32, #tpu.memory_space<vmem>> -> memref<128x64xf32, #tpu.memory_space<vmem>>
        tpu.enqueue_dma source(%dma_start3A_495 : memref<128x64xf32, #tpu.memory_space<vmem>>) target(%dma_start3A_492 : memref<128x64xf32, #tpu.memory_space<hbm>>) target_semaphore(%run_scoped3A : memref<!tpu.dma_semaphore, #tpu.memory_space<semaphore_mem>>)
        %dma_wait3A_496 = arith.constant 0 : i32
        %dma_wait3A_497 = arith.constant 0 : i32
        %dma_wait3A_498 = tpu.memref_slice %arg7[%dma_wait3A_496, %dma_wait3A_497] : memref<128x64xf32, #tpu.memory_space<vmem>> -> memref<128x64xf32, #tpu.memory_space<vmem>>
        %dma_wait3A_499 = arith.constant 0 : i32
        %dma_wait3A_500 = tpu.memref_slice %arg4[%add3A_61, %dma_wait3A_499] : memref<100000x64xf32, #tpu.memory_space<hbm>> -> memref<128x64xf32, #tpu.memory_space<hbm>>
        %dma_wait3A_501 = arith.constant 0 : i32
        %dma_wait3A_502 = tpu.memref_slice %arg4[%add3A_61, %dma_wait3A_501] : memref<100000x64xf32, #tpu.memory_space<hbm>> -> memref<128x64xf32, #tpu.memory_space<hbm>>
        %dma_wait3A_503 = arith.constant 0 : i32
        %dma_wait3A_504 = arith.constant 0 : i32
        %dma_wait3A_505 = tpu.memref_slice %arg7[%dma_wait3A_503, %dma_wait3A_504] : memref<128x64xf32, #tpu.memory_space<vmem>> -> memref<128x64xf32, #tpu.memory_space<vmem>>
        tpu.wait_dma2 semaphore(%run_scoped3A : memref<!tpu.dma_semaphore, #tpu.memory_space<semaphore_mem>>) src(%dma_wait3A_505 : memref<128x64xf32, #tpu.memory_space<vmem>>) dst(%dma_wait3A_502 : memref<128x64xf32, #tpu.memory_space<hbm>>)
        tpu.yield
      }) : () -> ()
      %dma_start3A_62 = arith.constant 0 : i32
      %dma_start3A_63 = arith.constant 0 : i32
      %dma_start3A_64 = tpu.memref_slice %arg7[%dma_start3A_62, %dma_start3A_63] : memref<128x64xf32, #tpu.memory_space<vmem>> -> memref<128x64xf32, #tpu.memory_space<vmem>>
      %dma_start3A_65 = arith.constant 256 : i32
      %dma_start3A_66 = tpu.memref_slice %arg6[%dma_start3A_65] : memref<3200xi32, #tpu.memory_space<vmem>> -> memref<128xi32, #tpu.memory_space<vmem>>
      %dma_start3A_67 = arith.constant 0 : i32
      %dma_start3A_68 = arith.constant 0 : i32
      %dma_start3A_69 = tpu.memref_slice %arg9[%dma_start3A_67, %dma_start3A_68] : memref<257x64xf32, #tpu.memory_space<vmem_shared>> -> memref<257x64xf32, #tpu.memory_space<vmem_shared>>
      tpu.enqueue_indirect_dma source(%dma_start3A_69 : memref<257x64xf32, #tpu.memory_space<vmem_shared>>) target(%dma_start3A_64 : memref<128x64xf32, #tpu.memory_space<vmem>>) offsets(%dma_start3A_66 : memref<128xi32, #tpu.memory_space<vmem>>) semaphore(%arg10 : memref<!tpu.dma_semaphore, #tpu.memory_space<semaphore_mem>>)
      %dma_wait3A_70 = arith.constant 0 : i32
      %dma_wait3A_71 = arith.constant 0 : i32
      %dma_wait3A_72 = tpu.memref_slice %arg8[%dma_wait3A_70, %dma_wait3A_71] : memref<128x64xf32, #tpu.memory_space<vmem>> -> memref<128x64xf32, #tpu.memory_space<vmem>>
      %dma_wait3A_73 = arith.constant 128 : i32
      %dma_wait3A_74 = tpu.memref_slice %arg6[%dma_wait3A_73] : memref<3200xi32, #tpu.memory_space<vmem>> -> memref<128xi32, #tpu.memory_space<vmem>>
      %dma_wait3A_75 = arith.constant 0 : i32
      %dma_wait3A_76 = arith.constant 0 : i32
      %dma_wait3A_77 = tpu.memref_slice %arg9[%dma_wait3A_75, %dma_wait3A_76] : memref<257x64xf32, #tpu.memory_space<vmem_shared>> -> memref<257x64xf32, #tpu.memory_space<vmem_shared>>
      tpu.wait_indirect_dma semaphore(%arg11 : memref<!tpu.dma_semaphore, #tpu.memory_space<semaphore_mem>>) src(%dma_wait3A_77 : memref<257x64xf32, #tpu.memory_space<vmem_shared>>) dst(%dma_wait3A_72 : memref<128x64xf32, #tpu.memory_space<vmem>>)
      %add3A_78 = arith.constant 128 : i32
      %add3A_79 = arith.addi %mul3A_2, %add3A_78 : i32
      "tpu.region"() ({
        %run_scoped3A = tpu.sem_alloc : memref<!tpu.dma_semaphore, #tpu.memory_space<semaphore_mem>>
        %dma_start3A_486 = arith.constant 0 : i32
        %dma_start3A_487 = arith.constant 0 : i32
        %dma_start3A_488 = tpu.memref_slice %arg8[%dma_start3A_486, %dma_start3A_487] : memref<128x64xf32, #tpu.memory_space<vmem>> -> memref<128x64xf32, #tpu.memory_space<vmem>>
        %dma_start3A_489 = arith.constant 0 : i32
        %dma_start3A_490 = tpu.memref_slice %arg4[%add3A_79, %dma_start3A_489] : memref<100000x64xf32, #tpu.memory_space<hbm>> -> memref<128x64xf32, #tpu.memory_space<hbm>>
        %dma_start3A_491 = arith.constant 0 : i32
        %dma_start3A_492 = tpu.memref_slice %arg4[%add3A_79, %dma_start3A_491] : memref<100000x64xf32, #tpu.memory_space<hbm>> -> memref<128x64xf32, #tpu.memory_space<hbm>>
        %dma_start3A_493 = arith.constant 0 : i32
        %dma_start3A_494 = arith.constant 0 : i32
        %dma_start3A_495 = tpu.memref_slice %arg8[%dma_start3A_493, %dma_start3A_494] : memref<128x64xf32, #tpu.memory_space<vmem>> -> memref<128x64xf32, #tpu.memory_space<vmem>>
        tpu.enqueue_dma source(%dma_start3A_495 : memref<128x64xf32, #tpu.memory_space<vmem>>) target(%dma_start3A_492 : memref<128x64xf32, #tpu.memory_space<hbm>>) target_semaphore(%run_scoped3A : memref<!tpu.dma_semaphore, #tpu.memory_space<semaphore_mem>>)
        %dma_wait3A_496 = arith.constant 0 : i32
        %dma_wait3A_497 = arith.constant 0 : i32
        %dma_wait3A_498 = tpu.memref_slice %arg8[%dma_wait3A_496, %dma_wait3A_497] : memref<128x64xf32, #tpu.memory_space<vmem>> -> memref<128x64xf32, #tpu.memory_space<vmem>>
        %dma_wait3A_499 = arith.constant 0 : i32
        %dma_wait3A_500 = tpu.memref_slice %arg4[%add3A_79, %dma_wait3A_499] : memref<100000x64xf32, #tpu.memory_space<hbm>> -> memref<128x64xf32, #tpu.memory_space<hbm>>
        %dma_wait3A_501 = arith.constant 0 : i32
        %dma_wait3A_502 = tpu.memref_slice %arg4[%add3A_79, %dma_wait3A_501] : memref<100000x64xf32, #tpu.memory_space<hbm>> -> memref<128x64xf32, #tpu.memory_space<hbm>>
        %dma_wait3A_503 = arith.constant 0 : i32
        %dma_wait3A_504 = arith.constant 0 : i32
        %dma_wait3A_505 = tpu.memref_slice %arg8[%dma_wait3A_503, %dma_wait3A_504] : memref<128x64xf32, #tpu.memory_space<vmem>> -> memref<128x64xf32, #tpu.memory_space<vmem>>
        tpu.wait_dma2 semaphore(%run_scoped3A : memref<!tpu.dma_semaphore, #tpu.memory_space<semaphore_mem>>) src(%dma_wait3A_505 : memref<128x64xf32, #tpu.memory_space<vmem>>) dst(%dma_wait3A_502 : memref<128x64xf32, #tpu.memory_space<hbm>>)
        tpu.yield
      }) : () -> ()
      %dma_start3A_80 = arith.constant 0 : i32
      %dma_start3A_81 = arith.constant 0 : i32
      %dma_start3A_82 = tpu.memref_slice %arg8[%dma_start3A_80, %dma_start3A_81] : memref<128x64xf32, #tpu.memory_space<vmem>> -> memref<128x64xf32, #tpu.memory_space<vmem>>
      %dma_start3A_83 = arith.constant 384 : i32
      %dma_start3A_84 = tpu.memref_slice %arg6[%dma_start3A_83] : memref<3200xi32, #tpu.memory_space<vmem>> -> memref<128xi32, #tpu.memory_space<vmem>>
      %dma_start3A_85 = arith.constant 0 : i32
      %dma_start3A_86 = arith.constant 0 : i32
      %dma_start3A_87 = tpu.memref_slice %arg9[%dma_start3A_85, %dma_start3A_86] : memref<257x64xf32, #tpu.memory_space<vmem_shared>> -> memref<257x64xf32, #tpu.memory_space<vmem_shared>>
      tpu.enqueue_indirect_dma source(%dma_start3A_87 : memref<257x64xf32, #tpu.memory_space<vmem_shared>>) target(%dma_start3A_82 : memref<128x64xf32, #tpu.memory_space<vmem>>) offsets(%dma_start3A_84 : memref<128xi32, #tpu.memory_space<vmem>>) semaphore(%arg11 : memref<!tpu.dma_semaphore, #tpu.memory_space<semaphore_mem>>)
      %dma_wait3A_88 = arith.constant 0 : i32
      %dma_wait3A_89 = arith.constant 0 : i32
      %dma_wait3A_90 = tpu.memref_slice %arg7[%dma_wait3A_88, %dma_wait3A_89] : memref<128x64xf32, #tpu.memory_space<vmem>> -> memref<128x64xf32, #tpu.memory_space<vmem>>
      %dma_wait3A_91 = arith.constant 256 : i32
      %dma_wait3A_92 = tpu.memref_slice %arg6[%dma_wait3A_91] : memref<3200xi32, #tpu.memory_space<vmem>> -> memref<128xi32, #tpu.memory_space<vmem>>
      %dma_wait3A_93 = arith.constant 0 : i32
      %dma_wait3A_94 = arith.constant 0 : i32
      %dma_wait3A_95 = tpu.memref_slice %arg9[%dma_wait3A_93, %dma_wait3A_94] : memref<257x64xf32, #tpu.memory_space<vmem_shared>> -> memref<257x64xf32, #tpu.memory_space<vmem_shared>>
      tpu.wait_indirect_dma semaphore(%arg10 : memref<!tpu.dma_semaphore, #tpu.memory_space<semaphore_mem>>) src(%dma_wait3A_95 : memref<257x64xf32, #tpu.memory_space<vmem_shared>>) dst(%dma_wait3A_90 : memref<128x64xf32, #tpu.memory_space<vmem>>)
      %add3A_96 = arith.constant 256 : i32
      %add3A_97 = arith.addi %mul3A_2, %add3A_96 : i32
      "tpu.region"() ({
        %run_scoped3A = tpu.sem_alloc : memref<!tpu.dma_semaphore, #tpu.memory_space<semaphore_mem>>
        %dma_start3A_486 = arith.constant 0 : i32
        %dma_start3A_487 = arith.constant 0 : i32
        %dma_start3A_488 = tpu.memref_slice %arg7[%dma_start3A_486, %dma_start3A_487] : memref<128x64xf32, #tpu.memory_space<vmem>> -> memref<128x64xf32, #tpu.memory_space<vmem>>
        %dma_start3A_489 = arith.constant 0 : i32
        %dma_start3A_490 = tpu.memref_slice %arg4[%add3A_97, %dma_start3A_489] : memref<100000x64xf32, #tpu.memory_space<hbm>> -> memref<128x64xf32, #tpu.memory_space<hbm>>
        %dma_start3A_491 = arith.constant 0 : i32
        %dma_start3A_492 = tpu.memref_slice %arg4[%add3A_97, %dma_start3A_491] : memref<100000x64xf32, #tpu.memory_space<hbm>> -> memref<128x64xf32, #tpu.memory_space<hbm>>
        %dma_start3A_493 = arith.constant 0 : i32
        %dma_start3A_494 = arith.constant 0 : i32
        %dma_start3A_495 = tpu.memref_slice %arg7[%dma_start3A_493, %dma_start3A_494] : memref<128x64xf32, #tpu.memory_space<vmem>> -> memref<128x64xf32, #tpu.memory_space<vmem>>
        tpu.enqueue_dma source(%dma_start3A_495 : memref<128x64xf32, #tpu.memory_space<vmem>>) target(%dma_start3A_492 : memref<128x64xf32, #tpu.memory_space<hbm>>) target_semaphore(%run_scoped3A : memref<!tpu.dma_semaphore, #tpu.memory_space<semaphore_mem>>)
        %dma_wait3A_496 = arith.constant 0 : i32
        %dma_wait3A_497 = arith.constant 0 : i32
        %dma_wait3A_498 = tpu.memref_slice %arg7[%dma_wait3A_496, %dma_wait3A_497] : memref<128x64xf32, #tpu.memory_space<vmem>> -> memref<128x64xf32, #tpu.memory_space<vmem>>
        %dma_wait3A_499 = arith.constant 0 : i32
        %dma_wait3A_500 = tpu.memref_slice %arg4[%add3A_97, %dma_wait3A_499] : memref<100000x64xf32, #tpu.memory_space<hbm>> -> memref<128x64xf32, #tpu.memory_space<hbm>>
        %dma_wait3A_501 = arith.constant 0 : i32
        %dma_wait3A_502 = tpu.memref_slice %arg4[%add3A_97, %dma_wait3A_501] : memref<100000x64xf32, #tpu.memory_space<hbm>> -> memref<128x64xf32, #tpu.memory_space<hbm>>
        %dma_wait3A_503 = arith.constant 0 : i32
        %dma_wait3A_504 = arith.constant 0 : i32
        %dma_wait3A_505 = tpu.memref_slice %arg7[%dma_wait3A_503, %dma_wait3A_504] : memref<128x64xf32, #tpu.memory_space<vmem>> -> memref<128x64xf32, #tpu.memory_space<vmem>>
        tpu.wait_dma2 semaphore(%run_scoped3A : memref<!tpu.dma_semaphore, #tpu.memory_space<semaphore_mem>>) src(%dma_wait3A_505 : memref<128x64xf32, #tpu.memory_space<vmem>>) dst(%dma_wait3A_502 : memref<128x64xf32, #tpu.memory_space<hbm>>)
        tpu.yield
      }) : () -> ()
      %dma_start3A_98 = arith.constant 0 : i32
      %dma_start3A_99 = arith.constant 0 : i32
      %dma_start3A_100 = tpu.memref_slice %arg7[%dma_start3A_98, %dma_start3A_99] : memref<128x64xf32, #tpu.memory_space<vmem>> -> memref<128x64xf32, #tpu.memory_space<vmem>>
      %dma_start3A_101 = arith.constant 512 : i32
      %dma_start3A_102 = tpu.memref_slice %arg6[%dma_start3A_101] : memref<3200xi32, #tpu.memory_space<vmem>> -> memref<128xi32, #tpu.memory_space<vmem>>
      %dma_start3A_103 = arith.constant 0 : i32
      %dma_start3A_104 = arith.constant 0 : i32
      %dma_start3A_105 = tpu.memref_slice %arg9[%dma_start3A_103, %dma_start3A_104] : memref<257x64xf32, #tpu.memory_space<vmem_shared>> -> memref<257x64xf32, #tpu.memory_space<vmem_shared>>
      tpu.enqueue_indirect_dma source(%dma_start3A_105 : memref<257x64xf32, #tpu.memory_space<vmem_shared>>) target(%dma_start3A_100 : memref<128x64xf32, #tpu.memory_space<vmem>>) offsets(%dma_start3A_102 : memref<128xi32, #tpu.memory_space<vmem>>) semaphore(%arg10 : memref<!tpu.dma_semaphore, #tpu.memory_space<semaphore_mem>>)
      %dma_wait3A_106 = arith.constant 0 : i32
      %dma_wait3A_107 = arith.constant 0 : i32
      %dma_wait3A_108 = tpu.memref_slice %arg8[%dma_wait3A_106, %dma_wait3A_107] : memref<128x64xf32, #tpu.memory_space<vmem>> -> memref<128x64xf32, #tpu.memory_space<vmem>>
      %dma_wait3A_109 = arith.constant 384 : i32
      %dma_wait3A_110 = tpu.memref_slice %arg6[%dma_wait3A_109] : memref<3200xi32, #tpu.memory_space<vmem>> -> memref<128xi32, #tpu.memory_space<vmem>>
      %dma_wait3A_111 = arith.constant 0 : i32
      %dma_wait3A_112 = arith.constant 0 : i32
      %dma_wait3A_113 = tpu.memref_slice %arg9[%dma_wait3A_111, %dma_wait3A_112] : memref<257x64xf32, #tpu.memory_space<vmem_shared>> -> memref<257x64xf32, #tpu.memory_space<vmem_shared>>
      tpu.wait_indirect_dma semaphore(%arg11 : memref<!tpu.dma_semaphore, #tpu.memory_space<semaphore_mem>>) src(%dma_wait3A_113 : memref<257x64xf32, #tpu.memory_space<vmem_shared>>) dst(%dma_wait3A_108 : memref<128x64xf32, #tpu.memory_space<vmem>>)
      %add3A_114 = arith.constant 384 : i32
      %add3A_115 = arith.addi %mul3A_2, %add3A_114 : i32
      "tpu.region"() ({
        %run_scoped3A = tpu.sem_alloc : memref<!tpu.dma_semaphore, #tpu.memory_space<semaphore_mem>>
        %dma_start3A_486 = arith.constant 0 : i32
        %dma_start3A_487 = arith.constant 0 : i32
        %dma_start3A_488 = tpu.memref_slice %arg8[%dma_start3A_486, %dma_start3A_487] : memref<128x64xf32, #tpu.memory_space<vmem>> -> memref<128x64xf32, #tpu.memory_space<vmem>>
        %dma_start3A_489 = arith.constant 0 : i32
        %dma_start3A_490 = tpu.memref_slice %arg4[%add3A_115, %dma_start3A_489] : memref<100000x64xf32, #tpu.memory_space<hbm>> -> memref<128x64xf32, #tpu.memory_space<hbm>>
        %dma_start3A_491 = arith.constant 0 : i32
        %dma_start3A_492 = tpu.memref_slice %arg4[%add3A_115, %dma_start3A_491] : memref<100000x64xf32, #tpu.memory_space<hbm>> -> memref<128x64xf32, #tpu.memory_space<hbm>>
        %dma_start3A_493 = arith.constant 0 : i32
        %dma_start3A_494 = arith.constant 0 : i32
        %dma_start3A_495 = tpu.memref_slice %arg8[%dma_start3A_493, %dma_start3A_494] : memref<128x64xf32, #tpu.memory_space<vmem>> -> memref<128x64xf32, #tpu.memory_space<vmem>>
        tpu.enqueue_dma source(%dma_start3A_495 : memref<128x64xf32, #tpu.memory_space<vmem>>) target(%dma_start3A_492 : memref<128x64xf32, #tpu.memory_space<hbm>>) target_semaphore(%run_scoped3A : memref<!tpu.dma_semaphore, #tpu.memory_space<semaphore_mem>>)
        %dma_wait3A_496 = arith.constant 0 : i32
        %dma_wait3A_497 = arith.constant 0 : i32
        %dma_wait3A_498 = tpu.memref_slice %arg8[%dma_wait3A_496, %dma_wait3A_497] : memref<128x64xf32, #tpu.memory_space<vmem>> -> memref<128x64xf32, #tpu.memory_space<vmem>>
        %dma_wait3A_499 = arith.constant 0 : i32
        %dma_wait3A_500 = tpu.memref_slice %arg4[%add3A_115, %dma_wait3A_499] : memref<100000x64xf32, #tpu.memory_space<hbm>> -> memref<128x64xf32, #tpu.memory_space<hbm>>
        %dma_wait3A_501 = arith.constant 0 : i32
        %dma_wait3A_502 = tpu.memref_slice %arg4[%add3A_115, %dma_wait3A_501] : memref<100000x64xf32, #tpu.memory_space<hbm>> -> memref<128x64xf32, #tpu.memory_space<hbm>>
        %dma_wait3A_503 = arith.constant 0 : i32
        %dma_wait3A_504 = arith.constant 0 : i32
        %dma_wait3A_505 = tpu.memref_slice %arg8[%dma_wait3A_503, %dma_wait3A_504] : memref<128x64xf32, #tpu.memory_space<vmem>> -> memref<128x64xf32, #tpu.memory_space<vmem>>
        tpu.wait_dma2 semaphore(%run_scoped3A : memref<!tpu.dma_semaphore, #tpu.memory_space<semaphore_mem>>) src(%dma_wait3A_505 : memref<128x64xf32, #tpu.memory_space<vmem>>) dst(%dma_wait3A_502 : memref<128x64xf32, #tpu.memory_space<hbm>>)
        tpu.yield
      }) : () -> ()
      %dma_start3A_116 = arith.constant 0 : i32
      %dma_start3A_117 = arith.constant 0 : i32
      %dma_start3A_118 = tpu.memref_slice %arg8[%dma_start3A_116, %dma_start3A_117] : memref<128x64xf32, #tpu.memory_space<vmem>> -> memref<128x64xf32, #tpu.memory_space<vmem>>
      %dma_start3A_119 = arith.constant 640 : i32
      %dma_start3A_120 = tpu.memref_slice %arg6[%dma_start3A_119] : memref<3200xi32, #tpu.memory_space<vmem>> -> memref<128xi32, #tpu.memory_space<vmem>>
      %dma_start3A_121 = arith.constant 0 : i32
      %dma_start3A_122 = arith.constant 0 : i32
      %dma_start3A_123 = tpu.memref_slice %arg9[%dma_start3A_121, %dma_start3A_122] : memref<257x64xf32, #tpu.memory_space<vmem_shared>> -> memref<257x64xf32, #tpu.memory_space<vmem_shared>>
      tpu.enqueue_indirect_dma source(%dma_start3A_123 : memref<257x64xf32, #tpu.memory_space<vmem_shared>>) target(%dma_start3A_118 : memref<128x64xf32, #tpu.memory_space<vmem>>) offsets(%dma_start3A_120 : memref<128xi32, #tpu.memory_space<vmem>>) semaphore(%arg11 : memref<!tpu.dma_semaphore, #tpu.memory_space<semaphore_mem>>)
      %dma_wait3A_124 = arith.constant 0 : i32
      %dma_wait3A_125 = arith.constant 0 : i32
      %dma_wait3A_126 = tpu.memref_slice %arg7[%dma_wait3A_124, %dma_wait3A_125] : memref<128x64xf32, #tpu.memory_space<vmem>> -> memref<128x64xf32, #tpu.memory_space<vmem>>
      %dma_wait3A_127 = arith.constant 512 : i32
      %dma_wait3A_128 = tpu.memref_slice %arg6[%dma_wait3A_127] : memref<3200xi32, #tpu.memory_space<vmem>> -> memref<128xi32, #tpu.memory_space<vmem>>
      %dma_wait3A_129 = arith.constant 0 : i32
      %dma_wait3A_130 = arith.constant 0 : i32
      %dma_wait3A_131 = tpu.memref_slice %arg9[%dma_wait3A_129, %dma_wait3A_130] : memref<257x64xf32, #tpu.memory_space<vmem_shared>> -> memref<257x64xf32, #tpu.memory_space<vmem_shared>>
      tpu.wait_indirect_dma semaphore(%arg10 : memref<!tpu.dma_semaphore, #tpu.memory_space<semaphore_mem>>) src(%dma_wait3A_131 : memref<257x64xf32, #tpu.memory_space<vmem_shared>>) dst(%dma_wait3A_126 : memref<128x64xf32, #tpu.memory_space<vmem>>)
      %add3A_132 = arith.constant 512 : i32
      %add3A_133 = arith.addi %mul3A_2, %add3A_132 : i32
      "tpu.region"() ({
        %run_scoped3A = tpu.sem_alloc : memref<!tpu.dma_semaphore, #tpu.memory_space<semaphore_mem>>
        %dma_start3A_486 = arith.constant 0 : i32
        %dma_start3A_487 = arith.constant 0 : i32
        %dma_start3A_488 = tpu.memref_slice %arg7[%dma_start3A_486, %dma_start3A_487] : memref<128x64xf32, #tpu.memory_space<vmem>> -> memref<128x64xf32, #tpu.memory_space<vmem>>
        %dma_start3A_489 = arith.constant 0 : i32
        %dma_start3A_490 = tpu.memref_slice %arg4[%add3A_133, %dma_start3A_489] : memref<100000x64xf32, #tpu.memory_space<hbm>> -> memref<128x64xf32, #tpu.memory_space<hbm>>
        %dma_start3A_491 = arith.constant 0 : i32
        %dma_start3A_492 = tpu.memref_slice %arg4[%add3A_133, %dma_start3A_491] : memref<100000x64xf32, #tpu.memory_space<hbm>> -> memref<128x64xf32, #tpu.memory_space<hbm>>
        %dma_start3A_493 = arith.constant 0 : i32
        %dma_start3A_494 = arith.constant 0 : i32
        %dma_start3A_495 = tpu.memref_slice %arg7[%dma_start3A_493, %dma_start3A_494] : memref<128x64xf32, #tpu.memory_space<vmem>> -> memref<128x64xf32, #tpu.memory_space<vmem>>
        tpu.enqueue_dma source(%dma_start3A_495 : memref<128x64xf32, #tpu.memory_space<vmem>>) target(%dma_start3A_492 : memref<128x64xf32, #tpu.memory_space<hbm>>) target_semaphore(%run_scoped3A : memref<!tpu.dma_semaphore, #tpu.memory_space<semaphore_mem>>)
        %dma_wait3A_496 = arith.constant 0 : i32
        %dma_wait3A_497 = arith.constant 0 : i32
        %dma_wait3A_498 = tpu.memref_slice %arg7[%dma_wait3A_496, %dma_wait3A_497] : memref<128x64xf32, #tpu.memory_space<vmem>> -> memref<128x64xf32, #tpu.memory_space<vmem>>
        %dma_wait3A_499 = arith.constant 0 : i32
        %dma_wait3A_500 = tpu.memref_slice %arg4[%add3A_133, %dma_wait3A_499] : memref<100000x64xf32, #tpu.memory_space<hbm>> -> memref<128x64xf32, #tpu.memory_space<hbm>>
        %dma_wait3A_501 = arith.constant 0 : i32
        %dma_wait3A_502 = tpu.memref_slice %arg4[%add3A_133, %dma_wait3A_501] : memref<100000x64xf32, #tpu.memory_space<hbm>> -> memref<128x64xf32, #tpu.memory_space<hbm>>
        %dma_wait3A_503 = arith.constant 0 : i32
        %dma_wait3A_504 = arith.constant 0 : i32
        %dma_wait3A_505 = tpu.memref_slice %arg7[%dma_wait3A_503, %dma_wait3A_504] : memref<128x64xf32, #tpu.memory_space<vmem>> -> memref<128x64xf32, #tpu.memory_space<vmem>>
        tpu.wait_dma2 semaphore(%run_scoped3A : memref<!tpu.dma_semaphore, #tpu.memory_space<semaphore_mem>>) src(%dma_wait3A_505 : memref<128x64xf32, #tpu.memory_space<vmem>>) dst(%dma_wait3A_502 : memref<128x64xf32, #tpu.memory_space<hbm>>)
        tpu.yield
      }) : () -> ()
      %dma_start3A_134 = arith.constant 0 : i32
      %dma_start3A_135 = arith.constant 0 : i32
      %dma_start3A_136 = tpu.memref_slice %arg7[%dma_start3A_134, %dma_start3A_135] : memref<128x64xf32, #tpu.memory_space<vmem>> -> memref<128x64xf32, #tpu.memory_space<vmem>>
      %dma_start3A_137 = arith.constant 768 : i32
      %dma_start3A_138 = tpu.memref_slice %arg6[%dma_start3A_137] : memref<3200xi32, #tpu.memory_space<vmem>> -> memref<128xi32, #tpu.memory_space<vmem>>
      %dma_start3A_139 = arith.constant 0 : i32
      %dma_start3A_140 = arith.constant 0 : i32
      %dma_start3A_141 = tpu.memref_slice %arg9[%dma_start3A_139, %dma_start3A_140] : memref<257x64xf32, #tpu.memory_space<vmem_shared>> -> memref<257x64xf32, #tpu.memory_space<vmem_shared>>
      tpu.enqueue_indirect_dma source(%dma_start3A_141 : memref<257x64xf32, #tpu.memory_space<vmem_shared>>) target(%dma_start3A_136 : memref<128x64xf32, #tpu.memory_space<vmem>>) offsets(%dma_start3A_138 : memref<128xi32, #tpu.memory_space<vmem>>) semaphore(%arg10 : memref<!tpu.dma_semaphore, #tpu.memory_space<semaphore_mem>>)
      %dma_wait3A_142 = arith.constant 0 : i32
      %dma_wait3A_143 = arith.constant 0 : i32
      %dma_wait3A_144 = tpu.memref_slice %arg8[%dma_wait3A_142, %dma_wait3A_143] : memref<128x64xf32, #tpu.memory_space<vmem>> -> memref<128x64xf32, #tpu.memory_space<vmem>>
      %dma_wait3A_145 = arith.constant 640 : i32
      %dma_wait3A_146 = tpu.memref_slice %arg6[%dma_wait3A_145] : memref<3200xi32, #tpu.memory_space<vmem>> -> memref<128xi32, #tpu.memory_space<vmem>>
      %dma_wait3A_147 = arith.constant 0 : i32
      %dma_wait3A_148 = arith.constant 0 : i32
      %dma_wait3A_149 = tpu.memref_slice %arg9[%dma_wait3A_147, %dma_wait3A_148] : memref<257x64xf32, #tpu.memory_space<vmem_shared>> -> memref<257x64xf32, #tpu.memory_space<vmem_shared>>
      tpu.wait_indirect_dma semaphore(%arg11 : memref<!tpu.dma_semaphore, #tpu.memory_space<semaphore_mem>>) src(%dma_wait3A_149 : memref<257x64xf32, #tpu.memory_space<vmem_shared>>) dst(%dma_wait3A_144 : memref<128x64xf32, #tpu.memory_space<vmem>>)
      %add3A_150 = arith.constant 640 : i32
      %add3A_151 = arith.addi %mul3A_2, %add3A_150 : i32
      "tpu.region"() ({
        %run_scoped3A = tpu.sem_alloc : memref<!tpu.dma_semaphore, #tpu.memory_space<semaphore_mem>>
        %dma_start3A_486 = arith.constant 0 : i32
        %dma_start3A_487 = arith.constant 0 : i32
        %dma_start3A_488 = tpu.memref_slice %arg8[%dma_start3A_486, %dma_start3A_487] : memref<128x64xf32, #tpu.memory_space<vmem>> -> memref<128x64xf32, #tpu.memory_space<vmem>>
        %dma_start3A_489 = arith.constant 0 : i32
        %dma_start3A_490 = tpu.memref_slice %arg4[%add3A_151, %dma_start3A_489] : memref<100000x64xf32, #tpu.memory_space<hbm>> -> memref<128x64xf32, #tpu.memory_space<hbm>>
        %dma_start3A_491 = arith.constant 0 : i32
        %dma_start3A_492 = tpu.memref_slice %arg4[%add3A_151, %dma_start3A_491] : memref<100000x64xf32, #tpu.memory_space<hbm>> -> memref<128x64xf32, #tpu.memory_space<hbm>>
        %dma_start3A_493 = arith.constant 0 : i32
        %dma_start3A_494 = arith.constant 0 : i32
        %dma_start3A_495 = tpu.memref_slice %arg8[%dma_start3A_493, %dma_start3A_494] : memref<128x64xf32, #tpu.memory_space<vmem>> -> memref<128x64xf32, #tpu.memory_space<vmem>>
        tpu.enqueue_dma source(%dma_start3A_495 : memref<128x64xf32, #tpu.memory_space<vmem>>) target(%dma_start3A_492 : memref<128x64xf32, #tpu.memory_space<hbm>>) target_semaphore(%run_scoped3A : memref<!tpu.dma_semaphore, #tpu.memory_space<semaphore_mem>>)
        %dma_wait3A_496 = arith.constant 0 : i32
        %dma_wait3A_497 = arith.constant 0 : i32
        %dma_wait3A_498 = tpu.memref_slice %arg8[%dma_wait3A_496, %dma_wait3A_497] : memref<128x64xf32, #tpu.memory_space<vmem>> -> memref<128x64xf32, #tpu.memory_space<vmem>>
        %dma_wait3A_499 = arith.constant 0 : i32
        %dma_wait3A_500 = tpu.memref_slice %arg4[%add3A_151, %dma_wait3A_499] : memref<100000x64xf32, #tpu.memory_space<hbm>> -> memref<128x64xf32, #tpu.memory_space<hbm>>
        %dma_wait3A_501 = arith.constant 0 : i32
        %dma_wait3A_502 = tpu.memref_slice %arg4[%add3A_151, %dma_wait3A_501] : memref<100000x64xf32, #tpu.memory_space<hbm>> -> memref<128x64xf32, #tpu.memory_space<hbm>>
        %dma_wait3A_503 = arith.constant 0 : i32
        %dma_wait3A_504 = arith.constant 0 : i32
        %dma_wait3A_505 = tpu.memref_slice %arg8[%dma_wait3A_503, %dma_wait3A_504] : memref<128x64xf32, #tpu.memory_space<vmem>> -> memref<128x64xf32, #tpu.memory_space<vmem>>
        tpu.wait_dma2 semaphore(%run_scoped3A : memref<!tpu.dma_semaphore, #tpu.memory_space<semaphore_mem>>) src(%dma_wait3A_505 : memref<128x64xf32, #tpu.memory_space<vmem>>) dst(%dma_wait3A_502 : memref<128x64xf32, #tpu.memory_space<hbm>>)
        tpu.yield
      }) : () -> ()
      %dma_start3A_152 = arith.constant 0 : i32
      %dma_start3A_153 = arith.constant 0 : i32
      %dma_start3A_154 = tpu.memref_slice %arg8[%dma_start3A_152, %dma_start3A_153] : memref<128x64xf32, #tpu.memory_space<vmem>> -> memref<128x64xf32, #tpu.memory_space<vmem>>
      %dma_start3A_155 = arith.constant 896 : i32
      %dma_start3A_156 = tpu.memref_slice %arg6[%dma_start3A_155] : memref<3200xi32, #tpu.memory_space<vmem>> -> memref<128xi32, #tpu.memory_space<vmem>>
      %dma_start3A_157 = arith.constant 0 : i32
      %dma_start3A_158 = arith.constant 0 : i32
      %dma_start3A_159 = tpu.memref_slice %arg9[%dma_start3A_157, %dma_start3A_158] : memref<257x64xf32, #tpu.memory_space<vmem_shared>> -> memref<257x64xf32, #tpu.memory_space<vmem_shared>>
      tpu.enqueue_indirect_dma source(%dma_start3A_159 : memref<257x64xf32, #tpu.memory_space<vmem_shared>>) target(%dma_start3A_154 : memref<128x64xf32, #tpu.memory_space<vmem>>) offsets(%dma_start3A_156 : memref<128xi32, #tpu.memory_space<vmem>>) semaphore(%arg11 : memref<!tpu.dma_semaphore, #tpu.memory_space<semaphore_mem>>)
      %dma_wait3A_160 = arith.constant 0 : i32
      %dma_wait3A_161 = arith.constant 0 : i32
      %dma_wait3A_162 = tpu.memref_slice %arg7[%dma_wait3A_160, %dma_wait3A_161] : memref<128x64xf32, #tpu.memory_space<vmem>> -> memref<128x64xf32, #tpu.memory_space<vmem>>
      %dma_wait3A_163 = arith.constant 768 : i32
      %dma_wait3A_164 = tpu.memref_slice %arg6[%dma_wait3A_163] : memref<3200xi32, #tpu.memory_space<vmem>> -> memref<128xi32, #tpu.memory_space<vmem>>
      %dma_wait3A_165 = arith.constant 0 : i32
      %dma_wait3A_166 = arith.constant 0 : i32
      %dma_wait3A_167 = tpu.memref_slice %arg9[%dma_wait3A_165, %dma_wait3A_166] : memref<257x64xf32, #tpu.memory_space<vmem_shared>> -> memref<257x64xf32, #tpu.memory_space<vmem_shared>>
      tpu.wait_indirect_dma semaphore(%arg10 : memref<!tpu.dma_semaphore, #tpu.memory_space<semaphore_mem>>) src(%dma_wait3A_167 : memref<257x64xf32, #tpu.memory_space<vmem_shared>>) dst(%dma_wait3A_162 : memref<128x64xf32, #tpu.memory_space<vmem>>)
      %add3A_168 = arith.constant 768 : i32
      %add3A_169 = arith.addi %mul3A_2, %add3A_168 : i32
      "tpu.region"() ({
        %run_scoped3A = tpu.sem_alloc : memref<!tpu.dma_semaphore, #tpu.memory_space<semaphore_mem>>
        %dma_start3A_486 = arith.constant 0 : i32
        %dma_start3A_487 = arith.constant 0 : i32
        %dma_start3A_488 = tpu.memref_slice %arg7[%dma_start3A_486, %dma_start3A_487] : memref<128x64xf32, #tpu.memory_space<vmem>> -> memref<128x64xf32, #tpu.memory_space<vmem>>
        %dma_start3A_489 = arith.constant 0 : i32
        %dma_start3A_490 = tpu.memref_slice %arg4[%add3A_169, %dma_start3A_489] : memref<100000x64xf32, #tpu.memory_space<hbm>> -> memref<128x64xf32, #tpu.memory_space<hbm>>
        %dma_start3A_491 = arith.constant 0 : i32
        %dma_start3A_492 = tpu.memref_slice %arg4[%add3A_169, %dma_start3A_491] : memref<100000x64xf32, #tpu.memory_space<hbm>> -> memref<128x64xf32, #tpu.memory_space<hbm>>
        %dma_start3A_493 = arith.constant 0 : i32
        %dma_start3A_494 = arith.constant 0 : i32
        %dma_start3A_495 = tpu.memref_slice %arg7[%dma_start3A_493, %dma_start3A_494] : memref<128x64xf32, #tpu.memory_space<vmem>> -> memref<128x64xf32, #tpu.memory_space<vmem>>
        tpu.enqueue_dma source(%dma_start3A_495 : memref<128x64xf32, #tpu.memory_space<vmem>>) target(%dma_start3A_492 : memref<128x64xf32, #tpu.memory_space<hbm>>) target_semaphore(%run_scoped3A : memref<!tpu.dma_semaphore, #tpu.memory_space<semaphore_mem>>)
        %dma_wait3A_496 = arith.constant 0 : i32
        %dma_wait3A_497 = arith.constant 0 : i32
        %dma_wait3A_498 = tpu.memref_slice %arg7[%dma_wait3A_496, %dma_wait3A_497] : memref<128x64xf32, #tpu.memory_space<vmem>> -> memref<128x64xf32, #tpu.memory_space<vmem>>
        %dma_wait3A_499 = arith.constant 0 : i32
        %dma_wait3A_500 = tpu.memref_slice %arg4[%add3A_169, %dma_wait3A_499] : memref<100000x64xf32, #tpu.memory_space<hbm>> -> memref<128x64xf32, #tpu.memory_space<hbm>>
        %dma_wait3A_501 = arith.constant 0 : i32
        %dma_wait3A_502 = tpu.memref_slice %arg4[%add3A_169, %dma_wait3A_501] : memref<100000x64xf32, #tpu.memory_space<hbm>> -> memref<128x64xf32, #tpu.memory_space<hbm>>
        %dma_wait3A_503 = arith.constant 0 : i32
        %dma_wait3A_504 = arith.constant 0 : i32
        %dma_wait3A_505 = tpu.memref_slice %arg7[%dma_wait3A_503, %dma_wait3A_504] : memref<128x64xf32, #tpu.memory_space<vmem>> -> memref<128x64xf32, #tpu.memory_space<vmem>>
        tpu.wait_dma2 semaphore(%run_scoped3A : memref<!tpu.dma_semaphore, #tpu.memory_space<semaphore_mem>>) src(%dma_wait3A_505 : memref<128x64xf32, #tpu.memory_space<vmem>>) dst(%dma_wait3A_502 : memref<128x64xf32, #tpu.memory_space<hbm>>)
        tpu.yield
      }) : () -> ()
      %dma_start3A_170 = arith.constant 0 : i32
      %dma_start3A_171 = arith.constant 0 : i32
      %dma_start3A_172 = tpu.memref_slice %arg7[%dma_start3A_170, %dma_start3A_171] : memref<128x64xf32, #tpu.memory_space<vmem>> -> memref<128x64xf32, #tpu.memory_space<vmem>>
      %dma_start3A_173 = arith.constant 1024 : i32
      %dma_start3A_174 = tpu.memref_slice %arg6[%dma_start3A_173] : memref<3200xi32, #tpu.memory_space<vmem>> -> memref<128xi32, #tpu.memory_space<vmem>>
      %dma_start3A_175 = arith.constant 0 : i32
      %dma_start3A_176 = arith.constant 0 : i32
      %dma_start3A_177 = tpu.memref_slice %arg9[%dma_start3A_175, %dma_start3A_176] : memref<257x64xf32, #tpu.memory_space<vmem_shared>> -> memref<257x64xf32, #tpu.memory_space<vmem_shared>>
      tpu.enqueue_indirect_dma source(%dma_start3A_177 : memref<257x64xf32, #tpu.memory_space<vmem_shared>>) target(%dma_start3A_172 : memref<128x64xf32, #tpu.memory_space<vmem>>) offsets(%dma_start3A_174 : memref<128xi32, #tpu.memory_space<vmem>>) semaphore(%arg10 : memref<!tpu.dma_semaphore, #tpu.memory_space<semaphore_mem>>)
      %dma_wait3A_178 = arith.constant 0 : i32
      %dma_wait3A_179 = arith.constant 0 : i32
      %dma_wait3A_180 = tpu.memref_slice %arg8[%dma_wait3A_178, %dma_wait3A_179] : memref<128x64xf32, #tpu.memory_space<vmem>> -> memref<128x64xf32, #tpu.memory_space<vmem>>
      %dma_wait3A_181 = arith.constant 896 : i32
      %dma_wait3A_182 = tpu.memref_slice %arg6[%dma_wait3A_181] : memref<3200xi32, #tpu.memory_space<vmem>> -> memref<128xi32, #tpu.memory_space<vmem>>
      %dma_wait3A_183 = arith.constant 0 : i32
      %dma_wait3A_184 = arith.constant 0 : i32
      %dma_wait3A_185 = tpu.memref_slice %arg9[%dma_wait3A_183, %dma_wait3A_184] : memref<257x64xf32, #tpu.memory_space<vmem_shared>> -> memref<257x64xf32, #tpu.memory_space<vmem_shared>>
      tpu.wait_indirect_dma semaphore(%arg11 : memref<!tpu.dma_semaphore, #tpu.memory_space<semaphore_mem>>) src(%dma_wait3A_185 : memref<257x64xf32, #tpu.memory_space<vmem_shared>>) dst(%dma_wait3A_180 : memref<128x64xf32, #tpu.memory_space<vmem>>)
      %add3A_186 = arith.constant 896 : i32
      %add3A_187 = arith.addi %mul3A_2, %add3A_186 : i32
      "tpu.region"() ({
        %run_scoped3A = tpu.sem_alloc : memref<!tpu.dma_semaphore, #tpu.memory_space<semaphore_mem>>
        %dma_start3A_486 = arith.constant 0 : i32
        %dma_start3A_487 = arith.constant 0 : i32
        %dma_start3A_488 = tpu.memref_slice %arg8[%dma_start3A_486, %dma_start3A_487] : memref<128x64xf32, #tpu.memory_space<vmem>> -> memref<128x64xf32, #tpu.memory_space<vmem>>
        %dma_start3A_489 = arith.constant 0 : i32
        %dma_start3A_490 = tpu.memref_slice %arg4[%add3A_187, %dma_start3A_489] : memref<100000x64xf32, #tpu.memory_space<hbm>> -> memref<128x64xf32, #tpu.memory_space<hbm>>
        %dma_start3A_491 = arith.constant 0 : i32
        %dma_start3A_492 = tpu.memref_slice %arg4[%add3A_187, %dma_start3A_491] : memref<100000x64xf32, #tpu.memory_space<hbm>> -> memref<128x64xf32, #tpu.memory_space<hbm>>
        %dma_start3A_493 = arith.constant 0 : i32
        %dma_start3A_494 = arith.constant 0 : i32
        %dma_start3A_495 = tpu.memref_slice %arg8[%dma_start3A_493, %dma_start3A_494] : memref<128x64xf32, #tpu.memory_space<vmem>> -> memref<128x64xf32, #tpu.memory_space<vmem>>
        tpu.enqueue_dma source(%dma_start3A_495 : memref<128x64xf32, #tpu.memory_space<vmem>>) target(%dma_start3A_492 : memref<128x64xf32, #tpu.memory_space<hbm>>) target_semaphore(%run_scoped3A : memref<!tpu.dma_semaphore, #tpu.memory_space<semaphore_mem>>)
        %dma_wait3A_496 = arith.constant 0 : i32
        %dma_wait3A_497 = arith.constant 0 : i32
        %dma_wait3A_498 = tpu.memref_slice %arg8[%dma_wait3A_496, %dma_wait3A_497] : memref<128x64xf32, #tpu.memory_space<vmem>> -> memref<128x64xf32, #tpu.memory_space<vmem>>
        %dma_wait3A_499 = arith.constant 0 : i32
        %dma_wait3A_500 = tpu.memref_slice %arg4[%add3A_187, %dma_wait3A_499] : memref<100000x64xf32, #tpu.memory_space<hbm>> -> memref<128x64xf32, #tpu.memory_space<hbm>>
        %dma_wait3A_501 = arith.constant 0 : i32
        %dma_wait3A_502 = tpu.memref_slice %arg4[%add3A_187, %dma_wait3A_501] : memref<100000x64xf32, #tpu.memory_space<hbm>> -> memref<128x64xf32, #tpu.memory_space<hbm>>
        %dma_wait3A_503 = arith.constant 0 : i32
        %dma_wait3A_504 = arith.constant 0 : i32
        %dma_wait3A_505 = tpu.memref_slice %arg8[%dma_wait3A_503, %dma_wait3A_504] : memref<128x64xf32, #tpu.memory_space<vmem>> -> memref<128x64xf32, #tpu.memory_space<vmem>>
        tpu.wait_dma2 semaphore(%run_scoped3A : memref<!tpu.dma_semaphore, #tpu.memory_space<semaphore_mem>>) src(%dma_wait3A_505 : memref<128x64xf32, #tpu.memory_space<vmem>>) dst(%dma_wait3A_502 : memref<128x64xf32, #tpu.memory_space<hbm>>)
        tpu.yield
      }) : () -> ()
      %dma_start3A_188 = arith.constant 0 : i32
      %dma_start3A_189 = arith.constant 0 : i32
      %dma_start3A_190 = tpu.memref_slice %arg8[%dma_start3A_188, %dma_start3A_189] : memref<128x64xf32, #tpu.memory_space<vmem>> -> memref<128x64xf32, #tpu.memory_space<vmem>>
      %dma_start3A_191 = arith.constant 1152 : i32
      %dma_start3A_192 = tpu.memref_slice %arg6[%dma_start3A_191] : memref<3200xi32, #tpu.memory_space<vmem>> -> memref<128xi32, #tpu.memory_space<vmem>>
      %dma_start3A_193 = arith.constant 0 : i32
      %dma_start3A_194 = arith.constant 0 : i32
      %dma_start3A_195 = tpu.memref_slice %arg9[%dma_start3A_193, %dma_start3A_194] : memref<257x64xf32, #tpu.memory_space<vmem_shared>> -> memref<257x64xf32, #tpu.memory_space<vmem_shared>>
      tpu.enqueue_indirect_dma source(%dma_start3A_195 : memref<257x64xf32, #tpu.memory_space<vmem_shared>>) target(%dma_start3A_190 : memref<128x64xf32, #tpu.memory_space<vmem>>) offsets(%dma_start3A_192 : memref<128xi32, #tpu.memory_space<vmem>>) semaphore(%arg11 : memref<!tpu.dma_semaphore, #tpu.memory_space<semaphore_mem>>)
      %dma_wait3A_196 = arith.constant 0 : i32
      %dma_wait3A_197 = arith.constant 0 : i32
      %dma_wait3A_198 = tpu.memref_slice %arg7[%dma_wait3A_196, %dma_wait3A_197] : memref<128x64xf32, #tpu.memory_space<vmem>> -> memref<128x64xf32, #tpu.memory_space<vmem>>
      %dma_wait3A_199 = arith.constant 1024 : i32
      %dma_wait3A_200 = tpu.memref_slice %arg6[%dma_wait3A_199] : memref<3200xi32, #tpu.memory_space<vmem>> -> memref<128xi32, #tpu.memory_space<vmem>>
      %dma_wait3A_201 = arith.constant 0 : i32
      %dma_wait3A_202 = arith.constant 0 : i32
      %dma_wait3A_203 = tpu.memref_slice %arg9[%dma_wait3A_201, %dma_wait3A_202] : memref<257x64xf32, #tpu.memory_space<vmem_shared>> -> memref<257x64xf32, #tpu.memory_space<vmem_shared>>
      tpu.wait_indirect_dma semaphore(%arg10 : memref<!tpu.dma_semaphore, #tpu.memory_space<semaphore_mem>>) src(%dma_wait3A_203 : memref<257x64xf32, #tpu.memory_space<vmem_shared>>) dst(%dma_wait3A_198 : memref<128x64xf32, #tpu.memory_space<vmem>>)
      %add3A_204 = arith.constant 1024 : i32
      %add3A_205 = arith.addi %mul3A_2, %add3A_204 : i32
      "tpu.region"() ({
        %run_scoped3A = tpu.sem_alloc : memref<!tpu.dma_semaphore, #tpu.memory_space<semaphore_mem>>
        %dma_start3A_486 = arith.constant 0 : i32
        %dma_start3A_487 = arith.constant 0 : i32
        %dma_start3A_488 = tpu.memref_slice %arg7[%dma_start3A_486, %dma_start3A_487] : memref<128x64xf32, #tpu.memory_space<vmem>> -> memref<128x64xf32, #tpu.memory_space<vmem>>
        %dma_start3A_489 = arith.constant 0 : i32
        %dma_start3A_490 = tpu.memref_slice %arg4[%add3A_205, %dma_start3A_489] : memref<100000x64xf32, #tpu.memory_space<hbm>> -> memref<128x64xf32, #tpu.memory_space<hbm>>
        %dma_start3A_491 = arith.constant 0 : i32
        %dma_start3A_492 = tpu.memref_slice %arg4[%add3A_205, %dma_start3A_491] : memref<100000x64xf32, #tpu.memory_space<hbm>> -> memref<128x64xf32, #tpu.memory_space<hbm>>
        %dma_start3A_493 = arith.constant 0 : i32
        %dma_start3A_494 = arith.constant 0 : i32
        %dma_start3A_495 = tpu.memref_slice %arg7[%dma_start3A_493, %dma_start3A_494] : memref<128x64xf32, #tpu.memory_space<vmem>> -> memref<128x64xf32, #tpu.memory_space<vmem>>
        tpu.enqueue_dma source(%dma_start3A_495 : memref<128x64xf32, #tpu.memory_space<vmem>>) target(%dma_start3A_492 : memref<128x64xf32, #tpu.memory_space<hbm>>) target_semaphore(%run_scoped3A : memref<!tpu.dma_semaphore, #tpu.memory_space<semaphore_mem>>)
        %dma_wait3A_496 = arith.constant 0 : i32
        %dma_wait3A_497 = arith.constant 0 : i32
        %dma_wait3A_498 = tpu.memref_slice %arg7[%dma_wait3A_496, %dma_wait3A_497] : memref<128x64xf32, #tpu.memory_space<vmem>> -> memref<128x64xf32, #tpu.memory_space<vmem>>
        %dma_wait3A_499 = arith.constant 0 : i32
        %dma_wait3A_500 = tpu.memref_slice %arg4[%add3A_205, %dma_wait3A_499] : memref<100000x64xf32, #tpu.memory_space<hbm>> -> memref<128x64xf32, #tpu.memory_space<hbm>>
        %dma_wait3A_501 = arith.constant 0 : i32
        %dma_wait3A_502 = tpu.memref_slice %arg4[%add3A_205, %dma_wait3A_501] : memref<100000x64xf32, #tpu.memory_space<hbm>> -> memref<128x64xf32, #tpu.memory_space<hbm>>
        %dma_wait3A_503 = arith.constant 0 : i32
        %dma_wait3A_504 = arith.constant 0 : i32
        %dma_wait3A_505 = tpu.memref_slice %arg7[%dma_wait3A_503, %dma_wait3A_504] : memref<128x64xf32, #tpu.memory_space<vmem>> -> memref<128x64xf32, #tpu.memory_space<vmem>>
        tpu.wait_dma2 semaphore(%run_scoped3A : memref<!tpu.dma_semaphore, #tpu.memory_space<semaphore_mem>>) src(%dma_wait3A_505 : memref<128x64xf32, #tpu.memory_space<vmem>>) dst(%dma_wait3A_502 : memref<128x64xf32, #tpu.memory_space<hbm>>)
        tpu.yield
      }) : () -> ()
      %dma_start3A_206 = arith.constant 0 : i32
      %dma_start3A_207 = arith.constant 0 : i32
      %dma_start3A_208 = tpu.memref_slice %arg7[%dma_start3A_206, %dma_start3A_207] : memref<128x64xf32, #tpu.memory_space<vmem>> -> memref<128x64xf32, #tpu.memory_space<vmem>>
      %dma_start3A_209 = arith.constant 1280 : i32
      %dma_start3A_210 = tpu.memref_slice %arg6[%dma_start3A_209] : memref<3200xi32, #tpu.memory_space<vmem>> -> memref<128xi32, #tpu.memory_space<vmem>>
      %dma_start3A_211 = arith.constant 0 : i32
      %dma_start3A_212 = arith.constant 0 : i32
      %dma_start3A_213 = tpu.memref_slice %arg9[%dma_start3A_211, %dma_start3A_212] : memref<257x64xf32, #tpu.memory_space<vmem_shared>> -> memref<257x64xf32, #tpu.memory_space<vmem_shared>>
      tpu.enqueue_indirect_dma source(%dma_start3A_213 : memref<257x64xf32, #tpu.memory_space<vmem_shared>>) target(%dma_start3A_208 : memref<128x64xf32, #tpu.memory_space<vmem>>) offsets(%dma_start3A_210 : memref<128xi32, #tpu.memory_space<vmem>>) semaphore(%arg10 : memref<!tpu.dma_semaphore, #tpu.memory_space<semaphore_mem>>)
      %dma_wait3A_214 = arith.constant 0 : i32
      %dma_wait3A_215 = arith.constant 0 : i32
      %dma_wait3A_216 = tpu.memref_slice %arg8[%dma_wait3A_214, %dma_wait3A_215] : memref<128x64xf32, #tpu.memory_space<vmem>> -> memref<128x64xf32, #tpu.memory_space<vmem>>
      %dma_wait3A_217 = arith.constant 1152 : i32
      %dma_wait3A_218 = tpu.memref_slice %arg6[%dma_wait3A_217] : memref<3200xi32, #tpu.memory_space<vmem>> -> memref<128xi32, #tpu.memory_space<vmem>>
      %dma_wait3A_219 = arith.constant 0 : i32
      %dma_wait3A_220 = arith.constant 0 : i32
      %dma_wait3A_221 = tpu.memref_slice %arg9[%dma_wait3A_219, %dma_wait3A_220] : memref<257x64xf32, #tpu.memory_space<vmem_shared>> -> memref<257x64xf32, #tpu.memory_space<vmem_shared>>
      tpu.wait_indirect_dma semaphore(%arg11 : memref<!tpu.dma_semaphore, #tpu.memory_space<semaphore_mem>>) src(%dma_wait3A_221 : memref<257x64xf32, #tpu.memory_space<vmem_shared>>) dst(%dma_wait3A_216 : memref<128x64xf32, #tpu.memory_space<vmem>>)
      %add3A_222 = arith.constant 1152 : i32
      %add3A_223 = arith.addi %mul3A_2, %add3A_222 : i32
      "tpu.region"() ({
        %run_scoped3A = tpu.sem_alloc : memref<!tpu.dma_semaphore, #tpu.memory_space<semaphore_mem>>
        %dma_start3A_486 = arith.constant 0 : i32
        %dma_start3A_487 = arith.constant 0 : i32
        %dma_start3A_488 = tpu.memref_slice %arg8[%dma_start3A_486, %dma_start3A_487] : memref<128x64xf32, #tpu.memory_space<vmem>> -> memref<128x64xf32, #tpu.memory_space<vmem>>
        %dma_start3A_489 = arith.constant 0 : i32
        %dma_start3A_490 = tpu.memref_slice %arg4[%add3A_223, %dma_start3A_489] : memref<100000x64xf32, #tpu.memory_space<hbm>> -> memref<128x64xf32, #tpu.memory_space<hbm>>
        %dma_start3A_491 = arith.constant 0 : i32
        %dma_start3A_492 = tpu.memref_slice %arg4[%add3A_223, %dma_start3A_491] : memref<100000x64xf32, #tpu.memory_space<hbm>> -> memref<128x64xf32, #tpu.memory_space<hbm>>
        %dma_start3A_493 = arith.constant 0 : i32
        %dma_start3A_494 = arith.constant 0 : i32
        %dma_start3A_495 = tpu.memref_slice %arg8[%dma_start3A_493, %dma_start3A_494] : memref<128x64xf32, #tpu.memory_space<vmem>> -> memref<128x64xf32, #tpu.memory_space<vmem>>
        tpu.enqueue_dma source(%dma_start3A_495 : memref<128x64xf32, #tpu.memory_space<vmem>>) target(%dma_start3A_492 : memref<128x64xf32, #tpu.memory_space<hbm>>) target_semaphore(%run_scoped3A : memref<!tpu.dma_semaphore, #tpu.memory_space<semaphore_mem>>)
        %dma_wait3A_496 = arith.constant 0 : i32
        %dma_wait3A_497 = arith.constant 0 : i32
        %dma_wait3A_498 = tpu.memref_slice %arg8[%dma_wait3A_496, %dma_wait3A_497] : memref<128x64xf32, #tpu.memory_space<vmem>> -> memref<128x64xf32, #tpu.memory_space<vmem>>
        %dma_wait3A_499 = arith.constant 0 : i32
        %dma_wait3A_500 = tpu.memref_slice %arg4[%add3A_223, %dma_wait3A_499] : memref<100000x64xf32, #tpu.memory_space<hbm>> -> memref<128x64xf32, #tpu.memory_space<hbm>>
        %dma_wait3A_501 = arith.constant 0 : i32
        %dma_wait3A_502 = tpu.memref_slice %arg4[%add3A_223, %dma_wait3A_501] : memref<100000x64xf32, #tpu.memory_space<hbm>> -> memref<128x64xf32, #tpu.memory_space<hbm>>
        %dma_wait3A_503 = arith.constant 0 : i32
        %dma_wait3A_504 = arith.constant 0 : i32
        %dma_wait3A_505 = tpu.memref_slice %arg8[%dma_wait3A_503, %dma_wait3A_504] : memref<128x64xf32, #tpu.memory_space<vmem>> -> memref<128x64xf32, #tpu.memory_space<vmem>>
        tpu.wait_dma2 semaphore(%run_scoped3A : memref<!tpu.dma_semaphore, #tpu.memory_space<semaphore_mem>>) src(%dma_wait3A_505 : memref<128x64xf32, #tpu.memory_space<vmem>>) dst(%dma_wait3A_502 : memref<128x64xf32, #tpu.memory_space<hbm>>)
        tpu.yield
      }) : () -> ()
      %dma_start3A_224 = arith.constant 0 : i32
      %dma_start3A_225 = arith.constant 0 : i32
      %dma_start3A_226 = tpu.memref_slice %arg8[%dma_start3A_224, %dma_start3A_225] : memref<128x64xf32, #tpu.memory_space<vmem>> -> memref<128x64xf32, #tpu.memory_space<vmem>>
      %dma_start3A_227 = arith.constant 1408 : i32
      %dma_start3A_228 = tpu.memref_slice %arg6[%dma_start3A_227] : memref<3200xi32, #tpu.memory_space<vmem>> -> memref<128xi32, #tpu.memory_space<vmem>>
      %dma_start3A_229 = arith.constant 0 : i32
      %dma_start3A_230 = arith.constant 0 : i32
      %dma_start3A_231 = tpu.memref_slice %arg9[%dma_start3A_229, %dma_start3A_230] : memref<257x64xf32, #tpu.memory_space<vmem_shared>> -> memref<257x64xf32, #tpu.memory_space<vmem_shared>>
      tpu.enqueue_indirect_dma source(%dma_start3A_231 : memref<257x64xf32, #tpu.memory_space<vmem_shared>>) target(%dma_start3A_226 : memref<128x64xf32, #tpu.memory_space<vmem>>) offsets(%dma_start3A_228 : memref<128xi32, #tpu.memory_space<vmem>>) semaphore(%arg11 : memref<!tpu.dma_semaphore, #tpu.memory_space<semaphore_mem>>)
      %dma_wait3A_232 = arith.constant 0 : i32
      %dma_wait3A_233 = arith.constant 0 : i32
      %dma_wait3A_234 = tpu.memref_slice %arg7[%dma_wait3A_232, %dma_wait3A_233] : memref<128x64xf32, #tpu.memory_space<vmem>> -> memref<128x64xf32, #tpu.memory_space<vmem>>
      %dma_wait3A_235 = arith.constant 1280 : i32
      %dma_wait3A_236 = tpu.memref_slice %arg6[%dma_wait3A_235] : memref<3200xi32, #tpu.memory_space<vmem>> -> memref<128xi32, #tpu.memory_space<vmem>>
      %dma_wait3A_237 = arith.constant 0 : i32
      %dma_wait3A_238 = arith.constant 0 : i32
      %dma_wait3A_239 = tpu.memref_slice %arg9[%dma_wait3A_237, %dma_wait3A_238] : memref<257x64xf32, #tpu.memory_space<vmem_shared>> -> memref<257x64xf32, #tpu.memory_space<vmem_shared>>
      tpu.wait_indirect_dma semaphore(%arg10 : memref<!tpu.dma_semaphore, #tpu.memory_space<semaphore_mem>>) src(%dma_wait3A_239 : memref<257x64xf32, #tpu.memory_space<vmem_shared>>) dst(%dma_wait3A_234 : memref<128x64xf32, #tpu.memory_space<vmem>>)
      %add3A_240 = arith.constant 1280 : i32
      %add3A_241 = arith.addi %mul3A_2, %add3A_240 : i32
      "tpu.region"() ({
        %run_scoped3A = tpu.sem_alloc : memref<!tpu.dma_semaphore, #tpu.memory_space<semaphore_mem>>
        %dma_start3A_486 = arith.constant 0 : i32
        %dma_start3A_487 = arith.constant 0 : i32
        %dma_start3A_488 = tpu.memref_slice %arg7[%dma_start3A_486, %dma_start3A_487] : memref<128x64xf32, #tpu.memory_space<vmem>> -> memref<128x64xf32, #tpu.memory_space<vmem>>
        %dma_start3A_489 = arith.constant 0 : i32
        %dma_start3A_490 = tpu.memref_slice %arg4[%add3A_241, %dma_start3A_489] : memref<100000x64xf32, #tpu.memory_space<hbm>> -> memref<128x64xf32, #tpu.memory_space<hbm>>
        %dma_start3A_491 = arith.constant 0 : i32
        %dma_start3A_492 = tpu.memref_slice %arg4[%add3A_241, %dma_start3A_491] : memref<100000x64xf32, #tpu.memory_space<hbm>> -> memref<128x64xf32, #tpu.memory_space<hbm>>
        %dma_start3A_493 = arith.constant 0 : i32
        %dma_start3A_494 = arith.constant 0 : i32
        %dma_start3A_495 = tpu.memref_slice %arg7[%dma_start3A_493, %dma_start3A_494] : memref<128x64xf32, #tpu.memory_space<vmem>> -> memref<128x64xf32, #tpu.memory_space<vmem>>
        tpu.enqueue_dma source(%dma_start3A_495 : memref<128x64xf32, #tpu.memory_space<vmem>>) target(%dma_start3A_492 : memref<128x64xf32, #tpu.memory_space<hbm>>) target_semaphore(%run_scoped3A : memref<!tpu.dma_semaphore, #tpu.memory_space<semaphore_mem>>)
        %dma_wait3A_496 = arith.constant 0 : i32
        %dma_wait3A_497 = arith.constant 0 : i32
        %dma_wait3A_498 = tpu.memref_slice %arg7[%dma_wait3A_496, %dma_wait3A_497] : memref<128x64xf32, #tpu.memory_space<vmem>> -> memref<128x64xf32, #tpu.memory_space<vmem>>
        %dma_wait3A_499 = arith.constant 0 : i32
        %dma_wait3A_500 = tpu.memref_slice %arg4[%add3A_241, %dma_wait3A_499] : memref<100000x64xf32, #tpu.memory_space<hbm>> -> memref<128x64xf32, #tpu.memory_space<hbm>>
        %dma_wait3A_501 = arith.constant 0 : i32
        %dma_wait3A_502 = tpu.memref_slice %arg4[%add3A_241, %dma_wait3A_501] : memref<100000x64xf32, #tpu.memory_space<hbm>> -> memref<128x64xf32, #tpu.memory_space<hbm>>
        %dma_wait3A_503 = arith.constant 0 : i32
        %dma_wait3A_504 = arith.constant 0 : i32
        %dma_wait3A_505 = tpu.memref_slice %arg7[%dma_wait3A_503, %dma_wait3A_504] : memref<128x64xf32, #tpu.memory_space<vmem>> -> memref<128x64xf32, #tpu.memory_space<vmem>>
        tpu.wait_dma2 semaphore(%run_scoped3A : memref<!tpu.dma_semaphore, #tpu.memory_space<semaphore_mem>>) src(%dma_wait3A_505 : memref<128x64xf32, #tpu.memory_space<vmem>>) dst(%dma_wait3A_502 : memref<128x64xf32, #tpu.memory_space<hbm>>)
        tpu.yield
      }) : () -> ()
      %dma_start3A_242 = arith.constant 0 : i32
      %dma_start3A_243 = arith.constant 0 : i32
      %dma_start3A_244 = tpu.memref_slice %arg7[%dma_start3A_242, %dma_start3A_243] : memref<128x64xf32, #tpu.memory_space<vmem>> -> memref<128x64xf32, #tpu.memory_space<vmem>>
      %dma_start3A_245 = arith.constant 1536 : i32
      %dma_start3A_246 = tpu.memref_slice %arg6[%dma_start3A_245] : memref<3200xi32, #tpu.memory_space<vmem>> -> memref<128xi32, #tpu.memory_space<vmem>>
      %dma_start3A_247 = arith.constant 0 : i32
      %dma_start3A_248 = arith.constant 0 : i32
      %dma_start3A_249 = tpu.memref_slice %arg9[%dma_start3A_247, %dma_start3A_248] : memref<257x64xf32, #tpu.memory_space<vmem_shared>> -> memref<257x64xf32, #tpu.memory_space<vmem_shared>>
      tpu.enqueue_indirect_dma source(%dma_start3A_249 : memref<257x64xf32, #tpu.memory_space<vmem_shared>>) target(%dma_start3A_244 : memref<128x64xf32, #tpu.memory_space<vmem>>) offsets(%dma_start3A_246 : memref<128xi32, #tpu.memory_space<vmem>>) semaphore(%arg10 : memref<!tpu.dma_semaphore, #tpu.memory_space<semaphore_mem>>)
      %dma_wait3A_250 = arith.constant 0 : i32
      %dma_wait3A_251 = arith.constant 0 : i32
      %dma_wait3A_252 = tpu.memref_slice %arg8[%dma_wait3A_250, %dma_wait3A_251] : memref<128x64xf32, #tpu.memory_space<vmem>> -> memref<128x64xf32, #tpu.memory_space<vmem>>
      %dma_wait3A_253 = arith.constant 1408 : i32
      %dma_wait3A_254 = tpu.memref_slice %arg6[%dma_wait3A_253] : memref<3200xi32, #tpu.memory_space<vmem>> -> memref<128xi32, #tpu.memory_space<vmem>>
      %dma_wait3A_255 = arith.constant 0 : i32
      %dma_wait3A_256 = arith.constant 0 : i32
      %dma_wait3A_257 = tpu.memref_slice %arg9[%dma_wait3A_255, %dma_wait3A_256] : memref<257x64xf32, #tpu.memory_space<vmem_shared>> -> memref<257x64xf32, #tpu.memory_space<vmem_shared>>
      tpu.wait_indirect_dma semaphore(%arg11 : memref<!tpu.dma_semaphore, #tpu.memory_space<semaphore_mem>>) src(%dma_wait3A_257 : memref<257x64xf32, #tpu.memory_space<vmem_shared>>) dst(%dma_wait3A_252 : memref<128x64xf32, #tpu.memory_space<vmem>>)
      %add3A_258 = arith.constant 1408 : i32
      %add3A_259 = arith.addi %mul3A_2, %add3A_258 : i32
      "tpu.region"() ({
        %run_scoped3A = tpu.sem_alloc : memref<!tpu.dma_semaphore, #tpu.memory_space<semaphore_mem>>
        %dma_start3A_486 = arith.constant 0 : i32
        %dma_start3A_487 = arith.constant 0 : i32
        %dma_start3A_488 = tpu.memref_slice %arg8[%dma_start3A_486, %dma_start3A_487] : memref<128x64xf32, #tpu.memory_space<vmem>> -> memref<128x64xf32, #tpu.memory_space<vmem>>
        %dma_start3A_489 = arith.constant 0 : i32
        %dma_start3A_490 = tpu.memref_slice %arg4[%add3A_259, %dma_start3A_489] : memref<100000x64xf32, #tpu.memory_space<hbm>> -> memref<128x64xf32, #tpu.memory_space<hbm>>
        %dma_start3A_491 = arith.constant 0 : i32
        %dma_start3A_492 = tpu.memref_slice %arg4[%add3A_259, %dma_start3A_491] : memref<100000x64xf32, #tpu.memory_space<hbm>> -> memref<128x64xf32, #tpu.memory_space<hbm>>
        %dma_start3A_493 = arith.constant 0 : i32
        %dma_start3A_494 = arith.constant 0 : i32
        %dma_start3A_495 = tpu.memref_slice %arg8[%dma_start3A_493, %dma_start3A_494] : memref<128x64xf32, #tpu.memory_space<vmem>> -> memref<128x64xf32, #tpu.memory_space<vmem>>
        tpu.enqueue_dma source(%dma_start3A_495 : memref<128x64xf32, #tpu.memory_space<vmem>>) target(%dma_start3A_492 : memref<128x64xf32, #tpu.memory_space<hbm>>) target_semaphore(%run_scoped3A : memref<!tpu.dma_semaphore, #tpu.memory_space<semaphore_mem>>)
        %dma_wait3A_496 = arith.constant 0 : i32
        %dma_wait3A_497 = arith.constant 0 : i32
        %dma_wait3A_498 = tpu.memref_slice %arg8[%dma_wait3A_496, %dma_wait3A_497] : memref<128x64xf32, #tpu.memory_space<vmem>> -> memref<128x64xf32, #tpu.memory_space<vmem>>
        %dma_wait3A_499 = arith.constant 0 : i32
        %dma_wait3A_500 = tpu.memref_slice %arg4[%add3A_259, %dma_wait3A_499] : memref<100000x64xf32, #tpu.memory_space<hbm>> -> memref<128x64xf32, #tpu.memory_space<hbm>>
        %dma_wait3A_501 = arith.constant 0 : i32
        %dma_wait3A_502 = tpu.memref_slice %arg4[%add3A_259, %dma_wait3A_501] : memref<100000x64xf32, #tpu.memory_space<hbm>> -> memref<128x64xf32, #tpu.memory_space<hbm>>
        %dma_wait3A_503 = arith.constant 0 : i32
        %dma_wait3A_504 = arith.constant 0 : i32
        %dma_wait3A_505 = tpu.memref_slice %arg8[%dma_wait3A_503, %dma_wait3A_504] : memref<128x64xf32, #tpu.memory_space<vmem>> -> memref<128x64xf32, #tpu.memory_space<vmem>>
        tpu.wait_dma2 semaphore(%run_scoped3A : memref<!tpu.dma_semaphore, #tpu.memory_space<semaphore_mem>>) src(%dma_wait3A_505 : memref<128x64xf32, #tpu.memory_space<vmem>>) dst(%dma_wait3A_502 : memref<128x64xf32, #tpu.memory_space<hbm>>)
        tpu.yield
      }) : () -> ()
      %dma_start3A_260 = arith.constant 0 : i32
      %dma_start3A_261 = arith.constant 0 : i32
      %dma_start3A_262 = tpu.memref_slice %arg8[%dma_start3A_260, %dma_start3A_261] : memref<128x64xf32, #tpu.memory_space<vmem>> -> memref<128x64xf32, #tpu.memory_space<vmem>>
      %dma_start3A_263 = arith.constant 1664 : i32
      %dma_start3A_264 = tpu.memref_slice %arg6[%dma_start3A_263] : memref<3200xi32, #tpu.memory_space<vmem>> -> memref<128xi32, #tpu.memory_space<vmem>>
      %dma_start3A_265 = arith.constant 0 : i32
      %dma_start3A_266 = arith.constant 0 : i32
      %dma_start3A_267 = tpu.memref_slice %arg9[%dma_start3A_265, %dma_start3A_266] : memref<257x64xf32, #tpu.memory_space<vmem_shared>> -> memref<257x64xf32, #tpu.memory_space<vmem_shared>>
      tpu.enqueue_indirect_dma source(%dma_start3A_267 : memref<257x64xf32, #tpu.memory_space<vmem_shared>>) target(%dma_start3A_262 : memref<128x64xf32, #tpu.memory_space<vmem>>) offsets(%dma_start3A_264 : memref<128xi32, #tpu.memory_space<vmem>>) semaphore(%arg11 : memref<!tpu.dma_semaphore, #tpu.memory_space<semaphore_mem>>)
      %dma_wait3A_268 = arith.constant 0 : i32
      %dma_wait3A_269 = arith.constant 0 : i32
      %dma_wait3A_270 = tpu.memref_slice %arg7[%dma_wait3A_268, %dma_wait3A_269] : memref<128x64xf32, #tpu.memory_space<vmem>> -> memref<128x64xf32, #tpu.memory_space<vmem>>
      %dma_wait3A_271 = arith.constant 1536 : i32
      %dma_wait3A_272 = tpu.memref_slice %arg6[%dma_wait3A_271] : memref<3200xi32, #tpu.memory_space<vmem>> -> memref<128xi32, #tpu.memory_space<vmem>>
      %dma_wait3A_273 = arith.constant 0 : i32
      %dma_wait3A_274 = arith.constant 0 : i32
      %dma_wait3A_275 = tpu.memref_slice %arg9[%dma_wait3A_273, %dma_wait3A_274] : memref<257x64xf32, #tpu.memory_space<vmem_shared>> -> memref<257x64xf32, #tpu.memory_space<vmem_shared>>
      tpu.wait_indirect_dma semaphore(%arg10 : memref<!tpu.dma_semaphore, #tpu.memory_space<semaphore_mem>>) src(%dma_wait3A_275 : memref<257x64xf32, #tpu.memory_space<vmem_shared>>) dst(%dma_wait3A_270 : memref<128x64xf32, #tpu.memory_space<vmem>>)
      %add3A_276 = arith.constant 1536 : i32
      %add3A_277 = arith.addi %mul3A_2, %add3A_276 : i32
      "tpu.region"() ({
        %run_scoped3A = tpu.sem_alloc : memref<!tpu.dma_semaphore, #tpu.memory_space<semaphore_mem>>
        %dma_start3A_486 = arith.constant 0 : i32
        %dma_start3A_487 = arith.constant 0 : i32
        %dma_start3A_488 = tpu.memref_slice %arg7[%dma_start3A_486, %dma_start3A_487] : memref<128x64xf32, #tpu.memory_space<vmem>> -> memref<128x64xf32, #tpu.memory_space<vmem>>
        %dma_start3A_489 = arith.constant 0 : i32
        %dma_start3A_490 = tpu.memref_slice %arg4[%add3A_277, %dma_start3A_489] : memref<100000x64xf32, #tpu.memory_space<hbm>> -> memref<128x64xf32, #tpu.memory_space<hbm>>
        %dma_start3A_491 = arith.constant 0 : i32
        %dma_start3A_492 = tpu.memref_slice %arg4[%add3A_277, %dma_start3A_491] : memref<100000x64xf32, #tpu.memory_space<hbm>> -> memref<128x64xf32, #tpu.memory_space<hbm>>
        %dma_start3A_493 = arith.constant 0 : i32
        %dma_start3A_494 = arith.constant 0 : i32
        %dma_start3A_495 = tpu.memref_slice %arg7[%dma_start3A_493, %dma_start3A_494] : memref<128x64xf32, #tpu.memory_space<vmem>> -> memref<128x64xf32, #tpu.memory_space<vmem>>
        tpu.enqueue_dma source(%dma_start3A_495 : memref<128x64xf32, #tpu.memory_space<vmem>>) target(%dma_start3A_492 : memref<128x64xf32, #tpu.memory_space<hbm>>) target_semaphore(%run_scoped3A : memref<!tpu.dma_semaphore, #tpu.memory_space<semaphore_mem>>)
        %dma_wait3A_496 = arith.constant 0 : i32
        %dma_wait3A_497 = arith.constant 0 : i32
        %dma_wait3A_498 = tpu.memref_slice %arg7[%dma_wait3A_496, %dma_wait3A_497] : memref<128x64xf32, #tpu.memory_space<vmem>> -> memref<128x64xf32, #tpu.memory_space<vmem>>
        %dma_wait3A_499 = arith.constant 0 : i32
        %dma_wait3A_500 = tpu.memref_slice %arg4[%add3A_277, %dma_wait3A_499] : memref<100000x64xf32, #tpu.memory_space<hbm>> -> memref<128x64xf32, #tpu.memory_space<hbm>>
        %dma_wait3A_501 = arith.constant 0 : i32
        %dma_wait3A_502 = tpu.memref_slice %arg4[%add3A_277, %dma_wait3A_501] : memref<100000x64xf32, #tpu.memory_space<hbm>> -> memref<128x64xf32, #tpu.memory_space<hbm>>
        %dma_wait3A_503 = arith.constant 0 : i32
        %dma_wait3A_504 = arith.constant 0 : i32
        %dma_wait3A_505 = tpu.memref_slice %arg7[%dma_wait3A_503, %dma_wait3A_504] : memref<128x64xf32, #tpu.memory_space<vmem>> -> memref<128x64xf32, #tpu.memory_space<vmem>>
        tpu.wait_dma2 semaphore(%run_scoped3A : memref<!tpu.dma_semaphore, #tpu.memory_space<semaphore_mem>>) src(%dma_wait3A_505 : memref<128x64xf32, #tpu.memory_space<vmem>>) dst(%dma_wait3A_502 : memref<128x64xf32, #tpu.memory_space<hbm>>)
        tpu.yield
      }) : () -> ()
      %dma_start3A_278 = arith.constant 0 : i32
      %dma_start3A_279 = arith.constant 0 : i32
      %dma_start3A_280 = tpu.memref_slice %arg7[%dma_start3A_278, %dma_start3A_279] : memref<128x64xf32, #tpu.memory_space<vmem>> -> memref<128x64xf32, #tpu.memory_space<vmem>>
      %dma_start3A_281 = arith.constant 1792 : i32
      %dma_start3A_282 = tpu.memref_slice %arg6[%dma_start3A_281] : memref<3200xi32, #tpu.memory_space<vmem>> -> memref<128xi32, #tpu.memory_space<vmem>>
      %dma_start3A_283 = arith.constant 0 : i32
      %dma_start3A_284 = arith.constant 0 : i32
      %dma_start3A_285 = tpu.memref_slice %arg9[%dma_start3A_283, %dma_start3A_284] : memref<257x64xf32, #tpu.memory_space<vmem_shared>> -> memref<257x64xf32, #tpu.memory_space<vmem_shared>>
      tpu.enqueue_indirect_dma source(%dma_start3A_285 : memref<257x64xf32, #tpu.memory_space<vmem_shared>>) target(%dma_start3A_280 : memref<128x64xf32, #tpu.memory_space<vmem>>) offsets(%dma_start3A_282 : memref<128xi32, #tpu.memory_space<vmem>>) semaphore(%arg10 : memref<!tpu.dma_semaphore, #tpu.memory_space<semaphore_mem>>)
      %dma_wait3A_286 = arith.constant 0 : i32
      %dma_wait3A_287 = arith.constant 0 : i32
      %dma_wait3A_288 = tpu.memref_slice %arg8[%dma_wait3A_286, %dma_wait3A_287] : memref<128x64xf32, #tpu.memory_space<vmem>> -> memref<128x64xf32, #tpu.memory_space<vmem>>
      %dma_wait3A_289 = arith.constant 1664 : i32
      %dma_wait3A_290 = tpu.memref_slice %arg6[%dma_wait3A_289] : memref<3200xi32, #tpu.memory_space<vmem>> -> memref<128xi32, #tpu.memory_space<vmem>>
      %dma_wait3A_291 = arith.constant 0 : i32
      %dma_wait3A_292 = arith.constant 0 : i32
      %dma_wait3A_293 = tpu.memref_slice %arg9[%dma_wait3A_291, %dma_wait3A_292] : memref<257x64xf32, #tpu.memory_space<vmem_shared>> -> memref<257x64xf32, #tpu.memory_space<vmem_shared>>
      tpu.wait_indirect_dma semaphore(%arg11 : memref<!tpu.dma_semaphore, #tpu.memory_space<semaphore_mem>>) src(%dma_wait3A_293 : memref<257x64xf32, #tpu.memory_space<vmem_shared>>) dst(%dma_wait3A_288 : memref<128x64xf32, #tpu.memory_space<vmem>>)
      %add3A_294 = arith.constant 1664 : i32
      %add3A_295 = arith.addi %mul3A_2, %add3A_294 : i32
      "tpu.region"() ({
        %run_scoped3A = tpu.sem_alloc : memref<!tpu.dma_semaphore, #tpu.memory_space<semaphore_mem>>
        %dma_start3A_486 = arith.constant 0 : i32
        %dma_start3A_487 = arith.constant 0 : i32
        %dma_start3A_488 = tpu.memref_slice %arg8[%dma_start3A_486, %dma_start3A_487] : memref<128x64xf32, #tpu.memory_space<vmem>> -> memref<128x64xf32, #tpu.memory_space<vmem>>
        %dma_start3A_489 = arith.constant 0 : i32
        %dma_start3A_490 = tpu.memref_slice %arg4[%add3A_295, %dma_start3A_489] : memref<100000x64xf32, #tpu.memory_space<hbm>> -> memref<128x64xf32, #tpu.memory_space<hbm>>
        %dma_start3A_491 = arith.constant 0 : i32
        %dma_start3A_492 = tpu.memref_slice %arg4[%add3A_295, %dma_start3A_491] : memref<100000x64xf32, #tpu.memory_space<hbm>> -> memref<128x64xf32, #tpu.memory_space<hbm>>
        %dma_start3A_493 = arith.constant 0 : i32
        %dma_start3A_494 = arith.constant 0 : i32
        %dma_start3A_495 = tpu.memref_slice %arg8[%dma_start3A_493, %dma_start3A_494] : memref<128x64xf32, #tpu.memory_space<vmem>> -> memref<128x64xf32, #tpu.memory_space<vmem>>
        tpu.enqueue_dma source(%dma_start3A_495 : memref<128x64xf32, #tpu.memory_space<vmem>>) target(%dma_start3A_492 : memref<128x64xf32, #tpu.memory_space<hbm>>) target_semaphore(%run_scoped3A : memref<!tpu.dma_semaphore, #tpu.memory_space<semaphore_mem>>)
        %dma_wait3A_496 = arith.constant 0 : i32
        %dma_wait3A_497 = arith.constant 0 : i32
        %dma_wait3A_498 = tpu.memref_slice %arg8[%dma_wait3A_496, %dma_wait3A_497] : memref<128x64xf32, #tpu.memory_space<vmem>> -> memref<128x64xf32, #tpu.memory_space<vmem>>
        %dma_wait3A_499 = arith.constant 0 : i32
        %dma_wait3A_500 = tpu.memref_slice %arg4[%add3A_295, %dma_wait3A_499] : memref<100000x64xf32, #tpu.memory_space<hbm>> -> memref<128x64xf32, #tpu.memory_space<hbm>>
        %dma_wait3A_501 = arith.constant 0 : i32
        %dma_wait3A_502 = tpu.memref_slice %arg4[%add3A_295, %dma_wait3A_501] : memref<100000x64xf32, #tpu.memory_space<hbm>> -> memref<128x64xf32, #tpu.memory_space<hbm>>
        %dma_wait3A_503 = arith.constant 0 : i32
        %dma_wait3A_504 = arith.constant 0 : i32
        %dma_wait3A_505 = tpu.memref_slice %arg8[%dma_wait3A_503, %dma_wait3A_504] : memref<128x64xf32, #tpu.memory_space<vmem>> -> memref<128x64xf32, #tpu.memory_space<vmem>>
        tpu.wait_dma2 semaphore(%run_scoped3A : memref<!tpu.dma_semaphore, #tpu.memory_space<semaphore_mem>>) src(%dma_wait3A_505 : memref<128x64xf32, #tpu.memory_space<vmem>>) dst(%dma_wait3A_502 : memref<128x64xf32, #tpu.memory_space<hbm>>)
        tpu.yield
      }) : () -> ()
      %dma_start3A_296 = arith.constant 0 : i32
      %dma_start3A_297 = arith.constant 0 : i32
      %dma_start3A_298 = tpu.memref_slice %arg8[%dma_start3A_296, %dma_start3A_297] : memref<128x64xf32, #tpu.memory_space<vmem>> -> memref<128x64xf32, #tpu.memory_space<vmem>>
      %dma_start3A_299 = arith.constant 1920 : i32
      %dma_start3A_300 = tpu.memref_slice %arg6[%dma_start3A_299] : memref<3200xi32, #tpu.memory_space<vmem>> -> memref<128xi32, #tpu.memory_space<vmem>>
      %dma_start3A_301 = arith.constant 0 : i32
      %dma_start3A_302 = arith.constant 0 : i32
      %dma_start3A_303 = tpu.memref_slice %arg9[%dma_start3A_301, %dma_start3A_302] : memref<257x64xf32, #tpu.memory_space<vmem_shared>> -> memref<257x64xf32, #tpu.memory_space<vmem_shared>>
      tpu.enqueue_indirect_dma source(%dma_start3A_303 : memref<257x64xf32, #tpu.memory_space<vmem_shared>>) target(%dma_start3A_298 : memref<128x64xf32, #tpu.memory_space<vmem>>) offsets(%dma_start3A_300 : memref<128xi32, #tpu.memory_space<vmem>>) semaphore(%arg11 : memref<!tpu.dma_semaphore, #tpu.memory_space<semaphore_mem>>)
      %dma_wait3A_304 = arith.constant 0 : i32
      %dma_wait3A_305 = arith.constant 0 : i32
      %dma_wait3A_306 = tpu.memref_slice %arg7[%dma_wait3A_304, %dma_wait3A_305] : memref<128x64xf32, #tpu.memory_space<vmem>> -> memref<128x64xf32, #tpu.memory_space<vmem>>
      %dma_wait3A_307 = arith.constant 1792 : i32
      %dma_wait3A_308 = tpu.memref_slice %arg6[%dma_wait3A_307] : memref<3200xi32, #tpu.memory_space<vmem>> -> memref<128xi32, #tpu.memory_space<vmem>>
      %dma_wait3A_309 = arith.constant 0 : i32
      %dma_wait3A_310 = arith.constant 0 : i32
      %dma_wait3A_311 = tpu.memref_slice %arg9[%dma_wait3A_309, %dma_wait3A_310] : memref<257x64xf32, #tpu.memory_space<vmem_shared>> -> memref<257x64xf32, #tpu.memory_space<vmem_shared>>
      tpu.wait_indirect_dma semaphore(%arg10 : memref<!tpu.dma_semaphore, #tpu.memory_space<semaphore_mem>>) src(%dma_wait3A_311 : memref<257x64xf32, #tpu.memory_space<vmem_shared>>) dst(%dma_wait3A_306 : memref<128x64xf32, #tpu.memory_space<vmem>>)
      %add3A_312 = arith.constant 1792 : i32
      %add3A_313 = arith.addi %mul3A_2, %add3A_312 : i32
      "tpu.region"() ({
        %run_scoped3A = tpu.sem_alloc : memref<!tpu.dma_semaphore, #tpu.memory_space<semaphore_mem>>
        %dma_start3A_486 = arith.constant 0 : i32
        %dma_start3A_487 = arith.constant 0 : i32
        %dma_start3A_488 = tpu.memref_slice %arg7[%dma_start3A_486, %dma_start3A_487] : memref<128x64xf32, #tpu.memory_space<vmem>> -> memref<128x64xf32, #tpu.memory_space<vmem>>
        %dma_start3A_489 = arith.constant 0 : i32
        %dma_start3A_490 = tpu.memref_slice %arg4[%add3A_313, %dma_start3A_489] : memref<100000x64xf32, #tpu.memory_space<hbm>> -> memref<128x64xf32, #tpu.memory_space<hbm>>
        %dma_start3A_491 = arith.constant 0 : i32
        %dma_start3A_492 = tpu.memref_slice %arg4[%add3A_313, %dma_start3A_491] : memref<100000x64xf32, #tpu.memory_space<hbm>> -> memref<128x64xf32, #tpu.memory_space<hbm>>
        %dma_start3A_493 = arith.constant 0 : i32
        %dma_start3A_494 = arith.constant 0 : i32
        %dma_start3A_495 = tpu.memref_slice %arg7[%dma_start3A_493, %dma_start3A_494] : memref<128x64xf32, #tpu.memory_space<vmem>> -> memref<128x64xf32, #tpu.memory_space<vmem>>
        tpu.enqueue_dma source(%dma_start3A_495 : memref<128x64xf32, #tpu.memory_space<vmem>>) target(%dma_start3A_492 : memref<128x64xf32, #tpu.memory_space<hbm>>) target_semaphore(%run_scoped3A : memref<!tpu.dma_semaphore, #tpu.memory_space<semaphore_mem>>)
        %dma_wait3A_496 = arith.constant 0 : i32
        %dma_wait3A_497 = arith.constant 0 : i32
        %dma_wait3A_498 = tpu.memref_slice %arg7[%dma_wait3A_496, %dma_wait3A_497] : memref<128x64xf32, #tpu.memory_space<vmem>> -> memref<128x64xf32, #tpu.memory_space<vmem>>
        %dma_wait3A_499 = arith.constant 0 : i32
        %dma_wait3A_500 = tpu.memref_slice %arg4[%add3A_313, %dma_wait3A_499] : memref<100000x64xf32, #tpu.memory_space<hbm>> -> memref<128x64xf32, #tpu.memory_space<hbm>>
        %dma_wait3A_501 = arith.constant 0 : i32
        %dma_wait3A_502 = tpu.memref_slice %arg4[%add3A_313, %dma_wait3A_501] : memref<100000x64xf32, #tpu.memory_space<hbm>> -> memref<128x64xf32, #tpu.memory_space<hbm>>
        %dma_wait3A_503 = arith.constant 0 : i32
        %dma_wait3A_504 = arith.constant 0 : i32
        %dma_wait3A_505 = tpu.memref_slice %arg7[%dma_wait3A_503, %dma_wait3A_504] : memref<128x64xf32, #tpu.memory_space<vmem>> -> memref<128x64xf32, #tpu.memory_space<vmem>>
        tpu.wait_dma2 semaphore(%run_scoped3A : memref<!tpu.dma_semaphore, #tpu.memory_space<semaphore_mem>>) src(%dma_wait3A_505 : memref<128x64xf32, #tpu.memory_space<vmem>>) dst(%dma_wait3A_502 : memref<128x64xf32, #tpu.memory_space<hbm>>)
        tpu.yield
      }) : () -> ()
      %dma_start3A_314 = arith.constant 0 : i32
      %dma_start3A_315 = arith.constant 0 : i32
      %dma_start3A_316 = tpu.memref_slice %arg7[%dma_start3A_314, %dma_start3A_315] : memref<128x64xf32, #tpu.memory_space<vmem>> -> memref<128x64xf32, #tpu.memory_space<vmem>>
      %dma_start3A_317 = arith.constant 2048 : i32
      %dma_start3A_318 = tpu.memref_slice %arg6[%dma_start3A_317] : memref<3200xi32, #tpu.memory_space<vmem>> -> memref<128xi32, #tpu.memory_space<vmem>>
      %dma_start3A_319 = arith.constant 0 : i32
      %dma_start3A_320 = arith.constant 0 : i32
      %dma_start3A_321 = tpu.memref_slice %arg9[%dma_start3A_319, %dma_start3A_320] : memref<257x64xf32, #tpu.memory_space<vmem_shared>> -> memref<257x64xf32, #tpu.memory_space<vmem_shared>>
      tpu.enqueue_indirect_dma source(%dma_start3A_321 : memref<257x64xf32, #tpu.memory_space<vmem_shared>>) target(%dma_start3A_316 : memref<128x64xf32, #tpu.memory_space<vmem>>) offsets(%dma_start3A_318 : memref<128xi32, #tpu.memory_space<vmem>>) semaphore(%arg10 : memref<!tpu.dma_semaphore, #tpu.memory_space<semaphore_mem>>)
      %dma_wait3A_322 = arith.constant 0 : i32
      %dma_wait3A_323 = arith.constant 0 : i32
      %dma_wait3A_324 = tpu.memref_slice %arg8[%dma_wait3A_322, %dma_wait3A_323] : memref<128x64xf32, #tpu.memory_space<vmem>> -> memref<128x64xf32, #tpu.memory_space<vmem>>
      %dma_wait3A_325 = arith.constant 1920 : i32
      %dma_wait3A_326 = tpu.memref_slice %arg6[%dma_wait3A_325] : memref<3200xi32, #tpu.memory_space<vmem>> -> memref<128xi32, #tpu.memory_space<vmem>>
      %dma_wait3A_327 = arith.constant 0 : i32
      %dma_wait3A_328 = arith.constant 0 : i32
      %dma_wait3A_329 = tpu.memref_slice %arg9[%dma_wait3A_327, %dma_wait3A_328] : memref<257x64xf32, #tpu.memory_space<vmem_shared>> -> memref<257x64xf32, #tpu.memory_space<vmem_shared>>
      tpu.wait_indirect_dma semaphore(%arg11 : memref<!tpu.dma_semaphore, #tpu.memory_space<semaphore_mem>>) src(%dma_wait3A_329 : memref<257x64xf32, #tpu.memory_space<vmem_shared>>) dst(%dma_wait3A_324 : memref<128x64xf32, #tpu.memory_space<vmem>>)
      %add3A_330 = arith.constant 1920 : i32
      %add3A_331 = arith.addi %mul3A_2, %add3A_330 : i32
      "tpu.region"() ({
        %run_scoped3A = tpu.sem_alloc : memref<!tpu.dma_semaphore, #tpu.memory_space<semaphore_mem>>
        %dma_start3A_486 = arith.constant 0 : i32
        %dma_start3A_487 = arith.constant 0 : i32
        %dma_start3A_488 = tpu.memref_slice %arg8[%dma_start3A_486, %dma_start3A_487] : memref<128x64xf32, #tpu.memory_space<vmem>> -> memref<128x64xf32, #tpu.memory_space<vmem>>
        %dma_start3A_489 = arith.constant 0 : i32
        %dma_start3A_490 = tpu.memref_slice %arg4[%add3A_331, %dma_start3A_489] : memref<100000x64xf32, #tpu.memory_space<hbm>> -> memref<128x64xf32, #tpu.memory_space<hbm>>
        %dma_start3A_491 = arith.constant 0 : i32
        %dma_start3A_492 = tpu.memref_slice %arg4[%add3A_331, %dma_start3A_491] : memref<100000x64xf32, #tpu.memory_space<hbm>> -> memref<128x64xf32, #tpu.memory_space<hbm>>
        %dma_start3A_493 = arith.constant 0 : i32
        %dma_start3A_494 = arith.constant 0 : i32
        %dma_start3A_495 = tpu.memref_slice %arg8[%dma_start3A_493, %dma_start3A_494] : memref<128x64xf32, #tpu.memory_space<vmem>> -> memref<128x64xf32, #tpu.memory_space<vmem>>
        tpu.enqueue_dma source(%dma_start3A_495 : memref<128x64xf32, #tpu.memory_space<vmem>>) target(%dma_start3A_492 : memref<128x64xf32, #tpu.memory_space<hbm>>) target_semaphore(%run_scoped3A : memref<!tpu.dma_semaphore, #tpu.memory_space<semaphore_mem>>)
        %dma_wait3A_496 = arith.constant 0 : i32
        %dma_wait3A_497 = arith.constant 0 : i32
        %dma_wait3A_498 = tpu.memref_slice %arg8[%dma_wait3A_496, %dma_wait3A_497] : memref<128x64xf32, #tpu.memory_space<vmem>> -> memref<128x64xf32, #tpu.memory_space<vmem>>
        %dma_wait3A_499 = arith.constant 0 : i32
        %dma_wait3A_500 = tpu.memref_slice %arg4[%add3A_331, %dma_wait3A_499] : memref<100000x64xf32, #tpu.memory_space<hbm>> -> memref<128x64xf32, #tpu.memory_space<hbm>>
        %dma_wait3A_501 = arith.constant 0 : i32
        %dma_wait3A_502 = tpu.memref_slice %arg4[%add3A_331, %dma_wait3A_501] : memref<100000x64xf32, #tpu.memory_space<hbm>> -> memref<128x64xf32, #tpu.memory_space<hbm>>
        %dma_wait3A_503 = arith.constant 0 : i32
        %dma_wait3A_504 = arith.constant 0 : i32
        %dma_wait3A_505 = tpu.memref_slice %arg8[%dma_wait3A_503, %dma_wait3A_504] : memref<128x64xf32, #tpu.memory_space<vmem>> -> memref<128x64xf32, #tpu.memory_space<vmem>>
        tpu.wait_dma2 semaphore(%run_scoped3A : memref<!tpu.dma_semaphore, #tpu.memory_space<semaphore_mem>>) src(%dma_wait3A_505 : memref<128x64xf32, #tpu.memory_space<vmem>>) dst(%dma_wait3A_502 : memref<128x64xf32, #tpu.memory_space<hbm>>)
        tpu.yield
      }) : () -> ()
      %dma_start3A_332 = arith.constant 0 : i32
      %dma_start3A_333 = arith.constant 0 : i32
      %dma_start3A_334 = tpu.memref_slice %arg8[%dma_start3A_332, %dma_start3A_333] : memref<128x64xf32, #tpu.memory_space<vmem>> -> memref<128x64xf32, #tpu.memory_space<vmem>>
      %dma_start3A_335 = arith.constant 2176 : i32
      %dma_start3A_336 = tpu.memref_slice %arg6[%dma_start3A_335] : memref<3200xi32, #tpu.memory_space<vmem>> -> memref<128xi32, #tpu.memory_space<vmem>>
      %dma_start3A_337 = arith.constant 0 : i32
      %dma_start3A_338 = arith.constant 0 : i32
      %dma_start3A_339 = tpu.memref_slice %arg9[%dma_start3A_337, %dma_start3A_338] : memref<257x64xf32, #tpu.memory_space<vmem_shared>> -> memref<257x64xf32, #tpu.memory_space<vmem_shared>>
      tpu.enqueue_indirect_dma source(%dma_start3A_339 : memref<257x64xf32, #tpu.memory_space<vmem_shared>>) target(%dma_start3A_334 : memref<128x64xf32, #tpu.memory_space<vmem>>) offsets(%dma_start3A_336 : memref<128xi32, #tpu.memory_space<vmem>>) semaphore(%arg11 : memref<!tpu.dma_semaphore, #tpu.memory_space<semaphore_mem>>)
      %dma_wait3A_340 = arith.constant 0 : i32
      %dma_wait3A_341 = arith.constant 0 : i32
      %dma_wait3A_342 = tpu.memref_slice %arg7[%dma_wait3A_340, %dma_wait3A_341] : memref<128x64xf32, #tpu.memory_space<vmem>> -> memref<128x64xf32, #tpu.memory_space<vmem>>
      %dma_wait3A_343 = arith.constant 2048 : i32
      %dma_wait3A_344 = tpu.memref_slice %arg6[%dma_wait3A_343] : memref<3200xi32, #tpu.memory_space<vmem>> -> memref<128xi32, #tpu.memory_space<vmem>>
      %dma_wait3A_345 = arith.constant 0 : i32
      %dma_wait3A_346 = arith.constant 0 : i32
      %dma_wait3A_347 = tpu.memref_slice %arg9[%dma_wait3A_345, %dma_wait3A_346] : memref<257x64xf32, #tpu.memory_space<vmem_shared>> -> memref<257x64xf32, #tpu.memory_space<vmem_shared>>
      tpu.wait_indirect_dma semaphore(%arg10 : memref<!tpu.dma_semaphore, #tpu.memory_space<semaphore_mem>>) src(%dma_wait3A_347 : memref<257x64xf32, #tpu.memory_space<vmem_shared>>) dst(%dma_wait3A_342 : memref<128x64xf32, #tpu.memory_space<vmem>>)
      %add3A_348 = arith.constant 2048 : i32
      %add3A_349 = arith.addi %mul3A_2, %add3A_348 : i32
      "tpu.region"() ({
        %run_scoped3A = tpu.sem_alloc : memref<!tpu.dma_semaphore, #tpu.memory_space<semaphore_mem>>
        %dma_start3A_486 = arith.constant 0 : i32
        %dma_start3A_487 = arith.constant 0 : i32
        %dma_start3A_488 = tpu.memref_slice %arg7[%dma_start3A_486, %dma_start3A_487] : memref<128x64xf32, #tpu.memory_space<vmem>> -> memref<128x64xf32, #tpu.memory_space<vmem>>
        %dma_start3A_489 = arith.constant 0 : i32
        %dma_start3A_490 = tpu.memref_slice %arg4[%add3A_349, %dma_start3A_489] : memref<100000x64xf32, #tpu.memory_space<hbm>> -> memref<128x64xf32, #tpu.memory_space<hbm>>
        %dma_start3A_491 = arith.constant 0 : i32
        %dma_start3A_492 = tpu.memref_slice %arg4[%add3A_349, %dma_start3A_491] : memref<100000x64xf32, #tpu.memory_space<hbm>> -> memref<128x64xf32, #tpu.memory_space<hbm>>
        %dma_start3A_493 = arith.constant 0 : i32
        %dma_start3A_494 = arith.constant 0 : i32
        %dma_start3A_495 = tpu.memref_slice %arg7[%dma_start3A_493, %dma_start3A_494] : memref<128x64xf32, #tpu.memory_space<vmem>> -> memref<128x64xf32, #tpu.memory_space<vmem>>
        tpu.enqueue_dma source(%dma_start3A_495 : memref<128x64xf32, #tpu.memory_space<vmem>>) target(%dma_start3A_492 : memref<128x64xf32, #tpu.memory_space<hbm>>) target_semaphore(%run_scoped3A : memref<!tpu.dma_semaphore, #tpu.memory_space<semaphore_mem>>)
        %dma_wait3A_496 = arith.constant 0 : i32
        %dma_wait3A_497 = arith.constant 0 : i32
        %dma_wait3A_498 = tpu.memref_slice %arg7[%dma_wait3A_496, %dma_wait3A_497] : memref<128x64xf32, #tpu.memory_space<vmem>> -> memref<128x64xf32, #tpu.memory_space<vmem>>
        %dma_wait3A_499 = arith.constant 0 : i32
        %dma_wait3A_500 = tpu.memref_slice %arg4[%add3A_349, %dma_wait3A_499] : memref<100000x64xf32, #tpu.memory_space<hbm>> -> memref<128x64xf32, #tpu.memory_space<hbm>>
        %dma_wait3A_501 = arith.constant 0 : i32
        %dma_wait3A_502 = tpu.memref_slice %arg4[%add3A_349, %dma_wait3A_501] : memref<100000x64xf32, #tpu.memory_space<hbm>> -> memref<128x64xf32, #tpu.memory_space<hbm>>
        %dma_wait3A_503 = arith.constant 0 : i32
        %dma_wait3A_504 = arith.constant 0 : i32
        %dma_wait3A_505 = tpu.memref_slice %arg7[%dma_wait3A_503, %dma_wait3A_504] : memref<128x64xf32, #tpu.memory_space<vmem>> -> memref<128x64xf32, #tpu.memory_space<vmem>>
        tpu.wait_dma2 semaphore(%run_scoped3A : memref<!tpu.dma_semaphore, #tpu.memory_space<semaphore_mem>>) src(%dma_wait3A_505 : memref<128x64xf32, #tpu.memory_space<vmem>>) dst(%dma_wait3A_502 : memref<128x64xf32, #tpu.memory_space<hbm>>)
        tpu.yield
      }) : () -> ()
      %dma_start3A_350 = arith.constant 0 : i32
      %dma_start3A_351 = arith.constant 0 : i32
      %dma_start3A_352 = tpu.memref_slice %arg7[%dma_start3A_350, %dma_start3A_351] : memref<128x64xf32, #tpu.memory_space<vmem>> -> memref<128x64xf32, #tpu.memory_space<vmem>>
      %dma_start3A_353 = arith.constant 2304 : i32
      %dma_start3A_354 = tpu.memref_slice %arg6[%dma_start3A_353] : memref<3200xi32, #tpu.memory_space<vmem>> -> memref<128xi32, #tpu.memory_space<vmem>>
      %dma_start3A_355 = arith.constant 0 : i32
      %dma_start3A_356 = arith.constant 0 : i32
      %dma_start3A_357 = tpu.memref_slice %arg9[%dma_start3A_355, %dma_start3A_356] : memref<257x64xf32, #tpu.memory_space<vmem_shared>> -> memref<257x64xf32, #tpu.memory_space<vmem_shared>>
      tpu.enqueue_indirect_dma source(%dma_start3A_357 : memref<257x64xf32, #tpu.memory_space<vmem_shared>>) target(%dma_start3A_352 : memref<128x64xf32, #tpu.memory_space<vmem>>) offsets(%dma_start3A_354 : memref<128xi32, #tpu.memory_space<vmem>>) semaphore(%arg10 : memref<!tpu.dma_semaphore, #tpu.memory_space<semaphore_mem>>)
      %dma_wait3A_358 = arith.constant 0 : i32
      %dma_wait3A_359 = arith.constant 0 : i32
      %dma_wait3A_360 = tpu.memref_slice %arg8[%dma_wait3A_358, %dma_wait3A_359] : memref<128x64xf32, #tpu.memory_space<vmem>> -> memref<128x64xf32, #tpu.memory_space<vmem>>
      %dma_wait3A_361 = arith.constant 2176 : i32
      %dma_wait3A_362 = tpu.memref_slice %arg6[%dma_wait3A_361] : memref<3200xi32, #tpu.memory_space<vmem>> -> memref<128xi32, #tpu.memory_space<vmem>>
      %dma_wait3A_363 = arith.constant 0 : i32
      %dma_wait3A_364 = arith.constant 0 : i32
      %dma_wait3A_365 = tpu.memref_slice %arg9[%dma_wait3A_363, %dma_wait3A_364] : memref<257x64xf32, #tpu.memory_space<vmem_shared>> -> memref<257x64xf32, #tpu.memory_space<vmem_shared>>
      tpu.wait_indirect_dma semaphore(%arg11 : memref<!tpu.dma_semaphore, #tpu.memory_space<semaphore_mem>>) src(%dma_wait3A_365 : memref<257x64xf32, #tpu.memory_space<vmem_shared>>) dst(%dma_wait3A_360 : memref<128x64xf32, #tpu.memory_space<vmem>>)
      %add3A_366 = arith.constant 2176 : i32
      %add3A_367 = arith.addi %mul3A_2, %add3A_366 : i32
      "tpu.region"() ({
        %run_scoped3A = tpu.sem_alloc : memref<!tpu.dma_semaphore, #tpu.memory_space<semaphore_mem>>
        %dma_start3A_486 = arith.constant 0 : i32
        %dma_start3A_487 = arith.constant 0 : i32
        %dma_start3A_488 = tpu.memref_slice %arg8[%dma_start3A_486, %dma_start3A_487] : memref<128x64xf32, #tpu.memory_space<vmem>> -> memref<128x64xf32, #tpu.memory_space<vmem>>
        %dma_start3A_489 = arith.constant 0 : i32
        %dma_start3A_490 = tpu.memref_slice %arg4[%add3A_367, %dma_start3A_489] : memref<100000x64xf32, #tpu.memory_space<hbm>> -> memref<128x64xf32, #tpu.memory_space<hbm>>
        %dma_start3A_491 = arith.constant 0 : i32
        %dma_start3A_492 = tpu.memref_slice %arg4[%add3A_367, %dma_start3A_491] : memref<100000x64xf32, #tpu.memory_space<hbm>> -> memref<128x64xf32, #tpu.memory_space<hbm>>
        %dma_start3A_493 = arith.constant 0 : i32
        %dma_start3A_494 = arith.constant 0 : i32
        %dma_start3A_495 = tpu.memref_slice %arg8[%dma_start3A_493, %dma_start3A_494] : memref<128x64xf32, #tpu.memory_space<vmem>> -> memref<128x64xf32, #tpu.memory_space<vmem>>
        tpu.enqueue_dma source(%dma_start3A_495 : memref<128x64xf32, #tpu.memory_space<vmem>>) target(%dma_start3A_492 : memref<128x64xf32, #tpu.memory_space<hbm>>) target_semaphore(%run_scoped3A : memref<!tpu.dma_semaphore, #tpu.memory_space<semaphore_mem>>)
        %dma_wait3A_496 = arith.constant 0 : i32
        %dma_wait3A_497 = arith.constant 0 : i32
        %dma_wait3A_498 = tpu.memref_slice %arg8[%dma_wait3A_496, %dma_wait3A_497] : memref<128x64xf32, #tpu.memory_space<vmem>> -> memref<128x64xf32, #tpu.memory_space<vmem>>
        %dma_wait3A_499 = arith.constant 0 : i32
        %dma_wait3A_500 = tpu.memref_slice %arg4[%add3A_367, %dma_wait3A_499] : memref<100000x64xf32, #tpu.memory_space<hbm>> -> memref<128x64xf32, #tpu.memory_space<hbm>>
        %dma_wait3A_501 = arith.constant 0 : i32
        %dma_wait3A_502 = tpu.memref_slice %arg4[%add3A_367, %dma_wait3A_501] : memref<100000x64xf32, #tpu.memory_space<hbm>> -> memref<128x64xf32, #tpu.memory_space<hbm>>
        %dma_wait3A_503 = arith.constant 0 : i32
        %dma_wait3A_504 = arith.constant 0 : i32
        %dma_wait3A_505 = tpu.memref_slice %arg8[%dma_wait3A_503, %dma_wait3A_504] : memref<128x64xf32, #tpu.memory_space<vmem>> -> memref<128x64xf32, #tpu.memory_space<vmem>>
        tpu.wait_dma2 semaphore(%run_scoped3A : memref<!tpu.dma_semaphore, #tpu.memory_space<semaphore_mem>>) src(%dma_wait3A_505 : memref<128x64xf32, #tpu.memory_space<vmem>>) dst(%dma_wait3A_502 : memref<128x64xf32, #tpu.memory_space<hbm>>)
        tpu.yield
      }) : () -> ()
      %dma_start3A_368 = arith.constant 0 : i32
      %dma_start3A_369 = arith.constant 0 : i32
      %dma_start3A_370 = tpu.memref_slice %arg8[%dma_start3A_368, %dma_start3A_369] : memref<128x64xf32, #tpu.memory_space<vmem>> -> memref<128x64xf32, #tpu.memory_space<vmem>>
      %dma_start3A_371 = arith.constant 2432 : i32
      %dma_start3A_372 = tpu.memref_slice %arg6[%dma_start3A_371] : memref<3200xi32, #tpu.memory_space<vmem>> -> memref<128xi32, #tpu.memory_space<vmem>>
      %dma_start3A_373 = arith.constant 0 : i32
      %dma_start3A_374 = arith.constant 0 : i32
      %dma_start3A_375 = tpu.memref_slice %arg9[%dma_start3A_373, %dma_start3A_374] : memref<257x64xf32, #tpu.memory_space<vmem_shared>> -> memref<257x64xf32, #tpu.memory_space<vmem_shared>>
      tpu.enqueue_indirect_dma source(%dma_start3A_375 : memref<257x64xf32, #tpu.memory_space<vmem_shared>>) target(%dma_start3A_370 : memref<128x64xf32, #tpu.memory_space<vmem>>) offsets(%dma_start3A_372 : memref<128xi32, #tpu.memory_space<vmem>>) semaphore(%arg11 : memref<!tpu.dma_semaphore, #tpu.memory_space<semaphore_mem>>)
      %dma_wait3A_376 = arith.constant 0 : i32
      %dma_wait3A_377 = arith.constant 0 : i32
      %dma_wait3A_378 = tpu.memref_slice %arg7[%dma_wait3A_376, %dma_wait3A_377] : memref<128x64xf32, #tpu.memory_space<vmem>> -> memref<128x64xf32, #tpu.memory_space<vmem>>
      %dma_wait3A_379 = arith.constant 2304 : i32
      %dma_wait3A_380 = tpu.memref_slice %arg6[%dma_wait3A_379] : memref<3200xi32, #tpu.memory_space<vmem>> -> memref<128xi32, #tpu.memory_space<vmem>>
      %dma_wait3A_381 = arith.constant 0 : i32
      %dma_wait3A_382 = arith.constant 0 : i32
      %dma_wait3A_383 = tpu.memref_slice %arg9[%dma_wait3A_381, %dma_wait3A_382] : memref<257x64xf32, #tpu.memory_space<vmem_shared>> -> memref<257x64xf32, #tpu.memory_space<vmem_shared>>
      tpu.wait_indirect_dma semaphore(%arg10 : memref<!tpu.dma_semaphore, #tpu.memory_space<semaphore_mem>>) src(%dma_wait3A_383 : memref<257x64xf32, #tpu.memory_space<vmem_shared>>) dst(%dma_wait3A_378 : memref<128x64xf32, #tpu.memory_space<vmem>>)
      %add3A_384 = arith.constant 2304 : i32
      %add3A_385 = arith.addi %mul3A_2, %add3A_384 : i32
      "tpu.region"() ({
        %run_scoped3A = tpu.sem_alloc : memref<!tpu.dma_semaphore, #tpu.memory_space<semaphore_mem>>
        %dma_start3A_486 = arith.constant 0 : i32
        %dma_start3A_487 = arith.constant 0 : i32
        %dma_start3A_488 = tpu.memref_slice %arg7[%dma_start3A_486, %dma_start3A_487] : memref<128x64xf32, #tpu.memory_space<vmem>> -> memref<128x64xf32, #tpu.memory_space<vmem>>
        %dma_start3A_489 = arith.constant 0 : i32
        %dma_start3A_490 = tpu.memref_slice %arg4[%add3A_385, %dma_start3A_489] : memref<100000x64xf32, #tpu.memory_space<hbm>> -> memref<128x64xf32, #tpu.memory_space<hbm>>
        %dma_start3A_491 = arith.constant 0 : i32
        %dma_start3A_492 = tpu.memref_slice %arg4[%add3A_385, %dma_start3A_491] : memref<100000x64xf32, #tpu.memory_space<hbm>> -> memref<128x64xf32, #tpu.memory_space<hbm>>
        %dma_start3A_493 = arith.constant 0 : i32
        %dma_start3A_494 = arith.constant 0 : i32
        %dma_start3A_495 = tpu.memref_slice %arg7[%dma_start3A_493, %dma_start3A_494] : memref<128x64xf32, #tpu.memory_space<vmem>> -> memref<128x64xf32, #tpu.memory_space<vmem>>
        tpu.enqueue_dma source(%dma_start3A_495 : memref<128x64xf32, #tpu.memory_space<vmem>>) target(%dma_start3A_492 : memref<128x64xf32, #tpu.memory_space<hbm>>) target_semaphore(%run_scoped3A : memref<!tpu.dma_semaphore, #tpu.memory_space<semaphore_mem>>)
        %dma_wait3A_496 = arith.constant 0 : i32
        %dma_wait3A_497 = arith.constant 0 : i32
        %dma_wait3A_498 = tpu.memref_slice %arg7[%dma_wait3A_496, %dma_wait3A_497] : memref<128x64xf32, #tpu.memory_space<vmem>> -> memref<128x64xf32, #tpu.memory_space<vmem>>
        %dma_wait3A_499 = arith.constant 0 : i32
        %dma_wait3A_500 = tpu.memref_slice %arg4[%add3A_385, %dma_wait3A_499] : memref<100000x64xf32, #tpu.memory_space<hbm>> -> memref<128x64xf32, #tpu.memory_space<hbm>>
        %dma_wait3A_501 = arith.constant 0 : i32
        %dma_wait3A_502 = tpu.memref_slice %arg4[%add3A_385, %dma_wait3A_501] : memref<100000x64xf32, #tpu.memory_space<hbm>> -> memref<128x64xf32, #tpu.memory_space<hbm>>
        %dma_wait3A_503 = arith.constant 0 : i32
        %dma_wait3A_504 = arith.constant 0 : i32
        %dma_wait3A_505 = tpu.memref_slice %arg7[%dma_wait3A_503, %dma_wait3A_504] : memref<128x64xf32, #tpu.memory_space<vmem>> -> memref<128x64xf32, #tpu.memory_space<vmem>>
        tpu.wait_dma2 semaphore(%run_scoped3A : memref<!tpu.dma_semaphore, #tpu.memory_space<semaphore_mem>>) src(%dma_wait3A_505 : memref<128x64xf32, #tpu.memory_space<vmem>>) dst(%dma_wait3A_502 : memref<128x64xf32, #tpu.memory_space<hbm>>)
        tpu.yield
      }) : () -> ()
      %dma_start3A_386 = arith.constant 0 : i32
      %dma_start3A_387 = arith.constant 0 : i32
      %dma_start3A_388 = tpu.memref_slice %arg7[%dma_start3A_386, %dma_start3A_387] : memref<128x64xf32, #tpu.memory_space<vmem>> -> memref<128x64xf32, #tpu.memory_space<vmem>>
      %dma_start3A_389 = arith.constant 2560 : i32
      %dma_start3A_390 = tpu.memref_slice %arg6[%dma_start3A_389] : memref<3200xi32, #tpu.memory_space<vmem>> -> memref<128xi32, #tpu.memory_space<vmem>>
      %dma_start3A_391 = arith.constant 0 : i32
      %dma_start3A_392 = arith.constant 0 : i32
      %dma_start3A_393 = tpu.memref_slice %arg9[%dma_start3A_391, %dma_start3A_392] : memref<257x64xf32, #tpu.memory_space<vmem_shared>> -> memref<257x64xf32, #tpu.memory_space<vmem_shared>>
      tpu.enqueue_indirect_dma source(%dma_start3A_393 : memref<257x64xf32, #tpu.memory_space<vmem_shared>>) target(%dma_start3A_388 : memref<128x64xf32, #tpu.memory_space<vmem>>) offsets(%dma_start3A_390 : memref<128xi32, #tpu.memory_space<vmem>>) semaphore(%arg10 : memref<!tpu.dma_semaphore, #tpu.memory_space<semaphore_mem>>)
      %dma_wait3A_394 = arith.constant 0 : i32
      %dma_wait3A_395 = arith.constant 0 : i32
      %dma_wait3A_396 = tpu.memref_slice %arg8[%dma_wait3A_394, %dma_wait3A_395] : memref<128x64xf32, #tpu.memory_space<vmem>> -> memref<128x64xf32, #tpu.memory_space<vmem>>
      %dma_wait3A_397 = arith.constant 2432 : i32
      %dma_wait3A_398 = tpu.memref_slice %arg6[%dma_wait3A_397] : memref<3200xi32, #tpu.memory_space<vmem>> -> memref<128xi32, #tpu.memory_space<vmem>>
      %dma_wait3A_399 = arith.constant 0 : i32
      %dma_wait3A_400 = arith.constant 0 : i32
      %dma_wait3A_401 = tpu.memref_slice %arg9[%dma_wait3A_399, %dma_wait3A_400] : memref<257x64xf32, #tpu.memory_space<vmem_shared>> -> memref<257x64xf32, #tpu.memory_space<vmem_shared>>
      tpu.wait_indirect_dma semaphore(%arg11 : memref<!tpu.dma_semaphore, #tpu.memory_space<semaphore_mem>>) src(%dma_wait3A_401 : memref<257x64xf32, #tpu.memory_space<vmem_shared>>) dst(%dma_wait3A_396 : memref<128x64xf32, #tpu.memory_space<vmem>>)
      %add3A_402 = arith.constant 2432 : i32
      %add3A_403 = arith.addi %mul3A_2, %add3A_402 : i32
      "tpu.region"() ({
        %run_scoped3A = tpu.sem_alloc : memref<!tpu.dma_semaphore, #tpu.memory_space<semaphore_mem>>
        %dma_start3A_486 = arith.constant 0 : i32
        %dma_start3A_487 = arith.constant 0 : i32
        %dma_start3A_488 = tpu.memref_slice %arg8[%dma_start3A_486, %dma_start3A_487] : memref<128x64xf32, #tpu.memory_space<vmem>> -> memref<128x64xf32, #tpu.memory_space<vmem>>
        %dma_start3A_489 = arith.constant 0 : i32
        %dma_start3A_490 = tpu.memref_slice %arg4[%add3A_403, %dma_start3A_489] : memref<100000x64xf32, #tpu.memory_space<hbm>> -> memref<128x64xf32, #tpu.memory_space<hbm>>
        %dma_start3A_491 = arith.constant 0 : i32
        %dma_start3A_492 = tpu.memref_slice %arg4[%add3A_403, %dma_start3A_491] : memref<100000x64xf32, #tpu.memory_space<hbm>> -> memref<128x64xf32, #tpu.memory_space<hbm>>
        %dma_start3A_493 = arith.constant 0 : i32
        %dma_start3A_494 = arith.constant 0 : i32
        %dma_start3A_495 = tpu.memref_slice %arg8[%dma_start3A_493, %dma_start3A_494] : memref<128x64xf32, #tpu.memory_space<vmem>> -> memref<128x64xf32, #tpu.memory_space<vmem>>
        tpu.enqueue_dma source(%dma_start3A_495 : memref<128x64xf32, #tpu.memory_space<vmem>>) target(%dma_start3A_492 : memref<128x64xf32, #tpu.memory_space<hbm>>) target_semaphore(%run_scoped3A : memref<!tpu.dma_semaphore, #tpu.memory_space<semaphore_mem>>)
        %dma_wait3A_496 = arith.constant 0 : i32
        %dma_wait3A_497 = arith.constant 0 : i32
        %dma_wait3A_498 = tpu.memref_slice %arg8[%dma_wait3A_496, %dma_wait3A_497] : memref<128x64xf32, #tpu.memory_space<vmem>> -> memref<128x64xf32, #tpu.memory_space<vmem>>
        %dma_wait3A_499 = arith.constant 0 : i32
        %dma_wait3A_500 = tpu.memref_slice %arg4[%add3A_403, %dma_wait3A_499] : memref<100000x64xf32, #tpu.memory_space<hbm>> -> memref<128x64xf32, #tpu.memory_space<hbm>>
        %dma_wait3A_501 = arith.constant 0 : i32
        %dma_wait3A_502 = tpu.memref_slice %arg4[%add3A_403, %dma_wait3A_501] : memref<100000x64xf32, #tpu.memory_space<hbm>> -> memref<128x64xf32, #tpu.memory_space<hbm>>
        %dma_wait3A_503 = arith.constant 0 : i32
        %dma_wait3A_504 = arith.constant 0 : i32
        %dma_wait3A_505 = tpu.memref_slice %arg8[%dma_wait3A_503, %dma_wait3A_504] : memref<128x64xf32, #tpu.memory_space<vmem>> -> memref<128x64xf32, #tpu.memory_space<vmem>>
        tpu.wait_dma2 semaphore(%run_scoped3A : memref<!tpu.dma_semaphore, #tpu.memory_space<semaphore_mem>>) src(%dma_wait3A_505 : memref<128x64xf32, #tpu.memory_space<vmem>>) dst(%dma_wait3A_502 : memref<128x64xf32, #tpu.memory_space<hbm>>)
        tpu.yield
      }) : () -> ()
      %dma_start3A_404 = arith.constant 0 : i32
      %dma_start3A_405 = arith.constant 0 : i32
      %dma_start3A_406 = tpu.memref_slice %arg8[%dma_start3A_404, %dma_start3A_405] : memref<128x64xf32, #tpu.memory_space<vmem>> -> memref<128x64xf32, #tpu.memory_space<vmem>>
      %dma_start3A_407 = arith.constant 2688 : i32
      %dma_start3A_408 = tpu.memref_slice %arg6[%dma_start3A_407] : memref<3200xi32, #tpu.memory_space<vmem>> -> memref<128xi32, #tpu.memory_space<vmem>>
      %dma_start3A_409 = arith.constant 0 : i32
      %dma_start3A_410 = arith.constant 0 : i32
      %dma_start3A_411 = tpu.memref_slice %arg9[%dma_start3A_409, %dma_start3A_410] : memref<257x64xf32, #tpu.memory_space<vmem_shared>> -> memref<257x64xf32, #tpu.memory_space<vmem_shared>>
      tpu.enqueue_indirect_dma source(%dma_start3A_411 : memref<257x64xf32, #tpu.memory_space<vmem_shared>>) target(%dma_start3A_406 : memref<128x64xf32, #tpu.memory_space<vmem>>) offsets(%dma_start3A_408 : memref<128xi32, #tpu.memory_space<vmem>>) semaphore(%arg11 : memref<!tpu.dma_semaphore, #tpu.memory_space<semaphore_mem>>)
      %dma_wait3A_412 = arith.constant 0 : i32
      %dma_wait3A_413 = arith.constant 0 : i32
      %dma_wait3A_414 = tpu.memref_slice %arg7[%dma_wait3A_412, %dma_wait3A_413] : memref<128x64xf32, #tpu.memory_space<vmem>> -> memref<128x64xf32, #tpu.memory_space<vmem>>
      %dma_wait3A_415 = arith.constant 2560 : i32
      %dma_wait3A_416 = tpu.memref_slice %arg6[%dma_wait3A_415] : memref<3200xi32, #tpu.memory_space<vmem>> -> memref<128xi32, #tpu.memory_space<vmem>>
      %dma_wait3A_417 = arith.constant 0 : i32
      %dma_wait3A_418 = arith.constant 0 : i32
      %dma_wait3A_419 = tpu.memref_slice %arg9[%dma_wait3A_417, %dma_wait3A_418] : memref<257x64xf32, #tpu.memory_space<vmem_shared>> -> memref<257x64xf32, #tpu.memory_space<vmem_shared>>
      tpu.wait_indirect_dma semaphore(%arg10 : memref<!tpu.dma_semaphore, #tpu.memory_space<semaphore_mem>>) src(%dma_wait3A_419 : memref<257x64xf32, #tpu.memory_space<vmem_shared>>) dst(%dma_wait3A_414 : memref<128x64xf32, #tpu.memory_space<vmem>>)
      %add3A_420 = arith.constant 2560 : i32
      %add3A_421 = arith.addi %mul3A_2, %add3A_420 : i32
      "tpu.region"() ({
        %run_scoped3A = tpu.sem_alloc : memref<!tpu.dma_semaphore, #tpu.memory_space<semaphore_mem>>
        %dma_start3A_486 = arith.constant 0 : i32
        %dma_start3A_487 = arith.constant 0 : i32
        %dma_start3A_488 = tpu.memref_slice %arg7[%dma_start3A_486, %dma_start3A_487] : memref<128x64xf32, #tpu.memory_space<vmem>> -> memref<128x64xf32, #tpu.memory_space<vmem>>
        %dma_start3A_489 = arith.constant 0 : i32
        %dma_start3A_490 = tpu.memref_slice %arg4[%add3A_421, %dma_start3A_489] : memref<100000x64xf32, #tpu.memory_space<hbm>> -> memref<128x64xf32, #tpu.memory_space<hbm>>
        %dma_start3A_491 = arith.constant 0 : i32
        %dma_start3A_492 = tpu.memref_slice %arg4[%add3A_421, %dma_start3A_491] : memref<100000x64xf32, #tpu.memory_space<hbm>> -> memref<128x64xf32, #tpu.memory_space<hbm>>
        %dma_start3A_493 = arith.constant 0 : i32
        %dma_start3A_494 = arith.constant 0 : i32
        %dma_start3A_495 = tpu.memref_slice %arg7[%dma_start3A_493, %dma_start3A_494] : memref<128x64xf32, #tpu.memory_space<vmem>> -> memref<128x64xf32, #tpu.memory_space<vmem>>
        tpu.enqueue_dma source(%dma_start3A_495 : memref<128x64xf32, #tpu.memory_space<vmem>>) target(%dma_start3A_492 : memref<128x64xf32, #tpu.memory_space<hbm>>) target_semaphore(%run_scoped3A : memref<!tpu.dma_semaphore, #tpu.memory_space<semaphore_mem>>)
        %dma_wait3A_496 = arith.constant 0 : i32
        %dma_wait3A_497 = arith.constant 0 : i32
        %dma_wait3A_498 = tpu.memref_slice %arg7[%dma_wait3A_496, %dma_wait3A_497] : memref<128x64xf32, #tpu.memory_space<vmem>> -> memref<128x64xf32, #tpu.memory_space<vmem>>
        %dma_wait3A_499 = arith.constant 0 : i32
        %dma_wait3A_500 = tpu.memref_slice %arg4[%add3A_421, %dma_wait3A_499] : memref<100000x64xf32, #tpu.memory_space<hbm>> -> memref<128x64xf32, #tpu.memory_space<hbm>>
        %dma_wait3A_501 = arith.constant 0 : i32
        %dma_wait3A_502 = tpu.memref_slice %arg4[%add3A_421, %dma_wait3A_501] : memref<100000x64xf32, #tpu.memory_space<hbm>> -> memref<128x64xf32, #tpu.memory_space<hbm>>
        %dma_wait3A_503 = arith.constant 0 : i32
        %dma_wait3A_504 = arith.constant 0 : i32
        %dma_wait3A_505 = tpu.memref_slice %arg7[%dma_wait3A_503, %dma_wait3A_504] : memref<128x64xf32, #tpu.memory_space<vmem>> -> memref<128x64xf32, #tpu.memory_space<vmem>>
        tpu.wait_dma2 semaphore(%run_scoped3A : memref<!tpu.dma_semaphore, #tpu.memory_space<semaphore_mem>>) src(%dma_wait3A_505 : memref<128x64xf32, #tpu.memory_space<vmem>>) dst(%dma_wait3A_502 : memref<128x64xf32, #tpu.memory_space<hbm>>)
        tpu.yield
      }) : () -> ()
      %dma_start3A_422 = arith.constant 0 : i32
      %dma_start3A_423 = arith.constant 0 : i32
      %dma_start3A_424 = tpu.memref_slice %arg7[%dma_start3A_422, %dma_start3A_423] : memref<128x64xf32, #tpu.memory_space<vmem>> -> memref<128x64xf32, #tpu.memory_space<vmem>>
      %dma_start3A_425 = arith.constant 2816 : i32
      %dma_start3A_426 = tpu.memref_slice %arg6[%dma_start3A_425] : memref<3200xi32, #tpu.memory_space<vmem>> -> memref<128xi32, #tpu.memory_space<vmem>>
      %dma_start3A_427 = arith.constant 0 : i32
      %dma_start3A_428 = arith.constant 0 : i32
      %dma_start3A_429 = tpu.memref_slice %arg9[%dma_start3A_427, %dma_start3A_428] : memref<257x64xf32, #tpu.memory_space<vmem_shared>> -> memref<257x64xf32, #tpu.memory_space<vmem_shared>>
      tpu.enqueue_indirect_dma source(%dma_start3A_429 : memref<257x64xf32, #tpu.memory_space<vmem_shared>>) target(%dma_start3A_424 : memref<128x64xf32, #tpu.memory_space<vmem>>) offsets(%dma_start3A_426 : memref<128xi32, #tpu.memory_space<vmem>>) semaphore(%arg10 : memref<!tpu.dma_semaphore, #tpu.memory_space<semaphore_mem>>)
      %dma_wait3A_430 = arith.constant 0 : i32
      %dma_wait3A_431 = arith.constant 0 : i32
      %dma_wait3A_432 = tpu.memref_slice %arg8[%dma_wait3A_430, %dma_wait3A_431] : memref<128x64xf32, #tpu.memory_space<vmem>> -> memref<128x64xf32, #tpu.memory_space<vmem>>
      %dma_wait3A_433 = arith.constant 2688 : i32
      %dma_wait3A_434 = tpu.memref_slice %arg6[%dma_wait3A_433] : memref<3200xi32, #tpu.memory_space<vmem>> -> memref<128xi32, #tpu.memory_space<vmem>>
      %dma_wait3A_435 = arith.constant 0 : i32
      %dma_wait3A_436 = arith.constant 0 : i32
      %dma_wait3A_437 = tpu.memref_slice %arg9[%dma_wait3A_435, %dma_wait3A_436] : memref<257x64xf32, #tpu.memory_space<vmem_shared>> -> memref<257x64xf32, #tpu.memory_space<vmem_shared>>
      tpu.wait_indirect_dma semaphore(%arg11 : memref<!tpu.dma_semaphore, #tpu.memory_space<semaphore_mem>>) src(%dma_wait3A_437 : memref<257x64xf32, #tpu.memory_space<vmem_shared>>) dst(%dma_wait3A_432 : memref<128x64xf32, #tpu.memory_space<vmem>>)
      %add3A_438 = arith.constant 2688 : i32
      %add3A_439 = arith.addi %mul3A_2, %add3A_438 : i32
      "tpu.region"() ({
        %run_scoped3A = tpu.sem_alloc : memref<!tpu.dma_semaphore, #tpu.memory_space<semaphore_mem>>
        %dma_start3A_486 = arith.constant 0 : i32
        %dma_start3A_487 = arith.constant 0 : i32
        %dma_start3A_488 = tpu.memref_slice %arg8[%dma_start3A_486, %dma_start3A_487] : memref<128x64xf32, #tpu.memory_space<vmem>> -> memref<128x64xf32, #tpu.memory_space<vmem>>
        %dma_start3A_489 = arith.constant 0 : i32
        %dma_start3A_490 = tpu.memref_slice %arg4[%add3A_439, %dma_start3A_489] : memref<100000x64xf32, #tpu.memory_space<hbm>> -> memref<128x64xf32, #tpu.memory_space<hbm>>
        %dma_start3A_491 = arith.constant 0 : i32
        %dma_start3A_492 = tpu.memref_slice %arg4[%add3A_439, %dma_start3A_491] : memref<100000x64xf32, #tpu.memory_space<hbm>> -> memref<128x64xf32, #tpu.memory_space<hbm>>
        %dma_start3A_493 = arith.constant 0 : i32
        %dma_start3A_494 = arith.constant 0 : i32
        %dma_start3A_495 = tpu.memref_slice %arg8[%dma_start3A_493, %dma_start3A_494] : memref<128x64xf32, #tpu.memory_space<vmem>> -> memref<128x64xf32, #tpu.memory_space<vmem>>
        tpu.enqueue_dma source(%dma_start3A_495 : memref<128x64xf32, #tpu.memory_space<vmem>>) target(%dma_start3A_492 : memref<128x64xf32, #tpu.memory_space<hbm>>) target_semaphore(%run_scoped3A : memref<!tpu.dma_semaphore, #tpu.memory_space<semaphore_mem>>)
        %dma_wait3A_496 = arith.constant 0 : i32
        %dma_wait3A_497 = arith.constant 0 : i32
        %dma_wait3A_498 = tpu.memref_slice %arg8[%dma_wait3A_496, %dma_wait3A_497] : memref<128x64xf32, #tpu.memory_space<vmem>> -> memref<128x64xf32, #tpu.memory_space<vmem>>
        %dma_wait3A_499 = arith.constant 0 : i32
        %dma_wait3A_500 = tpu.memref_slice %arg4[%add3A_439, %dma_wait3A_499] : memref<100000x64xf32, #tpu.memory_space<hbm>> -> memref<128x64xf32, #tpu.memory_space<hbm>>
        %dma_wait3A_501 = arith.constant 0 : i32
        %dma_wait3A_502 = tpu.memref_slice %arg4[%add3A_439, %dma_wait3A_501] : memref<100000x64xf32, #tpu.memory_space<hbm>> -> memref<128x64xf32, #tpu.memory_space<hbm>>
        %dma_wait3A_503 = arith.constant 0 : i32
        %dma_wait3A_504 = arith.constant 0 : i32
        %dma_wait3A_505 = tpu.memref_slice %arg8[%dma_wait3A_503, %dma_wait3A_504] : memref<128x64xf32, #tpu.memory_space<vmem>> -> memref<128x64xf32, #tpu.memory_space<vmem>>
        tpu.wait_dma2 semaphore(%run_scoped3A : memref<!tpu.dma_semaphore, #tpu.memory_space<semaphore_mem>>) src(%dma_wait3A_505 : memref<128x64xf32, #tpu.memory_space<vmem>>) dst(%dma_wait3A_502 : memref<128x64xf32, #tpu.memory_space<hbm>>)
        tpu.yield
      }) : () -> ()
      %dma_start3A_440 = arith.constant 0 : i32
      %dma_start3A_441 = arith.constant 0 : i32
      %dma_start3A_442 = tpu.memref_slice %arg8[%dma_start3A_440, %dma_start3A_441] : memref<128x64xf32, #tpu.memory_space<vmem>> -> memref<128x64xf32, #tpu.memory_space<vmem>>
      %dma_start3A_443 = arith.constant 2944 : i32
      %dma_start3A_444 = tpu.memref_slice %arg6[%dma_start3A_443] : memref<3200xi32, #tpu.memory_space<vmem>> -> memref<128xi32, #tpu.memory_space<vmem>>
      %dma_start3A_445 = arith.constant 0 : i32
      %dma_start3A_446 = arith.constant 0 : i32
      %dma_start3A_447 = tpu.memref_slice %arg9[%dma_start3A_445, %dma_start3A_446] : memref<257x64xf32, #tpu.memory_space<vmem_shared>> -> memref<257x64xf32, #tpu.memory_space<vmem_shared>>
      tpu.enqueue_indirect_dma source(%dma_start3A_447 : memref<257x64xf32, #tpu.memory_space<vmem_shared>>) target(%dma_start3A_442 : memref<128x64xf32, #tpu.memory_space<vmem>>) offsets(%dma_start3A_444 : memref<128xi32, #tpu.memory_space<vmem>>) semaphore(%arg11 : memref<!tpu.dma_semaphore, #tpu.memory_space<semaphore_mem>>)
      %dma_wait3A_448 = arith.constant 0 : i32
      %dma_wait3A_449 = arith.constant 0 : i32
      %dma_wait3A_450 = tpu.memref_slice %arg7[%dma_wait3A_448, %dma_wait3A_449] : memref<128x64xf32, #tpu.memory_space<vmem>> -> memref<128x64xf32, #tpu.memory_space<vmem>>
      %dma_wait3A_451 = arith.constant 2816 : i32
      %dma_wait3A_452 = tpu.memref_slice %arg6[%dma_wait3A_451] : memref<3200xi32, #tpu.memory_space<vmem>> -> memref<128xi32, #tpu.memory_space<vmem>>
      %dma_wait3A_453 = arith.constant 0 : i32
      %dma_wait3A_454 = arith.constant 0 : i32
      %dma_wait3A_455 = tpu.memref_slice %arg9[%dma_wait3A_453, %dma_wait3A_454] : memref<257x64xf32, #tpu.memory_space<vmem_shared>> -> memref<257x64xf32, #tpu.memory_space<vmem_shared>>
      tpu.wait_indirect_dma semaphore(%arg10 : memref<!tpu.dma_semaphore, #tpu.memory_space<semaphore_mem>>) src(%dma_wait3A_455 : memref<257x64xf32, #tpu.memory_space<vmem_shared>>) dst(%dma_wait3A_450 : memref<128x64xf32, #tpu.memory_space<vmem>>)
      %add3A_456 = arith.constant 2816 : i32
      %add3A_457 = arith.addi %mul3A_2, %add3A_456 : i32
      "tpu.region"() ({
        %run_scoped3A = tpu.sem_alloc : memref<!tpu.dma_semaphore, #tpu.memory_space<semaphore_mem>>
        %dma_start3A_486 = arith.constant 0 : i32
        %dma_start3A_487 = arith.constant 0 : i32
        %dma_start3A_488 = tpu.memref_slice %arg7[%dma_start3A_486, %dma_start3A_487] : memref<128x64xf32, #tpu.memory_space<vmem>> -> memref<128x64xf32, #tpu.memory_space<vmem>>
        %dma_start3A_489 = arith.constant 0 : i32
        %dma_start3A_490 = tpu.memref_slice %arg4[%add3A_457, %dma_start3A_489] : memref<100000x64xf32, #tpu.memory_space<hbm>> -> memref<128x64xf32, #tpu.memory_space<hbm>>
        %dma_start3A_491 = arith.constant 0 : i32
        %dma_start3A_492 = tpu.memref_slice %arg4[%add3A_457, %dma_start3A_491] : memref<100000x64xf32, #tpu.memory_space<hbm>> -> memref<128x64xf32, #tpu.memory_space<hbm>>
        %dma_start3A_493 = arith.constant 0 : i32
        %dma_start3A_494 = arith.constant 0 : i32
        %dma_start3A_495 = tpu.memref_slice %arg7[%dma_start3A_493, %dma_start3A_494] : memref<128x64xf32, #tpu.memory_space<vmem>> -> memref<128x64xf32, #tpu.memory_space<vmem>>
        tpu.enqueue_dma source(%dma_start3A_495 : memref<128x64xf32, #tpu.memory_space<vmem>>) target(%dma_start3A_492 : memref<128x64xf32, #tpu.memory_space<hbm>>) target_semaphore(%run_scoped3A : memref<!tpu.dma_semaphore, #tpu.memory_space<semaphore_mem>>)
        %dma_wait3A_496 = arith.constant 0 : i32
        %dma_wait3A_497 = arith.constant 0 : i32
        %dma_wait3A_498 = tpu.memref_slice %arg7[%dma_wait3A_496, %dma_wait3A_497] : memref<128x64xf32, #tpu.memory_space<vmem>> -> memref<128x64xf32, #tpu.memory_space<vmem>>
        %dma_wait3A_499 = arith.constant 0 : i32
        %dma_wait3A_500 = tpu.memref_slice %arg4[%add3A_457, %dma_wait3A_499] : memref<100000x64xf32, #tpu.memory_space<hbm>> -> memref<128x64xf32, #tpu.memory_space<hbm>>
        %dma_wait3A_501 = arith.constant 0 : i32
        %dma_wait3A_502 = tpu.memref_slice %arg4[%add3A_457, %dma_wait3A_501] : memref<100000x64xf32, #tpu.memory_space<hbm>> -> memref<128x64xf32, #tpu.memory_space<hbm>>
        %dma_wait3A_503 = arith.constant 0 : i32
        %dma_wait3A_504 = arith.constant 0 : i32
        %dma_wait3A_505 = tpu.memref_slice %arg7[%dma_wait3A_503, %dma_wait3A_504] : memref<128x64xf32, #tpu.memory_space<vmem>> -> memref<128x64xf32, #tpu.memory_space<vmem>>
        tpu.wait_dma2 semaphore(%run_scoped3A : memref<!tpu.dma_semaphore, #tpu.memory_space<semaphore_mem>>) src(%dma_wait3A_505 : memref<128x64xf32, #tpu.memory_space<vmem>>) dst(%dma_wait3A_502 : memref<128x64xf32, #tpu.memory_space<hbm>>)
        tpu.yield
      }) : () -> ()
      %dma_start3A_458 = arith.constant 0 : i32
      %dma_start3A_459 = arith.constant 0 : i32
      %dma_start3A_460 = tpu.memref_slice %arg7[%dma_start3A_458, %dma_start3A_459] : memref<128x64xf32, #tpu.memory_space<vmem>> -> memref<128x64xf32, #tpu.memory_space<vmem>>
      %dma_start3A_461 = arith.constant 3072 : i32
      %dma_start3A_462 = tpu.memref_slice %arg6[%dma_start3A_461] : memref<3200xi32, #tpu.memory_space<vmem>> -> memref<128xi32, #tpu.memory_space<vmem>>
      %dma_start3A_463 = arith.constant 0 : i32
      %dma_start3A_464 = arith.constant 0 : i32
      %dma_start3A_465 = tpu.memref_slice %arg9[%dma_start3A_463, %dma_start3A_464] : memref<257x64xf32, #tpu.memory_space<vmem_shared>> -> memref<257x64xf32, #tpu.memory_space<vmem_shared>>
      tpu.enqueue_indirect_dma source(%dma_start3A_465 : memref<257x64xf32, #tpu.memory_space<vmem_shared>>) target(%dma_start3A_460 : memref<128x64xf32, #tpu.memory_space<vmem>>) offsets(%dma_start3A_462 : memref<128xi32, #tpu.memory_space<vmem>>) semaphore(%arg10 : memref<!tpu.dma_semaphore, #tpu.memory_space<semaphore_mem>>)
      %dma_wait3A_466 = arith.constant 0 : i32
      %dma_wait3A_467 = arith.constant 0 : i32
      %dma_wait3A_468 = tpu.memref_slice %arg8[%dma_wait3A_466, %dma_wait3A_467] : memref<128x64xf32, #tpu.memory_space<vmem>> -> memref<128x64xf32, #tpu.memory_space<vmem>>
      %dma_wait3A_469 = arith.constant 2944 : i32
      %dma_wait3A_470 = tpu.memref_slice %arg6[%dma_wait3A_469] : memref<3200xi32, #tpu.memory_space<vmem>> -> memref<128xi32, #tpu.memory_space<vmem>>
      %dma_wait3A_471 = arith.constant 0 : i32
      %dma_wait3A_472 = arith.constant 0 : i32
      %dma_wait3A_473 = tpu.memref_slice %arg9[%dma_wait3A_471, %dma_wait3A_472] : memref<257x64xf32, #tpu.memory_space<vmem_shared>> -> memref<257x64xf32, #tpu.memory_space<vmem_shared>>
      tpu.wait_indirect_dma semaphore(%arg11 : memref<!tpu.dma_semaphore, #tpu.memory_space<semaphore_mem>>) src(%dma_wait3A_473 : memref<257x64xf32, #tpu.memory_space<vmem_shared>>) dst(%dma_wait3A_468 : memref<128x64xf32, #tpu.memory_space<vmem>>)
      %add3A_474 = arith.constant 2944 : i32
      %add3A_475 = arith.addi %mul3A_2, %add3A_474 : i32
      "tpu.region"() ({
        %run_scoped3A = tpu.sem_alloc : memref<!tpu.dma_semaphore, #tpu.memory_space<semaphore_mem>>
        %dma_start3A_486 = arith.constant 0 : i32
        %dma_start3A_487 = arith.constant 0 : i32
        %dma_start3A_488 = tpu.memref_slice %arg8[%dma_start3A_486, %dma_start3A_487] : memref<128x64xf32, #tpu.memory_space<vmem>> -> memref<128x64xf32, #tpu.memory_space<vmem>>
        %dma_start3A_489 = arith.constant 0 : i32
        %dma_start3A_490 = tpu.memref_slice %arg4[%add3A_475, %dma_start3A_489] : memref<100000x64xf32, #tpu.memory_space<hbm>> -> memref<128x64xf32, #tpu.memory_space<hbm>>
        %dma_start3A_491 = arith.constant 0 : i32
        %dma_start3A_492 = tpu.memref_slice %arg4[%add3A_475, %dma_start3A_491] : memref<100000x64xf32, #tpu.memory_space<hbm>> -> memref<128x64xf32, #tpu.memory_space<hbm>>
        %dma_start3A_493 = arith.constant 0 : i32
        %dma_start3A_494 = arith.constant 0 : i32
        %dma_start3A_495 = tpu.memref_slice %arg8[%dma_start3A_493, %dma_start3A_494] : memref<128x64xf32, #tpu.memory_space<vmem>> -> memref<128x64xf32, #tpu.memory_space<vmem>>
        tpu.enqueue_dma source(%dma_start3A_495 : memref<128x64xf32, #tpu.memory_space<vmem>>) target(%dma_start3A_492 : memref<128x64xf32, #tpu.memory_space<hbm>>) target_semaphore(%run_scoped3A : memref<!tpu.dma_semaphore, #tpu.memory_space<semaphore_mem>>)
        %dma_wait3A_496 = arith.constant 0 : i32
        %dma_wait3A_497 = arith.constant 0 : i32
        %dma_wait3A_498 = tpu.memref_slice %arg8[%dma_wait3A_496, %dma_wait3A_497] : memref<128x64xf32, #tpu.memory_space<vmem>> -> memref<128x64xf32, #tpu.memory_space<vmem>>
        %dma_wait3A_499 = arith.constant 0 : i32
        %dma_wait3A_500 = tpu.memref_slice %arg4[%add3A_475, %dma_wait3A_499] : memref<100000x64xf32, #tpu.memory_space<hbm>> -> memref<128x64xf32, #tpu.memory_space<hbm>>
        %dma_wait3A_501 = arith.constant 0 : i32
        %dma_wait3A_502 = tpu.memref_slice %arg4[%add3A_475, %dma_wait3A_501] : memref<100000x64xf32, #tpu.memory_space<hbm>> -> memref<128x64xf32, #tpu.memory_space<hbm>>
        %dma_wait3A_503 = arith.constant 0 : i32
        %dma_wait3A_504 = arith.constant 0 : i32
        %dma_wait3A_505 = tpu.memref_slice %arg8[%dma_wait3A_503, %dma_wait3A_504] : memref<128x64xf32, #tpu.memory_space<vmem>> -> memref<128x64xf32, #tpu.memory_space<vmem>>
        tpu.wait_dma2 semaphore(%run_scoped3A : memref<!tpu.dma_semaphore, #tpu.memory_space<semaphore_mem>>) src(%dma_wait3A_505 : memref<128x64xf32, #tpu.memory_space<vmem>>) dst(%dma_wait3A_502 : memref<128x64xf32, #tpu.memory_space<hbm>>)
        tpu.yield
      }) : () -> ()
      %dma_wait3A_476 = arith.constant 0 : i32
      %dma_wait3A_477 = arith.constant 0 : i32
      %dma_wait3A_478 = tpu.memref_slice %arg7[%dma_wait3A_476, %dma_wait3A_477] : memref<128x64xf32, #tpu.memory_space<vmem>> -> memref<128x64xf32, #tpu.memory_space<vmem>>
      %dma_wait3A_479 = arith.constant 3072 : i32
      %dma_wait3A_480 = tpu.memref_slice %arg6[%dma_wait3A_479] : memref<3200xi32, #tpu.memory_space<vmem>> -> memref<128xi32, #tpu.memory_space<vmem>>
      %dma_wait3A_481 = arith.constant 0 : i32
      %dma_wait3A_482 = arith.constant 0 : i32
      %dma_wait3A_483 = tpu.memref_slice %arg9[%dma_wait3A_481, %dma_wait3A_482] : memref<257x64xf32, #tpu.memory_space<vmem_shared>> -> memref<257x64xf32, #tpu.memory_space<vmem_shared>>
      tpu.wait_indirect_dma semaphore(%arg10 : memref<!tpu.dma_semaphore, #tpu.memory_space<semaphore_mem>>) src(%dma_wait3A_483 : memref<257x64xf32, #tpu.memory_space<vmem_shared>>) dst(%dma_wait3A_478 : memref<128x64xf32, #tpu.memory_space<vmem>>)
      %add3A_484 = arith.constant 3072 : i32
      %add3A_485 = arith.addi %mul3A_2, %add3A_484 : i32
      "tpu.region"() ({
        %run_scoped3A = tpu.sem_alloc : memref<!tpu.dma_semaphore, #tpu.memory_space<semaphore_mem>>
        %dma_start3A_486 = arith.constant 0 : i32
        %dma_start3A_487 = arith.constant 0 : i32
        %dma_start3A_488 = tpu.memref_slice %arg7[%dma_start3A_486, %dma_start3A_487] : memref<128x64xf32, #tpu.memory_space<vmem>> -> memref<128x64xf32, #tpu.memory_space<vmem>>
        %dma_start3A_489 = arith.constant 0 : i32
        %dma_start3A_490 = tpu.memref_slice %arg4[%add3A_485, %dma_start3A_489] : memref<100000x64xf32, #tpu.memory_space<hbm>> -> memref<128x64xf32, #tpu.memory_space<hbm>>
        %dma_start3A_491 = arith.constant 0 : i32
        %dma_start3A_492 = tpu.memref_slice %arg4[%add3A_485, %dma_start3A_491] : memref<100000x64xf32, #tpu.memory_space<hbm>> -> memref<128x64xf32, #tpu.memory_space<hbm>>
        %dma_start3A_493 = arith.constant 0 : i32
        %dma_start3A_494 = arith.constant 0 : i32
        %dma_start3A_495 = tpu.memref_slice %arg7[%dma_start3A_493, %dma_start3A_494] : memref<128x64xf32, #tpu.memory_space<vmem>> -> memref<128x64xf32, #tpu.memory_space<vmem>>
        tpu.enqueue_dma source(%dma_start3A_495 : memref<128x64xf32, #tpu.memory_space<vmem>>) target(%dma_start3A_492 : memref<128x64xf32, #tpu.memory_space<hbm>>) target_semaphore(%run_scoped3A : memref<!tpu.dma_semaphore, #tpu.memory_space<semaphore_mem>>)
        %dma_wait3A_496 = arith.constant 0 : i32
        %dma_wait3A_497 = arith.constant 0 : i32
        %dma_wait3A_498 = tpu.memref_slice %arg7[%dma_wait3A_496, %dma_wait3A_497] : memref<128x64xf32, #tpu.memory_space<vmem>> -> memref<128x64xf32, #tpu.memory_space<vmem>>
        %dma_wait3A_499 = arith.constant 0 : i32
        %dma_wait3A_500 = tpu.memref_slice %arg4[%add3A_485, %dma_wait3A_499] : memref<100000x64xf32, #tpu.memory_space<hbm>> -> memref<128x64xf32, #tpu.memory_space<hbm>>
        %dma_wait3A_501 = arith.constant 0 : i32
        %dma_wait3A_502 = tpu.memref_slice %arg4[%add3A_485, %dma_wait3A_501] : memref<100000x64xf32, #tpu.memory_space<hbm>> -> memref<128x64xf32, #tpu.memory_space<hbm>>
        %dma_wait3A_503 = arith.constant 0 : i32
        %dma_wait3A_504 = arith.constant 0 : i32
        %dma_wait3A_505 = tpu.memref_slice %arg7[%dma_wait3A_503, %dma_wait3A_504] : memref<128x64xf32, #tpu.memory_space<vmem>> -> memref<128x64xf32, #tpu.memory_space<vmem>>
        tpu.wait_dma2 semaphore(%run_scoped3A : memref<!tpu.dma_semaphore, #tpu.memory_space<semaphore_mem>>) src(%dma_wait3A_505 : memref<128x64xf32, #tpu.memory_space<vmem>>) dst(%dma_wait3A_502 : memref<128x64xf32, #tpu.memory_space<hbm>>)
        tpu.yield
      }) : () -> ()
    } else {
    }
    %eq3A_33 = arith.constant 31 : i32
    %eq3A_34 = arith.cmpi eq, %add3A, %eq3A_33 : i32
    %convert_element_type3A_35 = arith.extui %eq3A_34 : i1 to i32
    %cond3A_36 = arith.constant 0 : i32
    %cond3A_37 = arith.cmpi ne, %convert_element_type3A_35, %cond3A_36 : i32
    scf.if %cond3A_37 {
      %dma_start3A = arith.constant 0 : i32
      %dma_start3A_38 = arith.constant 0 : i32
      %dma_start3A_39 = tpu.memref_slice %arg7[%dma_start3A, %dma_start3A_38] : memref<128x64xf32, #tpu.memory_space<vmem>> -> memref<128x64xf32, #tpu.memory_space<vmem>>
      %dma_start3A_40 = arith.constant 0 : i32
      %dma_start3A_41 = tpu.memref_slice %arg6[%dma_start3A_40] : memref<3200xi32, #tpu.memory_space<vmem>> -> memref<128xi32, #tpu.memory_space<vmem>>
      %dma_start3A_42 = arith.constant 0 : i32
      %dma_start3A_43 = arith.constant 0 : i32
      %dma_start3A_44 = tpu.memref_slice %arg9[%dma_start3A_42, %dma_start3A_43] : memref<257x64xf32, #tpu.memory_space<vmem_shared>> -> memref<257x64xf32, #tpu.memory_space<vmem_shared>>
      tpu.enqueue_indirect_dma source(%dma_start3A_44 : memref<257x64xf32, #tpu.memory_space<vmem_shared>>) target(%dma_start3A_39 : memref<128x64xf32, #tpu.memory_space<vmem>>) offsets(%dma_start3A_41 : memref<128xi32, #tpu.memory_space<vmem>>) semaphore(%arg10 : memref<!tpu.dma_semaphore, #tpu.memory_space<semaphore_mem>>)
      %dma_start3A_45 = arith.constant 0 : i32
      %dma_start3A_46 = arith.constant 0 : i32
      %dma_start3A_47 = tpu.memref_slice %arg8[%dma_start3A_45, %dma_start3A_46] : memref<128x64xf32, #tpu.memory_space<vmem>> -> memref<128x64xf32, #tpu.memory_space<vmem>>
      %dma_start3A_48 = arith.constant 128 : i32
      %dma_start3A_49 = tpu.memref_slice %arg6[%dma_start3A_48] : memref<3200xi32, #tpu.memory_space<vmem>> -> memref<128xi32, #tpu.memory_space<vmem>>
      %dma_start3A_50 = arith.constant 0 : i32
      %dma_start3A_51 = arith.constant 0 : i32
      %dma_start3A_52 = tpu.memref_slice %arg9[%dma_start3A_50, %dma_start3A_51] : memref<257x64xf32, #tpu.memory_space<vmem_shared>> -> memref<257x64xf32, #tpu.memory_space<vmem_shared>>
      tpu.enqueue_indirect_dma source(%dma_start3A_52 : memref<257x64xf32, #tpu.memory_space<vmem_shared>>) target(%dma_start3A_47 : memref<128x64xf32, #tpu.memory_space<vmem>>) offsets(%dma_start3A_49 : memref<128xi32, #tpu.memory_space<vmem>>) semaphore(%arg11 : memref<!tpu.dma_semaphore, #tpu.memory_space<semaphore_mem>>)
      %dma_wait3A = arith.constant 0 : i32
      %dma_wait3A_53 = arith.constant 0 : i32
      %dma_wait3A_54 = tpu.memref_slice %arg7[%dma_wait3A, %dma_wait3A_53] : memref<128x64xf32, #tpu.memory_space<vmem>> -> memref<128x64xf32, #tpu.memory_space<vmem>>
      %dma_wait3A_55 = arith.constant 0 : i32
      %dma_wait3A_56 = tpu.memref_slice %arg6[%dma_wait3A_55] : memref<3200xi32, #tpu.memory_space<vmem>> -> memref<128xi32, #tpu.memory_space<vmem>>
      %dma_wait3A_57 = arith.constant 0 : i32
      %dma_wait3A_58 = arith.constant 0 : i32
      %dma_wait3A_59 = tpu.memref_slice %arg9[%dma_wait3A_57, %dma_wait3A_58] : memref<257x64xf32, #tpu.memory_space<vmem_shared>> -> memref<257x64xf32, #tpu.memory_space<vmem_shared>>
      tpu.wait_indirect_dma semaphore(%arg10 : memref<!tpu.dma_semaphore, #tpu.memory_space<semaphore_mem>>) src(%dma_wait3A_59 : memref<257x64xf32, #tpu.memory_space<vmem_shared>>) dst(%dma_wait3A_54 : memref<128x64xf32, #tpu.memory_space<vmem>>)
      %add3A_60 = arith.constant 0 : i32
      %add3A_61 = arith.addi %mul3A_2, %add3A_60 : i32
      "tpu.region"() ({
        %run_scoped3A = tpu.sem_alloc : memref<!tpu.dma_semaphore, #tpu.memory_space<semaphore_mem>>
        %dma_start3A_162 = arith.constant 0 : i32
        %dma_start3A_163 = arith.constant 0 : i32
        %dma_start3A_164 = tpu.memref_slice %arg7[%dma_start3A_162, %dma_start3A_163] : memref<128x64xf32, #tpu.memory_space<vmem>> -> memref<128x64xf32, #tpu.memory_space<vmem>>
        %dma_start3A_165 = arith.constant 0 : i32
        %dma_start3A_166 = tpu.memref_slice %arg4[%add3A_61, %dma_start3A_165] : memref<100000x64xf32, #tpu.memory_space<hbm>> -> memref<128x64xf32, #tpu.memory_space<hbm>>
        %dma_start3A_167 = arith.constant 0 : i32
        %dma_start3A_168 = tpu.memref_slice %arg4[%add3A_61, %dma_start3A_167] : memref<100000x64xf32, #tpu.memory_space<hbm>> -> memref<128x64xf32, #tpu.memory_space<hbm>>
        %dma_start3A_169 = arith.constant 0 : i32
        %dma_start3A_170 = arith.constant 0 : i32
        %dma_start3A_171 = tpu.memref_slice %arg7[%dma_start3A_169, %dma_start3A_170] : memref<128x64xf32, #tpu.memory_space<vmem>> -> memref<128x64xf32, #tpu.memory_space<vmem>>
        tpu.enqueue_dma source(%dma_start3A_171 : memref<128x64xf32, #tpu.memory_space<vmem>>) target(%dma_start3A_168 : memref<128x64xf32, #tpu.memory_space<hbm>>) target_semaphore(%run_scoped3A : memref<!tpu.dma_semaphore, #tpu.memory_space<semaphore_mem>>)
        %dma_wait3A_172 = arith.constant 0 : i32
        %dma_wait3A_173 = arith.constant 0 : i32
        %dma_wait3A_174 = tpu.memref_slice %arg7[%dma_wait3A_172, %dma_wait3A_173] : memref<128x64xf32, #tpu.memory_space<vmem>> -> memref<128x64xf32, #tpu.memory_space<vmem>>
        %dma_wait3A_175 = arith.constant 0 : i32
        %dma_wait3A_176 = tpu.memref_slice %arg4[%add3A_61, %dma_wait3A_175] : memref<100000x64xf32, #tpu.memory_space<hbm>> -> memref<128x64xf32, #tpu.memory_space<hbm>>
        %dma_wait3A_177 = arith.constant 0 : i32
        %dma_wait3A_178 = tpu.memref_slice %arg4[%add3A_61, %dma_wait3A_177] : memref<100000x64xf32, #tpu.memory_space<hbm>> -> memref<128x64xf32, #tpu.memory_space<hbm>>
        %dma_wait3A_179 = arith.constant 0 : i32
        %dma_wait3A_180 = arith.constant 0 : i32
        %dma_wait3A_181 = tpu.memref_slice %arg7[%dma_wait3A_179, %dma_wait3A_180] : memref<128x64xf32, #tpu.memory_space<vmem>> -> memref<128x64xf32, #tpu.memory_space<vmem>>
        tpu.wait_dma2 semaphore(%run_scoped3A : memref<!tpu.dma_semaphore, #tpu.memory_space<semaphore_mem>>) src(%dma_wait3A_181 : memref<128x64xf32, #tpu.memory_space<vmem>>) dst(%dma_wait3A_178 : memref<128x64xf32, #tpu.memory_space<hbm>>)
        tpu.yield
      }) : () -> ()
      %dma_start3A_62 = arith.constant 0 : i32
      %dma_start3A_63 = arith.constant 0 : i32
      %dma_start3A_64 = tpu.memref_slice %arg7[%dma_start3A_62, %dma_start3A_63] : memref<128x64xf32, #tpu.memory_space<vmem>> -> memref<128x64xf32, #tpu.memory_space<vmem>>
      %dma_start3A_65 = arith.constant 256 : i32
      %dma_start3A_66 = tpu.memref_slice %arg6[%dma_start3A_65] : memref<3200xi32, #tpu.memory_space<vmem>> -> memref<128xi32, #tpu.memory_space<vmem>>
      %dma_start3A_67 = arith.constant 0 : i32
      %dma_start3A_68 = arith.constant 0 : i32
      %dma_start3A_69 = tpu.memref_slice %arg9[%dma_start3A_67, %dma_start3A_68] : memref<257x64xf32, #tpu.memory_space<vmem_shared>> -> memref<257x64xf32, #tpu.memory_space<vmem_shared>>
      tpu.enqueue_indirect_dma source(%dma_start3A_69 : memref<257x64xf32, #tpu.memory_space<vmem_shared>>) target(%dma_start3A_64 : memref<128x64xf32, #tpu.memory_space<vmem>>) offsets(%dma_start3A_66 : memref<128xi32, #tpu.memory_space<vmem>>) semaphore(%arg10 : memref<!tpu.dma_semaphore, #tpu.memory_space<semaphore_mem>>)
      %dma_wait3A_70 = arith.constant 0 : i32
      %dma_wait3A_71 = arith.constant 0 : i32
      %dma_wait3A_72 = tpu.memref_slice %arg8[%dma_wait3A_70, %dma_wait3A_71] : memref<128x64xf32, #tpu.memory_space<vmem>> -> memref<128x64xf32, #tpu.memory_space<vmem>>
      %dma_wait3A_73 = arith.constant 128 : i32
      %dma_wait3A_74 = tpu.memref_slice %arg6[%dma_wait3A_73] : memref<3200xi32, #tpu.memory_space<vmem>> -> memref<128xi32, #tpu.memory_space<vmem>>
      %dma_wait3A_75 = arith.constant 0 : i32
      %dma_wait3A_76 = arith.constant 0 : i32
      %dma_wait3A_77 = tpu.memref_slice %arg9[%dma_wait3A_75, %dma_wait3A_76] : memref<257x64xf32, #tpu.memory_space<vmem_shared>> -> memref<257x64xf32, #tpu.memory_space<vmem_shared>>
      tpu.wait_indirect_dma semaphore(%arg11 : memref<!tpu.dma_semaphore, #tpu.memory_space<semaphore_mem>>) src(%dma_wait3A_77 : memref<257x64xf32, #tpu.memory_space<vmem_shared>>) dst(%dma_wait3A_72 : memref<128x64xf32, #tpu.memory_space<vmem>>)
      %add3A_78 = arith.constant 128 : i32
      %add3A_79 = arith.addi %mul3A_2, %add3A_78 : i32
      "tpu.region"() ({
        %run_scoped3A = tpu.sem_alloc : memref<!tpu.dma_semaphore, #tpu.memory_space<semaphore_mem>>
        %dma_start3A_162 = arith.constant 0 : i32
        %dma_start3A_163 = arith.constant 0 : i32
        %dma_start3A_164 = tpu.memref_slice %arg8[%dma_start3A_162, %dma_start3A_163] : memref<128x64xf32, #tpu.memory_space<vmem>> -> memref<128x64xf32, #tpu.memory_space<vmem>>
        %dma_start3A_165 = arith.constant 0 : i32
        %dma_start3A_166 = tpu.memref_slice %arg4[%add3A_79, %dma_start3A_165] : memref<100000x64xf32, #tpu.memory_space<hbm>> -> memref<128x64xf32, #tpu.memory_space<hbm>>
        %dma_start3A_167 = arith.constant 0 : i32
        %dma_start3A_168 = tpu.memref_slice %arg4[%add3A_79, %dma_start3A_167] : memref<100000x64xf32, #tpu.memory_space<hbm>> -> memref<128x64xf32, #tpu.memory_space<hbm>>
        %dma_start3A_169 = arith.constant 0 : i32
        %dma_start3A_170 = arith.constant 0 : i32
        %dma_start3A_171 = tpu.memref_slice %arg8[%dma_start3A_169, %dma_start3A_170] : memref<128x64xf32, #tpu.memory_space<vmem>> -> memref<128x64xf32, #tpu.memory_space<vmem>>
        tpu.enqueue_dma source(%dma_start3A_171 : memref<128x64xf32, #tpu.memory_space<vmem>>) target(%dma_start3A_168 : memref<128x64xf32, #tpu.memory_space<hbm>>) target_semaphore(%run_scoped3A : memref<!tpu.dma_semaphore, #tpu.memory_space<semaphore_mem>>)
        %dma_wait3A_172 = arith.constant 0 : i32
        %dma_wait3A_173 = arith.constant 0 : i32
        %dma_wait3A_174 = tpu.memref_slice %arg8[%dma_wait3A_172, %dma_wait3A_173] : memref<128x64xf32, #tpu.memory_space<vmem>> -> memref<128x64xf32, #tpu.memory_space<vmem>>
        %dma_wait3A_175 = arith.constant 0 : i32
        %dma_wait3A_176 = tpu.memref_slice %arg4[%add3A_79, %dma_wait3A_175] : memref<100000x64xf32, #tpu.memory_space<hbm>> -> memref<128x64xf32, #tpu.memory_space<hbm>>
        %dma_wait3A_177 = arith.constant 0 : i32
        %dma_wait3A_178 = tpu.memref_slice %arg4[%add3A_79, %dma_wait3A_177] : memref<100000x64xf32, #tpu.memory_space<hbm>> -> memref<128x64xf32, #tpu.memory_space<hbm>>
        %dma_wait3A_179 = arith.constant 0 : i32
        %dma_wait3A_180 = arith.constant 0 : i32
        %dma_wait3A_181 = tpu.memref_slice %arg8[%dma_wait3A_179, %dma_wait3A_180] : memref<128x64xf32, #tpu.memory_space<vmem>> -> memref<128x64xf32, #tpu.memory_space<vmem>>
        tpu.wait_dma2 semaphore(%run_scoped3A : memref<!tpu.dma_semaphore, #tpu.memory_space<semaphore_mem>>) src(%dma_wait3A_181 : memref<128x64xf32, #tpu.memory_space<vmem>>) dst(%dma_wait3A_178 : memref<128x64xf32, #tpu.memory_space<hbm>>)
        tpu.yield
      }) : () -> ()
      %dma_start3A_80 = arith.constant 0 : i32
      %dma_start3A_81 = arith.constant 0 : i32
      %dma_start3A_82 = tpu.memref_slice %arg8[%dma_start3A_80, %dma_start3A_81] : memref<128x64xf32, #tpu.memory_space<vmem>> -> memref<128x64xf32, #tpu.memory_space<vmem>>
      %dma_start3A_83 = arith.constant 384 : i32
      %dma_start3A_84 = tpu.memref_slice %arg6[%dma_start3A_83] : memref<3200xi32, #tpu.memory_space<vmem>> -> memref<128xi32, #tpu.memory_space<vmem>>
      %dma_start3A_85 = arith.constant 0 : i32
      %dma_start3A_86 = arith.constant 0 : i32
      %dma_start3A_87 = tpu.memref_slice %arg9[%dma_start3A_85, %dma_start3A_86] : memref<257x64xf32, #tpu.memory_space<vmem_shared>> -> memref<257x64xf32, #tpu.memory_space<vmem_shared>>
      tpu.enqueue_indirect_dma source(%dma_start3A_87 : memref<257x64xf32, #tpu.memory_space<vmem_shared>>) target(%dma_start3A_82 : memref<128x64xf32, #tpu.memory_space<vmem>>) offsets(%dma_start3A_84 : memref<128xi32, #tpu.memory_space<vmem>>) semaphore(%arg11 : memref<!tpu.dma_semaphore, #tpu.memory_space<semaphore_mem>>)
      %dma_wait3A_88 = arith.constant 0 : i32
      %dma_wait3A_89 = arith.constant 0 : i32
      %dma_wait3A_90 = tpu.memref_slice %arg7[%dma_wait3A_88, %dma_wait3A_89] : memref<128x64xf32, #tpu.memory_space<vmem>> -> memref<128x64xf32, #tpu.memory_space<vmem>>
      %dma_wait3A_91 = arith.constant 256 : i32
      %dma_wait3A_92 = tpu.memref_slice %arg6[%dma_wait3A_91] : memref<3200xi32, #tpu.memory_space<vmem>> -> memref<128xi32, #tpu.memory_space<vmem>>
      %dma_wait3A_93 = arith.constant 0 : i32
      %dma_wait3A_94 = arith.constant 0 : i32
      %dma_wait3A_95 = tpu.memref_slice %arg9[%dma_wait3A_93, %dma_wait3A_94] : memref<257x64xf32, #tpu.memory_space<vmem_shared>> -> memref<257x64xf32, #tpu.memory_space<vmem_shared>>
      tpu.wait_indirect_dma semaphore(%arg10 : memref<!tpu.dma_semaphore, #tpu.memory_space<semaphore_mem>>) src(%dma_wait3A_95 : memref<257x64xf32, #tpu.memory_space<vmem_shared>>) dst(%dma_wait3A_90 : memref<128x64xf32, #tpu.memory_space<vmem>>)
      %add3A_96 = arith.constant 256 : i32
      %add3A_97 = arith.addi %mul3A_2, %add3A_96 : i32
      "tpu.region"() ({
        %run_scoped3A = tpu.sem_alloc : memref<!tpu.dma_semaphore, #tpu.memory_space<semaphore_mem>>
        %dma_start3A_162 = arith.constant 0 : i32
        %dma_start3A_163 = arith.constant 0 : i32
        %dma_start3A_164 = tpu.memref_slice %arg7[%dma_start3A_162, %dma_start3A_163] : memref<128x64xf32, #tpu.memory_space<vmem>> -> memref<128x64xf32, #tpu.memory_space<vmem>>
        %dma_start3A_165 = arith.constant 0 : i32
        %dma_start3A_166 = tpu.memref_slice %arg4[%add3A_97, %dma_start3A_165] : memref<100000x64xf32, #tpu.memory_space<hbm>> -> memref<128x64xf32, #tpu.memory_space<hbm>>
        %dma_start3A_167 = arith.constant 0 : i32
        %dma_start3A_168 = tpu.memref_slice %arg4[%add3A_97, %dma_start3A_167] : memref<100000x64xf32, #tpu.memory_space<hbm>> -> memref<128x64xf32, #tpu.memory_space<hbm>>
        %dma_start3A_169 = arith.constant 0 : i32
        %dma_start3A_170 = arith.constant 0 : i32
        %dma_start3A_171 = tpu.memref_slice %arg7[%dma_start3A_169, %dma_start3A_170] : memref<128x64xf32, #tpu.memory_space<vmem>> -> memref<128x64xf32, #tpu.memory_space<vmem>>
        tpu.enqueue_dma source(%dma_start3A_171 : memref<128x64xf32, #tpu.memory_space<vmem>>) target(%dma_start3A_168 : memref<128x64xf32, #tpu.memory_space<hbm>>) target_semaphore(%run_scoped3A : memref<!tpu.dma_semaphore, #tpu.memory_space<semaphore_mem>>)
        %dma_wait3A_172 = arith.constant 0 : i32
        %dma_wait3A_173 = arith.constant 0 : i32
        %dma_wait3A_174 = tpu.memref_slice %arg7[%dma_wait3A_172, %dma_wait3A_173] : memref<128x64xf32, #tpu.memory_space<vmem>> -> memref<128x64xf32, #tpu.memory_space<vmem>>
        %dma_wait3A_175 = arith.constant 0 : i32
        %dma_wait3A_176 = tpu.memref_slice %arg4[%add3A_97, %dma_wait3A_175] : memref<100000x64xf32, #tpu.memory_space<hbm>> -> memref<128x64xf32, #tpu.memory_space<hbm>>
        %dma_wait3A_177 = arith.constant 0 : i32
        %dma_wait3A_178 = tpu.memref_slice %arg4[%add3A_97, %dma_wait3A_177] : memref<100000x64xf32, #tpu.memory_space<hbm>> -> memref<128x64xf32, #tpu.memory_space<hbm>>
        %dma_wait3A_179 = arith.constant 0 : i32
        %dma_wait3A_180 = arith.constant 0 : i32
        %dma_wait3A_181 = tpu.memref_slice %arg7[%dma_wait3A_179, %dma_wait3A_180] : memref<128x64xf32, #tpu.memory_space<vmem>> -> memref<128x64xf32, #tpu.memory_space<vmem>>
        tpu.wait_dma2 semaphore(%run_scoped3A : memref<!tpu.dma_semaphore, #tpu.memory_space<semaphore_mem>>) src(%dma_wait3A_181 : memref<128x64xf32, #tpu.memory_space<vmem>>) dst(%dma_wait3A_178 : memref<128x64xf32, #tpu.memory_space<hbm>>)
        tpu.yield
      }) : () -> ()
      %dma_start3A_98 = arith.constant 0 : i32
      %dma_start3A_99 = arith.constant 0 : i32
      %dma_start3A_100 = tpu.memref_slice %arg7[%dma_start3A_98, %dma_start3A_99] : memref<128x64xf32, #tpu.memory_space<vmem>> -> memref<128x64xf32, #tpu.memory_space<vmem>>
      %dma_start3A_101 = arith.constant 512 : i32
      %dma_start3A_102 = tpu.memref_slice %arg6[%dma_start3A_101] : memref<3200xi32, #tpu.memory_space<vmem>> -> memref<128xi32, #tpu.memory_space<vmem>>
      %dma_start3A_103 = arith.constant 0 : i32
      %dma_start3A_104 = arith.constant 0 : i32
      %dma_start3A_105 = tpu.memref_slice %arg9[%dma_start3A_103, %dma_start3A_104] : memref<257x64xf32, #tpu.memory_space<vmem_shared>> -> memref<257x64xf32, #tpu.memory_space<vmem_shared>>
      tpu.enqueue_indirect_dma source(%dma_start3A_105 : memref<257x64xf32, #tpu.memory_space<vmem_shared>>) target(%dma_start3A_100 : memref<128x64xf32, #tpu.memory_space<vmem>>) offsets(%dma_start3A_102 : memref<128xi32, #tpu.memory_space<vmem>>) semaphore(%arg10 : memref<!tpu.dma_semaphore, #tpu.memory_space<semaphore_mem>>)
      %dma_wait3A_106 = arith.constant 0 : i32
      %dma_wait3A_107 = arith.constant 0 : i32
      %dma_wait3A_108 = tpu.memref_slice %arg8[%dma_wait3A_106, %dma_wait3A_107] : memref<128x64xf32, #tpu.memory_space<vmem>> -> memref<128x64xf32, #tpu.memory_space<vmem>>
      %dma_wait3A_109 = arith.constant 384 : i32
      %dma_wait3A_110 = tpu.memref_slice %arg6[%dma_wait3A_109] : memref<3200xi32, #tpu.memory_space<vmem>> -> memref<128xi32, #tpu.memory_space<vmem>>
      %dma_wait3A_111 = arith.constant 0 : i32
      %dma_wait3A_112 = arith.constant 0 : i32
      %dma_wait3A_113 = tpu.memref_slice %arg9[%dma_wait3A_111, %dma_wait3A_112] : memref<257x64xf32, #tpu.memory_space<vmem_shared>> -> memref<257x64xf32, #tpu.memory_space<vmem_shared>>
      tpu.wait_indirect_dma semaphore(%arg11 : memref<!tpu.dma_semaphore, #tpu.memory_space<semaphore_mem>>) src(%dma_wait3A_113 : memref<257x64xf32, #tpu.memory_space<vmem_shared>>) dst(%dma_wait3A_108 : memref<128x64xf32, #tpu.memory_space<vmem>>)
      %add3A_114 = arith.constant 384 : i32
      %add3A_115 = arith.addi %mul3A_2, %add3A_114 : i32
      "tpu.region"() ({
        %run_scoped3A = tpu.sem_alloc : memref<!tpu.dma_semaphore, #tpu.memory_space<semaphore_mem>>
        %dma_start3A_162 = arith.constant 0 : i32
        %dma_start3A_163 = arith.constant 0 : i32
        %dma_start3A_164 = tpu.memref_slice %arg8[%dma_start3A_162, %dma_start3A_163] : memref<128x64xf32, #tpu.memory_space<vmem>> -> memref<128x64xf32, #tpu.memory_space<vmem>>
        %dma_start3A_165 = arith.constant 0 : i32
        %dma_start3A_166 = tpu.memref_slice %arg4[%add3A_115, %dma_start3A_165] : memref<100000x64xf32, #tpu.memory_space<hbm>> -> memref<128x64xf32, #tpu.memory_space<hbm>>
        %dma_start3A_167 = arith.constant 0 : i32
        %dma_start3A_168 = tpu.memref_slice %arg4[%add3A_115, %dma_start3A_167] : memref<100000x64xf32, #tpu.memory_space<hbm>> -> memref<128x64xf32, #tpu.memory_space<hbm>>
        %dma_start3A_169 = arith.constant 0 : i32
        %dma_start3A_170 = arith.constant 0 : i32
        %dma_start3A_171 = tpu.memref_slice %arg8[%dma_start3A_169, %dma_start3A_170] : memref<128x64xf32, #tpu.memory_space<vmem>> -> memref<128x64xf32, #tpu.memory_space<vmem>>
        tpu.enqueue_dma source(%dma_start3A_171 : memref<128x64xf32, #tpu.memory_space<vmem>>) target(%dma_start3A_168 : memref<128x64xf32, #tpu.memory_space<hbm>>) target_semaphore(%run_scoped3A : memref<!tpu.dma_semaphore, #tpu.memory_space<semaphore_mem>>)
        %dma_wait3A_172 = arith.constant 0 : i32
        %dma_wait3A_173 = arith.constant 0 : i32
        %dma_wait3A_174 = tpu.memref_slice %arg8[%dma_wait3A_172, %dma_wait3A_173] : memref<128x64xf32, #tpu.memory_space<vmem>> -> memref<128x64xf32, #tpu.memory_space<vmem>>
        %dma_wait3A_175 = arith.constant 0 : i32
        %dma_wait3A_176 = tpu.memref_slice %arg4[%add3A_115, %dma_wait3A_175] : memref<100000x64xf32, #tpu.memory_space<hbm>> -> memref<128x64xf32, #tpu.memory_space<hbm>>
        %dma_wait3A_177 = arith.constant 0 : i32
        %dma_wait3A_178 = tpu.memref_slice %arg4[%add3A_115, %dma_wait3A_177] : memref<100000x64xf32, #tpu.memory_space<hbm>> -> memref<128x64xf32, #tpu.memory_space<hbm>>
        %dma_wait3A_179 = arith.constant 0 : i32
        %dma_wait3A_180 = arith.constant 0 : i32
        %dma_wait3A_181 = tpu.memref_slice %arg8[%dma_wait3A_179, %dma_wait3A_180] : memref<128x64xf32, #tpu.memory_space<vmem>> -> memref<128x64xf32, #tpu.memory_space<vmem>>
        tpu.wait_dma2 semaphore(%run_scoped3A : memref<!tpu.dma_semaphore, #tpu.memory_space<semaphore_mem>>) src(%dma_wait3A_181 : memref<128x64xf32, #tpu.memory_space<vmem>>) dst(%dma_wait3A_178 : memref<128x64xf32, #tpu.memory_space<hbm>>)
        tpu.yield
      }) : () -> ()
      %dma_start3A_116 = arith.constant 0 : i32
      %dma_start3A_117 = arith.constant 0 : i32
      %dma_start3A_118 = tpu.memref_slice %arg8[%dma_start3A_116, %dma_start3A_117] : memref<128x64xf32, #tpu.memory_space<vmem>> -> memref<128x64xf32, #tpu.memory_space<vmem>>
      %dma_start3A_119 = arith.constant 640 : i32
      %dma_start3A_120 = tpu.memref_slice %arg6[%dma_start3A_119] : memref<3200xi32, #tpu.memory_space<vmem>> -> memref<128xi32, #tpu.memory_space<vmem>>
      %dma_start3A_121 = arith.constant 0 : i32
      %dma_start3A_122 = arith.constant 0 : i32
      %dma_start3A_123 = tpu.memref_slice %arg9[%dma_start3A_121, %dma_start3A_122] : memref<257x64xf32, #tpu.memory_space<vmem_shared>> -> memref<257x64xf32, #tpu.memory_space<vmem_shared>>
      tpu.enqueue_indirect_dma source(%dma_start3A_123 : memref<257x64xf32, #tpu.memory_space<vmem_shared>>) target(%dma_start3A_118 : memref<128x64xf32, #tpu.memory_space<vmem>>) offsets(%dma_start3A_120 : memref<128xi32, #tpu.memory_space<vmem>>) semaphore(%arg11 : memref<!tpu.dma_semaphore, #tpu.memory_space<semaphore_mem>>)
      %dma_wait3A_124 = arith.constant 0 : i32
      %dma_wait3A_125 = arith.constant 0 : i32
      %dma_wait3A_126 = tpu.memref_slice %arg7[%dma_wait3A_124, %dma_wait3A_125] : memref<128x64xf32, #tpu.memory_space<vmem>> -> memref<128x64xf32, #tpu.memory_space<vmem>>
      %dma_wait3A_127 = arith.constant 512 : i32
      %dma_wait3A_128 = tpu.memref_slice %arg6[%dma_wait3A_127] : memref<3200xi32, #tpu.memory_space<vmem>> -> memref<128xi32, #tpu.memory_space<vmem>>
      %dma_wait3A_129 = arith.constant 0 : i32
      %dma_wait3A_130 = arith.constant 0 : i32
      %dma_wait3A_131 = tpu.memref_slice %arg9[%dma_wait3A_129, %dma_wait3A_130] : memref<257x64xf32, #tpu.memory_space<vmem_shared>> -> memref<257x64xf32, #tpu.memory_space<vmem_shared>>
      tpu.wait_indirect_dma semaphore(%arg10 : memref<!tpu.dma_semaphore, #tpu.memory_space<semaphore_mem>>) src(%dma_wait3A_131 : memref<257x64xf32, #tpu.memory_space<vmem_shared>>) dst(%dma_wait3A_126 : memref<128x64xf32, #tpu.memory_space<vmem>>)
      %add3A_132 = arith.constant 512 : i32
      %add3A_133 = arith.addi %mul3A_2, %add3A_132 : i32
      "tpu.region"() ({
        %run_scoped3A = tpu.sem_alloc : memref<!tpu.dma_semaphore, #tpu.memory_space<semaphore_mem>>
        %dma_start3A_162 = arith.constant 0 : i32
        %dma_start3A_163 = arith.constant 0 : i32
        %dma_start3A_164 = tpu.memref_slice %arg7[%dma_start3A_162, %dma_start3A_163] : memref<128x64xf32, #tpu.memory_space<vmem>> -> memref<128x64xf32, #tpu.memory_space<vmem>>
        %dma_start3A_165 = arith.constant 0 : i32
        %dma_start3A_166 = tpu.memref_slice %arg4[%add3A_133, %dma_start3A_165] : memref<100000x64xf32, #tpu.memory_space<hbm>> -> memref<128x64xf32, #tpu.memory_space<hbm>>
        %dma_start3A_167 = arith.constant 0 : i32
        %dma_start3A_168 = tpu.memref_slice %arg4[%add3A_133, %dma_start3A_167] : memref<100000x64xf32, #tpu.memory_space<hbm>> -> memref<128x64xf32, #tpu.memory_space<hbm>>
        %dma_start3A_169 = arith.constant 0 : i32
        %dma_start3A_170 = arith.constant 0 : i32
        %dma_start3A_171 = tpu.memref_slice %arg7[%dma_start3A_169, %dma_start3A_170] : memref<128x64xf32, #tpu.memory_space<vmem>> -> memref<128x64xf32, #tpu.memory_space<vmem>>
        tpu.enqueue_dma source(%dma_start3A_171 : memref<128x64xf32, #tpu.memory_space<vmem>>) target(%dma_start3A_168 : memref<128x64xf32, #tpu.memory_space<hbm>>) target_semaphore(%run_scoped3A : memref<!tpu.dma_semaphore, #tpu.memory_space<semaphore_mem>>)
        %dma_wait3A_172 = arith.constant 0 : i32
        %dma_wait3A_173 = arith.constant 0 : i32
        %dma_wait3A_174 = tpu.memref_slice %arg7[%dma_wait3A_172, %dma_wait3A_173] : memref<128x64xf32, #tpu.memory_space<vmem>> -> memref<128x64xf32, #tpu.memory_space<vmem>>
        %dma_wait3A_175 = arith.constant 0 : i32
        %dma_wait3A_176 = tpu.memref_slice %arg4[%add3A_133, %dma_wait3A_175] : memref<100000x64xf32, #tpu.memory_space<hbm>> -> memref<128x64xf32, #tpu.memory_space<hbm>>
        %dma_wait3A_177 = arith.constant 0 : i32
        %dma_wait3A_178 = tpu.memref_slice %arg4[%add3A_133, %dma_wait3A_177] : memref<100000x64xf32, #tpu.memory_space<hbm>> -> memref<128x64xf32, #tpu.memory_space<hbm>>
        %dma_wait3A_179 = arith.constant 0 : i32
        %dma_wait3A_180 = arith.constant 0 : i32
        %dma_wait3A_181 = tpu.memref_slice %arg7[%dma_wait3A_179, %dma_wait3A_180] : memref<128x64xf32, #tpu.memory_space<vmem>> -> memref<128x64xf32, #tpu.memory_space<vmem>>
        tpu.wait_dma2 semaphore(%run_scoped3A : memref<!tpu.dma_semaphore, #tpu.memory_space<semaphore_mem>>) src(%dma_wait3A_181 : memref<128x64xf32, #tpu.memory_space<vmem>>) dst(%dma_wait3A_178 : memref<128x64xf32, #tpu.memory_space<hbm>>)
        tpu.yield
      }) : () -> ()
      %dma_start3A_134 = arith.constant 0 : i32
      %dma_start3A_135 = arith.constant 0 : i32
      %dma_start3A_136 = tpu.memref_slice %arg7[%dma_start3A_134, %dma_start3A_135] : memref<128x64xf32, #tpu.memory_space<vmem>> -> memref<32x64xf32, #tpu.memory_space<vmem>>
      %dma_start3A_137 = arith.constant 768 : i32
      %dma_start3A_138 = tpu.memref_slice %arg6[%dma_start3A_137] : memref<3200xi32, #tpu.memory_space<vmem>> -> memref<32xi32, #tpu.memory_space<vmem>>
      %dma_start3A_139 = arith.constant 0 : i32
      %dma_start3A_140 = arith.constant 0 : i32
      %dma_start3A_141 = tpu.memref_slice %arg9[%dma_start3A_139, %dma_start3A_140] : memref<257x64xf32, #tpu.memory_space<vmem_shared>> -> memref<257x64xf32, #tpu.memory_space<vmem_shared>>
      tpu.enqueue_indirect_dma source(%dma_start3A_141 : memref<257x64xf32, #tpu.memory_space<vmem_shared>>) target(%dma_start3A_136 : memref<32x64xf32, #tpu.memory_space<vmem>>) offsets(%dma_start3A_138 : memref<32xi32, #tpu.memory_space<vmem>>) semaphore(%arg10 : memref<!tpu.dma_semaphore, #tpu.memory_space<semaphore_mem>>)
      %dma_wait3A_142 = arith.constant 0 : i32
      %dma_wait3A_143 = arith.constant 0 : i32
      %dma_wait3A_144 = tpu.memref_slice %arg8[%dma_wait3A_142, %dma_wait3A_143] : memref<128x64xf32, #tpu.memory_space<vmem>> -> memref<128x64xf32, #tpu.memory_space<vmem>>
      %dma_wait3A_145 = arith.constant 640 : i32
      %dma_wait3A_146 = tpu.memref_slice %arg6[%dma_wait3A_145] : memref<3200xi32, #tpu.memory_space<vmem>> -> memref<128xi32, #tpu.memory_space<vmem>>
      %dma_wait3A_147 = arith.constant 0 : i32
      %dma_wait3A_148 = arith.constant 0 : i32
      %dma_wait3A_149 = tpu.memref_slice %arg9[%dma_wait3A_147, %dma_wait3A_148] : memref<257x64xf32, #tpu.memory_space<vmem_shared>> -> memref<257x64xf32, #tpu.memory_space<vmem_shared>>
      tpu.wait_indirect_dma semaphore(%arg11 : memref<!tpu.dma_semaphore, #tpu.memory_space<semaphore_mem>>) src(%dma_wait3A_149 : memref<257x64xf32, #tpu.memory_space<vmem_shared>>) dst(%dma_wait3A_144 : memref<128x64xf32, #tpu.memory_space<vmem>>)
      %add3A_150 = arith.constant 640 : i32
      %add3A_151 = arith.addi %mul3A_2, %add3A_150 : i32
      "tpu.region"() ({
        %run_scoped3A = tpu.sem_alloc : memref<!tpu.dma_semaphore, #tpu.memory_space<semaphore_mem>>
        %dma_start3A_162 = arith.constant 0 : i32
        %dma_start3A_163 = arith.constant 0 : i32
        %dma_start3A_164 = tpu.memref_slice %arg8[%dma_start3A_162, %dma_start3A_163] : memref<128x64xf32, #tpu.memory_space<vmem>> -> memref<128x64xf32, #tpu.memory_space<vmem>>
        %dma_start3A_165 = arith.constant 0 : i32
        %dma_start3A_166 = tpu.memref_slice %arg4[%add3A_151, %dma_start3A_165] : memref<100000x64xf32, #tpu.memory_space<hbm>> -> memref<128x64xf32, #tpu.memory_space<hbm>>
        %dma_start3A_167 = arith.constant 0 : i32
        %dma_start3A_168 = tpu.memref_slice %arg4[%add3A_151, %dma_start3A_167] : memref<100000x64xf32, #tpu.memory_space<hbm>> -> memref<128x64xf32, #tpu.memory_space<hbm>>
        %dma_start3A_169 = arith.constant 0 : i32
        %dma_start3A_170 = arith.constant 0 : i32
        %dma_start3A_171 = tpu.memref_slice %arg8[%dma_start3A_169, %dma_start3A_170] : memref<128x64xf32, #tpu.memory_space<vmem>> -> memref<128x64xf32, #tpu.memory_space<vmem>>
        tpu.enqueue_dma source(%dma_start3A_171 : memref<128x64xf32, #tpu.memory_space<vmem>>) target(%dma_start3A_168 : memref<128x64xf32, #tpu.memory_space<hbm>>) target_semaphore(%run_scoped3A : memref<!tpu.dma_semaphore, #tpu.memory_space<semaphore_mem>>)
        %dma_wait3A_172 = arith.constant 0 : i32
        %dma_wait3A_173 = arith.constant 0 : i32
        %dma_wait3A_174 = tpu.memref_slice %arg8[%dma_wait3A_172, %dma_wait3A_173] : memref<128x64xf32, #tpu.memory_space<vmem>> -> memref<128x64xf32, #tpu.memory_space<vmem>>
        %dma_wait3A_175 = arith.constant 0 : i32
        %dma_wait3A_176 = tpu.memref_slice %arg4[%add3A_151, %dma_wait3A_175] : memref<100000x64xf32, #tpu.memory_space<hbm>> -> memref<128x64xf32, #tpu.memory_space<hbm>>
        %dma_wait3A_177 = arith.constant 0 : i32
        %dma_wait3A_178 = tpu.memref_slice %arg4[%add3A_151, %dma_wait3A_177] : memref<100000x64xf32, #tpu.memory_space<hbm>> -> memref<128x64xf32, #tpu.memory_space<hbm>>
        %dma_wait3A_179 = arith.constant 0 : i32
        %dma_wait3A_180 = arith.constant 0 : i32
        %dma_wait3A_181 = tpu.memref_slice %arg8[%dma_wait3A_179, %dma_wait3A_180] : memref<128x64xf32, #tpu.memory_space<vmem>> -> memref<128x64xf32, #tpu.memory_space<vmem>>
        tpu.wait_dma2 semaphore(%run_scoped3A : memref<!tpu.dma_semaphore, #tpu.memory_space<semaphore_mem>>) src(%dma_wait3A_181 : memref<128x64xf32, #tpu.memory_space<vmem>>) dst(%dma_wait3A_178 : memref<128x64xf32, #tpu.memory_space<hbm>>)
        tpu.yield
      }) : () -> ()
      %dma_wait3A_152 = arith.constant 0 : i32
      %dma_wait3A_153 = arith.constant 0 : i32
      %dma_wait3A_154 = tpu.memref_slice %arg7[%dma_wait3A_152, %dma_wait3A_153] : memref<128x64xf32, #tpu.memory_space<vmem>> -> memref<32x64xf32, #tpu.memory_space<vmem>>
      %dma_wait3A_155 = arith.constant 768 : i32
      %dma_wait3A_156 = tpu.memref_slice %arg6[%dma_wait3A_155] : memref<3200xi32, #tpu.memory_space<vmem>> -> memref<32xi32, #tpu.memory_space<vmem>>
      %dma_wait3A_157 = arith.constant 0 : i32
      %dma_wait3A_158 = arith.constant 0 : i32
      %dma_wait3A_159 = tpu.memref_slice %arg9[%dma_wait3A_157, %dma_wait3A_158] : memref<257x64xf32, #tpu.memory_space<vmem_shared>> -> memref<257x64xf32, #tpu.memory_space<vmem_shared>>
      tpu.wait_indirect_dma semaphore(%arg10 : memref<!tpu.dma_semaphore, #tpu.memory_space<semaphore_mem>>) src(%dma_wait3A_159 : memref<257x64xf32, #tpu.memory_space<vmem_shared>>) dst(%dma_wait3A_154 : memref<32x64xf32, #tpu.memory_space<vmem>>)
      %add3A_160 = arith.constant 768 : i32
      %add3A_161 = arith.addi %mul3A_2, %add3A_160 : i32
      "tpu.region"() ({
        %run_scoped3A = tpu.sem_alloc : memref<!tpu.dma_semaphore, #tpu.memory_space<semaphore_mem>>
        %dma_start3A_162 = arith.constant 0 : i32
        %dma_start3A_163 = arith.constant 0 : i32
        %dma_start3A_164 = tpu.memref_slice %arg7[%dma_start3A_162, %dma_start3A_163] : memref<128x64xf32, #tpu.memory_space<vmem>> -> memref<32x64xf32, #tpu.memory_space<vmem>>
        %dma_start3A_165 = arith.constant 0 : i32
        %dma_start3A_166 = tpu.memref_slice %arg4[%add3A_161, %dma_start3A_165] : memref<100000x64xf32, #tpu.memory_space<hbm>> -> memref<32x64xf32, #tpu.memory_space<hbm>>
        %dma_start3A_167 = arith.constant 0 : i32
        %dma_start3A_168 = tpu.memref_slice %arg4[%add3A_161, %dma_start3A_167] : memref<100000x64xf32, #tpu.memory_space<hbm>> -> memref<32x64xf32, #tpu.memory_space<hbm>>
        %dma_start3A_169 = arith.constant 0 : i32
        %dma_start3A_170 = arith.constant 0 : i32
        %dma_start3A_171 = tpu.memref_slice %arg7[%dma_start3A_169, %dma_start3A_170] : memref<128x64xf32, #tpu.memory_space<vmem>> -> memref<32x64xf32, #tpu.memory_space<vmem>>
        tpu.enqueue_dma source(%dma_start3A_171 : memref<32x64xf32, #tpu.memory_space<vmem>>) target(%dma_start3A_168 : memref<32x64xf32, #tpu.memory_space<hbm>>) target_semaphore(%run_scoped3A : memref<!tpu.dma_semaphore, #tpu.memory_space<semaphore_mem>>)
        %dma_wait3A_172 = arith.constant 0 : i32
        %dma_wait3A_173 = arith.constant 0 : i32
        %dma_wait3A_174 = tpu.memref_slice %arg7[%dma_wait3A_172, %dma_wait3A_173] : memref<128x64xf32, #tpu.memory_space<vmem>> -> memref<32x64xf32, #tpu.memory_space<vmem>>
        %dma_wait3A_175 = arith.constant 0 : i32
        %dma_wait3A_176 = tpu.memref_slice %arg4[%add3A_161, %dma_wait3A_175] : memref<100000x64xf32, #tpu.memory_space<hbm>> -> memref<32x64xf32, #tpu.memory_space<hbm>>
        %dma_wait3A_177 = arith.constant 0 : i32
        %dma_wait3A_178 = tpu.memref_slice %arg4[%add3A_161, %dma_wait3A_177] : memref<100000x64xf32, #tpu.memory_space<hbm>> -> memref<32x64xf32, #tpu.memory_space<hbm>>
        %dma_wait3A_179 = arith.constant 0 : i32
        %dma_wait3A_180 = arith.constant 0 : i32
        %dma_wait3A_181 = tpu.memref_slice %arg7[%dma_wait3A_179, %dma_wait3A_180] : memref<128x64xf32, #tpu.memory_space<vmem>> -> memref<32x64xf32, #tpu.memory_space<vmem>>
        tpu.wait_dma2 semaphore(%run_scoped3A : memref<!tpu.dma_semaphore, #tpu.memory_space<semaphore_mem>>) src(%dma_wait3A_181 : memref<32x64xf32, #tpu.memory_space<vmem>>) dst(%dma_wait3A_178 : memref<32x64xf32, #tpu.memory_space<hbm>>)
        tpu.yield
      }) : () -> ()
    } else {
    }
    return
  }
}

</mosaic_0001>

<sc_bundles>
// kernel: kernel.4.cloned.1.call-start
scs
__scs_entry_jumppad:
0x0: {  	(pc) =	sbr.rel $0x88, $3  }
0x1: {  	(tag) =	ssettag $0x0;
	lr =	simm.s32 $0x1  }
0x2: {  	[smem:$0x3F9F] =	sst lr;
	_ =	strace $0xD0000000  }
0x3: {  	_ = 	snop  }
0x4: {  	_ = 	snop  }
0x5: {  	_ = 	snop  }
0x6: {  	_ = 	snop  }
0x7: {  	_ = 	snop  }
__scs_overlays_trampoline_lowered:
0x8: {  	[smem:$0x3FAE] =	sst s0  }
0x9: {  	[smem:$0x3FAF] =	sst s1  }
0xa: {  	[smem:$0x3FB0] =	sst s2  }
0xb: {  	[smem:$0x3FB1] =	sst s3  }
0xc: {  	[smem:$0x3FB2] =	sst s4  }
0xd: {  	[smem:$0x3FB3] =	sst s5  }
0xe: {  	[smem:$0x3FB4] =	sst s6  }
0xf: {  	[smem:$0x3FB5] =	sst s7  }
0x10: {  	[smem:$0x3FB6] =	sst s8  }
0x11: {  	[smem:$0x3FB7] =	sst s9;
	s0 =	simm.s32 @!p0 $0x0  }
0x12: {  	s1 =	sld [smem:$0x3F9D];
	s0 =	simm.s32 @p0 $0x1  }
0x13: {  	[smem:$0x3FB8] =	sst s0;
	s0 =	simm.s32 @!p1 $0x0  }
0x14: {  	s2 =	sld [smem:$0x3F9C];
	s0 =	simm.s32 @p1 $0x1  }
0x15: {  	[smem:$0x3FB9] =	sst s0;
	s0 =	simm.s32 @!p2 $0x0  }
0x16: {  	s3 =	sld [smem:$0x3FDB];
	s0 =	simm.s32 @p2 $0x1  }
0x17: {  	s4 =	simm.s32 $0x1BF5;
	[smem:$0x3FBB] =	sst s0  }
0x18: {  	s0 =	sld [smem:$0x3F9E];
	_ =	swait.ge [sflag:s4], $0x0  }
0x19: {  	s7 =	sld [smem:$0x3F9F]  }
0x1a: {  	s8 =	sadd.s32 $0xFFFFE003, lr  }
0x1b: {  	s9 =	sadd.s32 $0xFFFFFEF7, lr;
	s5 =	simm.s32 $0xFFFFFFFF;
	p2 =	slt.u32 s8, $0xFFFFF086  }
0x1c: {  	p1 =	slt.u32 s9, $0xF7A;
	s5 =	simm.s32 @!p2 $0x0  }
0x1d: {  	s5 =	simm.s32 @p1 $0x1;
	p0 =	seq.s32 s7, s2  }
0x1e: {  	s7 =	smul.u32 @!p0 $0xF7A, s2;
	p2 =	seq.s32 @!p0 s5, $0x0  }
0x1f: {  	s9 =	smul.u32 $0xF7A, s1;
	s8 =	simm.s32 @!p0 $0x1BF5;
	p2 =	por !p2, p0  }
0x20: {  	[sflag:s8] =	ssyncset.s32 @!p0 $0xFFFFF086;
	s6 =	sadd.s32 @!p0 s3, s7;
	s7 =	simm.s32 @!p0 $0x108  }
0x21: {  	s3 =	sadd.s32 s3, s9;
	s6 =	sadd.s32 @!p0 $0x88, s6;
	s7 =	simm.s32 @p2 $0x1082  }
0x22: {  	[simem:s7], [sflag:s8] =	dma.local @!p0 [hbm:s6], $0xF7A  }
0x23: {  	s9 =	sor.u32 $0xD0000000, s2;
	s6 =	simm.s32 $0x108;
	_ =	swait.ge @!p0 [sflag:s8], $0x0  }
0x24: {  	s3 =	sadd.s32 $0x88, s3;
	s6 =	simm.s32 @!p1 $0x1082;
	[sflag:s4] =	ssyncset.s32 $0xFFFFF086  }
0x25: {  	[simem:s6], [sflag:s4] =	dma.local [hbm:s3], $0xF7A  }
0x26: {  	[smem:$0x3F9F] =	sst s1;
	(tag) =	ssettag s2;
	_ =	strace s9  }
0x27: {  	s1 =	sld [smem:$0x3FAF]  }
0x28: {  	s2 =	sld [smem:$0x3FB0]  }
0x29: {  	s4 =	sld [smem:$0x3FB2]  }
0x2a: {  	p0 =	seq.s32 s5, $0x0;
	s5 =	sld [smem:$0x3FB3]  }
0x2b: {  	s6 =	sld [smem:$0x3FB4]  }
0x2c: {  	s7 =	sld [smem:$0x3FB5]  }
0x2d: {  	s3 =	simm.s32 $0x108;
	s8 =	sld [smem:$0x3FB6]  }
0x2e: {  	s3 =	simm.s32 @!p0 $0x1082;
	s9 =	sld [smem:$0x3FB7]  }
0x2f: {  	lr =	sadd.s32 s0, s3;
	s0 =	sld [smem:$0x3FAE]  }
0x30: {  	s3 =	sld [smem:$0x3FB1]  }
0x31: {  	[smem:$0x3FBA] =	sst s10  }
0x32: {  	s10 =	sld [smem:$0x3FB8];
	_ =	sdelay $0x3  }
0x33: {  	p0 =	seq.s32 s10, $0x1;
	s10 =	sld [smem:$0x3FBA];
	_ =	sdelay $0x3  }
0x34: {  	[smem:$0x3FBA] =	sst s10  }
0x35: {  	s10 =	sld [smem:$0x3FB9];
	_ =	sdelay $0x3  }
0x36: {  	p1 =	seq.s32 s10, $0x1;
	s10 =	sld [smem:$0x3FBA];
	_ =	sdelay $0x3  }
0x37: {  	[smem:$0x3FBA] =	sst s10  }
0x38: {  	s10 =	sld [smem:$0x3FBB]  }
0x39: {  	_ = 	snop;
	(pc) =	sbr.ind lr, $3  }
0x3a: {  	_ = 	snop  }
0x3b: {  	_ = 	snop  }
0x3c: {  	p2 =	seq.s32 s10, $0x1;
	s10 =	sld [smem:$0x3FBA]  }
0x3d: {  	_ =	shalt  }
0x3e: {  	_ =	shalt  }
0x3f: {  	_ =	shalt  }
0x40: {  	_ =	shalt  }
0x41: {  	_ =	shalt  }
0x42: {  	_ =	shalt  }
0x43: {  	_ =	shalt  }
0x44: {  	_ =	shalt  }
0x45: {  	_ =	shalt  }
0x46: {  	_ =	shalt  }
0x47: {  	_ =	shalt  }
0x48: {  	_ =	shalt  }
0x49: {  	_ =	shalt  }
0x4a: {  	_ =	shalt  }
0x4b: {  	_ =	shalt  }
0x4c: {  	_ =	shalt  }
0x4d: {  	_ =	shalt  }
0x4e: {  	_ =	shalt  }
0x4f: {  	_ =	shalt  }
0x50: {  	_ =	shalt  }
0x51: {  	_ =	shalt  }
0x52: {  	_ =	shalt  }
0x53: {  	_ =	shalt  }
0x54: {  	_ =	shalt  }
0x55: {  	_ =	shalt  }
0x56: {  	_ =	shalt  }
0x57: {  	_ =	shalt  }
0x58: {  	_ =	shalt  }
0x59: {  	_ =	shalt  }
0x5a: {  	_ =	shalt  }
0x5b: {  	_ =	shalt  }
0x5c: {  	_ =	shalt  }
0x5d: {  	_ =	shalt  }
0x5e: {  	_ =	shalt  }
0x5f: {  	_ =	shalt  }
0x60: {  	_ =	shalt  }
0x61: {  	_ =	shalt  }
0x62: {  	_ =	shalt  }
0x63: {  	_ =	shalt  }
0x64: {  	_ =	shalt  }
0x65: {  	_ =	shalt  }
0x66: {  	_ =	shalt  }
0x67: {  	_ =	shalt  }
0x68: {  	_ =	shalt  }
0x69: {  	_ =	shalt  }
0x6a: {  	_ =	shalt  }
0x6b: {  	_ =	shalt  }
0x6c: {  	_ =	shalt  }
0x6d: {  	_ =	shalt  }
0x6e: {  	_ =	shalt  }
0x6f: {  	_ =	shalt  }
0x70: {  	_ =	shalt  }
0x71: {  	_ =	shalt  }
0x72: {  	_ =	shalt  }
0x73: {  	_ =	shalt  }
0x74: {  	_ =	shalt  }
0x75: {  	_ =	shalt  }
0x76: {  	_ =	shalt  }
0x77: {  	_ =	shalt  }
0x78: {  	_ =	shalt  }
0x79: {  	_ =	shalt  }
0x7a: {  	_ =	shalt  }
0x7b: {  	_ =	shalt  }
0x7c: {  	_ =	shalt  }
0x7d: {  	_ =	shalt  }
0x7e: {  	_ =	shalt  }
0x7f: {  	_ =	shalt  }
0x80: {  	_ =	shalt  }
0x81: {  	_ =	shalt  }
0x82: {  	_ =	shalt  }
0x83: {  	_ =	shalt  }
0x84: {  	_ =	shalt  }
0x85: {  	_ =	shalt  }
0x86: {  	_ =	shalt  }
0x87: {  	_ =	shalt  }
.Lfunc_end0:
.L_simem_size_0:
called_computation_lowered:
.L_overlay_start_0:
0x88: {  	s2 =	sld [smem:$0x3FD9]  }
0x89: {  	s3 =	sld [smem:$0x3FFE];
	_ =	sdelay $0x1  }
0x8a: {  	s1 =	srdreg.scid  }
0x8b: {  	s0 =	sand.u32 $0x1, s1  }
0x8c: {  	s17 =	sshll.u32 s0, $0xA;
	s2 =	sadd.s32 s3, s2  }
0x8d: {  	s2 =	sadd.s32 s2, s17  }
0x8e: {  	[smem:$0x3FC6] =	sst s2  }
0x8f: {  	_ = 	snop  }
0x90: {  	s2 =	sld [smem:$0x3FD0];
	(tm) =	ssettm $0x1  }
0x91: {  	s18 =	sld [smem:$0x3FFB];
	_ =	sdelay $0x3  }
0x92: {  	_ =	strace s18  }
0x93: {  	s3 =	sld [smem:$0x3FFC];
	_ =	sdelay $0x3  }
0x94: {  	_ =	strace s3  }
0x95: {  	s3 =	sld [smem:$0x3FFD];
	_ =	sdelay $0x3  }
0x96: {  	_ =	strace s3  }
0x97: {  	_ =	strace $0x8FFFFFFF  }
0x98: {  	s19 =	sld [smem:$0x3FDB];
	_ =	sdelay $0x1  }
0x99: {  	s4 =	simm.s32 $_scs_section_size  }
0x9a: {  	s5 =	simm.s32 $_size__tile_overlayer_lowered;
	s6 =	simm.s32 $_tile_overlayer_lowered  }
0x9b: {  	s22 =	simm.s32 $0x1BFF;
	s21 =	sshll.u32 s6, $0x1;
	s3 =	sadd.s32 s4, s19  }
0x9c: {  	s7 =	simm.s32 $0x0;
	s20 =	sshll.u32 s5, $0x1;
	s5 =	sadd.s32 s21, s3  }
0x9d: {  	[timem:s7], [sflag:s22] =	dma.local [hbm:s5], s20  }
0x9e: {  	_ =	swait.ge [sflag:s22], s20  }
0x9f: {  	s4 =	ssub.s32 $0x0, s20;
	[sflag:s22] =	ssyncset.done $0x0  }
0xa0: {  	[sflag:s22] =	ssyncadd.s32 s4;
	_ =	sdelay $0x1  }
0xa1: {  	s23 =	simm.s32 $0x1B8B  }
0xa2: {  	_ =	swait.ge [sflag:s23], $0x1  }
0xa3: {  	[sflag:s23] =	ssyncset.done $0x0  }
0xa4: {  	s25 =	simm.s32 $0x1B8E;
	s24 =	sld [smem:$0x3FFE];
	[sflag:s23] =	ssyncadd.s32 $0xFFFFFFFF  }
0xa5: {  	s26 =	simm.s32 $execute0_lowered;
	[smem:$0x3FD2] =	sst s25  }
0xa6: {  	s5 =	sshll.u32 s26, $0x1;
	_ =	strace $0x80000046;
	[dreg:$0x1] =	wrdreg $0xFFFFFFFF  }
0xa7: {  	s28 =	simm.s32 $_size_execute0_lowered;
	s3 =	sadd.s32 s3, s5;
	[dreg:$0x0] =	wrdreg $0x0  }
0xa8: {  	s5 =	sshll.u32 s28, $0x1;
	[dreg:$0x2] =	wrdreg s3  }
0xa9: {  	[dreg:$0x3] =	wrdreg s5  }
0xaa: {  	[dreg:$0x4] =	wrdreg $0xC0  }
0xab: {  	_ =	task [dreg:s7], $0x5FFFF  }
0xac: {  	[dreg:$0x1] =	wrdreg $0xFFFFFFFF  }
0xad: {  	[dreg:$0x0] =	wrdreg $0x60  }
0xae: {  	[dreg:$0x2] =	wrdreg s2  }
0xaf: {  	[dreg:$0x3] =	wrdreg s24  }
0xb0: {  	[dreg:$0x4] =	wrdreg $0x9  }
0xb1: {  	_ =	task.clear_ibuf [dreg:s7], $0x5FFFF;
	_ =	strace $0x90000046  }
0xb2: {  	s29 =	simm.s32 $0x9;
	_ =	strace $0x80000048  }
0xb3: {  	_ =	swait.ge [sflag:s29], $0x1  }
0xb4: {  	[sflag:s29] =	ssyncadd.s32 $0xFFFFFFFF  }
0xb5: {  	_ =	strace $0x90000048  }
0xb6: {  	_ =	sfence  }
0xb7: {  	s30 =	sld [smem:$0x0];
	_ =	sdelay $0x2  }
0xb8: {  	s31 =	sshll.u32 s1, $0xD;
	s1 =	sshrl.u32 s1, $0x2  }
0xb9: {  	s3 =	sand.u32 $0x4000, s31;
	s1 =	sadd.s32 s1, s30  }
0xba: {  	s0 =	sor.u32 s3, s0;
	s1 =	sshll.u32 s1, $0x11  }
0xbb: {  	s0 =	sor.u32 s1, s0  }
0xbc: {  	s0 =	sadd.s32 $0x8F2B, s0  }
0xbd: {  	[sflag:s0] =	ssyncadd.remote.s32 $0x1  }
0xbe: {  	_ =	sfence.sel $0xFFFF  }
0xbf: {  	[dreg:$0x0] =	wrdreg $0xFFFFFFFF;
	(pc) =	sbr.abs _section_cstart, $3  }
0xc0: {  	[dreg:$0x1] =	wrdreg $0xFFFFFFFF  }
0xc1: {  	_ =	task.clear_ibuf [dreg:s7], $0x2FFFF;
	_ =	strace $0x9FFFFFFF  }
0xc2: {  	(tm) =	ssettm $0x7FFFFFFF  }
0xc3: {  	_ =	shalt  }
tec
execute0_lowered:
.L_overlay_start_1:
0x0: {  	(tag) =	ssettag $0x1  }
0x1: {  	s0 =	srdreg.scid  }
0x2: {  	s2 =	stileid.u32;
	s1 =	rddreg [dreg:$0x0]  }
0x3: {  	s3 =	rddreg [dreg:$0x1];
	s0 =	sand.u32 $0x1, s0;
	s2 =	sshll.u32 s2, $0x1  }
0x4: {  	s31 =	simm.s32 $0x1F40;
	s4 =	sor.u32 s0, s2;
	s2 =	simm.s32 $0x0  }
0x5: {  	s0 =	ssub.s32 $0x2, s0;
	s5 =	smul.u32 $0x30D40, s4;
	[smem:$0x7FF] =	sst s2  }
0x6: {  	s4 =	smul.u32 $0x3200, s4;
	s6 =	sshrl.u32 s0, $0x1;
	_ =	strace $0x80000047  }
0x7: {  	s0 =	ssub.s32 s0, s6;
	s6 =	simm.s32 $0x0;
	s5 =	sshrl.u32 s5, $0x3  }
0x8: {  	s4 =	sadd.s32 s4, s3;
	s3 =	sadd.s32 s1, s5;
	s5 =	simm.s32 $0x3  }
0x9: {  	s1 =	sadd.s32 $0x3E8, s3;
	s21 =	sadd.s32 $0x7D0, s3;
	s22 =	sadd.s32 $0xBB8, s3  }
0xa: {  	s23 =	sadd.s32 $0xFA0, s3;
	s24 =	sadd.s32 $0x1388, s3;
	s25 =	sadd.s32 $0x1770, s3  }
0xb: {  	s26 =	sadd.s32 $0x1B58, s3;
	s11 =	sadd.s32 $0x1F40, s3;
	[dreg:$0x3] =	wrdreg s1  }
0xc: {  	s12 =	sadd.s32 $0x2328, s3;
	s13 =	sadd.s32 $0x2710, s3;
	[dreg:$0x4] =	wrdreg s21  }
0xd: {  	s14 =	sadd.s32 $0x2AF8, s3;
	s15 =	sadd.s32 $0x2EE0, s3;
	[dreg:$0x5] =	wrdreg s22  }
0xe: {  	s16 =	sadd.s32 $0x32C8, s3;
	s17 =	sadd.s32 $0x36B0, s3;
	[dreg:$0x6] =	wrdreg s23  }
0xf: {  	s18 =	sadd.s32 $0x3A98, s3;
	s19 =	sadd.s32 $0x3E80, s3;
	[dreg:$0x7] =	wrdreg s24  }
0x10: {  	s20 =	sadd.s32 $0x4268, s3;
	s28 =	sadd.s32 $0x55F0, s3;
	[dreg:$0x8] =	wrdreg s25  }
0x11: {  	s29 =	sadd.s32 $0x59D8, s3;
	s30 =	sadd.s32 $0x5DC0, s3;
	[dreg:$0x9] =	wrdreg s26  }
0x12: {  	s21 =	sadd.s32 $0x4650, s3;
	s22 =	sadd.s32 $0x4A38, s3;
	s23 =	sadd.s32 $0x4E20, s3  }
0x13: {  	s24 =	sadd.s32 $0xA00, s4;
	s25 =	smax.u32 s0, $0x1;
	s26 =	sadd.s32 $0x5208, s3  }
0x14: {  	v0 =	vimm.s32 $0x0;
	v1 =	vimm.s32 $0x1;
	s1 =	simm.s32 $0x1;
	s0 =	simm.s32 $0x3E80;
	s4 =	simm.s32 $0x2  }
.LBB2_1:
0x15: {  	s7 =	simm.s32 $0x3EC0  }
0x16: {  	[tilespmem:s7+$0xFFFFFFC0] =	vst v0  }
0x17: {  	[tilespmem:s7+$0x30] =	vst v0  }
0x18: {  	[tilespmem:s7+$0x20] =	vst v0  }
0x19: {  	[tilespmem:s7+$0x10] =	vst v0  }
0x1a: {  	[tilespmem:s7+$0x0] =	vst v0  }
0x1b: {  	[tilespmem:s7+$0xFFFFFFF0] =	vst v0  }
0x1c: {  	s8 =	simm.s32 $0x0;
	[tilespmem:s7+$0xFFFFFFE0] =	vst v0  }
.LBB2_2:
0x1d: {  	s8 =	sadd.s32 $0x80, s8;
	[tilespmem:s7+$0xFFFFFFD0] =	vst v0;
	s7 =	sadd.s32 $0x80, s7  }
0x1e: {  	[tilespmem:s7+$0xFFFFFFC0] =	vst v0;
	p0 =	slt.u32 s8, $0x18F80  }
0x1f: {  	[tilespmem:s7+$0x30] =	vst v0  }
.Ltmp0:
0x20: {  	[tilespmem:s7+$0x20] =	vst v0;
	(pc) =	sbr.rel @p0 .LBB2_2-.Ltmp0, $4  }
0x21: {  	[tilespmem:s7+$0x10] =	vst v0  }
0x22: {  	[tilespmem:s7+$0x0] =	vst v0  }
0x23: {  	[tilespmem:s7+$0xFFFFFFF0] =	vst v0  }
0x24: {  	[tilespmem:s7+$0xFFFFFFE0] =	vst v0  }
0x25: {  	[tilespmem:s7+$0xFFFFFFD0] =	vst v0  }
0x26: {  	[tilespmem:s2], [sflag:$0x1] =	stream.linear.gather [hbm4b:s3+s2], $0x1F40, $0x38;
	[tilespmem:$0x1CE80] =	vst v63  }
0x27: {  	s7 =	rddreg [dreg:$0x3]  }
0x28: {  	[tilespmem:s31], [sflag:$0x2] =	stream.linear.gather [hbm4b:s7+s2], $0x1F40, $0x38;
	[tilespmem:$0x1CE80] =	vst v63  }
0x29: {  	_ =	swait.ge [sflag:s1], $0x1F40  }
0x2a: {  	[sflag:s1] =	ssyncset.done $0x0  }
0x2b: {  	s7 =	simm.s32 $0x40;
	[sflag:s1] =	ssyncadd.s32 $0xFFFFE0C0  }
0x2c: {  	v3 =	vld [tilespmem:s7+$0xFFFFFFC0]  }
0x2d: {  	v4 =	vld [tilespmem:s7+$0x30]  }
0x2e: {  	v5 =	vld [tilespmem:s7+$0x20]  }
0x2f: {  	v6 =	vld [tilespmem:s7+$0x10]  }
0x30: {  	v7 =	vld [tilespmem:s7+$0x0]  }
0x31: {  	v8 =	vld [tilespmem:s7+$0xFFFFFFF0]  }
0x32: {  	v9 =	vld [tilespmem:s7+$0xFFFFFFE0]  }
0x33: {  	v2 =	vld [tilespmem:s7+$0xFFFFFFD0]  }
0x34: {  	[tilespmem:v3+s0+$0x0] =	vst.idx.add.s32.msk $0xffff, v1  }
0x35: {  	[tilespmem:v4+s0+$0x0] =	vst.idx.add.s32.msk $0xffff, v1  }
0x36: {  	[tilespmem:v5+s0+$0x0] =	vst.idx.add.s32.msk $0xffff, v1  }
0x37: {  	[tilespmem:v6+s0+$0x0] =	vst.idx.add.s32.msk $0xffff, v1  }
0x38: {  	[tilespmem:v7+s0+$0x0] =	vst.idx.add.s32.msk $0xffff, v1  }
0x39: {  	[tilespmem:v8+s0+$0x0] =	vst.idx.add.s32.msk $0xffff, v1  }
0x3a: {  	s10 =	simm.s32 $0x0;
	s8 =	simm.s32 $0x1F00;
	[tilespmem:v9+s0+$0x0] =	vst.idx.add.s32.msk $0xffff, v1  }
.LBB2_4:
0x3b: {  	s10 =	sadd.s32 $0x80, s10;
	[tilespmem:v2+s0+$0x0] =	vst.idx.add.s32.msk $0xffff, v1;
	s7 =	sadd.s32 $0x80, s7;
	s9 =	simm.s32 $0x1EF0  }
0x3c: {  	v3 =	vld [tilespmem:s7+$0xFFFFFFC0];
	p0 =	slt.u32 s10, $0x1E80  }
0x3d: {  	v4 =	vld [tilespmem:s7+$0x30]  }
0x3e: {  	v5 =	vld [tilespmem:s7+$0x20]  }
0x3f: {  	v6 =	vld [tilespmem:s7+$0x10]  }
0x40: {  	v7 =	vld [tilespmem:s7+$0x0]  }
0x41: {  	v8 =	vld [tilespmem:s7+$0xFFFFFFF0]  }
0x42: {  	v9 =	vld [tilespmem:s7+$0xFFFFFFE0]  }
0x43: {  	v2 =	vld [tilespmem:s7+$0xFFFFFFD0]  }
0x44: {  	[tilespmem:v3+s0+$0x0] =	vst.idx.add.s32.msk $0xffff, v1  }
0x45: {  	[tilespmem:v4+s0+$0x0] =	vst.idx.add.s32.msk $0xffff, v1  }
.Ltmp1:
0x46: {  	[tilespmem:v5+s0+$0x0] =	vst.idx.add.s32.msk $0xffff, v1;
	(pc) =	sbr.rel @p0 .LBB2_4-.Ltmp1, $4  }
0x47: {  	[tilespmem:v6+s0+$0x0] =	vst.idx.add.s32.msk $0xffff, v1  }
0x48: {  	[tilespmem:v7+s0+$0x0] =	vst.idx.add.s32.msk $0xffff, v1  }
0x49: {  	[tilespmem:v8+s0+$0x0] =	vst.idx.add.s32.msk $0xffff, v1  }
0x4a: {  	[tilespmem:v9+s0+$0x0] =	vst.idx.add.s32.msk $0xffff, v1  }
0x4b: {  	_ =	sdelay $0x3  }
0x4c: {  	[tilespmem:v2+s0+$0x0] =	vst.idx.add.s32.msk $0xffff, v1  }
.LBB2_6:
0x4d: {  	v2 =	vld [tilespmem:s8+$0x0];
	_ =	sdelay $0x1  }
0x4e: {  	s9 =	sadd.s32 $0x10, s9  }
0x4f: {  	p0 =	slt.u32 s9, $0x1F30  }
.Ltmp2:
0x50: {  	_ = 	snop;
	(pc) =	sbr.rel @p0 .LBB2_6-.Ltmp2, $2  }
0x51: {  	_ =	sdelay $0x2  }
0x52: {  	s8 =	sadd.s32 $0x10, s8;
	[tilespmem:v2+s0+$0x0] =	vst.idx.add.s32.msk $0xffff, v1  }
0x53: {  	s7 =	rddreg [dreg:$0x4]  }
0x54: {  	[tilespmem:s2], [sflag:$0x1] =	stream.linear.gather [hbm4b:s7+s2], $0x1F40, $0x38;
	[tilespmem:$0x1CE80] =	vst v63  }
0x55: {  	_ =	swait.ge [sflag:s4], $0x1F40  }
0x56: {  	[sflag:s4] =	ssyncset.done $0x0  }
0x57: {  	s7 =	simm.s32 $0x1F80;
	[sflag:s4] =	ssyncadd.s32 $0xFFFFE0C0  }
0x58: {  	v3 =	vld [tilespmem:s7+$0xFFFFFFC0]  }
0x59: {  	v4 =	vld [tilespmem:s7+$0x30]  }
0x5a: {  	v5 =	vld [tilespmem:s7+$0x20]  }
0x5b: {  	v6 =	vld [tilespmem:s7+$0x10]  }
0x5c: {  	v7 =	vld [tilespmem:s7+$0x0]  }
0x5d: {  	v8 =	vld [tilespmem:s7+$0xFFFFFFF0]  }
0x5e: {  	v9 =	vld [tilespmem:s7+$0xFFFFFFE0]  }
0x5f: {  	v2 =	vld [tilespmem:s7+$0xFFFFFFD0]  }
0x60: {  	[tilespmem:v3+s0+$0x0] =	vst.idx.add.s32.msk $0xffff, v1  }
0x61: {  	[tilespmem:v4+s0+$0x0] =	vst.idx.add.s32.msk $0xffff, v1  }
0x62: {  	[tilespmem:v5+s0+$0x0] =	vst.idx.add.s32.msk $0xffff, v1  }
0x63: {  	[tilespmem:v6+s0+$0x0] =	vst.idx.add.s32.msk $0xffff, v1  }
0x64: {  	[tilespmem:v7+s0+$0x0] =	vst.idx.add.s32.msk $0xffff, v1  }
0x65: {  	[tilespmem:v8+s0+$0x0] =	vst.idx.add.s32.msk $0xffff, v1  }
0x66: {  	s9 =	simm.s32 $0x0;
	s8 =	simm.s32 $0x3E40;
	[tilespmem:v9+s0+$0x0] =	vst.idx.add.s32.msk $0xffff, v1  }
.LBB2_8:
0x67: {  	s9 =	sadd.s32 $0x80, s9;
	[tilespmem:v2+s0+$0x0] =	vst.idx.add.s32.msk $0xffff, v1;
	s7 =	sadd.s32 $0x80, s7  }
0x68: {  	v3 =	vld [tilespmem:s7+$0xFFFFFFC0];
	p0 =	slt.u32 s9, $0x1E80  }
0x69: {  	v4 =	vld [tilespmem:s7+$0x30]  }
0x6a: {  	v5 =	vld [tilespmem:s7+$0x20]  }
0x6b: {  	v6 =	vld [tilespmem:s7+$0x10]  }
0x6c: {  	v7 =	vld [tilespmem:s7+$0x0]  }
0x6d: {  	v8 =	vld [tilespmem:s7+$0xFFFFFFF0]  }
0x6e: {  	v9 =	vld [tilespmem:s7+$0xFFFFFFE0]  }
0x6f: {  	v2 =	vld [tilespmem:s7+$0xFFFFFFD0]  }
0x70: {  	[tilespmem:v3+s0+$0x0] =	vst.idx.add.s32.msk $0xffff, v1  }
0x71: {  	[tilespmem:v4+s0+$0x0] =	vst.idx.add.s32.msk $0xffff, v1  }
.Ltmp3:
0x72: {  	[tilespmem:v5+s0+$0x0] =	vst.idx.add.s32.msk $0xffff, v1;
	(pc) =	sbr.rel @p0 .LBB2_8-.Ltmp3, $4  }
0x73: {  	[tilespmem:v6+s0+$0x0] =	vst.idx.add.s32.msk $0xffff, v1  }
0x74: {  	[tilespmem:v7+s0+$0x0] =	vst.idx.add.s32.msk $0xffff, v1  }
0x75: {  	[tilespmem:v8+s0+$0x0] =	vst.idx.add.s32.msk $0xffff, v1  }
0x76: {  	[tilespmem:v9+s0+$0x0] =	vst.idx.add.s32.msk $0xffff, v1  }
0x77: {  	_ =	sdelay $0x3  }
0x78: {  	[tilespmem:v2+s0+$0x0] =	vst.idx.add.s32.msk $0xffff, v1;
	s7 =	simm.s32 $0x1EF0  }
.LBB2_10:
0x79: {  	v2 =	vld [tilespmem:s8+$0x0];
	_ =	sdelay $0x1  }
0x7a: {  	s7 =	sadd.s32 $0x10, s7  }
0x7b: {  	p0 =	slt.u32 s7, $0x1F30  }
.Ltmp4:
0x7c: {  	_ = 	snop;
	(pc) =	sbr.rel @p0 .LBB2_10-.Ltmp4, $2  }
0x7d: {  	_ =	sdelay $0x2  }
0x7e: {  	s8 =	sadd.s32 $0x10, s8;
	[tilespmem:v2+s0+$0x0] =	vst.idx.add.s32.msk $0xffff, v1  }
0x7f: {  	s7 =	rddreg [dreg:$0x5]  }
0x80: {  	[tilespmem:s31], [sflag:$0x2] =	stream.linear.gather [hbm4b:s7+s2], $0x1F40, $0x38;
	[tilespmem:$0x1CE80] =	vst v63  }
0x81: {  	_ =	swait.ge [sflag:s1], $0x1F40  }
0x82: {  	[sflag:s1] =	ssyncset.done $0x0  }
0x83: {  	s7 =	simm.s32 $0x40;
	[sflag:s1] =	ssyncadd.s32 $0xFFFFE0C0  }
0x84: {  	v3 =	vld [tilespmem:s7+$0xFFFFFFC0]  }
0x85: {  	v4 =	vld [tilespmem:s7+$0x30]  }
0x86: {  	v5 =	vld [tilespmem:s7+$0x20]  }
0x87: {  	v6 =	vld [tilespmem:s7+$0x10]  }
0x88: {  	v7 =	vld [tilespmem:s7+$0x0]  }
0x89: {  	v8 =	vld [tilespmem:s7+$0xFFFFFFF0]  }
0x8a: {  	v9 =	vld [tilespmem:s7+$0xFFFFFFE0]  }
0x8b: {  	v2 =	vld [tilespmem:s7+$0xFFFFFFD0]  }
0x8c: {  	[tilespmem:v3+s0+$0x0] =	vst.idx.add.s32.msk $0xffff, v1  }
0x8d: {  	[tilespmem:v4+s0+$0x0] =	vst.idx.add.s32.msk $0xffff, v1  }
0x8e: {  	[tilespmem:v5+s0+$0x0] =	vst.idx.add.s32.msk $0xffff, v1  }
0x8f: {  	[tilespmem:v6+s0+$0x0] =	vst.idx.add.s32.msk $0xffff, v1  }
0x90: {  	[tilespmem:v7+s0+$0x0] =	vst.idx.add.s32.msk $0xffff, v1  }
0x91: {  	[tilespmem:v8+s0+$0x0] =	vst.idx.add.s32.msk $0xffff, v1  }
0x92: {  	s8 =	simm.s32 $0x0;
	[tilespmem:v9+s0+$0x0] =	vst.idx.add.s32.msk $0xffff, v1  }
.LBB2_12:
0x93: {  	s8 =	sadd.s32 $0x80, s8;
	[tilespmem:v2+s0+$0x0] =	vst.idx.add.s32.msk $0xffff, v1;
	s7 =	sadd.s32 $0x80, s7  }
0x94: {  	v3 =	vld [tilespmem:s7+$0xFFFFFFC0];
	p0 =	slt.u32 s8, $0x1E80  }
0x95: {  	v4 =	vld [tilespmem:s7+$0x30]  }
0x96: {  	v5 =	vld [tilespmem:s7+$0x20]  }
0x97: {  	v6 =	vld [tilespmem:s7+$0x10]  }
0x98: {  	v7 =	vld [tilespmem:s7+$0x0]  }
0x99: {  	v8 =	vld [tilespmem:s7+$0xFFFFFFF0]  }
0x9a: {  	v9 =	vld [tilespmem:s7+$0xFFFFFFE0]  }
0x9b: {  	v2 =	vld [tilespmem:s7+$0xFFFFFFD0]  }
0x9c: {  	[tilespmem:v3+s0+$0x0] =	vst.idx.add.s32.msk $0xffff, v1  }
0x9d: {  	[tilespmem:v4+s0+$0x0] =	vst.idx.add.s32.msk $0xffff, v1  }
.Ltmp5:
0x9e: {  	[tilespmem:v5+s0+$0x0] =	vst.idx.add.s32.msk $0xffff, v1;
	(pc) =	sbr.rel @p0 .LBB2_12-.Ltmp5, $4  }
0x9f: {  	[tilespmem:v6+s0+$0x0] =	vst.idx.add.s32.msk $0xffff, v1  }
0xa0: {  	[tilespmem:v7+s0+$0x0] =	vst.idx.add.s32.msk $0xffff, v1  }
0xa1: {  	[tilespmem:v8+s0+$0x0] =	vst.idx.add.s32.msk $0xffff, v1  }
0xa2: {  	s9 =	simm.s32 $0x1F00;
	[tilespmem:v9+s0+$0x0] =	vst.idx.add.s32.msk $0xffff, v1  }
0xa3: {  	_ =	sdelay $0x3  }
0xa4: {  	[tilespmem:v2+s0+$0x0] =	vst.idx.add.s32.msk $0xffff, v1;
	s7 =	simm.s32 $0x1EF0  }
.LBB2_14:
0xa5: {  	v2 =	vld [tilespmem:s9+$0x0];
	_ =	sdelay $0x1  }
0xa6: {  	s7 =	sadd.s32 $0x10, s7  }
0xa7: {  	p0 =	slt.u32 s7, $0x1F30  }
.Ltmp6:
0xa8: {  	_ = 	snop;
	(pc) =	sbr.rel @p0 .LBB2_14-.Ltmp6, $2  }
0xa9: {  	_ =	sdelay $0x2  }
0xaa: {  	s9 =	sadd.s32 $0x10, s9;
	[tilespmem:v2+s0+$0x0] =	vst.idx.add.s32.msk $0xffff, v1  }
0xab: {  	s7 =	rddreg [dreg:$0x6]  }
0xac: {  	[tilespmem:s2], [sflag:$0x1] =	stream.linear.gather [hbm4b:s7+s2], $0x1F40, $0x38;
	[tilespmem:$0x1CE80] =	vst v63  }
0xad: {  	_ =	swait.ge [sflag:s4], $0x1F40  }
0xae: {  	[sflag:s4] =	ssyncset.done $0x0  }
0xaf: {  	s7 =	simm.s32 $0x1F80;
	[sflag:s4] =	ssyncadd.s32 $0xFFFFE0C0  }
0xb0: {  	v3 =	vld [tilespmem:s7+$0xFFFFFFC0]  }
0xb1: {  	v4 =	vld [tilespmem:s7+$0x30]  }
0xb2: {  	v5 =	vld [tilespmem:s7+$0x20]  }
0xb3: {  	v6 =	vld [tilespmem:s7+$0x10]  }
0xb4: {  	v7 =	vld [tilespmem:s7+$0x0]  }
0xb5: {  	v8 =	vld [tilespmem:s7+$0xFFFFFFF0]  }
0xb6: {  	v9 =	vld [tilespmem:s7+$0xFFFFFFE0]  }
0xb7: {  	v2 =	vld [tilespmem:s7+$0xFFFFFFD0]  }
0xb8: {  	[tilespmem:v3+s0+$0x0] =	vst.idx.add.s32.msk $0xffff, v1  }
0xb9: {  	[tilespmem:v4+s0+$0x0] =	vst.idx.add.s32.msk $0xffff, v1  }
0xba: {  	[tilespmem:v5+s0+$0x0] =	vst.idx.add.s32.msk $0xffff, v1  }
0xbb: {  	[tilespmem:v6+s0+$0x0] =	vst.idx.add.s32.msk $0xffff, v1  }
0xbc: {  	[tilespmem:v7+s0+$0x0] =	vst.idx.add.s32.msk $0xffff, v1  }
0xbd: {  	[tilespmem:v8+s0+$0x0] =	vst.idx.add.s32.msk $0xffff, v1  }
0xbe: {  	s8 =	simm.s32 $0x0;
	[tilespmem:v9+s0+$0x0] =	vst.idx.add.s32.msk $0xffff, v1  }
.LBB2_16:
0xbf: {  	s8 =	sadd.s32 $0x80, s8;
	[tilespmem:v2+s0+$0x0] =	vst.idx.add.s32.msk $0xffff, v1;
	s7 =	sadd.s32 $0x80, s7  }
0xc0: {  	v3 =	vld [tilespmem:s7+$0xFFFFFFC0];
	p0 =	slt.u32 s8, $0x1E80  }
0xc1: {  	v4 =	vld [tilespmem:s7+$0x30]  }
0xc2: {  	v5 =	vld [tilespmem:s7+$0x20]  }
0xc3: {  	v6 =	vld [tilespmem:s7+$0x10]  }
0xc4: {  	v7 =	vld [tilespmem:s7+$0x0]  }
0xc5: {  	v8 =	vld [tilespmem:s7+$0xFFFFFFF0]  }
0xc6: {  	v9 =	vld [tilespmem:s7+$0xFFFFFFE0]  }
0xc7: {  	v2 =	vld [tilespmem:s7+$0xFFFFFFD0]  }
0xc8: {  	[tilespmem:v3+s0+$0x0] =	vst.idx.add.s32.msk $0xffff, v1  }
0xc9: {  	[tilespmem:v4+s0+$0x0] =	vst.idx.add.s32.msk $0xffff, v1  }
.Ltmp7:
0xca: {  	[tilespmem:v5+s0+$0x0] =	vst.idx.add.s32.msk $0xffff, v1;
	(pc) =	sbr.rel @p0 .LBB2_16-.Ltmp7, $4  }
0xcb: {  	[tilespmem:v6+s0+$0x0] =	vst.idx.add.s32.msk $0xffff, v1  }
0xcc: {  	[tilespmem:v7+s0+$0x0] =	vst.idx.add.s32.msk $0xffff, v1  }
0xcd: {  	[tilespmem:v8+s0+$0x0] =	vst.idx.add.s32.msk $0xffff, v1  }
0xce: {  	s9 =	simm.s32 $0x3E40;
	[tilespmem:v9+s0+$0x0] =	vst.idx.add.s32.msk $0xffff, v1  }
0xcf: {  	_ =	sdelay $0x3  }
0xd0: {  	[tilespmem:v2+s0+$0x0] =	vst.idx.add.s32.msk $0xffff, v1;
	s7 =	simm.s32 $0x1EF0  }
.LBB2_18:
0xd1: {  	v2 =	vld [tilespmem:s9+$0x0];
	_ =	sdelay $0x1  }
0xd2: {  	s7 =	sadd.s32 $0x10, s7  }
0xd3: {  	p0 =	slt.u32 s7, $0x1F30  }
.Ltmp8:
0xd4: {  	_ = 	snop;
	(pc) =	sbr.rel @p0 .LBB2_18-.Ltmp8, $2  }
0xd5: {  	_ =	sdelay $0x2  }
0xd6: {  	s9 =	sadd.s32 $0x10, s9;
	[tilespmem:v2+s0+$0x0] =	vst.idx.add.s32.msk $0xffff, v1  }
0xd7: {  	s7 =	rddreg [dreg:$0x7]  }
0xd8: {  	[tilespmem:s31], [sflag:$0x2] =	stream.linear.gather [hbm4b:s7+s2], $0x1F40, $0x38;
	[tilespmem:$0x1CE80] =	vst v63  }
0xd9: {  	_ =	swait.ge [sflag:s1], $0x1F40  }
0xda: {  	[sflag:s1] =	ssyncset.done $0x0  }
0xdb: {  	s7 =	simm.s32 $0x40;
	[sflag:s1] =	ssyncadd.s32 $0xFFFFE0C0  }
0xdc: {  	v3 =	vld [tilespmem:s7+$0xFFFFFFC0]  }
0xdd: {  	v4 =	vld [tilespmem:s7+$0x30]  }
0xde: {  	v5 =	vld [tilespmem:s7+$0x20]  }
0xdf: {  	v6 =	vld [tilespmem:s7+$0x10]  }
0xe0: {  	v7 =	vld [tilespmem:s7+$0x0]  }
0xe1: {  	v8 =	vld [tilespmem:s7+$0xFFFFFFF0]  }
0xe2: {  	v9 =	vld [tilespmem:s7+$0xFFFFFFE0]  }
0xe3: {  	v2 =	vld [tilespmem:s7+$0xFFFFFFD0]  }
0xe4: {  	[tilespmem:v3+s0+$0x0] =	vst.idx.add.s32.msk $0xffff, v1  }
0xe5: {  	[tilespmem:v4+s0+$0x0] =	vst.idx.add.s32.msk $0xffff, v1  }
0xe6: {  	[tilespmem:v5+s0+$0x0] =	vst.idx.add.s32.msk $0xffff, v1  }
0xe7: {  	[tilespmem:v6+s0+$0x0] =	vst.idx.add.s32.msk $0xffff, v1  }
0xe8: {  	[tilespmem:v7+s0+$0x0] =	vst.idx.add.s32.msk $0xffff, v1  }
0xe9: {  	[tilespmem:v8+s0+$0x0] =	vst.idx.add.s32.msk $0xffff, v1  }
0xea: {  	s8 =	simm.s32 $0x0;
	[tilespmem:v9+s0+$0x0] =	vst.idx.add.s32.msk $0xffff, v1  }
.LBB2_20:
0xeb: {  	s8 =	sadd.s32 $0x80, s8;
	[tilespmem:v2+s0+$0x0] =	vst.idx.add.s32.msk $0xffff, v1;
	s7 =	sadd.s32 $0x80, s7  }
0xec: {  	v3 =	vld [tilespmem:s7+$0xFFFFFFC0];
	p0 =	slt.u32 s8, $0x1E80  }
0xed: {  	v4 =	vld [tilespmem:s7+$0x30]  }
0xee: {  	v5 =	vld [tilespmem:s7+$0x20]  }
0xef: {  	v6 =	vld [tilespmem:s7+$0x10]  }
0xf0: {  	v7 =	vld [tilespmem:s7+$0x0]  }
0xf1: {  	v8 =	vld [tilespmem:s7+$0xFFFFFFF0]  }
0xf2: {  	v9 =	vld [tilespmem:s7+$0xFFFFFFE0]  }
0xf3: {  	v2 =	vld [tilespmem:s7+$0xFFFFFFD0]  }
0xf4: {  	[tilespmem:v3+s0+$0x0] =	vst.idx.add.s32.msk $0xffff, v1  }
0xf5: {  	[tilespmem:v4+s0+$0x0] =	vst.idx.add.s32.msk $0xffff, v1  }
.Ltmp9:
0xf6: {  	[tilespmem:v5+s0+$0x0] =	vst.idx.add.s32.msk $0xffff, v1;
	(pc) =	sbr.rel @p0 .LBB2_20-.Ltmp9, $4  }
0xf7: {  	[tilespmem:v6+s0+$0x0] =	vst.idx.add.s32.msk $0xffff, v1  }
0xf8: {  	[tilespmem:v7+s0+$0x0] =	vst.idx.add.s32.msk $0xffff, v1  }
0xf9: {  	[tilespmem:v8+s0+$0x0] =	vst.idx.add.s32.msk $0xffff, v1  }
0xfa: {  	s9 =	simm.s32 $0x1F00;
	[tilespmem:v9+s0+$0x0] =	vst.idx.add.s32.msk $0xffff, v1  }
0xfb: {  	_ =	sdelay $0x3  }
0xfc: {  	[tilespmem:v2+s0+$0x0] =	vst.idx.add.s32.msk $0xffff, v1;
	s7 =	simm.s32 $0x1EF0  }
.LBB2_22:
0xfd: {  	v2 =	vld [tilespmem:s9+$0x0];
	_ =	sdelay $0x1  }
0xfe: {  	s7 =	sadd.s32 $0x10, s7  }
0xff: {  	p0 =	slt.u32 s7, $0x1F30  }
.Ltmp10:
0x100: {  	_ = 	snop;
	(pc) =	sbr.rel @p0 .LBB2_22-.Ltmp10, $2  }
0x101: {  	_ =	sdelay $0x2  }
0x102: {  	s9 =	sadd.s32 $0x10, s9;
	[tilespmem:v2+s0+$0x0] =	vst.idx.add.s32.msk $0xffff, v1  }
0x103: {  	s7 =	rddreg [dreg:$0x8]  }
0x104: {  	[tilespmem:s2], [sflag:$0x1] =	stream.linear.gather [hbm4b:s7+s2], $0x1F40, $0x38;
	[tilespmem:$0x1CE80] =	vst v63  }
0x105: {  	_ =	swait.ge [sflag:s4], $0x1F40  }
0x106: {  	[sflag:s4] =	ssyncset.done $0x0  }
0x107: {  	s7 =	simm.s32 $0x1F80;
	[sflag:s4] =	ssyncadd.s32 $0xFFFFE0C0  }
0x108: {  	v3 =	vld [tilespmem:s7+$0xFFFFFFC0]  }
0x109: {  	v4 =	vld [tilespmem:s7+$0x30]  }
0x10a: {  	v5 =	vld [tilespmem:s7+$0x20]  }
0x10b: {  	v6 =	vld [tilespmem:s7+$0x10]  }
0x10c: {  	v7 =	vld [tilespmem:s7+$0x0]  }
0x10d: {  	v8 =	vld [tilespmem:s7+$0xFFFFFFF0]  }
0x10e: {  	v9 =	vld [tilespmem:s7+$0xFFFFFFE0]  }
0x10f: {  	v2 =	vld [tilespmem:s7+$0xFFFFFFD0]  }
0x110: {  	[tilespmem:v3+s0+$0x0] =	vst.idx.add.s32.msk $0xffff, v1  }
0x111: {  	[tilespmem:v4+s0+$0x0] =	vst.idx.add.s32.msk $0xffff, v1  }
0x112: {  	[tilespmem:v5+s0+$0x0] =	vst.idx.add.s32.msk $0xffff, v1  }
0x113: {  	[tilespmem:v6+s0+$0x0] =	vst.idx.add.s32.msk $0xffff, v1  }
0x114: {  	[tilespmem:v7+s0+$0x0] =	vst.idx.add.s32.msk $0xffff, v1  }
0x115: {  	[tilespmem:v8+s0+$0x0] =	vst.idx.add.s32.msk $0xffff, v1  }
0x116: {  	s8 =	simm.s32 $0x0;
	[tilespmem:v9+s0+$0x0] =	vst.idx.add.s32.msk $0xffff, v1  }
.LBB2_24:
0x117: {  	s8 =	sadd.s32 $0x80, s8;
	[tilespmem:v2+s0+$0x0] =	vst.idx.add.s32.msk $0xffff, v1;
	s7 =	sadd.s32 $0x80, s7  }
0x118: {  	v3 =	vld [tilespmem:s7+$0xFFFFFFC0];
	p0 =	slt.u32 s8, $0x1E80  }
0x119: {  	v4 =	vld [tilespmem:s7+$0x30]  }
0x11a: {  	v5 =	vld [tilespmem:s7+$0x20]  }
0x11b: {  	v6 =	vld [tilespmem:s7+$0x10]  }
0x11c: {  	v7 =	vld [tilespmem:s7+$0x0]  }
0x11d: {  	v8 =	vld [tilespmem:s7+$0xFFFFFFF0]  }
0x11e: {  	v9 =	vld [tilespmem:s7+$0xFFFFFFE0]  }
0x11f: {  	v2 =	vld [tilespmem:s7+$0xFFFFFFD0]  }
0x120: {  	[tilespmem:v3+s0+$0x0] =	vst.idx.add.s32.msk $0xffff, v1  }
0x121: {  	[tilespmem:v4+s0+$0x0] =	vst.idx.add.s32.msk $0xffff, v1  }
.Ltmp11:
0x122: {  	[tilespmem:v5+s0+$0x0] =	vst.idx.add.s32.msk $0xffff, v1;
	(pc) =	sbr.rel @p0 .LBB2_24-.Ltmp11, $4  }
0x123: {  	[tilespmem:v6+s0+$0x0] =	vst.idx.add.s32.msk $0xffff, v1  }
0x124: {  	[tilespmem:v7+s0+$0x0] =	vst.idx.add.s32.msk $0xffff, v1  }
0x125: {  	[tilespmem:v8+s0+$0x0] =	vst.idx.add.s32.msk $0xffff, v1  }
0x126: {  	s9 =	simm.s32 $0x3E40;
	[tilespmem:v9+s0+$0x0] =	vst.idx.add.s32.msk $0xffff, v1  }
0x127: {  	_ =	sdelay $0x3  }
0x128: {  	[tilespmem:v2+s0+$0x0] =	vst.idx.add.s32.msk $0xffff, v1;
	s7 =	simm.s32 $0x1EF0  }
.LBB2_26:
0x129: {  	v2 =	vld [tilespmem:s9+$0x0];
	_ =	sdelay $0x1  }
0x12a: {  	s7 =	sadd.s32 $0x10, s7  }
0x12b: {  	p0 =	slt.u32 s7, $0x1F30  }
.Ltmp12:
0x12c: {  	_ = 	snop;
	(pc) =	sbr.rel @p0 .LBB2_26-.Ltmp12, $2  }
0x12d: {  	_ =	sdelay $0x2  }
0x12e: {  	s9 =	sadd.s32 $0x10, s9;
	[tilespmem:v2+s0+$0x0] =	vst.idx.add.s32.msk $0xffff, v1  }
0x12f: {  	s7 =	rddreg [dreg:$0x9]  }
0x130: {  	[tilespmem:s31], [sflag:$0x2] =	stream.linear.gather [hbm4b:s7+s2], $0x1F40, $0x38;
	[tilespmem:$0x1CE80] =	vst v63  }
0x131: {  	_ =	swait.ge [sflag:s1], $0x1F40  }
0x132: {  	[sflag:s1] =	ssyncset.done $0x0  }
0x133: {  	s7 =	simm.s32 $0x40;
	[sflag:s1] =	ssyncadd.s32 $0xFFFFE0C0  }
0x134: {  	v3 =	vld [tilespmem:s7+$0xFFFFFFC0]  }
0x135: {  	v4 =	vld [tilespmem:s7+$0x30]  }
0x136: {  	v5 =	vld [tilespmem:s7+$0x20]  }
0x137: {  	v6 =	vld [tilespmem:s7+$0x10]  }
0x138: {  	v7 =	vld [tilespmem:s7+$0x0]  }
0x139: {  	v8 =	vld [tilespmem:s7+$0xFFFFFFF0]  }
0x13a: {  	v9 =	vld [tilespmem:s7+$0xFFFFFFE0]  }
0x13b: {  	v2 =	vld [tilespmem:s7+$0xFFFFFFD0]  }
0x13c: {  	[tilespmem:v3+s0+$0x0] =	vst.idx.add.s32.msk $0xffff, v1  }
0x13d: {  	[tilespmem:v4+s0+$0x0] =	vst.idx.add.s32.msk $0xffff, v1  }
0x13e: {  	[tilespmem:v5+s0+$0x0] =	vst.idx.add.s32.msk $0xffff, v1  }
0x13f: {  	[tilespmem:v6+s0+$0x0] =	vst.idx.add.s32.msk $0xffff, v1  }
0x140: {  	[tilespmem:v7+s0+$0x0] =	vst.idx.add.s32.msk $0xffff, v1  }
0x141: {  	[tilespmem:v8+s0+$0x0] =	vst.idx.add.s32.msk $0xffff, v1  }
0x142: {  	s8 =	simm.s32 $0x0;
	[tilespmem:v9+s0+$0x0] =	vst.idx.add.s32.msk $0xffff, v1  }
.LBB2_28:
0x143: {  	s8 =	sadd.s32 $0x80, s8;
	[tilespmem:v2+s0+$0x0] =	vst.idx.add.s32.msk $0xffff, v1;
	s7 =	sadd.s32 $0x80, s7  }
0x144: {  	v3 =	vld [tilespmem:s7+$0xFFFFFFC0];
	p0 =	slt.u32 s8, $0x1E80  }
0x145: {  	v4 =	vld [tilespmem:s7+$0x30]  }
0x146: {  	v5 =	vld [tilespmem:s7+$0x20]  }
0x147: {  	v6 =	vld [tilespmem:s7+$0x10]  }
0x148: {  	v7 =	vld [tilespmem:s7+$0x0]  }
0x149: {  	v8 =	vld [tilespmem:s7+$0xFFFFFFF0]  }
0x14a: {  	v9 =	vld [tilespmem:s7+$0xFFFFFFE0]  }
0x14b: {  	v2 =	vld [tilespmem:s7+$0xFFFFFFD0]  }
0x14c: {  	[tilespmem:v3+s0+$0x0] =	vst.idx.add.s32.msk $0xffff, v1  }
0x14d: {  	[tilespmem:v4+s0+$0x0] =	vst.idx.add.s32.msk $0xffff, v1  }
.Ltmp13:
0x14e: {  	[tilespmem:v5+s0+$0x0] =	vst.idx.add.s32.msk $0xffff, v1;
	(pc) =	sbr.rel @p0 .LBB2_28-.Ltmp13, $4  }
0x14f: {  	[tilespmem:v6+s0+$0x0] =	vst.idx.add.s32.msk $0xffff, v1  }
0x150: {  	[tilespmem:v7+s0+$0x0] =	vst.idx.add.s32.msk $0xffff, v1  }
0x151: {  	[tilespmem:v8+s0+$0x0] =	vst.idx.add.s32.msk $0xffff, v1  }
0x152: {  	s9 =	simm.s32 $0x1F00;
	[tilespmem:v9+s0+$0x0] =	vst.idx.add.s32.msk $0xffff, v1  }
0x153: {  	_ =	sdelay $0x3  }
0x154: {  	[tilespmem:v2+s0+$0x0] =	vst.idx.add.s32.msk $0xffff, v1;
	s7 =	simm.s32 $0x1EF0  }
.LBB2_30:
0x155: {  	v2 =	vld [tilespmem:s9+$0x0];
	_ =	sdelay $0x1  }
0x156: {  	s7 =	sadd.s32 $0x10, s7  }
0x157: {  	p0 =	slt.u32 s7, $0x1F30  }
.Ltmp14:
0x158: {  	_ = 	snop;
	(pc) =	sbr.rel @p0 .LBB2_30-.Ltmp14, $2  }
0x159: {  	_ =	sdelay $0x2  }
0x15a: {  	s9 =	sadd.s32 $0x10, s9;
	[tilespmem:v2+s0+$0x0] =	vst.idx.add.s32.msk $0xffff, v1  }
0x15b: {  	[tilespmem:s2], [sflag:$0x1] =	stream.linear.gather [hbm4b:s11+s2], $0x1F40, $0x38;
	[tilespmem:$0x1CE80] =	vst v63  }
0x15c: {  	_ =	swait.ge [sflag:s4], $0x1F40  }
0x15d: {  	[sflag:s4] =	ssyncset.done $0x0  }
0x15e: {  	s7 =	simm.s32 $0x1F80;
	[sflag:s4] =	ssyncadd.s32 $0xFFFFE0C0  }
0x15f: {  	v3 =	vld [tilespmem:s7+$0xFFFFFFC0]  }
0x160: {  	v4 =	vld [tilespmem:s7+$0x30]  }
0x161: {  	v5 =	vld [tilespmem:s7+$0x20]  }
0x162: {  	v6 =	vld [tilespmem:s7+$0x10]  }
0x163: {  	v7 =	vld [tilespmem:s7+$0x0]  }
0x164: {  	v8 =	vld [tilespmem:s7+$0xFFFFFFF0]  }
0x165: {  	v9 =	vld [tilespmem:s7+$0xFFFFFFE0]  }
0x166: {  	v2 =	vld [tilespmem:s7+$0xFFFFFFD0]  }
0x167: {  	[tilespmem:v3+s0+$0x0] =	vst.idx.add.s32.msk $0xffff, v1  }
0x168: {  	[tilespmem:v4+s0+$0x0] =	vst.idx.add.s32.msk $0xffff, v1  }
0x169: {  	[tilespmem:v5+s0+$0x0] =	vst.idx.add.s32.msk $0xffff, v1  }
0x16a: {  	[tilespmem:v6+s0+$0x0] =	vst.idx.add.s32.msk $0xffff, v1  }
0x16b: {  	[tilespmem:v7+s0+$0x0] =	vst.idx.add.s32.msk $0xffff, v1  }
0x16c: {  	[tilespmem:v8+s0+$0x0] =	vst.idx.add.s32.msk $0xffff, v1  }
0x16d: {  	s8 =	simm.s32 $0x0;
	[tilespmem:v9+s0+$0x0] =	vst.idx.add.s32.msk $0xffff, v1  }
.LBB2_32:
0x16e: {  	s8 =	sadd.s32 $0x80, s8;
	[tilespmem:v2+s0+$0x0] =	vst.idx.add.s32.msk $0xffff, v1;
	s7 =	sadd.s32 $0x80, s7  }
0x16f: {  	v3 =	vld [tilespmem:s7+$0xFFFFFFC0];
	p0 =	slt.u32 s8, $0x1E80  }
0x170: {  	v4 =	vld [tilespmem:s7+$0x30]  }
0x171: {  	v5 =	vld [tilespmem:s7+$0x20]  }
0x172: {  	v6 =	vld [tilespmem:s7+$0x10]  }
0x173: {  	v7 =	vld [tilespmem:s7+$0x0]  }
0x174: {  	v8 =	vld [tilespmem:s7+$0xFFFFFFF0]  }
0x175: {  	v9 =	vld [tilespmem:s7+$0xFFFFFFE0]  }
0x176: {  	v2 =	vld [tilespmem:s7+$0xFFFFFFD0]  }
0x177: {  	[tilespmem:v3+s0+$0x0] =	vst.idx.add.s32.msk $0xffff, v1  }
0x178: {  	[tilespmem:v4+s0+$0x0] =	vst.idx.add.s32.msk $0xffff, v1  }
.Ltmp15:
0x179: {  	[tilespmem:v5+s0+$0x0] =	vst.idx.add.s32.msk $0xffff, v1;
	(pc) =	sbr.rel @p0 .LBB2_32-.Ltmp15, $4  }
0x17a: {  	[tilespmem:v6+s0+$0x0] =	vst.idx.add.s32.msk $0xffff, v1  }
0x17b: {  	[tilespmem:v7+s0+$0x0] =	vst.idx.add.s32.msk $0xffff, v1  }
0x17c: {  	[tilespmem:v8+s0+$0x0] =	vst.idx.add.s32.msk $0xffff, v1  }
0x17d: {  	s9 =	simm.s32 $0x3E40;
	[tilespmem:v9+s0+$0x0] =	vst.idx.add.s32.msk $0xffff, v1  }
0x17e: {  	_ =	sdelay $0x3  }
0x17f: {  	[tilespmem:v2+s0+$0x0] =	vst.idx.add.s32.msk $0xffff, v1;
	s7 =	simm.s32 $0x1EF0  }
.LBB2_34:
0x180: {  	v2 =	vld [tilespmem:s9+$0x0];
	_ =	sdelay $0x1  }
0x181: {  	s7 =	sadd.s32 $0x10, s7  }
0x182: {  	p0 =	slt.u32 s7, $0x1F30  }
.Ltmp16:
0x183: {  	_ = 	snop;
	(pc) =	sbr.rel @p0 .LBB2_34-.Ltmp16, $2  }
0x184: {  	_ =	sdelay $0x2  }
0x185: {  	s9 =	sadd.s32 $0x10, s9;
	[tilespmem:v2+s0+$0x0] =	vst.idx.add.s32.msk $0xffff, v1  }
0x186: {  	[tilespmem:s31], [sflag:$0x2] =	stream.linear.gather [hbm4b:s12+s2], $0x1F40, $0x38;
	[tilespmem:$0x1CE80] =	vst v63  }
0x187: {  	_ =	swait.ge [sflag:s1], $0x1F40  }
0x188: {  	[sflag:s1] =	ssyncset.done $0x0  }
0x189: {  	s7 =	simm.s32 $0x40;
	[sflag:s1] =	ssyncadd.s32 $0xFFFFE0C0  }
0x18a: {  	v3 =	vld [tilespmem:s7+$0xFFFFFFC0]  }
0x18b: {  	v4 =	vld [tilespmem:s7+$0x30]  }
0x18c: {  	v5 =	vld [tilespmem:s7+$0x20]  }
0x18d: {  	v6 =	vld [tilespmem:s7+$0x10]  }
0x18e: {  	v7 =	vld [tilespmem:s7+$0x0]  }
0x18f: {  	v8 =	vld [tilespmem:s7+$0xFFFFFFF0]  }
0x190: {  	v9 =	vld [tilespmem:s7+$0xFFFFFFE0]  }
0x191: {  	v2 =	vld [tilespmem:s7+$0xFFFFFFD0]  }
0x192: {  	[tilespmem:v3+s0+$0x0] =	vst.idx.add.s32.msk $0xffff, v1  }
0x193: {  	[tilespmem:v4+s0+$0x0] =	vst.idx.add.s32.msk $0xffff, v1  }
0x194: {  	[tilespmem:v5+s0+$0x0] =	vst.idx.add.s32.msk $0xffff, v1  }
0x195: {  	[tilespmem:v6+s0+$0x0] =	vst.idx.add.s32.msk $0xffff, v1  }
0x196: {  	[tilespmem:v7+s0+$0x0] =	vst.idx.add.s32.msk $0xffff, v1  }
0x197: {  	[tilespmem:v8+s0+$0x0] =	vst.idx.add.s32.msk $0xffff, v1  }
0x198: {  	s8 =	simm.s32 $0x0;
	[tilespmem:v9+s0+$0x0] =	vst.idx.add.s32.msk $0xffff, v1  }
.LBB2_36:
0x199: {  	s8 =	sadd.s32 $0x80, s8;
	[tilespmem:v2+s0+$0x0] =	vst.idx.add.s32.msk $0xffff, v1;
	s7 =	sadd.s32 $0x80, s7  }
0x19a: {  	v3 =	vld [tilespmem:s7+$0xFFFFFFC0];
	p0 =	slt.u32 s8, $0x1E80  }
0x19b: {  	v4 =	vld [tilespmem:s7+$0x30]  }
0x19c: {  	v5 =	vld [tilespmem:s7+$0x20]  }
0x19d: {  	v6 =	vld [tilespmem:s7+$0x10]  }
0x19e: {  	v7 =	vld [tilespmem:s7+$0x0]  }
0x19f: {  	v8 =	vld [tilespmem:s7+$0xFFFFFFF0]  }
0x1a0: {  	v9 =	vld [tilespmem:s7+$0xFFFFFFE0]  }
0x1a1: {  	v2 =	vld [tilespmem:s7+$0xFFFFFFD0]  }
0x1a2: {  	[tilespmem:v3+s0+$0x0] =	vst.idx.add.s32.msk $0xffff, v1  }
0x1a3: {  	[tilespmem:v4+s0+$0x0] =	vst.idx.add.s32.msk $0xffff, v1  }
.Ltmp17:
0x1a4: {  	[tilespmem:v5+s0+$0x0] =	vst.idx.add.s32.msk $0xffff, v1;
	(pc) =	sbr.rel @p0 .LBB2_36-.Ltmp17, $4  }
0x1a5: {  	[tilespmem:v6+s0+$0x0] =	vst.idx.add.s32.msk $0xffff, v1  }
0x1a6: {  	[tilespmem:v7+s0+$0x0] =	vst.idx.add.s32.msk $0xffff, v1  }
0x1a7: {  	[tilespmem:v8+s0+$0x0] =	vst.idx.add.s32.msk $0xffff, v1  }
0x1a8: {  	s9 =	simm.s32 $0x1F00;
	[tilespmem:v9+s0+$0x0] =	vst.idx.add.s32.msk $0xffff, v1  }
0x1a9: {  	_ =	sdelay $0x3  }
0x1aa: {  	[tilespmem:v2+s0+$0x0] =	vst.idx.add.s32.msk $0xffff, v1;
	s7 =	simm.s32 $0x1EF0  }
.LBB2_38:
0x1ab: {  	v2 =	vld [tilespmem:s9+$0x0];
	_ =	sdelay $0x1  }
0x1ac: {  	s7 =	sadd.s32 $0x10, s7  }
0x1ad: {  	p0 =	slt.u32 s7, $0x1F30  }
.Ltmp18:
0x1ae: {  	_ = 	snop;
	(pc) =	sbr.rel @p0 .LBB2_38-.Ltmp18, $2  }
0x1af: {  	_ =	sdelay $0x2  }
0x1b0: {  	s9 =	sadd.s32 $0x10, s9;
	[tilespmem:v2+s0+$0x0] =	vst.idx.add.s32.msk $0xffff, v1  }
0x1b1: {  	[tilespmem:s2], [sflag:$0x1] =	stream.linear.gather [hbm4b:s13+s2], $0x1F40, $0x38;
	[tilespmem:$0x1CE80] =	vst v63  }
0x1b2: {  	_ =	swait.ge [sflag:s4], $0x1F40  }
0x1b3: {  	[sflag:s4] =	ssyncset.done $0x0  }
0x1b4: {  	s7 =	simm.s32 $0x1F80;
	[sflag:s4] =	ssyncadd.s32 $0xFFFFE0C0  }
0x1b5: {  	v3 =	vld [tilespmem:s7+$0xFFFFFFC0]  }
0x1b6: {  	v4 =	vld [tilespmem:s7+$0x30]  }
0x1b7: {  	v5 =	vld [tilespmem:s7+$0x20]  }
0x1b8: {  	v6 =	vld [tilespmem:s7+$0x10]  }
0x1b9: {  	v7 =	vld [tilespmem:s7+$0x0]  }
0x1ba: {  	v8 =	vld [tilespmem:s7+$0xFFFFFFF0]  }
0x1bb: {  	v9 =	vld [tilespmem:s7+$0xFFFFFFE0]  }
0x1bc: {  	v2 =	vld [tilespmem:s7+$0xFFFFFFD0]  }
0x1bd: {  	[tilespmem:v3+s0+$0x0] =	vst.idx.add.s32.msk $0xffff, v1  }
0x1be: {  	[tilespmem:v4+s0+$0x0] =	vst.idx.add.s32.msk $0xffff, v1  }
0x1bf: {  	[tilespmem:v5+s0+$0x0] =	vst.idx.add.s32.msk $0xffff, v1  }
0x1c0: {  	[tilespmem:v6+s0+$0x0] =	vst.idx.add.s32.msk $0xffff, v1  }
0x1c1: {  	[tilespmem:v7+s0+$0x0] =	vst.idx.add.s32.msk $0xffff, v1  }
0x1c2: {  	[tilespmem:v8+s0+$0x0] =	vst.idx.add.s32.msk $0xffff, v1  }
0x1c3: {  	s8 =	simm.s32 $0x0;
	[tilespmem:v9+s0+$0x0] =	vst.idx.add.s32.msk $0xffff, v1  }
.LBB2_40:
0x1c4: {  	s8 =	sadd.s32 $0x80, s8;
	[tilespmem:v2+s0+$0x0] =	vst.idx.add.s32.msk $0xffff, v1;
	s7 =	sadd.s32 $0x80, s7  }
0x1c5: {  	v3 =	vld [tilespmem:s7+$0xFFFFFFC0];
	p0 =	slt.u32 s8, $0x1E80  }
0x1c6: {  	v4 =	vld [tilespmem:s7+$0x30]  }
0x1c7: {  	v5 =	vld [tilespmem:s7+$0x20]  }
0x1c8: {  	v6 =	vld [tilespmem:s7+$0x10]  }
0x1c9: {  	v7 =	vld [tilespmem:s7+$0x0]  }
0x1ca: {  	v8 =	vld [tilespmem:s7+$0xFFFFFFF0]  }
0x1cb: {  	v9 =	vld [tilespmem:s7+$0xFFFFFFE0]  }
0x1cc: {  	v2 =	vld [tilespmem:s7+$0xFFFFFFD0]  }
0x1cd: {  	[tilespmem:v3+s0+$0x0] =	vst.idx.add.s32.msk $0xffff, v1  }
0x1ce: {  	[tilespmem:v4+s0+$0x0] =	vst.idx.add.s32.msk $0xffff, v1  }
.Ltmp19:
0x1cf: {  	[tilespmem:v5+s0+$0x0] =	vst.idx.add.s32.msk $0xffff, v1;
	(pc) =	sbr.rel @p0 .LBB2_40-.Ltmp19, $4  }
0x1d0: {  	[tilespmem:v6+s0+$0x0] =	vst.idx.add.s32.msk $0xffff, v1  }
0x1d1: {  	[tilespmem:v7+s0+$0x0] =	vst.idx.add.s32.msk $0xffff, v1  }
0x1d2: {  	[tilespmem:v8+s0+$0x0] =	vst.idx.add.s32.msk $0xffff, v1  }
0x1d3: {  	s9 =	simm.s32 $0x3E40;
	[tilespmem:v9+s0+$0x0] =	vst.idx.add.s32.msk $0xffff, v1  }
0x1d4: {  	_ =	sdelay $0x3  }
0x1d5: {  	[tilespmem:v2+s0+$0x0] =	vst.idx.add.s32.msk $0xffff, v1;
	s7 =	simm.s32 $0x1EF0  }
.LBB2_42:
0x1d6: {  	v2 =	vld [tilespmem:s9+$0x0];
	_ =	sdelay $0x1  }
0x1d7: {  	s7 =	sadd.s32 $0x10, s7  }
0x1d8: {  	p0 =	slt.u32 s7, $0x1F30  }
.Ltmp20:
0x1d9: {  	_ = 	snop;
	(pc) =	sbr.rel @p0 .LBB2_42-.Ltmp20, $2  }
0x1da: {  	_ =	sdelay $0x2  }
0x1db: {  	s9 =	sadd.s32 $0x10, s9;
	[tilespmem:v2+s0+$0x0] =	vst.idx.add.s32.msk $0xffff, v1  }
0x1dc: {  	[tilespmem:s31], [sflag:$0x2] =	stream.linear.gather [hbm4b:s14+s2], $0x1F40, $0x38;
	[tilespmem:$0x1CE80] =	vst v63  }
0x1dd: {  	_ =	swait.ge [sflag:s1], $0x1F40  }
0x1de: {  	[sflag:s1] =	ssyncset.done $0x0  }
0x1df: {  	s7 =	simm.s32 $0x40;
	[sflag:s1] =	ssyncadd.s32 $0xFFFFE0C0  }
0x1e0: {  	v3 =	vld [tilespmem:s7+$0xFFFFFFC0]  }
0x1e1: {  	v4 =	vld [tilespmem:s7+$0x30]  }
0x1e2: {  	v5 =	vld [tilespmem:s7+$0x20]  }
0x1e3: {  	v6 =	vld [tilespmem:s7+$0x10]  }
0x1e4: {  	v7 =	vld [tilespmem:s7+$0x0]  }
0x1e5: {  	v8 =	vld [tilespmem:s7+$0xFFFFFFF0]  }
0x1e6: {  	v9 =	vld [tilespmem:s7+$0xFFFFFFE0]  }
0x1e7: {  	v2 =	vld [tilespmem:s7+$0xFFFFFFD0]  }
0x1e8: {  	[tilespmem:v3+s0+$0x0] =	vst.idx.add.s32.msk $0xffff, v1  }
0x1e9: {  	[tilespmem:v4+s0+$0x0] =	vst.idx.add.s32.msk $0xffff, v1  }
0x1ea: {  	[tilespmem:v5+s0+$0x0] =	vst.idx.add.s32.msk $0xffff, v1  }
0x1eb: {  	[tilespmem:v6+s0+$0x0] =	vst.idx.add.s32.msk $0xffff, v1  }
0x1ec: {  	[tilespmem:v7+s0+$0x0] =	vst.idx.add.s32.msk $0xffff, v1  }
0x1ed: {  	[tilespmem:v8+s0+$0x0] =	vst.idx.add.s32.msk $0xffff, v1  }
0x1ee: {  	s8 =	simm.s32 $0x0;
	[tilespmem:v9+s0+$0x0] =	vst.idx.add.s32.msk $0xffff, v1  }
.LBB2_44:
0x1ef: {  	s8 =	sadd.s32 $0x80, s8;
	[tilespmem:v2+s0+$0x0] =	vst.idx.add.s32.msk $0xffff, v1;
	s7 =	sadd.s32 $0x80, s7  }
0x1f0: {  	v3 =	vld [tilespmem:s7+$0xFFFFFFC0];
	p0 =	slt.u32 s8, $0x1E80  }
0x1f1: {  	v4 =	vld [tilespmem:s7+$0x30]  }
0x1f2: {  	v5 =	vld [tilespmem:s7+$0x20]  }
0x1f3: {  	v6 =	vld [tilespmem:s7+$0x10]  }
0x1f4: {  	v7 =	vld [tilespmem:s7+$0x0]  }
0x1f5: {  	v8 =	vld [tilespmem:s7+$0xFFFFFFF0]  }
0x1f6: {  	v9 =	vld [tilespmem:s7+$0xFFFFFFE0]  }
0x1f7: {  	v2 =	vld [tilespmem:s7+$0xFFFFFFD0]  }
0x1f8: {  	[tilespmem:v3+s0+$0x0] =	vst.idx.add.s32.msk $0xffff, v1  }
0x1f9: {  	[tilespmem:v4+s0+$0x0] =	vst.idx.add.s32.msk $0xffff, v1  }
.Ltmp21:
0x1fa: {  	[tilespmem:v5+s0+$0x0] =	vst.idx.add.s32.msk $0xffff, v1;
	(pc) =	sbr.rel @p0 .LBB2_44-.Ltmp21, $4  }
0x1fb: {  	[tilespmem:v6+s0+$0x0] =	vst.idx.add.s32.msk $0xffff, v1  }
0x1fc: {  	[tilespmem:v7+s0+$0x0] =	vst.idx.add.s32.msk $0xffff, v1  }
0x1fd: {  	[tilespmem:v8+s0+$0x0] =	vst.idx.add.s32.msk $0xffff, v1  }
0x1fe: {  	s9 =	simm.s32 $0x1F00;
	[tilespmem:v9+s0+$0x0] =	vst.idx.add.s32.msk $0xffff, v1  }
0x1ff: {  	_ =	sdelay $0x3  }
0x200: {  	[tilespmem:v2+s0+$0x0] =	vst.idx.add.s32.msk $0xffff, v1;
	s7 =	simm.s32 $0x1EF0  }
.LBB2_46:
0x201: {  	v2 =	vld [tilespmem:s9+$0x0];
	_ =	sdelay $0x1  }
0x202: {  	s7 =	sadd.s32 $0x10, s7  }
0x203: {  	p0 =	slt.u32 s7, $0x1F30  }
.Ltmp22:
0x204: {  	_ = 	snop;
	(pc) =	sbr.rel @p0 .LBB2_46-.Ltmp22, $2  }
0x205: {  	_ =	sdelay $0x2  }
0x206: {  	s9 =	sadd.s32 $0x10, s9;
	[tilespmem:v2+s0+$0x0] =	vst.idx.add.s32.msk $0xffff, v1  }
0x207: {  	[tilespmem:s2], [sflag:$0x1] =	stream.linear.gather [hbm4b:s15+s2], $0x1F40, $0x38;
	[tilespmem:$0x1CE80] =	vst v63  }
0x208: {  	_ =	swait.ge [sflag:s4], $0x1F40  }
0x209: {  	[sflag:s4] =	ssyncset.done $0x0  }
0x20a: {  	s7 =	simm.s32 $0x1F80;
	[sflag:s4] =	ssyncadd.s32 $0xFFFFE0C0  }
0x20b: {  	v3 =	vld [tilespmem:s7+$0xFFFFFFC0]  }
0x20c: {  	v4 =	vld [tilespmem:s7+$0x30]  }
0x20d: {  	v5 =	vld [tilespmem:s7+$0x20]  }
0x20e: {  	v6 =	vld [tilespmem:s7+$0x10]  }
0x20f: {  	v7 =	vld [tilespmem:s7+$0x0]  }
0x210: {  	v8 =	vld [tilespmem:s7+$0xFFFFFFF0]  }
0x211: {  	v9 =	vld [tilespmem:s7+$0xFFFFFFE0]  }
0x212: {  	v2 =	vld [tilespmem:s7+$0xFFFFFFD0]  }
0x213: {  	[tilespmem:v3+s0+$0x0] =	vst.idx.add.s32.msk $0xffff, v1  }
0x214: {  	[tilespmem:v4+s0+$0x0] =	vst.idx.add.s32.msk $0xffff, v1  }
0x215: {  	[tilespmem:v5+s0+$0x0] =	vst.idx.add.s32.msk $0xffff, v1  }
0x216: {  	[tilespmem:v6+s0+$0x0] =	vst.idx.add.s32.msk $0xffff, v1  }
0x217: {  	[tilespmem:v7+s0+$0x0] =	vst.idx.add.s32.msk $0xffff, v1  }
0x218: {  	[tilespmem:v8+s0+$0x0] =	vst.idx.add.s32.msk $0xffff, v1  }
0x219: {  	s8 =	simm.s32 $0x0;
	[tilespmem:v9+s0+$0x0] =	vst.idx.add.s32.msk $0xffff, v1  }
.LBB2_48:
0x21a: {  	s8 =	sadd.s32 $0x80, s8;
	[tilespmem:v2+s0+$0x0] =	vst.idx.add.s32.msk $0xffff, v1;
	s7 =	sadd.s32 $0x80, s7  }
0x21b: {  	v3 =	vld [tilespmem:s7+$0xFFFFFFC0];
	p0 =	slt.u32 s8, $0x1E80  }
0x21c: {  	v4 =	vld [tilespmem:s7+$0x30]  }
0x21d: {  	v5 =	vld [tilespmem:s7+$0x20]  }
0x21e: {  	v6 =	vld [tilespmem:s7+$0x10]  }
0x21f: {  	v7 =	vld [tilespmem:s7+$0x0]  }
0x220: {  	v8 =	vld [tilespmem:s7+$0xFFFFFFF0]  }
0x221: {  	v9 =	vld [tilespmem:s7+$0xFFFFFFE0]  }
0x222: {  	v2 =	vld [tilespmem:s7+$0xFFFFFFD0]  }
0x223: {  	[tilespmem:v3+s0+$0x0] =	vst.idx.add.s32.msk $0xffff, v1  }
0x224: {  	[tilespmem:v4+s0+$0x0] =	vst.idx.add.s32.msk $0xffff, v1  }
.Ltmp23:
0x225: {  	[tilespmem:v5+s0+$0x0] =	vst.idx.add.s32.msk $0xffff, v1;
	(pc) =	sbr.rel @p0 .LBB2_48-.Ltmp23, $4  }
0x226: {  	[tilespmem:v6+s0+$0x0] =	vst.idx.add.s32.msk $0xffff, v1  }
0x227: {  	[tilespmem:v7+s0+$0x0] =	vst.idx.add.s32.msk $0xffff, v1  }
0x228: {  	[tilespmem:v8+s0+$0x0] =	vst.idx.add.s32.msk $0xffff, v1  }
0x229: {  	s9 =	simm.s32 $0x3E40;
	[tilespmem:v9+s0+$0x0] =	vst.idx.add.s32.msk $0xffff, v1  }
0x22a: {  	_ =	sdelay $0x3  }
0x22b: {  	[tilespmem:v2+s0+$0x0] =	vst.idx.add.s32.msk $0xffff, v1;
	s7 =	simm.s32 $0x1EF0  }
.LBB2_50:
0x22c: {  	v2 =	vld [tilespmem:s9+$0x0];
	_ =	sdelay $0x1  }
0x22d: {  	s7 =	sadd.s32 $0x10, s7  }
0x22e: {  	p0 =	slt.u32 s7, $0x1F30  }
.Ltmp24:
0x22f: {  	_ = 	snop;
	(pc) =	sbr.rel @p0 .LBB2_50-.Ltmp24, $2  }
0x230: {  	_ =	sdelay $0x2  }
0x231: {  	s9 =	sadd.s32 $0x10, s9;
	[tilespmem:v2+s0+$0x0] =	vst.idx.add.s32.msk $0xffff, v1  }
0x232: {  	[tilespmem:s31], [sflag:$0x2] =	stream.linear.gather [hbm4b:s16+s2], $0x1F40, $0x38;
	[tilespmem:$0x1CE80] =	vst v63  }
0x233: {  	_ =	swait.ge [sflag:s1], $0x1F40  }
0x234: {  	[sflag:s1] =	ssyncset.done $0x0  }
0x235: {  	s7 =	simm.s32 $0x40;
	[sflag:s1] =	ssyncadd.s32 $0xFFFFE0C0  }
0x236: {  	v3 =	vld [tilespmem:s7+$0xFFFFFFC0]  }
0x237: {  	v4 =	vld [tilespmem:s7+$0x30]  }
0x238: {  	v5 =	vld [tilespmem:s7+$0x20]  }
0x239: {  	v6 =	vld [tilespmem:s7+$0x10]  }
0x23a: {  	v7 =	vld [tilespmem:s7+$0x0]  }
0x23b: {  	v8 =	vld [tilespmem:s7+$0xFFFFFFF0]  }
0x23c: {  	v9 =	vld [tilespmem:s7+$0xFFFFFFE0]  }
0x23d: {  	v2 =	vld [tilespmem:s7+$0xFFFFFFD0]  }
0x23e: {  	[tilespmem:v3+s0+$0x0] =	vst.idx.add.s32.msk $0xffff, v1  }
0x23f: {  	[tilespmem:v4+s0+$0x0] =	vst.idx.add.s32.msk $0xffff, v1  }
0x240: {  	[tilespmem:v5+s0+$0x0] =	vst.idx.add.s32.msk $0xffff, v1  }
0x241: {  	[tilespmem:v6+s0+$0x0] =	vst.idx.add.s32.msk $0xffff, v1  }
0x242: {  	[tilespmem:v7+s0+$0x0] =	vst.idx.add.s32.msk $0xffff, v1  }
0x243: {  	[tilespmem:v8+s0+$0x0] =	vst.idx.add.s32.msk $0xffff, v1  }
0x244: {  	s8 =	simm.s32 $0x0;
	[tilespmem:v9+s0+$0x0] =	vst.idx.add.s32.msk $0xffff, v1  }
.LBB2_52:
0x245: {  	s8 =	sadd.s32 $0x80, s8;
	[tilespmem:v2+s0+$0x0] =	vst.idx.add.s32.msk $0xffff, v1;
	s7 =	sadd.s32 $0x80, s7  }
0x246: {  	v3 =	vld [tilespmem:s7+$0xFFFFFFC0];
	p0 =	slt.u32 s8, $0x1E80  }
0x247: {  	v4 =	vld [tilespmem:s7+$0x30]  }
0x248: {  	v5 =	vld [tilespmem:s7+$0x20]  }
0x249: {  	v6 =	vld [tilespmem:s7+$0x10]  }
0x24a: {  	v7 =	vld [tilespmem:s7+$0x0]  }
0x24b: {  	v8 =	vld [tilespmem:s7+$0xFFFFFFF0]  }
0x24c: {  	v9 =	vld [tilespmem:s7+$0xFFFFFFE0]  }
0x24d: {  	v2 =	vld [tilespmem:s7+$0xFFFFFFD0]  }
0x24e: {  	[tilespmem:v3+s0+$0x0] =	vst.idx.add.s32.msk $0xffff, v1  }
0x24f: {  	[tilespmem:v4+s0+$0x0] =	vst.idx.add.s32.msk $0xffff, v1  }
.Ltmp25:
0x250: {  	[tilespmem:v5+s0+$0x0] =	vst.idx.add.s32.msk $0xffff, v1;
	(pc) =	sbr.rel @p0 .LBB2_52-.Ltmp25, $4  }
0x251: {  	[tilespmem:v6+s0+$0x0] =	vst.idx.add.s32.msk $0xffff, v1  }
0x252: {  	[tilespmem:v7+s0+$0x0] =	vst.idx.add.s32.msk $0xffff, v1  }
0x253: {  	[tilespmem:v8+s0+$0x0] =	vst.idx.add.s32.msk $0xffff, v1  }
0x254: {  	s9 =	simm.s32 $0x1F00;
	[tilespmem:v9+s0+$0x0] =	vst.idx.add.s32.msk $0xffff, v1  }
0x255: {  	_ =	sdelay $0x3  }
0x256: {  	[tilespmem:v2+s0+$0x0] =	vst.idx.add.s32.msk $0xffff, v1;
	s7 =	simm.s32 $0x1EF0  }
.LBB2_54:
0x257: {  	v2 =	vld [tilespmem:s9+$0x0];
	_ =	sdelay $0x1  }
0x258: {  	s7 =	sadd.s32 $0x10, s7  }
0x259: {  	p0 =	slt.u32 s7, $0x1F30  }
.Ltmp26:
0x25a: {  	_ = 	snop;
	(pc) =	sbr.rel @p0 .LBB2_54-.Ltmp26, $2  }
0x25b: {  	_ =	sdelay $0x2  }
0x25c: {  	s9 =	sadd.s32 $0x10, s9;
	[tilespmem:v2+s0+$0x0] =	vst.idx.add.s32.msk $0xffff, v1  }
0x25d: {  	[tilespmem:s2], [sflag:$0x1] =	stream.linear.gather [hbm4b:s17+s2], $0x1F40, $0x38;
	[tilespmem:$0x1CE80] =	vst v63  }
0x25e: {  	_ =	swait.ge [sflag:s4], $0x1F40  }
0x25f: {  	[sflag:s4] =	ssyncset.done $0x0  }
0x260: {  	s7 =	simm.s32 $0x1F80;
	[sflag:s4] =	ssyncadd.s32 $0xFFFFE0C0  }
0x261: {  	v3 =	vld [tilespmem:s7+$0xFFFFFFC0]  }
0x262: {  	v4 =	vld [tilespmem:s7+$0x30]  }
0x263: {  	v5 =	vld [tilespmem:s7+$0x20]  }
0x264: {  	v6 =	vld [tilespmem:s7+$0x10]  }
0x265: {  	v7 =	vld [tilespmem:s7+$0x0]  }
0x266: {  	v8 =	vld [tilespmem:s7+$0xFFFFFFF0]  }
0x267: {  	v9 =	vld [tilespmem:s7+$0xFFFFFFE0]  }
0x268: {  	v2 =	vld [tilespmem:s7+$0xFFFFFFD0]  }
0x269: {  	[tilespmem:v3+s0+$0x0] =	vst.idx.add.s32.msk $0xffff, v1  }
0x26a: {  	[tilespmem:v4+s0+$0x0] =	vst.idx.add.s32.msk $0xffff, v1  }
0x26b: {  	[tilespmem:v5+s0+$0x0] =	vst.idx.add.s32.msk $0xffff, v1  }
0x26c: {  	[tilespmem:v6+s0+$0x0] =	vst.idx.add.s32.msk $0xffff, v1  }
0x26d: {  	[tilespmem:v7+s0+$0x0] =	vst.idx.add.s32.msk $0xffff, v1  }
0x26e: {  	[tilespmem:v8+s0+$0x0] =	vst.idx.add.s32.msk $0xffff, v1  }
0x26f: {  	s8 =	simm.s32 $0x0;
	[tilespmem:v9+s0+$0x0] =	vst.idx.add.s32.msk $0xffff, v1  }
.LBB2_56:
0x270: {  	s8 =	sadd.s32 $0x80, s8;
	[tilespmem:v2+s0+$0x0] =	vst.idx.add.s32.msk $0xffff, v1;
	s7 =	sadd.s32 $0x80, s7  }
0x271: {  	v3 =	vld [tilespmem:s7+$0xFFFFFFC0];
	p0 =	slt.u32 s8, $0x1E80  }
0x272: {  	v4 =	vld [tilespmem:s7+$0x30]  }
0x273: {  	v5 =	vld [tilespmem:s7+$0x20]  }
0x274: {  	v6 =	vld [tilespmem:s7+$0x10]  }
0x275: {  	v7 =	vld [tilespmem:s7+$0x0]  }
0x276: {  	v8 =	vld [tilespmem:s7+$0xFFFFFFF0]  }
0x277: {  	v9 =	vld [tilespmem:s7+$0xFFFFFFE0]  }
0x278: {  	v2 =	vld [tilespmem:s7+$0xFFFFFFD0]  }
0x279: {  	[tilespmem:v3+s0+$0x0] =	vst.idx.add.s32.msk $0xffff, v1  }
0x27a: {  	[tilespmem:v4+s0+$0x0] =	vst.idx.add.s32.msk $0xffff, v1  }
.Ltmp27:
0x27b: {  	[tilespmem:v5+s0+$0x0] =	vst.idx.add.s32.msk $0xffff, v1;
	(pc) =	sbr.rel @p0 .LBB2_56-.Ltmp27, $4  }
0x27c: {  	[tilespmem:v6+s0+$0x0] =	vst.idx.add.s32.msk $0xffff, v1  }
0x27d: {  	[tilespmem:v7+s0+$0x0] =	vst.idx.add.s32.msk $0xffff, v1  }
0x27e: {  	[tilespmem:v8+s0+$0x0] =	vst.idx.add.s32.msk $0xffff, v1  }
0x27f: {  	s9 =	simm.s32 $0x3E40;
	[tilespmem:v9+s0+$0x0] =	vst.idx.add.s32.msk $0xffff, v1  }
0x280: {  	_ =	sdelay $0x3  }
0x281: {  	[tilespmem:v2+s0+$0x0] =	vst.idx.add.s32.msk $0xffff, v1;
	s7 =	simm.s32 $0x1EF0  }
.LBB2_58:
0x282: {  	v2 =	vld [tilespmem:s9+$0x0];
	_ =	sdelay $0x1  }
0x283: {  	s7 =	sadd.s32 $0x10, s7  }
0x284: {  	p0 =	slt.u32 s7, $0x1F30  }
.Ltmp28:
0x285: {  	_ = 	snop;
	(pc) =	sbr.rel @p0 .LBB2_58-.Ltmp28, $2  }
0x286: {  	_ =	sdelay $0x2  }
0x287: {  	s9 =	sadd.s32 $0x10, s9;
	[tilespmem:v2+s0+$0x0] =	vst.idx.add.s32.msk $0xffff, v1  }
0x288: {  	[tilespmem:s31], [sflag:$0x2] =	stream.linear.gather [hbm4b:s18+s2], $0x1F40, $0x38;
	[tilespmem:$0x1CE80] =	vst v63  }
0x289: {  	_ =	swait.ge [sflag:s1], $0x1F40  }
0x28a: {  	[sflag:s1] =	ssyncset.done $0x0  }
0x28b: {  	s7 =	simm.s32 $0x40;
	[sflag:s1] =	ssyncadd.s32 $0xFFFFE0C0  }
0x28c: {  	v3 =	vld [tilespmem:s7+$0xFFFFFFC0]  }
0x28d: {  	v4 =	vld [tilespmem:s7+$0x30]  }
0x28e: {  	v5 =	vld [tilespmem:s7+$0x20]  }
0x28f: {  	v6 =	vld [tilespmem:s7+$0x10]  }
0x290: {  	v7 =	vld [tilespmem:s7+$0x0]  }
0x291: {  	v8 =	vld [tilespmem:s7+$0xFFFFFFF0]  }
0x292: {  	v9 =	vld [tilespmem:s7+$0xFFFFFFE0]  }
0x293: {  	v2 =	vld [tilespmem:s7+$0xFFFFFFD0]  }
0x294: {  	[tilespmem:v3+s0+$0x0] =	vst.idx.add.s32.msk $0xffff, v1  }
0x295: {  	[tilespmem:v4+s0+$0x0] =	vst.idx.add.s32.msk $0xffff, v1  }
0x296: {  	[tilespmem:v5+s0+$0x0] =	vst.idx.add.s32.msk $0xffff, v1  }
0x297: {  	[tilespmem:v6+s0+$0x0] =	vst.idx.add.s32.msk $0xffff, v1  }
0x298: {  	[tilespmem:v7+s0+$0x0] =	vst.idx.add.s32.msk $0xffff, v1  }
0x299: {  	[tilespmem:v8+s0+$0x0] =	vst.idx.add.s32.msk $0xffff, v1  }
0x29a: {  	s8 =	simm.s32 $0x0;
	[tilespmem:v9+s0+$0x0] =	vst.idx.add.s32.msk $0xffff, v1  }
.LBB2_60:
0x29b: {  	s8 =	sadd.s32 $0x80, s8;
	[tilespmem:v2+s0+$0x0] =	vst.idx.add.s32.msk $0xffff, v1;
	s7 =	sadd.s32 $0x80, s7  }
0x29c: {  	v3 =	vld [tilespmem:s7+$0xFFFFFFC0];
	p0 =	slt.u32 s8, $0x1E80  }
0x29d: {  	v4 =	vld [tilespmem:s7+$0x30]  }
0x29e: {  	v5 =	vld [tilespmem:s7+$0x20]  }
0x29f: {  	v6 =	vld [tilespmem:s7+$0x10]  }
0x2a0: {  	v7 =	vld [tilespmem:s7+$0x0]  }
0x2a1: {  	v8 =	vld [tilespmem:s7+$0xFFFFFFF0]  }
0x2a2: {  	v9 =	vld [tilespmem:s7+$0xFFFFFFE0]  }
0x2a3: {  	v2 =	vld [tilespmem:s7+$0xFFFFFFD0]  }
0x2a4: {  	[tilespmem:v3+s0+$0x0] =	vst.idx.add.s32.msk $0xffff, v1  }
0x2a5: {  	[tilespmem:v4+s0+$0x0] =	vst.idx.add.s32.msk $0xffff, v1  }
.Ltmp29:
0x2a6: {  	[tilespmem:v5+s0+$0x0] =	vst.idx.add.s32.msk $0xffff, v1;
	(pc) =	sbr.rel @p0 .LBB2_60-.Ltmp29, $4  }
0x2a7: {  	[tilespmem:v6+s0+$0x0] =	vst.idx.add.s32.msk $0xffff, v1  }
0x2a8: {  	[tilespmem:v7+s0+$0x0] =	vst.idx.add.s32.msk $0xffff, v1  }
0x2a9: {  	[tilespmem:v8+s0+$0x0] =	vst.idx.add.s32.msk $0xffff, v1  }
0x2aa: {  	s9 =	simm.s32 $0x1F00;
	[tilespmem:v9+s0+$0x0] =	vst.idx.add.s32.msk $0xffff, v1  }
0x2ab: {  	_ =	sdelay $0x3  }
0x2ac: {  	[tilespmem:v2+s0+$0x0] =	vst.idx.add.s32.msk $0xffff, v1;
	s7 =	simm.s32 $0x1EF0  }
.LBB2_62:
0x2ad: {  	v2 =	vld [tilespmem:s9+$0x0];
	_ =	sdelay $0x1  }
0x2ae: {  	s7 =	sadd.s32 $0x10, s7  }
0x2af: {  	p0 =	slt.u32 s7, $0x1F30  }
.Ltmp30:
0x2b0: {  	_ = 	snop;
	(pc) =	sbr.rel @p0 .LBB2_62-.Ltmp30, $2  }
0x2b1: {  	_ =	sdelay $0x2  }
0x2b2: {  	s9 =	sadd.s32 $0x10, s9;
	[tilespmem:v2+s0+$0x0] =	vst.idx.add.s32.msk $0xffff, v1  }
0x2b3: {  	[tilespmem:s2], [sflag:$0x1] =	stream.linear.gather [hbm4b:s19+s2], $0x1F40, $0x38;
	[tilespmem:$0x1CE80] =	vst v63  }
0x2b4: {  	_ =	swait.ge [sflag:s4], $0x1F40  }
0x2b5: {  	[sflag:s4] =	ssyncset.done $0x0  }
0x2b6: {  	s7 =	simm.s32 $0x1F80;
	[sflag:s4] =	ssyncadd.s32 $0xFFFFE0C0  }
0x2b7: {  	v3 =	vld [tilespmem:s7+$0xFFFFFFC0]  }
0x2b8: {  	v4 =	vld [tilespmem:s7+$0x30]  }
0x2b9: {  	v5 =	vld [tilespmem:s7+$0x20]  }
0x2ba: {  	v6 =	vld [tilespmem:s7+$0x10]  }
0x2bb: {  	v7 =	vld [tilespmem:s7+$0x0]  }
0x2bc: {  	v8 =	vld [tilespmem:s7+$0xFFFFFFF0]  }
0x2bd: {  	v9 =	vld [tilespmem:s7+$0xFFFFFFE0]  }
0x2be: {  	v2 =	vld [tilespmem:s7+$0xFFFFFFD0]  }
0x2bf: {  	[tilespmem:v3+s0+$0x0] =	vst.idx.add.s32.msk $0xffff, v1  }
0x2c0: {  	[tilespmem:v4+s0+$0x0] =	vst.idx.add.s32.msk $0xffff, v1  }
0x2c1: {  	[tilespmem:v5+s0+$0x0] =	vst.idx.add.s32.msk $0xffff, v1  }
0x2c2: {  	[tilespmem:v6+s0+$0x0] =	vst.idx.add.s32.msk $0xffff, v1  }
0x2c3: {  	[tilespmem:v7+s0+$0x0] =	vst.idx.add.s32.msk $0xffff, v1  }
0x2c4: {  	[tilespmem:v8+s0+$0x0] =	vst.idx.add.s32.msk $0xffff, v1  }
0x2c5: {  	s8 =	simm.s32 $0x0;
	[tilespmem:v9+s0+$0x0] =	vst.idx.add.s32.msk $0xffff, v1  }
.LBB2_64:
0x2c6: {  	s8 =	sadd.s32 $0x80, s8;
	[tilespmem:v2+s0+$0x0] =	vst.idx.add.s32.msk $0xffff, v1;
	s7 =	sadd.s32 $0x80, s7  }
0x2c7: {  	v3 =	vld [tilespmem:s7+$0xFFFFFFC0];
	p0 =	slt.u32 s8, $0x1E80  }
0x2c8: {  	v4 =	vld [tilespmem:s7+$0x30]  }
0x2c9: {  	v5 =	vld [tilespmem:s7+$0x20]  }
0x2ca: {  	v6 =	vld [tilespmem:s7+$0x10]  }
0x2cb: {  	v7 =	vld [tilespmem:s7+$0x0]  }
0x2cc: {  	v8 =	vld [tilespmem:s7+$0xFFFFFFF0]  }
0x2cd: {  	v9 =	vld [tilespmem:s7+$0xFFFFFFE0]  }
0x2ce: {  	v2 =	vld [tilespmem:s7+$0xFFFFFFD0]  }
0x2cf: {  	[tilespmem:v3+s0+$0x0] =	vst.idx.add.s32.msk $0xffff, v1  }
0x2d0: {  	[tilespmem:v4+s0+$0x0] =	vst.idx.add.s32.msk $0xffff, v1  }
.Ltmp31:
0x2d1: {  	[tilespmem:v5+s0+$0x0] =	vst.idx.add.s32.msk $0xffff, v1;
	(pc) =	sbr.rel @p0 .LBB2_64-.Ltmp31, $4  }
0x2d2: {  	[tilespmem:v6+s0+$0x0] =	vst.idx.add.s32.msk $0xffff, v1  }
0x2d3: {  	[tilespmem:v7+s0+$0x0] =	vst.idx.add.s32.msk $0xffff, v1  }
0x2d4: {  	[tilespmem:v8+s0+$0x0] =	vst.idx.add.s32.msk $0xffff, v1  }
0x2d5: {  	s9 =	simm.s32 $0x3E40;
	[tilespmem:v9+s0+$0x0] =	vst.idx.add.s32.msk $0xffff, v1  }
0x2d6: {  	_ =	sdelay $0x3  }
0x2d7: {  	[tilespmem:v2+s0+$0x0] =	vst.idx.add.s32.msk $0xffff, v1;
	s7 =	simm.s32 $0x1EF0  }
.LBB2_66:
0x2d8: {  	v2 =	vld [tilespmem:s9+$0x0];
	_ =	sdelay $0x1  }
0x2d9: {  	s7 =	sadd.s32 $0x10, s7  }
0x2da: {  	p0 =	slt.u32 s7, $0x1F30  }
.Ltmp32:
0x2db: {  	_ = 	snop;
	(pc) =	sbr.rel @p0 .LBB2_66-.Ltmp32, $2  }
0x2dc: {  	_ =	sdelay $0x2  }
0x2dd: {  	s9 =	sadd.s32 $0x10, s9;
	[tilespmem:v2+s0+$0x0] =	vst.idx.add.s32.msk $0xffff, v1  }
0x2de: {  	[tilespmem:s31], [sflag:$0x2] =	stream.linear.gather [hbm4b:s20+s2], $0x1F40, $0x38;
	[tilespmem:$0x1CE80] =	vst v63  }
0x2df: {  	_ =	swait.ge [sflag:s1], $0x1F40  }
0x2e0: {  	[sflag:s1] =	ssyncset.done $0x0  }
0x2e1: {  	s7 =	simm.s32 $0x40;
	[sflag:s1] =	ssyncadd.s32 $0xFFFFE0C0  }
0x2e2: {  	v3 =	vld [tilespmem:s7+$0xFFFFFFC0]  }
0x2e3: {  	v4 =	vld [tilespmem:s7+$0x30]  }
0x2e4: {  	v5 =	vld [tilespmem:s7+$0x20]  }
0x2e5: {  	v6 =	vld [tilespmem:s7+$0x10]  }
0x2e6: {  	v7 =	vld [tilespmem:s7+$0x0]  }
0x2e7: {  	v8 =	vld [tilespmem:s7+$0xFFFFFFF0]  }
0x2e8: {  	v9 =	vld [tilespmem:s7+$0xFFFFFFE0]  }
0x2e9: {  	v2 =	vld [tilespmem:s7+$0xFFFFFFD0]  }
0x2ea: {  	[tilespmem:v3+s0+$0x0] =	vst.idx.add.s32.msk $0xffff, v1  }
0x2eb: {  	[tilespmem:v4+s0+$0x0] =	vst.idx.add.s32.msk $0xffff, v1  }
0x2ec: {  	[tilespmem:v5+s0+$0x0] =	vst.idx.add.s32.msk $0xffff, v1  }
0x2ed: {  	[tilespmem:v6+s0+$0x0] =	vst.idx.add.s32.msk $0xffff, v1  }
0x2ee: {  	[tilespmem:v7+s0+$0x0] =	vst.idx.add.s32.msk $0xffff, v1  }
0x2ef: {  	[tilespmem:v8+s0+$0x0] =	vst.idx.add.s32.msk $0xffff, v1  }
0x2f0: {  	s8 =	simm.s32 $0x0;
	[tilespmem:v9+s0+$0x0] =	vst.idx.add.s32.msk $0xffff, v1  }
.LBB2_68:
0x2f1: {  	s8 =	sadd.s32 $0x80, s8;
	[tilespmem:v2+s0+$0x0] =	vst.idx.add.s32.msk $0xffff, v1;
	s7 =	sadd.s32 $0x80, s7  }
0x2f2: {  	v3 =	vld [tilespmem:s7+$0xFFFFFFC0];
	p0 =	slt.u32 s8, $0x1E80  }
0x2f3: {  	v4 =	vld [tilespmem:s7+$0x30]  }
0x2f4: {  	v5 =	vld [tilespmem:s7+$0x20]  }
0x2f5: {  	v6 =	vld [tilespmem:s7+$0x10]  }
0x2f6: {  	v7 =	vld [tilespmem:s7+$0x0]  }
0x2f7: {  	v8 =	vld [tilespmem:s7+$0xFFFFFFF0]  }
0x2f8: {  	v9 =	vld [tilespmem:s7+$0xFFFFFFE0]  }
0x2f9: {  	v2 =	vld [tilespmem:s7+$0xFFFFFFD0]  }
0x2fa: {  	[tilespmem:v3+s0+$0x0] =	vst.idx.add.s32.msk $0xffff, v1  }
0x2fb: {  	[tilespmem:v4+s0+$0x0] =	vst.idx.add.s32.msk $0xffff, v1  }
.Ltmp33:
0x2fc: {  	[tilespmem:v5+s0+$0x0] =	vst.idx.add.s32.msk $0xffff, v1;
	(pc) =	sbr.rel @p0 .LBB2_68-.Ltmp33, $4  }
0x2fd: {  	[tilespmem:v6+s0+$0x0] =	vst.idx.add.s32.msk $0xffff, v1  }
0x2fe: {  	[tilespmem:v7+s0+$0x0] =	vst.idx.add.s32.msk $0xffff, v1  }
0x2ff: {  	[tilespmem:v8+s0+$0x0] =	vst.idx.add.s32.msk $0xffff, v1  }
0x300: {  	s9 =	simm.s32 $0x1F00;
	[tilespmem:v9+s0+$0x0] =	vst.idx.add.s32.msk $0xffff, v1  }
0x301: {  	_ =	sdelay $0x3  }
0x302: {  	[tilespmem:v2+s0+$0x0] =	vst.idx.add.s32.msk $0xffff, v1;
	s7 =	simm.s32 $0x1EF0  }
.LBB2_70:
0x303: {  	v2 =	vld [tilespmem:s9+$0x0];
	_ =	sdelay $0x1  }
0x304: {  	s7 =	sadd.s32 $0x10, s7  }
0x305: {  	p0 =	slt.u32 s7, $0x1F30  }
.Ltmp34:
0x306: {  	_ = 	snop;
	(pc) =	sbr.rel @p0 .LBB2_70-.Ltmp34, $2  }
0x307: {  	_ =	sdelay $0x2  }
0x308: {  	s9 =	sadd.s32 $0x10, s9;
	[tilespmem:v2+s0+$0x0] =	vst.idx.add.s32.msk $0xffff, v1  }
0x309: {  	[tilespmem:s2], [sflag:$0x1] =	stream.linear.gather [hbm4b:s21+s2], $0x1F40, $0x38;
	[tilespmem:$0x1CE80] =	vst v63  }
0x30a: {  	_ =	swait.ge [sflag:s4], $0x1F40  }
0x30b: {  	[sflag:s4] =	ssyncset.done $0x0  }
0x30c: {  	s7 =	simm.s32 $0x1F80;
	[sflag:s4] =	ssyncadd.s32 $0xFFFFE0C0  }
0x30d: {  	v3 =	vld [tilespmem:s7+$0xFFFFFFC0]  }
0x30e: {  	v4 =	vld [tilespmem:s7+$0x30]  }
0x30f: {  	v5 =	vld [tilespmem:s7+$0x20]  }
0x310: {  	v6 =	vld [tilespmem:s7+$0x10]  }
0x311: {  	v7 =	vld [tilespmem:s7+$0x0]  }
0x312: {  	v8 =	vld [tilespmem:s7+$0xFFFFFFF0]  }
0x313: {  	v9 =	vld [tilespmem:s7+$0xFFFFFFE0]  }
0x314: {  	v2 =	vld [tilespmem:s7+$0xFFFFFFD0]  }
0x315: {  	[tilespmem:v3+s0+$0x0] =	vst.idx.add.s32.msk $0xffff, v1  }
0x316: {  	[tilespmem:v4+s0+$0x0] =	vst.idx.add.s32.msk $0xffff, v1  }
0x317: {  	[tilespmem:v5+s0+$0x0] =	vst.idx.add.s32.msk $0xffff, v1  }
0x318: {  	[tilespmem:v6+s0+$0x0] =	vst.idx.add.s32.msk $0xffff, v1  }
0x319: {  	[tilespmem:v7+s0+$0x0] =	vst.idx.add.s32.msk $0xffff, v1  }
0x31a: {  	[tilespmem:v8+s0+$0x0] =	vst.idx.add.s32.msk $0xffff, v1  }
0x31b: {  	s8 =	simm.s32 $0x0;
	[tilespmem:v9+s0+$0x0] =	vst.idx.add.s32.msk $0xffff, v1  }
.LBB2_72:
0x31c: {  	s8 =	sadd.s32 $0x80, s8;
	[tilespmem:v2+s0+$0x0] =	vst.idx.add.s32.msk $0xffff, v1;
	s7 =	sadd.s32 $0x80, s7  }
0x31d: {  	v3 =	vld [tilespmem:s7+$0xFFFFFFC0];
	p0 =	slt.u32 s8, $0x1E80  }
0x31e: {  	v4 =	vld [tilespmem:s7+$0x30]  }
0x31f: {  	v5 =	vld [tilespmem:s7+$0x20]  }
0x320: {  	v6 =	vld [tilespmem:s7+$0x10]  }
0x321: {  	v7 =	vld [tilespmem:s7+$0x0]  }
0x322: {  	v8 =	vld [tilespmem:s7+$0xFFFFFFF0]  }
0x323: {  	v9 =	vld [tilespmem:s7+$0xFFFFFFE0]  }
0x324: {  	v2 =	vld [tilespmem:s7+$0xFFFFFFD0]  }
0x325: {  	[tilespmem:v3+s0+$0x0] =	vst.idx.add.s32.msk $0xffff, v1  }
0x326: {  	[tilespmem:v4+s0+$0x0] =	vst.idx.add.s32.msk $0xffff, v1  }
.Ltmp35:
0x327: {  	[tilespmem:v5+s0+$0x0] =	vst.idx.add.s32.msk $0xffff, v1;
	(pc) =	sbr.rel @p0 .LBB2_72-.Ltmp35, $4  }
0x328: {  	[tilespmem:v6+s0+$0x0] =	vst.idx.add.s32.msk $0xffff, v1  }
0x329: {  	[tilespmem:v7+s0+$0x0] =	vst.idx.add.s32.msk $0xffff, v1  }
0x32a: {  	[tilespmem:v8+s0+$0x0] =	vst.idx.add.s32.msk $0xffff, v1  }
0x32b: {  	s9 =	simm.s32 $0x3E40;
	[tilespmem:v9+s0+$0x0] =	vst.idx.add.s32.msk $0xffff, v1  }
0x32c: {  	_ =	sdelay $0x3  }
0x32d: {  	[tilespmem:v2+s0+$0x0] =	vst.idx.add.s32.msk $0xffff, v1;
	s7 =	simm.s32 $0x1EF0  }
.LBB2_74:
0x32e: {  	v2 =	vld [tilespmem:s9+$0x0];
	_ =	sdelay $0x1  }
0x32f: {  	s7 =	sadd.s32 $0x10, s7  }
0x330: {  	p0 =	slt.u32 s7, $0x1F30  }
.Ltmp36:
0x331: {  	_ = 	snop;
	(pc) =	sbr.rel @p0 .LBB2_74-.Ltmp36, $2  }
0x332: {  	_ =	sdelay $0x2  }
0x333: {  	s9 =	sadd.s32 $0x10, s9;
	[tilespmem:v2+s0+$0x0] =	vst.idx.add.s32.msk $0xffff, v1  }
0x334: {  	[tilespmem:s31], [sflag:$0x2] =	stream.linear.gather [hbm4b:s22+s2], $0x1F40, $0x38;
	[tilespmem:$0x1CE80] =	vst v63  }
0x335: {  	_ =	swait.ge [sflag:s1], $0x1F40  }
0x336: {  	[sflag:s1] =	ssyncset.done $0x0  }
0x337: {  	s7 =	simm.s32 $0x40;
	[sflag:s1] =	ssyncadd.s32 $0xFFFFE0C0  }
0x338: {  	v3 =	vld [tilespmem:s7+$0xFFFFFFC0]  }
0x339: {  	v4 =	vld [tilespmem:s7+$0x30]  }
0x33a: {  	v5 =	vld [tilespmem:s7+$0x20]  }
0x33b: {  	v6 =	vld [tilespmem:s7+$0x10]  }
0x33c: {  	v7 =	vld [tilespmem:s7+$0x0]  }
0x33d: {  	v8 =	vld [tilespmem:s7+$0xFFFFFFF0]  }
0x33e: {  	v9 =	vld [tilespmem:s7+$0xFFFFFFE0]  }
0x33f: {  	v2 =	vld [tilespmem:s7+$0xFFFFFFD0]  }
0x340: {  	[tilespmem:v3+s0+$0x0] =	vst.idx.add.s32.msk $0xffff, v1  }
0x341: {  	[tilespmem:v4+s0+$0x0] =	vst.idx.add.s32.msk $0xffff, v1  }
0x342: {  	[tilespmem:v5+s0+$0x0] =	vst.idx.add.s32.msk $0xffff, v1  }
0x343: {  	[tilespmem:v6+s0+$0x0] =	vst.idx.add.s32.msk $0xffff, v1  }
0x344: {  	[tilespmem:v7+s0+$0x0] =	vst.idx.add.s32.msk $0xffff, v1  }
0x345: {  	[tilespmem:v8+s0+$0x0] =	vst.idx.add.s32.msk $0xffff, v1  }
0x346: {  	s8 =	simm.s32 $0x0;
	[tilespmem:v9+s0+$0x0] =	vst.idx.add.s32.msk $0xffff, v1  }
.LBB2_76:
0x347: {  	s8 =	sadd.s32 $0x80, s8;
	[tilespmem:v2+s0+$0x0] =	vst.idx.add.s32.msk $0xffff, v1;
	s7 =	sadd.s32 $0x80, s7  }
0x348: {  	v3 =	vld [tilespmem:s7+$0xFFFFFFC0];
	p0 =	slt.u32 s8, $0x1E80  }
0x349: {  	v4 =	vld [tilespmem:s7+$0x30]  }
0x34a: {  	v5 =	vld [tilespmem:s7+$0x20]  }
0x34b: {  	v6 =	vld [tilespmem:s7+$0x10]  }
0x34c: {  	v7 =	vld [tilespmem:s7+$0x0]  }
0x34d: {  	v8 =	vld [tilespmem:s7+$0xFFFFFFF0]  }
0x34e: {  	v9 =	vld [tilespmem:s7+$0xFFFFFFE0]  }
0x34f: {  	v2 =	vld [tilespmem:s7+$0xFFFFFFD0]  }
0x350: {  	[tilespmem:v3+s0+$0x0] =	vst.idx.add.s32.msk $0xffff, v1  }
0x351: {  	[tilespmem:v4+s0+$0x0] =	vst.idx.add.s32.msk $0xffff, v1  }
.Ltmp37:
0x352: {  	[tilespmem:v5+s0+$0x0] =	vst.idx.add.s32.msk $0xffff, v1;
	(pc) =	sbr.rel @p0 .LBB2_76-.Ltmp37, $4  }
0x353: {  	[tilespmem:v6+s0+$0x0] =	vst.idx.add.s32.msk $0xffff, v1  }
0x354: {  	[tilespmem:v7+s0+$0x0] =	vst.idx.add.s32.msk $0xffff, v1  }
0x355: {  	[tilespmem:v8+s0+$0x0] =	vst.idx.add.s32.msk $0xffff, v1  }
0x356: {  	s9 =	simm.s32 $0x1F00;
	[tilespmem:v9+s0+$0x0] =	vst.idx.add.s32.msk $0xffff, v1  }
0x357: {  	_ =	sdelay $0x3  }
0x358: {  	[tilespmem:v2+s0+$0x0] =	vst.idx.add.s32.msk $0xffff, v1;
	s7 =	simm.s32 $0x1EF0  }
.LBB2_78:
0x359: {  	v2 =	vld [tilespmem:s9+$0x0];
	_ =	sdelay $0x1  }
0x35a: {  	s7 =	sadd.s32 $0x10, s7  }
0x35b: {  	p0 =	slt.u32 s7, $0x1F30  }
.Ltmp38:
0x35c: {  	_ = 	snop;
	(pc) =	sbr.rel @p0 .LBB2_78-.Ltmp38, $2  }
0x35d: {  	_ =	sdelay $0x2  }
0x35e: {  	s9 =	sadd.s32 $0x10, s9;
	[tilespmem:v2+s0+$0x0] =	vst.idx.add.s32.msk $0xffff, v1  }
0x35f: {  	[tilespmem:s2], [sflag:$0x1] =	stream.linear.gather [hbm4b:s23+s2], $0x1F40, $0x38;
	[tilespmem:$0x1CE80] =	vst v63  }
0x360: {  	_ =	swait.ge [sflag:s4], $0x1F40  }
0x361: {  	[sflag:s4] =	ssyncset.done $0x0  }
0x362: {  	s7 =	simm.s32 $0x1F80;
	[sflag:s4] =	ssyncadd.s32 $0xFFFFE0C0  }
0x363: {  	v3 =	vld [tilespmem:s7+$0xFFFFFFC0]  }
0x364: {  	v4 =	vld [tilespmem:s7+$0x30]  }
0x365: {  	v5 =	vld [tilespmem:s7+$0x20]  }
0x366: {  	v6 =	vld [tilespmem:s7+$0x10]  }
0x367: {  	v7 =	vld [tilespmem:s7+$0x0]  }
0x368: {  	v8 =	vld [tilespmem:s7+$0xFFFFFFF0]  }
0x369: {  	v9 =	vld [tilespmem:s7+$0xFFFFFFE0]  }
0x36a: {  	v2 =	vld [tilespmem:s7+$0xFFFFFFD0]  }
0x36b: {  	[tilespmem:v3+s0+$0x0] =	vst.idx.add.s32.msk $0xffff, v1  }
0x36c: {  	[tilespmem:v4+s0+$0x0] =	vst.idx.add.s32.msk $0xffff, v1  }
0x36d: {  	[tilespmem:v5+s0+$0x0] =	vst.idx.add.s32.msk $0xffff, v1  }
0x36e: {  	[tilespmem:v6+s0+$0x0] =	vst.idx.add.s32.msk $0xffff, v1  }
0x36f: {  	[tilespmem:v7+s0+$0x0] =	vst.idx.add.s32.msk $0xffff, v1  }
0x370: {  	[tilespmem:v8+s0+$0x0] =	vst.idx.add.s32.msk $0xffff, v1  }
0x371: {  	s8 =	simm.s32 $0x0;
	[tilespmem:v9+s0+$0x0] =	vst.idx.add.s32.msk $0xffff, v1  }
.LBB2_80:
0x372: {  	s8 =	sadd.s32 $0x80, s8;
	[tilespmem:v2+s0+$0x0] =	vst.idx.add.s32.msk $0xffff, v1;
	s7 =	sadd.s32 $0x80, s7  }
0x373: {  	v3 =	vld [tilespmem:s7+$0xFFFFFFC0];
	p0 =	slt.u32 s8, $0x1E80  }
0x374: {  	v4 =	vld [tilespmem:s7+$0x30]  }
0x375: {  	v5 =	vld [tilespmem:s7+$0x20]  }
0x376: {  	v6 =	vld [tilespmem:s7+$0x10]  }
0x377: {  	v7 =	vld [tilespmem:s7+$0x0]  }
0x378: {  	v8 =	vld [tilespmem:s7+$0xFFFFFFF0]  }
0x379: {  	v9 =	vld [tilespmem:s7+$0xFFFFFFE0]  }
0x37a: {  	v2 =	vld [tilespmem:s7+$0xFFFFFFD0]  }
0x37b: {  	[tilespmem:v3+s0+$0x0] =	vst.idx.add.s32.msk $0xffff, v1  }
0x37c: {  	[tilespmem:v4+s0+$0x0] =	vst.idx.add.s32.msk $0xffff, v1  }
.Ltmp39:
0x37d: {  	[tilespmem:v5+s0+$0x0] =	vst.idx.add.s32.msk $0xffff, v1;
	(pc) =	sbr.rel @p0 .LBB2_80-.Ltmp39, $4  }
0x37e: {  	[tilespmem:v6+s0+$0x0] =	vst.idx.add.s32.msk $0xffff, v1  }
0x37f: {  	[tilespmem:v7+s0+$0x0] =	vst.idx.add.s32.msk $0xffff, v1  }
0x380: {  	[tilespmem:v8+s0+$0x0] =	vst.idx.add.s32.msk $0xffff, v1  }
0x381: {  	s9 =	simm.s32 $0x3E40;
	[tilespmem:v9+s0+$0x0] =	vst.idx.add.s32.msk $0xffff, v1  }
0x382: {  	_ =	sdelay $0x3  }
0x383: {  	[tilespmem:v2+s0+$0x0] =	vst.idx.add.s32.msk $0xffff, v1;
	s7 =	simm.s32 $0x1EF0  }
.LBB2_82:
0x384: {  	v2 =	vld [tilespmem:s9+$0x0];
	_ =	sdelay $0x1  }
0x385: {  	s7 =	sadd.s32 $0x10, s7  }
0x386: {  	p0 =	slt.u32 s7, $0x1F30  }
.Ltmp40:
0x387: {  	_ = 	snop;
	(pc) =	sbr.rel @p0 .LBB2_82-.Ltmp40, $2  }
0x388: {  	_ =	sdelay $0x2  }
0x389: {  	s9 =	sadd.s32 $0x10, s9;
	[tilespmem:v2+s0+$0x0] =	vst.idx.add.s32.msk $0xffff, v1  }
0x38a: {  	[tilespmem:s31], [sflag:$0x2] =	stream.linear.gather [hbm4b:s26+s2], $0x1F40, $0x38;
	[tilespmem:$0x1CE80] =	vst v63  }
0x38b: {  	_ =	swait.ge [sflag:s1], $0x1F40  }
0x38c: {  	[sflag:s1] =	ssyncset.done $0x0  }
0x38d: {  	s7 =	simm.s32 $0x40;
	[sflag:s1] =	ssyncadd.s32 $0xFFFFE0C0  }
0x38e: {  	v3 =	vld [tilespmem:s7+$0xFFFFFFC0]  }
0x38f: {  	v4 =	vld [tilespmem:s7+$0x30]  }
0x390: {  	v5 =	vld [tilespmem:s7+$0x20]  }
0x391: {  	v6 =	vld [tilespmem:s7+$0x10]  }
0x392: {  	v7 =	vld [tilespmem:s7+$0x0]  }
0x393: {  	v8 =	vld [tilespmem:s7+$0xFFFFFFF0]  }
0x394: {  	v9 =	vld [tilespmem:s7+$0xFFFFFFE0]  }
0x395: {  	v2 =	vld [tilespmem:s7+$0xFFFFFFD0]  }
0x396: {  	[tilespmem:v3+s0+$0x0] =	vst.idx.add.s32.msk $0xffff, v1  }
0x397: {  	[tilespmem:v4+s0+$0x0] =	vst.idx.add.s32.msk $0xffff, v1  }
0x398: {  	[tilespmem:v5+s0+$0x0] =	vst.idx.add.s32.msk $0xffff, v1  }
0x399: {  	[tilespmem:v6+s0+$0x0] =	vst.idx.add.s32.msk $0xffff, v1  }
0x39a: {  	[tilespmem:v7+s0+$0x0] =	vst.idx.add.s32.msk $0xffff, v1  }
0x39b: {  	[tilespmem:v8+s0+$0x0] =	vst.idx.add.s32.msk $0xffff, v1  }
0x39c: {  	s8 =	simm.s32 $0x0;
	[tilespmem:v9+s0+$0x0] =	vst.idx.add.s32.msk $0xffff, v1  }
.LBB2_84:
0x39d: {  	s8 =	sadd.s32 $0x80, s8;
	[tilespmem:v2+s0+$0x0] =	vst.idx.add.s32.msk $0xffff, v1;
	s7 =	sadd.s32 $0x80, s7  }
0x39e: {  	v3 =	vld [tilespmem:s7+$0xFFFFFFC0];
	p0 =	slt.u32 s8, $0x1E80  }
0x39f: {  	v4 =	vld [tilespmem:s7+$0x30]  }
0x3a0: {  	v5 =	vld [tilespmem:s7+$0x20]  }
0x3a1: {  	v6 =	vld [tilespmem:s7+$0x10]  }
0x3a2: {  	v7 =	vld [tilespmem:s7+$0x0]  }
0x3a3: {  	v8 =	vld [tilespmem:s7+$0xFFFFFFF0]  }
0x3a4: {  	v9 =	vld [tilespmem:s7+$0xFFFFFFE0]  }
0x3a5: {  	v2 =	vld [tilespmem:s7+$0xFFFFFFD0]  }
0x3a6: {  	[tilespmem:v3+s0+$0x0] =	vst.idx.add.s32.msk $0xffff, v1  }
0x3a7: {  	[tilespmem:v4+s0+$0x0] =	vst.idx.add.s32.msk $0xffff, v1  }
.Ltmp41:
0x3a8: {  	[tilespmem:v5+s0+$0x0] =	vst.idx.add.s32.msk $0xffff, v1;
	(pc) =	sbr.rel @p0 .LBB2_84-.Ltmp41, $4  }
0x3a9: {  	[tilespmem:v6+s0+$0x0] =	vst.idx.add.s32.msk $0xffff, v1  }
0x3aa: {  	[tilespmem:v7+s0+$0x0] =	vst.idx.add.s32.msk $0xffff, v1  }
0x3ab: {  	[tilespmem:v8+s0+$0x0] =	vst.idx.add.s32.msk $0xffff, v1  }
0x3ac: {  	s9 =	simm.s32 $0x1F00;
	[tilespmem:v9+s0+$0x0] =	vst.idx.add.s32.msk $0xffff, v1  }
0x3ad: {  	_ =	sdelay $0x3  }
0x3ae: {  	[tilespmem:v2+s0+$0x0] =	vst.idx.add.s32.msk $0xffff, v1;
	s7 =	simm.s32 $0x1EF0  }
.LBB2_86:
0x3af: {  	v2 =	vld [tilespmem:s9+$0x0];
	_ =	sdelay $0x1  }
0x3b0: {  	s7 =	sadd.s32 $0x10, s7  }
0x3b1: {  	p0 =	slt.u32 s7, $0x1F30  }
.Ltmp42:
0x3b2: {  	_ = 	snop;
	(pc) =	sbr.rel @p0 .LBB2_86-.Ltmp42, $2  }
0x3b3: {  	_ =	sdelay $0x2  }
0x3b4: {  	s9 =	sadd.s32 $0x10, s9;
	[tilespmem:v2+s0+$0x0] =	vst.idx.add.s32.msk $0xffff, v1  }
0x3b5: {  	[tilespmem:s2], [sflag:$0x1] =	stream.linear.gather [hbm4b:s28+s2], $0x1F40, $0x38;
	[tilespmem:$0x1CE80] =	vst v63  }
0x3b6: {  	_ =	swait.ge [sflag:s4], $0x1F40  }
0x3b7: {  	[sflag:s4] =	ssyncset.done $0x0  }
0x3b8: {  	s7 =	simm.s32 $0x1F80;
	[sflag:s4] =	ssyncadd.s32 $0xFFFFE0C0  }
0x3b9: {  	v3 =	vld [tilespmem:s7+$0xFFFFFFC0]  }
0x3ba: {  	v4 =	vld [tilespmem:s7+$0x30]  }
0x3bb: {  	v5 =	vld [tilespmem:s7+$0x20]  }
0x3bc: {  	v6 =	vld [tilespmem:s7+$0x10]  }
0x3bd: {  	v7 =	vld [tilespmem:s7+$0x0]  }
0x3be: {  	v8 =	vld [tilespmem:s7+$0xFFFFFFF0]  }
0x3bf: {  	v9 =	vld [tilespmem:s7+$0xFFFFFFE0]  }
0x3c0: {  	v2 =	vld [tilespmem:s7+$0xFFFFFFD0]  }
0x3c1: {  	[tilespmem:v3+s0+$0x0] =	vst.idx.add.s32.msk $0xffff, v1  }
0x3c2: {  	[tilespmem:v4+s0+$0x0] =	vst.idx.add.s32.msk $0xffff, v1  }
0x3c3: {  	[tilespmem:v5+s0+$0x0] =	vst.idx.add.s32.msk $0xffff, v1  }
0x3c4: {  	[tilespmem:v6+s0+$0x0] =	vst.idx.add.s32.msk $0xffff, v1  }
0x3c5: {  	[tilespmem:v7+s0+$0x0] =	vst.idx.add.s32.msk $0xffff, v1  }
0x3c6: {  	[tilespmem:v8+s0+$0x0] =	vst.idx.add.s32.msk $0xffff, v1  }
0x3c7: {  	s8 =	simm.s32 $0x0;
	[tilespmem:v9+s0+$0x0] =	vst.idx.add.s32.msk $0xffff, v1  }
.LBB2_88:
0x3c8: {  	s8 =	sadd.s32 $0x80, s8;
	[tilespmem:v2+s0+$0x0] =	vst.idx.add.s32.msk $0xffff, v1;
	s7 =	sadd.s32 $0x80, s7  }
0x3c9: {  	v3 =	vld [tilespmem:s7+$0xFFFFFFC0];
	p0 =	slt.u32 s8, $0x1E80  }
0x3ca: {  	v4 =	vld [tilespmem:s7+$0x30]  }
0x3cb: {  	v5 =	vld [tilespmem:s7+$0x20]  }
0x3cc: {  	v6 =	vld [tilespmem:s7+$0x10]  }
0x3cd: {  	v7 =	vld [tilespmem:s7+$0x0]  }
0x3ce: {  	v8 =	vld [tilespmem:s7+$0xFFFFFFF0]  }
0x3cf: {  	v9 =	vld [tilespmem:s7+$0xFFFFFFE0]  }
0x3d0: {  	v2 =	vld [tilespmem:s7+$0xFFFFFFD0]  }
0x3d1: {  	[tilespmem:v3+s0+$0x0] =	vst.idx.add.s32.msk $0xffff, v1  }
0x3d2: {  	[tilespmem:v4+s0+$0x0] =	vst.idx.add.s32.msk $0xffff, v1  }
.Ltmp43:
0x3d3: {  	[tilespmem:v5+s0+$0x0] =	vst.idx.add.s32.msk $0xffff, v1;
	(pc) =	sbr.rel @p0 .LBB2_88-.Ltmp43, $4  }
0x3d4: {  	[tilespmem:v6+s0+$0x0] =	vst.idx.add.s32.msk $0xffff, v1  }
0x3d5: {  	[tilespmem:v7+s0+$0x0] =	vst.idx.add.s32.msk $0xffff, v1  }
0x3d6: {  	[tilespmem:v8+s0+$0x0] =	vst.idx.add.s32.msk $0xffff, v1  }
0x3d7: {  	s9 =	simm.s32 $0x3E40;
	[tilespmem:v9+s0+$0x0] =	vst.idx.add.s32.msk $0xffff, v1  }
0x3d8: {  	_ =	sdelay $0x3  }
0x3d9: {  	[tilespmem:v2+s0+$0x0] =	vst.idx.add.s32.msk $0xffff, v1;
	s7 =	simm.s32 $0x1EF0  }
.LBB2_90:
0x3da: {  	v2 =	vld [tilespmem:s9+$0x0];
	_ =	sdelay $0x1  }
0x3db: {  	s7 =	sadd.s32 $0x10, s7  }
0x3dc: {  	p0 =	slt.u32 s7, $0x1F30  }
.Ltmp44:
0x3dd: {  	_ = 	snop;
	(pc) =	sbr.rel @p0 .LBB2_90-.Ltmp44, $2  }
0x3de: {  	_ =	sdelay $0x2  }
0x3df: {  	s9 =	sadd.s32 $0x10, s9;
	[tilespmem:v2+s0+$0x0] =	vst.idx.add.s32.msk $0xffff, v1  }
0x3e0: {  	[tilespmem:s31], [sflag:$0x2] =	stream.linear.gather [hbm4b:s29+s2], $0x1F40, $0x38;
	[tilespmem:$0x1CE80] =	vst v63  }
0x3e1: {  	_ =	swait.ge [sflag:s1], $0x1F40  }
0x3e2: {  	[sflag:s1] =	ssyncset.done $0x0  }
0x3e3: {  	s7 =	simm.s32 $0x40;
	[sflag:s1] =	ssyncadd.s32 $0xFFFFE0C0  }
0x3e4: {  	v3 =	vld [tilespmem:s7+$0xFFFFFFC0]  }
0x3e5: {  	v4 =	vld [tilespmem:s7+$0x30]  }
0x3e6: {  	v5 =	vld [tilespmem:s7+$0x20]  }
0x3e7: {  	v6 =	vld [tilespmem:s7+$0x10]  }
0x3e8: {  	v7 =	vld [tilespmem:s7+$0x0]  }
0x3e9: {  	v8 =	vld [tilespmem:s7+$0xFFFFFFF0]  }
0x3ea: {  	v9 =	vld [tilespmem:s7+$0xFFFFFFE0]  }
0x3eb: {  	v2 =	vld [tilespmem:s7+$0xFFFFFFD0]  }
0x3ec: {  	[tilespmem:v3+s0+$0x0] =	vst.idx.add.s32.msk $0xffff, v1  }
0x3ed: {  	[tilespmem:v4+s0+$0x0] =	vst.idx.add.s32.msk $0xffff, v1  }
0x3ee: {  	[tilespmem:v5+s0+$0x0] =	vst.idx.add.s32.msk $0xffff, v1  }
0x3ef: {  	[tilespmem:v6+s0+$0x0] =	vst.idx.add.s32.msk $0xffff, v1  }
0x3f0: {  	[tilespmem:v7+s0+$0x0] =	vst.idx.add.s32.msk $0xffff, v1  }
0x3f1: {  	[tilespmem:v8+s0+$0x0] =	vst.idx.add.s32.msk $0xffff, v1  }
0x3f2: {  	s8 =	simm.s32 $0x0;
	[tilespmem:v9+s0+$0x0] =	vst.idx.add.s32.msk $0xffff, v1  }
.LBB2_92:
0x3f3: {  	s8 =	sadd.s32 $0x80, s8;
	[tilespmem:v2+s0+$0x0] =	vst.idx.add.s32.msk $0xffff, v1;
	s7 =	sadd.s32 $0x80, s7  }
0x3f4: {  	v3 =	vld [tilespmem:s7+$0xFFFFFFC0];
	p0 =	slt.u32 s8, $0x1E80  }
0x3f5: {  	v4 =	vld [tilespmem:s7+$0x30]  }
0x3f6: {  	v5 =	vld [tilespmem:s7+$0x20]  }
0x3f7: {  	v6 =	vld [tilespmem:s7+$0x10]  }
0x3f8: {  	v7 =	vld [tilespmem:s7+$0x0]  }
0x3f9: {  	v8 =	vld [tilespmem:s7+$0xFFFFFFF0]  }
0x3fa: {  	v9 =	vld [tilespmem:s7+$0xFFFFFFE0]  }
0x3fb: {  	v2 =	vld [tilespmem:s7+$0xFFFFFFD0]  }
0x3fc: {  	[tilespmem:v3+s0+$0x0] =	vst.idx.add.s32.msk $0xffff, v1  }
0x3fd: {  	[tilespmem:v4+s0+$0x0] =	vst.idx.add.s32.msk $0xffff, v1  }
.Ltmp45:
0x3fe: {  	[tilespmem:v5+s0+$0x0] =	vst.idx.add.s32.msk $0xffff, v1;
	(pc) =	sbr.rel @p0 .LBB2_92-.Ltmp45, $4  }
0x3ff: {  	[tilespmem:v6+s0+$0x0] =	vst.idx.add.s32.msk $0xffff, v1  }
0x400: {  	[tilespmem:v7+s0+$0x0] =	vst.idx.add.s32.msk $0xffff, v1  }
0x401: {  	[tilespmem:v8+s0+$0x0] =	vst.idx.add.s32.msk $0xffff, v1  }
0x402: {  	s9 =	simm.s32 $0x1F00;
	[tilespmem:v9+s0+$0x0] =	vst.idx.add.s32.msk $0xffff, v1  }
0x403: {  	_ =	sdelay $0x3  }
0x404: {  	[tilespmem:v2+s0+$0x0] =	vst.idx.add.s32.msk $0xffff, v1;
	s7 =	simm.s32 $0x1EF0  }
.LBB2_94:
0x405: {  	v2 =	vld [tilespmem:s9+$0x0];
	_ =	sdelay $0x1  }
0x406: {  	s7 =	sadd.s32 $0x10, s7  }
0x407: {  	p0 =	slt.u32 s7, $0x1F30  }
.Ltmp46:
0x408: {  	_ = 	snop;
	(pc) =	sbr.rel @p0 .LBB2_94-.Ltmp46, $2  }
0x409: {  	_ =	sdelay $0x2  }
0x40a: {  	s9 =	sadd.s32 $0x10, s9;
	[tilespmem:v2+s0+$0x0] =	vst.idx.add.s32.msk $0xffff, v1  }
0x40b: {  	[tilespmem:s2], [sflag:$0x1] =	stream.linear.gather [hbm4b:s30+s2], $0x1F40, $0x38;
	[tilespmem:$0x1CE80] =	vst v63  }
0x40c: {  	_ =	swait.ge [sflag:s4], $0x1F40  }
0x40d: {  	[sflag:s4] =	ssyncset.done $0x0  }
0x40e: {  	s7 =	simm.s32 $0x1F80;
	[sflag:s4] =	ssyncadd.s32 $0xFFFFE0C0  }
0x40f: {  	v3 =	vld [tilespmem:s7+$0xFFFFFFC0]  }
0x410: {  	v4 =	vld [tilespmem:s7+$0x30]  }
0x411: {  	v5 =	vld [tilespmem:s7+$0x20]  }
0x412: {  	v6 =	vld [tilespmem:s7+$0x10]  }
0x413: {  	v7 =	vld [tilespmem:s7+$0x0]  }
0x414: {  	v8 =	vld [tilespmem:s7+$0xFFFFFFF0]  }
0x415: {  	v9 =	vld [tilespmem:s7+$0xFFFFFFE0]  }
0x416: {  	v2 =	vld [tilespmem:s7+$0xFFFFFFD0]  }
0x417: {  	[tilespmem:v3+s0+$0x0] =	vst.idx.add.s32.msk $0xffff, v1  }
0x418: {  	[tilespmem:v4+s0+$0x0] =	vst.idx.add.s32.msk $0xffff, v1  }
0x419: {  	[tilespmem:v5+s0+$0x0] =	vst.idx.add.s32.msk $0xffff, v1  }
0x41a: {  	[tilespmem:v6+s0+$0x0] =	vst.idx.add.s32.msk $0xffff, v1  }
0x41b: {  	[tilespmem:v7+s0+$0x0] =	vst.idx.add.s32.msk $0xffff, v1  }
0x41c: {  	[tilespmem:v8+s0+$0x0] =	vst.idx.add.s32.msk $0xffff, v1  }
0x41d: {  	s8 =	simm.s32 $0x0;
	[tilespmem:v9+s0+$0x0] =	vst.idx.add.s32.msk $0xffff, v1  }
.LBB2_96:
0x41e: {  	s8 =	sadd.s32 $0x80, s8;
	[tilespmem:v2+s0+$0x0] =	vst.idx.add.s32.msk $0xffff, v1;
	s7 =	sadd.s32 $0x80, s7  }
0x41f: {  	v3 =	vld [tilespmem:s7+$0xFFFFFFC0];
	p0 =	slt.u32 s8, $0x1E80  }
0x420: {  	v4 =	vld [tilespmem:s7+$0x30]  }
0x421: {  	v5 =	vld [tilespmem:s7+$0x20]  }
0x422: {  	v6 =	vld [tilespmem:s7+$0x10]  }
0x423: {  	v7 =	vld [tilespmem:s7+$0x0]  }
0x424: {  	v8 =	vld [tilespmem:s7+$0xFFFFFFF0]  }
0x425: {  	v9 =	vld [tilespmem:s7+$0xFFFFFFE0]  }
0x426: {  	v2 =	vld [tilespmem:s7+$0xFFFFFFD0]  }
0x427: {  	[tilespmem:v3+s0+$0x0] =	vst.idx.add.s32.msk $0xffff, v1  }
0x428: {  	[tilespmem:v4+s0+$0x0] =	vst.idx.add.s32.msk $0xffff, v1  }
.Ltmp47:
0x429: {  	[tilespmem:v5+s0+$0x0] =	vst.idx.add.s32.msk $0xffff, v1;
	(pc) =	sbr.rel @p0 .LBB2_96-.Ltmp47, $4  }
0x42a: {  	[tilespmem:v6+s0+$0x0] =	vst.idx.add.s32.msk $0xffff, v1  }
0x42b: {  	[tilespmem:v7+s0+$0x0] =	vst.idx.add.s32.msk $0xffff, v1  }
0x42c: {  	[tilespmem:v8+s0+$0x0] =	vst.idx.add.s32.msk $0xffff, v1  }
0x42d: {  	s9 =	simm.s32 $0x3E40;
	[tilespmem:v9+s0+$0x0] =	vst.idx.add.s32.msk $0xffff, v1  }
0x42e: {  	_ =	sdelay $0x3  }
0x42f: {  	[tilespmem:v2+s0+$0x0] =	vst.idx.add.s32.msk $0xffff, v1;
	s7 =	simm.s32 $0x1EF0  }
.LBB2_98:
0x430: {  	v2 =	vld [tilespmem:s9+$0x0];
	_ =	sdelay $0x1  }
0x431: {  	s7 =	sadd.s32 $0x10, s7  }
0x432: {  	p0 =	slt.u32 s7, $0x1F30  }
.Ltmp48:
0x433: {  	_ = 	snop;
	(pc) =	sbr.rel @p0 .LBB2_98-.Ltmp48, $2  }
0x434: {  	_ =	sdelay $0x2  }
0x435: {  	s9 =	sadd.s32 $0x10, s9;
	[tilespmem:v2+s0+$0x0] =	vst.idx.add.s32.msk $0xffff, v1  }
0x436: {  	_ =	swait.ge [sflag:s1], $0x1F40  }
0x437: {  	[sflag:s1] =	ssyncset.done $0x0  }
0x438: {  	s7 =	simm.s32 $0x40;
	[sflag:s1] =	ssyncadd.s32 $0xFFFFE0C0  }
0x439: {  	v3 =	vld [tilespmem:s7+$0xFFFFFFC0]  }
0x43a: {  	v4 =	vld [tilespmem:s7+$0x30]  }
0x43b: {  	v5 =	vld [tilespmem:s7+$0x20]  }
0x43c: {  	v6 =	vld [tilespmem:s7+$0x10]  }
0x43d: {  	v7 =	vld [tilespmem:s7+$0x0]  }
0x43e: {  	v8 =	vld [tilespmem:s7+$0xFFFFFFF0]  }
0x43f: {  	v9 =	vld [tilespmem:s7+$0xFFFFFFE0]  }
0x440: {  	v2 =	vld [tilespmem:s7+$0xFFFFFFD0]  }
0x441: {  	[tilespmem:v3+s0+$0x0] =	vst.idx.add.s32.msk $0xffff, v1  }
0x442: {  	[tilespmem:v4+s0+$0x0] =	vst.idx.add.s32.msk $0xffff, v1  }
0x443: {  	[tilespmem:v5+s0+$0x0] =	vst.idx.add.s32.msk $0xffff, v1  }
0x444: {  	[tilespmem:v6+s0+$0x0] =	vst.idx.add.s32.msk $0xffff, v1  }
0x445: {  	[tilespmem:v7+s0+$0x0] =	vst.idx.add.s32.msk $0xffff, v1  }
0x446: {  	[tilespmem:v8+s0+$0x0] =	vst.idx.add.s32.msk $0xffff, v1  }
0x447: {  	s8 =	simm.s32 $0x0;
	[tilespmem:v9+s0+$0x0] =	vst.idx.add.s32.msk $0xffff, v1  }
.LBB2_100:
0x448: {  	s8 =	sadd.s32 $0x80, s8;
	[tilespmem:v2+s0+$0x0] =	vst.idx.add.s32.msk $0xffff, v1;
	s7 =	sadd.s32 $0x80, s7  }
0x449: {  	v3 =	vld [tilespmem:s7+$0xFFFFFFC0];
	p0 =	slt.u32 s8, $0x1E80  }
0x44a: {  	v4 =	vld [tilespmem:s7+$0x30]  }
0x44b: {  	v5 =	vld [tilespmem:s7+$0x20]  }
0x44c: {  	v6 =	vld [tilespmem:s7+$0x10]  }
0x44d: {  	v7 =	vld [tilespmem:s7+$0x0]  }
0x44e: {  	v8 =	vld [tilespmem:s7+$0xFFFFFFF0]  }
0x44f: {  	v9 =	vld [tilespmem:s7+$0xFFFFFFE0]  }
0x450: {  	v2 =	vld [tilespmem:s7+$0xFFFFFFD0]  }
0x451: {  	[tilespmem:v3+s0+$0x0] =	vst.idx.add.s32.msk $0xffff, v1  }
0x452: {  	[tilespmem:v4+s0+$0x0] =	vst.idx.add.s32.msk $0xffff, v1  }
.Ltmp49:
0x453: {  	[tilespmem:v5+s0+$0x0] =	vst.idx.add.s32.msk $0xffff, v1;
	(pc) =	sbr.rel @p0 .LBB2_100-.Ltmp49, $4  }
0x454: {  	[tilespmem:v6+s0+$0x0] =	vst.idx.add.s32.msk $0xffff, v1  }
0x455: {  	[tilespmem:v7+s0+$0x0] =	vst.idx.add.s32.msk $0xffff, v1  }
0x456: {  	[tilespmem:v8+s0+$0x0] =	vst.idx.add.s32.msk $0xffff, v1  }
0x457: {  	s9 =	simm.s32 $0x1F00;
	[tilespmem:v9+s0+$0x0] =	vst.idx.add.s32.msk $0xffff, v1  }
0x458: {  	_ =	sdelay $0x3  }
0x459: {  	[tilespmem:v2+s0+$0x0] =	vst.idx.add.s32.msk $0xffff, v1;
	s7 =	simm.s32 $0x1EF0  }
.LBB2_102:
0x45a: {  	v2 =	vld [tilespmem:s9+$0x0];
	_ =	sdelay $0x1  }
0x45b: {  	s7 =	sadd.s32 $0x10, s7  }
0x45c: {  	p0 =	slt.u32 s7, $0x1F30  }
.Ltmp50:
0x45d: {  	_ = 	snop;
	(pc) =	sbr.rel @p0 .LBB2_102-.Ltmp50, $2  }
0x45e: {  	_ =	sdelay $0x2  }
0x45f: {  	s9 =	sadd.s32 $0x10, s9;
	[tilespmem:v2+s0+$0x0] =	vst.idx.add.s32.msk $0xffff, v1  }
0x460: {  	s6 =	sadd.s32 $0x1, s6  }
0x461: {  	p0 =	sne.s32 s6, s25  }
.Ltmp51:
0x462: {  	_ = 	snop;
	(pc) =	sbr.rel @p0 .LBB2_1-.Ltmp51, $4  }
0x463: {  	[hbm4b:s24+s2] =	stream.linear.scatter [tilespmem:s0], [sflag:$0x3], $0x19000, $0x38;
	[tilespmem:$0x1CE80] =	vst v63  }
0x464: {  	_ =	swait.ge [sflag:s5], $0x19000  }
0x465: {  	[sflag:s5] =	ssyncset.done $0x0  }
0x466: {  	[sflag:s5] =	ssyncadd.s32 $0xFFFE7000  }
0x467: {  	_ =	sfence.sel $0x180000  }
0x468: {  	[bflag:$0x0] =	sbarrier.arrive $0xFFFF  }
0x469: {  	_ =	strace $0x90000047  }
0x46a: {  	s0 =	stileid.u32;
	[bflag:$0x2] =	sbarrier.arrive $0xFFFF  }
0x46b: {  	p0 =	sne.s32 s0, $0x0;
	s0 =	rddreg [dreg:$0x2]  }
0x46c: {  	s0 =	sadd.s32 @!p0 $0x100000, s0  }
0x46d: {  	[sflag:s0] =	ssyncadd.tile.s32 @!p0 $0x1;
	_ =	shalt  }
.Lfunc_end2:
_tile_overlayer_lowered:
.L_overlay_start_2:
0x46e: {  	(tag) =	ssettag $0x2  }
0x46f: {  	s0 =	rddreg [dreg:$0x0];
	s2 =	stileid.u32  }
0x470: {  	s1 =	rddreg [dreg:$0x1];
	p0 =	sne.s32 s2, $0x0  }
0x471: {  	s3 =	rddreg [dreg:$0x2];
	[bflag:$0x3] =	sbarrier.arrive $0xFFFF;
	s2 =	simm.s32 @!p0 $0x1C03  }
0x472: {  	[timem:s3], [sflag:s2] =	dma.local @!p0 [hbm:s0], s1  }
0x473: {  	s0 =	simm.s32 @!p0 $0x3  }
0x474: {  	_ =	swait.ge @!p0 [sflag:s0], s1  }
0x475: {  	s1 =	ssub.s32 @!p0 $0x0, s1;
	[sflag:s0] =	ssyncset.done @!p0 $0x0  }
0x476: {  	[sflag:s0] =	ssyncadd.s32 @!p0 s1  }
0x477: {  	[bflag:$0x3] =	sbarrier.arrive $0xFFFF  }
0x478: {  	_ =	shalt  }

// kernel: kernel.7.cloned.1.call-start
scs
__scs_entry_jumppad:
0x0: {  	(pc) =	sbr.rel $0x88, $3  }
0x1: {  	(tag) =	ssettag $0x0;
	lr =	simm.s32 $0x1  }
0x2: {  	[smem:$0x3F9F] =	sst lr;
	_ =	strace $0xD0000000  }
0x3: {  	_ = 	snop  }
0x4: {  	_ = 	snop  }
0x5: {  	_ = 	snop  }
0x6: {  	_ = 	snop  }
0x7: {  	_ = 	snop  }
__scs_overlays_trampoline_lowered:
0x8: {  	[smem:$0x3FAE] =	sst s0  }
0x9: {  	[smem:$0x3FAF] =	sst s1  }
0xa: {  	[smem:$0x3FB0] =	sst s2  }
0xb: {  	[smem:$0x3FB1] =	sst s3  }
0xc: {  	[smem:$0x3FB2] =	sst s4  }
0xd: {  	[smem:$0x3FB3] =	sst s5  }
0xe: {  	[smem:$0x3FB4] =	sst s6  }
0xf: {  	[smem:$0x3FB5] =	sst s7  }
0x10: {  	[smem:$0x3FB6] =	sst s8  }
0x11: {  	[smem:$0x3FB7] =	sst s9;
	s0 =	simm.s32 @!p0 $0x0  }
0x12: {  	s1 =	sld [smem:$0x3F9D];
	s0 =	simm.s32 @p0 $0x1  }
0x13: {  	[smem:$0x3FB8] =	sst s0;
	s0 =	simm.s32 @!p1 $0x0  }
0x14: {  	s2 =	sld [smem:$0x3F9C];
	s0 =	simm.s32 @p1 $0x1  }
0x15: {  	[smem:$0x3FB9] =	sst s0;
	s0 =	simm.s32 @!p2 $0x0  }
0x16: {  	s3 =	sld [smem:$0x3FDB];
	s0 =	simm.s32 @p2 $0x1  }
0x17: {  	s4 =	simm.s32 $0x1BF5;
	[smem:$0x3FBB] =	sst s0  }
0x18: {  	s0 =	sld [smem:$0x3F9E];
	_ =	swait.ge [sflag:s4], $0x0  }
0x19: {  	s7 =	sld [smem:$0x3F9F]  }
0x1a: {  	s8 =	sadd.s32 $0xFFFFE003, lr  }
0x1b: {  	s9 =	sadd.s32 $0xFFFFFEF7, lr;
	s5 =	simm.s32 $0xFFFFFFFF;
	p2 =	slt.u32 s8, $0xFFFFF086  }
0x1c: {  	p1 =	slt.u32 s9, $0xF7A;
	s5 =	simm.s32 @!p2 $0x0  }
0x1d: {  	s5 =	simm.s32 @p1 $0x1;
	p0 =	seq.s32 s7, s2  }
0x1e: {  	s7 =	smul.u32 @!p0 $0xF7A, s2;
	p2 =	seq.s32 @!p0 s5, $0x0  }
0x1f: {  	s9 =	smul.u32 $0xF7A, s1;
	s8 =	simm.s32 @!p0 $0x1BF5;
	p2 =	por !p2, p0  }
0x20: {  	[sflag:s8] =	ssyncset.s32 @!p0 $0xFFFFF086;
	s6 =	sadd.s32 @!p0 s3, s7;
	s7 =	simm.s32 @!p0 $0x108  }
0x21: {  	s3 =	sadd.s32 s3, s9;
	s6 =	sadd.s32 @!p0 $0x88, s6;
	s7 =	simm.s32 @p2 $0x1082  }
0x22: {  	[simem:s7], [sflag:s8] =	dma.local @!p0 [hbm:s6], $0xF7A  }
0x23: {  	s9 =	sor.u32 $0xD0000000, s2;
	s6 =	simm.s32 $0x108;
	_ =	swait.ge @!p0 [sflag:s8], $0x0  }
0x24: {  	s3 =	sadd.s32 $0x88, s3;
	s6 =	simm.s32 @!p1 $0x1082;
	[sflag:s4] =	ssyncset.s32 $0xFFFFF086  }
0x25: {  	[simem:s6], [sflag:s4] =	dma.local [hbm:s3], $0xF7A  }
0x26: {  	[smem:$0x3F9F] =	sst s1;
	(tag) =	ssettag s2;
	_ =	strace s9  }
0x27: {  	s1 =	sld [smem:$0x3FAF]  }
0x28: {  	s2 =	sld [smem:$0x3FB0]  }
0x29: {  	s4 =	sld [smem:$0x3FB2]  }
0x2a: {  	p0 =	seq.s32 s5, $0x0;
	s5 =	sld [smem:$0x3FB3]  }
0x2b: {  	s6 =	sld [smem:$0x3FB4]  }
0x2c: {  	s7 =	sld [smem:$0x3FB5]  }
0x2d: {  	s3 =	simm.s32 $0x108;
	s8 =	sld [smem:$0x3FB6]  }
0x2e: {  	s3 =	simm.s32 @!p0 $0x1082;
	s9 =	sld [smem:$0x3FB7]  }
0x2f: {  	lr =	sadd.s32 s0, s3;
	s0 =	sld [smem:$0x3FAE]  }
0x30: {  	s3 =	sld [smem:$0x3FB1]  }
0x31: {  	[smem:$0x3FBA] =	sst s10  }
0x32: {  	s10 =	sld [smem:$0x3FB8];
	_ =	sdelay $0x3  }
0x33: {  	p0 =	seq.s32 s10, $0x1;
	s10 =	sld [smem:$0x3FBA];
	_ =	sdelay $0x3  }
0x34: {  	[smem:$0x3FBA] =	sst s10  }
0x35: {  	s10 =	sld [smem:$0x3FB9];
	_ =	sdelay $0x3  }
0x36: {  	p1 =	seq.s32 s10, $0x1;
	s10 =	sld [smem:$0x3FBA];
	_ =	sdelay $0x3  }
0x37: {  	[smem:$0x3FBA] =	sst s10  }
0x38: {  	s10 =	sld [smem:$0x3FBB]  }
0x39: {  	_ = 	snop;
	(pc) =	sbr.ind lr, $3  }
0x3a: {  	_ = 	snop  }
0x3b: {  	_ = 	snop  }
0x3c: {  	p2 =	seq.s32 s10, $0x1;
	s10 =	sld [smem:$0x3FBA]  }
0x3d: {  	_ =	shalt  }
0x3e: {  	_ =	shalt  }
0x3f: {  	_ =	shalt  }
0x40: {  	_ =	shalt  }
0x41: {  	_ =	shalt  }
0x42: {  	_ =	shalt  }
0x43: {  	_ =	shalt  }
0x44: {  	_ =	shalt  }
0x45: {  	_ =	shalt  }
0x46: {  	_ =	shalt  }
0x47: {  	_ =	shalt  }
0x48: {  	_ =	shalt  }
0x49: {  	_ =	shalt  }
0x4a: {  	_ =	shalt  }
0x4b: {  	_ =	shalt  }
0x4c: {  	_ =	shalt  }
0x4d: {  	_ =	shalt  }
0x4e: {  	_ =	shalt  }
0x4f: {  	_ =	shalt  }
0x50: {  	_ =	shalt  }
0x51: {  	_ =	shalt  }
0x52: {  	_ =	shalt  }
0x53: {  	_ =	shalt  }
0x54: {  	_ =	shalt  }
0x55: {  	_ =	shalt  }
0x56: {  	_ =	shalt  }
0x57: {  	_ =	shalt  }
0x58: {  	_ =	shalt  }
0x59: {  	_ =	shalt  }
0x5a: {  	_ =	shalt  }
0x5b: {  	_ =	shalt  }
0x5c: {  	_ =	shalt  }
0x5d: {  	_ =	shalt  }
0x5e: {  	_ =	shalt  }
0x5f: {  	_ =	shalt  }
0x60: {  	_ =	shalt  }
0x61: {  	_ =	shalt  }
0x62: {  	_ =	shalt  }
0x63: {  	_ =	shalt  }
0x64: {  	_ =	shalt  }
0x65: {  	_ =	shalt  }
0x66: {  	_ =	shalt  }
0x67: {  	_ =	shalt  }
0x68: {  	_ =	shalt  }
0x69: {  	_ =	shalt  }
0x6a: {  	_ =	shalt  }
0x6b: {  	_ =	shalt  }
0x6c: {  	_ =	shalt  }
0x6d: {  	_ =	shalt  }
0x6e: {  	_ =	shalt  }
0x6f: {  	_ =	shalt  }
0x70: {  	_ =	shalt  }
0x71: {  	_ =	shalt  }
0x72: {  	_ =	shalt  }
0x73: {  	_ =	shalt  }
0x74: {  	_ =	shalt  }
0x75: {  	_ =	shalt  }
0x76: {  	_ =	shalt  }
0x77: {  	_ =	shalt  }
0x78: {  	_ =	shalt  }
0x79: {  	_ =	shalt  }
0x7a: {  	_ =	shalt  }
0x7b: {  	_ =	shalt  }
0x7c: {  	_ =	shalt  }
0x7d: {  	_ =	shalt  }
0x7e: {  	_ =	shalt  }
0x7f: {  	_ =	shalt  }
0x80: {  	_ =	shalt  }
0x81: {  	_ =	shalt  }
0x82: {  	_ =	shalt  }
0x83: {  	_ =	shalt  }
0x84: {  	_ =	shalt  }
0x85: {  	_ =	shalt  }
0x86: {  	_ =	shalt  }
0x87: {  	_ =	shalt  }
.Lfunc_end0:
.L_simem_size_0:
called_computation.1_lowered:
.L_overlay_start_0:
0x88: {  	s2 =	sld [smem:$0x3FD9]  }
0x89: {  	s3 =	sld [smem:$0x3FFE];
	_ =	sdelay $0x1  }
0x8a: {  	s1 =	srdreg.scid  }
0x8b: {  	s0 =	sand.u32 $0x1, s1  }
0x8c: {  	s17 =	sshll.u32 s0, $0xA;
	s2 =	sadd.s32 s3, s2  }
0x8d: {  	s2 =	sadd.s32 s2, s17  }
0x8e: {  	[smem:$0x3FC6] =	sst s2  }
0x8f: {  	_ = 	snop  }
0x90: {  	s2 =	sld [smem:$0x3FD0];
	(tm) =	ssettm $0x1  }
0x91: {  	s18 =	sld [smem:$0x3FFB];
	_ =	sdelay $0x3  }
0x92: {  	_ =	strace s18  }
0x93: {  	s3 =	sld [smem:$0x3FFC];
	_ =	sdelay $0x3  }
0x94: {  	_ =	strace s3  }
0x95: {  	s3 =	sld [smem:$0x3FFD];
	_ =	sdelay $0x3  }
0x96: {  	_ =	strace s3  }
0x97: {  	_ =	strace $0x8FFFFFFF  }
0x98: {  	s19 =	sld [smem:$0x3FDB];
	_ =	sdelay $0x1  }
0x99: {  	s4 =	simm.s32 $_scs_section_size  }
0x9a: {  	s5 =	simm.s32 $_size__tile_overlayer_lowered;
	s6 =	simm.s32 $_tile_overlayer_lowered  }
0x9b: {  	s22 =	simm.s32 $0x1BFF;
	s21 =	sshll.u32 s6, $0x1;
	s3 =	sadd.s32 s4, s19  }
0x9c: {  	s7 =	simm.s32 $0x0;
	s20 =	sshll.u32 s5, $0x1;
	s5 =	sadd.s32 s21, s3  }
0x9d: {  	[timem:s7], [sflag:s22] =	dma.local [hbm:s5], s20  }
0x9e: {  	_ =	swait.ge [sflag:s22], s20  }
0x9f: {  	s4 =	ssub.s32 $0x0, s20;
	[sflag:s22] =	ssyncset.done $0x0  }
0xa0: {  	[sflag:s22] =	ssyncadd.s32 s4;
	_ =	sdelay $0x1  }
0xa1: {  	s23 =	simm.s32 $0x1B8B  }
0xa2: {  	_ =	swait.ge [sflag:s23], $0x1  }
0xa3: {  	[sflag:s23] =	ssyncset.done $0x0  }
0xa4: {  	s25 =	simm.s32 $0x1B8E;
	s24 =	sld [smem:$0x3FFE];
	[sflag:s23] =	ssyncadd.s32 $0xFFFFFFFF  }
0xa5: {  	s26 =	simm.s32 $execute0_lowered;
	[smem:$0x3FD2] =	sst s25  }
0xa6: {  	s5 =	sshll.u32 s26, $0x1;
	_ =	strace $0x80000049;
	[dreg:$0x1] =	wrdreg $0xFFFFFFFF  }
0xa7: {  	s28 =	simm.s32 $_size_execute0_lowered;
	s3 =	sadd.s32 s3, s5;
	[dreg:$0x0] =	wrdreg $0x0  }
0xa8: {  	s5 =	sshll.u32 s28, $0x1;
	[dreg:$0x2] =	wrdreg s3  }
0xa9: {  	[dreg:$0x3] =	wrdreg s5  }
0xaa: {  	[dreg:$0x4] =	wrdreg $0xC0  }
0xab: {  	_ =	task [dreg:s7], $0x5FFFF  }
0xac: {  	[dreg:$0x1] =	wrdreg $0xFFFFFFFF  }
0xad: {  	[dreg:$0x0] =	wrdreg $0x60  }
0xae: {  	[dreg:$0x2] =	wrdreg s24  }
0xaf: {  	[dreg:$0x3] =	wrdreg s2  }
0xb0: {  	[dreg:$0x4] =	wrdreg $0x9C800  }
0xb1: {  	[dreg:$0x5] =	wrdreg $0x9  }
0xb2: {  	_ =	task.clear_ibuf [dreg:s7], $0x6FFFF;
	_ =	strace $0x90000049  }
0xb3: {  	s29 =	simm.s32 $0x9;
	_ =	strace $0x8000004B  }
0xb4: {  	_ =	swait.ge [sflag:s29], $0x1  }
0xb5: {  	[sflag:s29] =	ssyncadd.s32 $0xFFFFFFFF  }
0xb6: {  	_ =	strace $0x9000004B  }
0xb7: {  	_ =	sfence  }
0xb8: {  	s30 =	sld [smem:$0x0];
	_ =	sdelay $0x2  }
0xb9: {  	s31 =	sshll.u32 s1, $0xD;
	s1 =	sshrl.u32 s1, $0x2  }
0xba: {  	s3 =	sand.u32 $0x4000, s31;
	s1 =	sadd.s32 s1, s30  }
0xbb: {  	s0 =	sor.u32 s3, s0;
	s1 =	sshll.u32 s1, $0x11  }
0xbc: {  	s0 =	sor.u32 s1, s0  }
0xbd: {  	s0 =	sadd.s32 $0x8F2B, s0  }
0xbe: {  	[sflag:s0] =	ssyncadd.remote.s32 $0x1  }
0xbf: {  	_ =	sfence.sel $0xFFFF  }
0xc0: {  	[dreg:$0x0] =	wrdreg $0xFFFFFFFF;
	(pc) =	sbr.abs _section_cstart, $3  }
0xc1: {  	[dreg:$0x1] =	wrdreg $0xFFFFFFFF  }
0xc2: {  	_ =	task.clear_ibuf [dreg:s7], $0x2FFFF;
	_ =	strace $0x9FFFFFFF  }
0xc3: {  	(tm) =	ssettm $0x7FFFFFFF  }
tec
execute0_lowered:
.L_overlay_start_1:
0x0: {  	(tag) =	ssettag $0x1  }
0x1: {  	s0 =	rddreg [dreg:$0x0]  }
0x2: {  	s17 =	rddreg [dreg:$0x1]  }
0x3: {  	s1 =	rddreg [dreg:$0x2]  }
0x4: {  	s3 =	srdreg.scid;
	s9 =	stileid.u32  }
0x5: {  	s2 =	simm.s32 $0x0;
	s28 =	simm.s32 $0x0;
	s3 =	sand.u32 $0x1, s3  }
0x6: {  	s4 =	sshll.u32 s9, $0x1;
	[smem:$0x7FF] =	sst s2;
	s8 =	sadd.s32 $0xA00, s0  }
0x7: {  	p0 =	sne.s32 s9, $0x0;
	s10 =	sor.u32 s3, s4;
	s13 =	ssub.s32 $0x2, s3  }
0x8: {  	_ =	strace $0x8000004A;
	s7 =	smul.u32 $0xC80, s10;
	s14 =	sshrl.u32 s13, $0x1  }
0x9: {  	s3 =	sadd.s32 $0x64A00, s0;
	p1 =	seq.s32 s10, $0x1F;
	s18 =	ssub.s32 s13, s14  }
0xa: {  	s14 =	smul.u32 $0x32000, s10;
	s15 =	sshrl.u32 s7, $0x3;
	s11 =	sadd.s32 $0x280, s7  }
0xb: {  	s12 =	sadd.s32 $0x500, s7;
	s13 =	sadd.s32 $0x780, s7;
	s18 =	smax.u32 s18, $0x1  }
0xc: {  	s4 =	sadd.s32 s8, s15;
	s16 =	sshrl.u32 s11, $0x3;
	s6 =	sshrl.u32 s12, $0x3  }
0xd: {  	s19 =	sshrl.u32 s13, $0x3;
	s14 =	sshrl.u32 s14, $0x3;
	s25 =	sshll.u32 s11, $0x3  }
0xe: {  	s15 =	sadd.s32 $0xA00, s7;
	s14 =	sadd.s32 s17, s14;
	s0 =	sadd.s32 s17, s25  }
0xf: {  	s11 =	sshll.u32 s12, $0x3;
	s22 =	sadd.s32 $0x400, s14;
	[dreg:$0x9] =	wrdreg s0  }
0x10: {  	s13 =	sshll.u32 s13, $0x3;
	s23 =	sadd.s32 $0x800, s14;
	[dreg:$0x5] =	wrdreg s22  }
0x11: {  	s5 =	sadd.s32 s8, s16;
	s24 =	sadd.s32 $0xC00, s14;
	[dreg:$0x6] =	wrdreg s23  }
0x12: {  	s6 =	sadd.s32 s8, s6;
	s26 =	sadd.s32 $0x1000, s14;
	[dreg:$0x7] =	wrdreg s24  }
0x13: {  	s16 =	smul.u32 $0x6400, s10;
	s29 =	sadd.s32 $0x1800, s14;
	[dreg:$0x8] =	wrdreg s26  }
0x14: {  	s7 =	sadd.s32 s8, s19;
	s30 =	sadd.s32 $0x1C00, s14;
	[dreg:$0xa] =	wrdreg s29  }
0x15: {  	s20 =	sshrl.u32 s15, $0x3;
	s31 =	sadd.s32 $0x2000, s14;
	[dreg:$0xb] =	wrdreg s30  }
0x16: {  	s8 =	sadd.s32 s8, s20;
	s12 =	sadd.s32 $0x2400, s14;
	[dreg:$0xc] =	wrdreg s31  }
0x17: {  	s0 =	sadd.s32 s17, s11;
	s19 =	sadd.s32 $0x2C00, s14;
	[dreg:$0xd] =	wrdreg s12  }
0x18: {  	s25 =	sadd.s32 $0x4400, s14;
	s9 =	sadd.s32 $0x5C00, s14;
	[dreg:$0xe] =	wrdreg s0  }
0x19: {  	s10 =	sadd.s32 $0x6000, s14;
	s11 =	sadd.s32 $0xC1C00, s17;
	[dreg:$0xf] =	wrdreg s19  }
0x1a: {  	s21 =	sadd.s32 s17, s16;
	s16 =	sshll.u32 s15, $0x3;
	[dreg:$0x16] =	wrdreg s25  }
0x1b: {  	s0 =	sadd.s32 s17, s13;
	s22 =	sadd.s32 $0x3400, s14;
	[dreg:$0x4] =	wrdreg s21  }
0x1c: {  	s23 =	sadd.s32 $0x3800, s14;
	s24 =	sadd.s32 $0x4000, s14;
	[dreg:$0x10] =	wrdreg s0  }
0x1d: {  	s26 =	sadd.s32 $0x4800, s14;
	s29 =	sadd.s32 $0x4C00, s14;
	[dreg:$0x13] =	wrdreg s22  }
0x1e: {  	s30 =	sadd.s32 $0x5400, s14;
	s31 =	sadd.s32 $0x5800, s14;
	[dreg:$0x14] =	wrdreg s23  }
0x1f: {  	s12 =	sadd.s32 $0xC2000, s17;
	s13 =	sadd.s32 $0xC2400, s17;
	[dreg:$0x15] =	wrdreg s24  }
0x20: {  	s15 =	sadd.s32 $0xC2C00, s17;
	s19 =	simm.s32 $0x280;
	[dreg:$0x17] =	wrdreg s26  }
0x21: {  	s25 =	simm.s32 $0x1;
	s20 =	sadd.s32 s17, s16;
	[dreg:$0x18] =	wrdreg s29  }
.Ltmp0:
0x22: {  	s21 =	sadd.s32 $0x3000, s14;
	[dreg:$0x19] =	wrdreg s30;
	(pc) =	sbr.rel .LBB2_1-.Ltmp0, $4  }
0x23: {  	[dreg:$0x1a] =	wrdreg s31;
	s14 =	sadd.s32 $0xC2800, s17;
	s16 =	sadd.s32 $0xC3000, s17  }
0x24: {  	s17 =	sadd.s32 $0xC3400, s17;
	s22 =	simm.s32 $0x80;
	s23 =	simm.s32 $0x5C80  }
0x25: {  	s24 =	simm.s32 $0x7C80;
	s26 =	simm.s32 $0x2;
	[dreg:$0x11] =	wrdreg s20  }
0x26: {  	[dreg:$0x12] =	wrdreg s21;
	s20 =	simm.s32 $0x19000;
	s21 =	simm.s32 $0x3  }
.LBB2_13:
0x27: {  	[hbm4b:s11+s2] =	stream.linear.scatter [tilespmem:s23], [sflag:$0x3], $0x2000, $0x38;
	[tilespmem:$0xA088] =	vst v63  }
0x28: {  	_ =	swait.ge [sflag:s21], $0x2000  }
0x29: {  	[sflag:s21] =	ssyncset.done $0x0  }
0x2a: {  	s0 =	simm.s32 $0x5100;
	[sflag:s21] =	ssyncadd.s32 $0xFFFFE000  }
0x2b: {  	[tilespmem:s23], [sflag:$0x1] =	stream.indirect.gather [spmem:s1], $0x40, s0, s22, $0xb8;
	[tilespmem:$0xA088] =	vst v63  }
0x2c: {  	_ =	swait.ge [sflag:s26], $0x2000  }
0x2d: {  	[sflag:s26] =	ssyncset.done $0x0  }
0x2e: {  	[sflag:s26] =	ssyncadd.s32 $0xFFFFE000  }
0x2f: {  	[hbm4b:s12+s2] =	stream.linear.scatter [tilespmem:s24], [sflag:$0x3], $0x2000, $0x38;
	[tilespmem:$0xA088] =	vst v63  }
0x30: {  	_ =	swait.ge [sflag:s21], $0x2000  }
0x31: {  	[sflag:s21] =	ssyncset.done $0x0  }
0x32: {  	s31 =	simm.s32 $0x5180;
	[sflag:s21] =	ssyncadd.s32 $0xFFFFE000  }
0x33: {  	[tilespmem:s24], [sflag:$0x2] =	stream.indirect.gather [spmem:s1], $0x40, s31, s22, $0xb8;
	[tilespmem:$0xA088] =	vst v63  }
0x34: {  	_ =	swait.ge [sflag:s25], $0x2000  }
0x35: {  	[sflag:s25] =	ssyncset.done $0x0  }
0x36: {  	[sflag:s25] =	ssyncadd.s32 $0xFFFFE000  }
0x37: {  	[hbm4b:s13+s2] =	stream.linear.scatter [tilespmem:s23], [sflag:$0x3], $0x2000, $0x38;
	[tilespmem:$0xA088] =	vst v63  }
0x38: {  	_ =	swait.ge [sflag:s21], $0x2000  }
0x39: {  	[sflag:s21] =	ssyncset.done $0x0  }
0x3a: {  	s29 =	simm.s32 $0x5200;
	[sflag:s21] =	ssyncadd.s32 $0xFFFFE000  }
0x3b: {  	[tilespmem:s23], [sflag:$0x1] =	stream.indirect.gather [spmem:s1], $0x40, s29, s22, $0xb8;
	[tilespmem:$0xA088] =	vst v63  }
0x3c: {  	_ =	swait.ge [sflag:s26], $0x2000  }
0x3d: {  	[sflag:s26] =	ssyncset.done $0x0  }
0x3e: {  	[sflag:s26] =	ssyncadd.s32 $0xFFFFE000  }
0x3f: {  	[hbm4b:s14+s2] =	stream.linear.scatter [tilespmem:s24], [sflag:$0x3], $0x2000, $0x38;
	[tilespmem:$0xA088] =	vst v63  }
0x40: {  	_ =	swait.ge [sflag:s21], $0x2000  }
0x41: {  	[sflag:s21] =	ssyncset.done $0x0  }
0x42: {  	s30 =	simm.s32 $0x5280;
	[sflag:s21] =	ssyncadd.s32 $0xFFFFE000  }
0x43: {  	[tilespmem:s24], [sflag:$0x2] =	stream.indirect.gather [spmem:s1], $0x40, s30, s22, $0xb8;
	[tilespmem:$0xA088] =	vst v63  }
0x44: {  	_ =	swait.ge [sflag:s25], $0x2000  }
0x45: {  	[sflag:s25] =	ssyncset.done $0x0  }
0x46: {  	[sflag:s25] =	ssyncadd.s32 $0xFFFFE000  }
0x47: {  	[hbm4b:s15+s2] =	stream.linear.scatter [tilespmem:s23], [sflag:$0x3], $0x2000, $0x38;
	[tilespmem:$0xA088] =	vst v63  }
0x48: {  	_ =	swait.ge [sflag:s21], $0x2000  }
0x49: {  	[sflag:s21] =	ssyncset.done $0x0  }
0x4a: {  	s31 =	simm.s32 $0x20;
	s29 =	simm.s32 $0x5300;
	[sflag:s21] =	ssyncadd.s32 $0xFFFFE000  }
0x4b: {  	[tilespmem:s23], [sflag:$0x1] =	stream.indirect.gather [spmem:s1], $0x40, s29, s31, $0xb8;
	[tilespmem:$0xA088] =	vst v63  }
0x4c: {  	_ =	swait.ge [sflag:s26], $0x2000  }
0x4d: {  	[sflag:s26] =	ssyncset.done $0x0  }
0x4e: {  	[sflag:s26] =	ssyncadd.s32 $0xFFFFE000  }
0x4f: {  	[hbm4b:s16+s2] =	stream.linear.scatter [tilespmem:s24], [sflag:$0x3], $0x2000, $0x38;
	[tilespmem:$0xA088] =	vst v63  }
0x50: {  	_ =	swait.ge [sflag:s21], $0x2000  }
0x51: {  	[sflag:s21] =	ssyncset.done $0x0  }
0x52: {  	[sflag:s21] =	ssyncadd.s32 $0xFFFFE000  }
0x53: {  	_ =	swait.ge [sflag:s25], $0x800  }
0x54: {  	[sflag:s25] =	ssyncset.done $0x0  }
0x55: {  	[sflag:s25] =	ssyncadd.s32 $0xFFFFF800  }
0x56: {  	[hbm4b:s17+s2] =	stream.linear.scatter [tilespmem:s23], [sflag:$0x3], $0x800, $0x38;
	[tilespmem:$0xA088] =	vst v63  }
0x57: {  	_ =	swait.ge [sflag:s21], $0x800  }
0x58: {  	[sflag:s21] =	ssyncset.done $0x0  }
0x59: {  	[sflag:s21] =	ssyncadd.s32 $0xFFFFF800  }
.LBB2_14:
0x5a: {  	s28 =	sadd.s32 $0x1, s28  }
0x5b: {  	p2 =	sne.s32 s28, s18  }
.Ltmp1:
0x5c: {  	_ = 	snop;
	(pc) =	sbr.rel @!p2 .LBB2_15-.Ltmp1, $1  }
0x5d: {  	_ =	sdelay $0x3  }
.LBB2_1:
0x5e: {  	s29 =	sshrl.u32 @!p0 s1, $0x3;
	s30 =	simm.s32 @!p0 $0x1C03  }
0x5f: {  	[spmem:s29], [sflag:s30] =	dma.local @!p0 [hbm:s3], $0x808  }
0x60: {  	s29 =	simm.s32 @!p0 $0x3  }
0x61: {  	_ =	swait.ge @!p0 [sflag:s29], $0x808  }
0x62: {  	[sflag:s29] =	ssyncset.done @!p0 $0x0  }
0x63: {  	[sflag:s29] =	ssyncadd.s32 @!p0 $0xFFFFF7F8  }
0x64: {  	[tilespmem:s2], [sflag:$0x3] =	stream.strided.gather [hbm4b:s4+s19], $0x5000, s20, s19, $0x38;
	[tilespmem:$0xA088] =	vst v63  }
0x65: {  	_ =	swait.ge [sflag:s21], $0x5000  }
0x66: {  	[sflag:s21] =	ssyncset.done $0x0  }
0x67: {  	s29 =	simm.s32 $0x0;
	[sflag:s21] =	ssyncadd.s32 $0xFFFFB000  }
0x68: {  	v0 =	vld [tilespmem:s29+$0x10]  }
0x69: {  	v1 =	vld [tilespmem:s29+$0x290]  }
0x6a: {  	v2 =	vld [tilespmem:s29+$0x510]  }
0x6b: {  	v3 =	vld [tilespmem:s29+$0x790]  }
0x6c: {  	v4 =	vld [tilespmem:s29+$0xA10]  }
0x6d: {  	v5 =	vld [tilespmem:s29+$0xC90]  }
0x6e: {  	v6 =	vld [tilespmem:s29+$0xF10]  }
0x6f: {  	v7 =	vld [tilespmem:s29+$0x1190]  }
0x70: {  	v8 =	vld [tilespmem:s29+$0x1410]  }
0x71: {  	v9 =	vld [tilespmem:s29+$0x1690]  }
0x72: {  	v10 =	vld [tilespmem:s29+$0x1910]  }
0x73: {  	v11 =	vld [tilespmem:s29+$0x1B90]  }
0x74: {  	v12 =	vld [tilespmem:s29+$0x1E10]  }
0x75: {  	v13 =	vld [tilespmem:s29+$0x2090]  }
0x76: {  	v14 =	vld [tilespmem:s29+$0x2310]  }
0x77: {  	v15 =	vld [tilespmem:s29+$0x2590]  }
0x78: {  	v16 =	vld [tilespmem:s29+$0x2810]  }
0x79: {  	v17 =	vld [tilespmem:s29+$0x2A90]  }
0x7a: {  	v18 =	vld [tilespmem:s29+$0x2D10]  }
0x7b: {  	v19 =	vld [tilespmem:s29+$0x2F90]  }
0x7c: {  	v20 =	vld [tilespmem:s29+$0x3210]  }
0x7d: {  	v21 =	vld [tilespmem:s29+$0x3490]  }
0x7e: {  	v22 =	vld [tilespmem:s29+$0x3710]  }
0x7f: {  	v23 =	vld [tilespmem:s29+$0x3990]  }
0x80: {  	v24 =	vld [tilespmem:s29+$0x3C10]  }
0x81: {  	v25 =	vld [tilespmem:s29+$0x3E90]  }
0x82: {  	v26 =	vld [tilespmem:s29+$0x4110]  }
0x83: {  	v27 =	vld [tilespmem:s29+$0x4390]  }
0x84: {  	v28 =	vld [tilespmem:s29+$0x4610]  }
0x85: {  	v55 =	vld [tilespmem:s29+$0xA00];
	v0 =	vadd.s32 v0, v1  }
0x86: {  	v56 =	vld [tilespmem:s29+$0xC80];
	v0 =	vadd.s32 v2, v0  }
0x87: {  	v57 =	vld [tilespmem:s29+$0x1680];
	v0 =	vadd.s32 v3, v0  }
0x88: {  	v0 =	vadd.s32 v4, v0;
	v4 =	vld [tilespmem:s29+$0x0]  }
0x89: {  	v0 =	vadd.s32 v5, v0;
	v5 =	vld [tilespmem:s29+$0x280]  }
0x8a: {  	v0 =	vadd.s32 v6, v0;
	v6 =	vld [tilespmem:s29+$0x500]  }
0x8b: {  	v0 =	vadd.s32 v7, v0;
	v7 =	vld [tilespmem:s29+$0x780]  }
0x8c: {  	v58 =	vld [tilespmem:s29+$0x1900];
	v0 =	vadd.s32 v8, v0  }
0x8d: {  	v59 =	vld [tilespmem:s29+$0x2300];
	v0 =	vadd.s32 v9, v0  }
0x8e: {  	v0 =	vadd.s32 v10, v0;
	v4 =	vadd.s32 v4, v5;
	v5 =	vld [tilespmem:s29+$0xF00]  }
0x8f: {  	v0 =	vadd.s32 v11, v0;
	v4 =	vadd.s32 v6, v4;
	v6 =	vld [tilespmem:s29+$0x1180]  }
0x90: {  	v0 =	vadd.s32 v12, v0;
	v4 =	vadd.s32 v7, v4;
	v7 =	vld [tilespmem:s29+$0x1400]  }
0x91: {  	v60 =	vld [tilespmem:s29+$0x2580];
	v0 =	vadd.s32 v13, v0;
	v4 =	vadd.s32 v55, v4  }
0x92: {  	v61 =	vld [tilespmem:s29+$0x2F80];
	v0 =	vadd.s32 v14, v0;
	v4 =	vadd.s32 v56, v4  }
0x93: {  	v0 =	vadd.s32 v15, v0;
	v4 =	vadd.s32 v5, v4;
	v5 =	vld [tilespmem:s29+$0x1B80]  }
0x94: {  	v0 =	vadd.s32 v16, v0;
	v4 =	vadd.s32 v6, v4;
	v6 =	vld [tilespmem:s29+$0x1E00]  }
0x95: {  	v0 =	vadd.s32 v17, v0;
	v4 =	vadd.s32 v7, v4;
	v7 =	vld [tilespmem:s29+$0x2080]  }
0x96: {  	v62 =	vld [tilespmem:s29+$0x3200];
	v0 =	vadd.s32 v18, v0;
	v4 =	vadd.s32 v57, v4  }
0x97: {  	v1 =	vld [tilespmem:s29+$0x4890];
	v0 =	vadd.s32 v19, v0;
	v4 =	vadd.s32 v58, v4  }
0x98: {  	v0 =	vadd.s32 v20, v0;
	v4 =	vadd.s32 v5, v4;
	v5 =	vld [tilespmem:s29+$0x2800]  }
0x99: {  	v0 =	vadd.s32 v21, v0;
	v4 =	vadd.s32 v6, v4;
	v6 =	vld [tilespmem:s29+$0x2A80]  }
0x9a: {  	v0 =	vadd.s32 v22, v0;
	v4 =	vadd.s32 v7, v4;
	v7 =	vld [tilespmem:s29+$0x2D00]  }
0x9b: {  	v2 =	vld [tilespmem:s29+$0x4B10];
	v0 =	vadd.s32 v23, v0;
	v4 =	vadd.s32 v59, v4  }
0x9c: {  	v3 =	vld [tilespmem:s29+$0x4D90];
	v0 =	vadd.s32 v24, v0;
	v4 =	vadd.s32 v60, v4  }
0x9d: {  	v0 =	vadd.s32 v25, v0;
	v4 =	vadd.s32 v5, v4;
	v5 =	vld [tilespmem:s29+$0x3480]  }
0x9e: {  	v0 =	vadd.s32 v26, v0;
	v4 =	vadd.s32 v6, v4;
	v6 =	vld [tilespmem:s29+$0x3700]  }
0x9f: {  	v0 =	vadd.s32 v27, v0;
	v4 =	vadd.s32 v7, v4;
	v7 =	vld [tilespmem:s29+$0x3980]  }
0xa0: {  	v63 =	vld [tilespmem:s29+$0x3C00];
	v0 =	vadd.s32 v28, v0;
	v4 =	vadd.s32 v61, v4  }
0xa1: {  	v0 =	vadd.s32 v1, v0;
	v1 =	vadd.s32 v62, v4;
	v4 =	vld [tilespmem:s29+$0x3E80]  }
0xa2: {  	v0 =	vadd.s32 v2, v0;
	v2 =	vadd.s32 v5, v1;
	v1 =	vld [tilespmem:s29+$0x4100]  }
0xa3: {  	v3 =	vadd.s32 v3, v0;
	v2 =	vadd.s32 v6, v2;
	v0 =	vld [tilespmem:s29+$0x4380]  }
0xa4: {  	vm0 =	vlt.s32 v3, $0x100;
	v5 =	vadd.s32 v7, v2;
	v2 =	vld [tilespmem:s29+$0x4600]  }
0xa5: {  	v6 =	vnsel vm0, $0x100, v3;
	v5 =	vadd.s32 v63, v5;
	v3 =	vld [tilespmem:s29+$0x4880]  }
0xa6: {  	s31 =	simm.s32 $0x80;
	s30 =	simm.s32 $0x0;
	[tilespmem:s29+$0x5010] =	vst v6;
	v5 =	vadd.s32 v4, v5;
	v4 =	vld [tilespmem:s29+$0x4B00]  }
.LBB2_2:
0xa7: {  	s0 =	sshra.s32 s31, $0x2;
	v1 =	vadd.s32 v1, v5;
	v5 =	vld [tilespmem:s29+$0x4D80]  }
0xa8: {  	s30 =	sadd.s32 $0x20, s30;
	v6 =	vld [tilespmem:s0+$0x10];
	v0 =	vadd.s32 v0, v1  }
0xa9: {  	p2 =	slt.u32 s30, $0x260;
	v1 =	vld [tilespmem:s0+$0x290];
	v0 =	vadd.s32 v2, v0  }
0xaa: {  	v2 =	vld [tilespmem:s0+$0x510];
	v0 =	vadd.s32 v3, v0  }
0xab: {  	v3 =	vld [tilespmem:s0+$0x790];
	v0 =	vadd.s32 v4, v0  }
0xac: {  	v4 =	vld [tilespmem:s0+$0xA10];
	v0 =	vadd.s32 v5, v0  }
0xad: {  	v5 =	vld [tilespmem:s0+$0xC90];
	vm0 =	vlt.s32 v0, $0x100  }
0xae: {  	v1 =	vadd.s32 v6, v1;
	v6 =	vld [tilespmem:s0+$0xF10];
	v0 =	vnsel vm0, $0x100, v0  }
0xaf: {  	v1 =	vadd.s32 v2, v1;
	v2 =	vld [tilespmem:s0+$0x1190];
	[tilespmem:s29+$0x5000] =	vst v0;
	s29 =	smov.u32 s0  }
0xb0: {  	v0 =	vadd.s32 v3, v1;
	v1 =	vld [tilespmem:s29+$0x1410]  }
0xb1: {  	v0 =	vadd.s32 v4, v0;
	v3 =	vld [tilespmem:s29+$0x1690]  }
0xb2: {  	v0 =	vadd.s32 v5, v0;
	v4 =	vld [tilespmem:s29+$0x1910]  }
0xb3: {  	v0 =	vadd.s32 v6, v0;
	v5 =	vld [tilespmem:s29+$0x1B90]  }
0xb4: {  	v0 =	vadd.s32 v2, v0;
	v2 =	vld [tilespmem:s29+$0x1E10]  }
0xb5: {  	v0 =	vadd.s32 v1, v0;
	v1 =	vld [tilespmem:s29+$0x2090]  }
0xb6: {  	v0 =	vadd.s32 v3, v0;
	v3 =	vld [tilespmem:s29+$0x2310]  }
0xb7: {  	v0 =	vadd.s32 v4, v0;
	v4 =	vld [tilespmem:s29+$0x2590]  }
0xb8: {  	v0 =	vadd.s32 v5, v0;
	v5 =	vld [tilespmem:s29+$0x2810]  }
0xb9: {  	v0 =	vadd.s32 v2, v0;
	v2 =	vld [tilespmem:s29+$0x2A90]  }
0xba: {  	v0 =	vadd.s32 v1, v0;
	v1 =	vld [tilespmem:s29+$0x2D10]  }
0xbb: {  	v0 =	vadd.s32 v3, v0;
	v3 =	vld [tilespmem:s29+$0x2F90]  }
0xbc: {  	v0 =	vadd.s32 v4, v0;
	v4 =	vld [tilespmem:s29+$0x3210]  }
0xbd: {  	v0 =	vadd.s32 v5, v0;
	v5 =	vld [tilespmem:s29+$0x3490]  }
0xbe: {  	v0 =	vadd.s32 v2, v0;
	v2 =	vld [tilespmem:s29+$0x3710]  }
0xbf: {  	v0 =	vadd.s32 v1, v0;
	v1 =	vld [tilespmem:s29+$0x3990]  }
0xc0: {  	v0 =	vadd.s32 v3, v0;
	v3 =	vld [tilespmem:s29+$0x3C10]  }
0xc1: {  	v0 =	vadd.s32 v4, v0;
	v4 =	vld [tilespmem:s29+$0x3E90]  }
0xc2: {  	v0 =	vadd.s32 v5, v0;
	v5 =	vld [tilespmem:s29+$0x4110]  }
0xc3: {  	v0 =	vadd.s32 v2, v0;
	v2 =	vld [tilespmem:s29+$0x4390]  }
0xc4: {  	v0 =	vadd.s32 v1, v0;
	v1 =	vld [tilespmem:s29+$0x4610]  }
0xc5: {  	v0 =	vadd.s32 v3, v0;
	v3 =	vld [tilespmem:s29+$0x4890]  }
0xc6: {  	v0 =	vadd.s32 v4, v0;
	v4 =	vld [tilespmem:s29+$0x4B10]  }
0xc7: {  	v0 =	vadd.s32 v5, v0;
	v5 =	vld [tilespmem:s29+$0x4D90]  }
0xc8: {  	v6 =	vld [tilespmem:s29+$0x0];
	v0 =	vadd.s32 v2, v0  }
0xc9: {  	v2 =	vld [tilespmem:s29+$0x280];
	v0 =	vadd.s32 v1, v0  }
0xca: {  	v1 =	vld [tilespmem:s29+$0x500];
	v0 =	vadd.s32 v3, v0  }
0xcb: {  	v3 =	vld [tilespmem:s29+$0x780];
	v0 =	vadd.s32 v4, v0  }
0xcc: {  	v4 =	vld [tilespmem:s29+$0xA00];
	v0 =	vadd.s32 v5, v0  }
0xcd: {  	v5 =	vld [tilespmem:s29+$0xC80];
	vm0 =	vlt.s32 v0, $0x100  }
0xce: {  	v2 =	vadd.s32 v6, v2;
	v6 =	vld [tilespmem:s29+$0xF00];
	v0 =	vnsel vm0, $0x100, v0  }
0xcf: {  	v1 =	vadd.s32 v1, v2;
	v2 =	vld [tilespmem:s29+$0x1180];
	[tilespmem:s29+$0x5010] =	vst v0  }
0xd0: {  	v0 =	vadd.s32 v3, v1;
	v1 =	vld [tilespmem:s29+$0x1400]  }
0xd1: {  	v0 =	vadd.s32 v4, v0;
	v3 =	vld [tilespmem:s29+$0x1680]  }
0xd2: {  	v0 =	vadd.s32 v5, v0;
	v4 =	vld [tilespmem:s29+$0x1900]  }
0xd3: {  	v0 =	vadd.s32 v6, v0;
	v5 =	vld [tilespmem:s29+$0x1B80]  }
0xd4: {  	v0 =	vadd.s32 v2, v0;
	v2 =	vld [tilespmem:s29+$0x1E00]  }
0xd5: {  	v0 =	vadd.s32 v1, v0;
	v1 =	vld [tilespmem:s29+$0x2080]  }
0xd6: {  	v0 =	vadd.s32 v3, v0;
	v3 =	vld [tilespmem:s29+$0x2300]  }
0xd7: {  	v0 =	vadd.s32 v4, v0;
	v4 =	vld [tilespmem:s29+$0x2580]  }
0xd8: {  	v0 =	vadd.s32 v5, v0;
	v5 =	vld [tilespmem:s29+$0x2800]  }
0xd9: {  	v0 =	vadd.s32 v2, v0;
	v2 =	vld [tilespmem:s29+$0x2A80]  }
0xda: {  	v0 =	vadd.s32 v1, v0;
	v1 =	vld [tilespmem:s29+$0x2D00]  }
0xdb: {  	v0 =	vadd.s32 v3, v0;
	v3 =	vld [tilespmem:s29+$0x2F80]  }
0xdc: {  	v0 =	vadd.s32 v4, v0;
	v4 =	vld [tilespmem:s29+$0x3200]  }
0xdd: {  	v0 =	vadd.s32 v5, v0;
	v5 =	vld [tilespmem:s29+$0x3480]  }
0xde: {  	v0 =	vadd.s32 v2, v0;
	v2 =	vld [tilespmem:s29+$0x3700]  }
0xdf: {  	v0 =	vadd.s32 v1, v0;
	v6 =	vld [tilespmem:s29+$0x3980]  }
0xe0: {  	v0 =	vadd.s32 v3, v0;
	v3 =	vld [tilespmem:s29+$0x3C00]  }
0xe1: {  	v0 =	vadd.s32 v4, v0;
	v4 =	vld [tilespmem:s29+$0x3E80]  }
.Ltmp2:
0xe2: {  	v0 =	vadd.s32 v5, v0;
	v1 =	vld [tilespmem:s29+$0x4100];
	(pc) =	sbr.rel @p2 .LBB2_2-.Ltmp2, $4  }
0xe3: {  	v2 =	vadd.s32 v2, v0;
	v0 =	vld [tilespmem:s29+$0x4380]  }
0xe4: {  	v5 =	vadd.s32 v6, v2;
	v2 =	vld [tilespmem:s29+$0x4600]  }
0xe5: {  	v5 =	vadd.s32 v3, v5;
	v3 =	vld [tilespmem:s29+$0x4880]  }
0xe6: {  	s31 =	sadd.s32 $0x80, s31;
	v5 =	vadd.s32 v4, v5;
	v4 =	vld [tilespmem:s29+$0x4B00]  }
0xe7: {  	v1 =	vadd.s32 v1, v5;
	v5 =	vld [tilespmem:s29+$0x4D80]  }
0xe8: {  	v0 =	vadd.s32 v0, v1  }
0xe9: {  	v0 =	vadd.s32 v2, v0  }
0xea: {  	v0 =	vadd.s32 v3, v0  }
0xeb: {  	v0 =	vadd.s32 v4, v0  }
0xec: {  	v0 =	vadd.s32 v5, v0  }
0xed: {  	vm0 =	vlt.s32 v0, $0x100  }
0xee: {  	v0 =	vnsel vm0, $0x100, v0  }
0xef: {  	s0 =	simm.s32 $0x0;
	[tilespmem:s29+$0x5000] =	vst v0  }
0xf0: {  	[tilespmem:s0], [sflag:$0x3] =	stream.strided.gather [hbm4b:s5+s19], $0x5000, s20, s19, $0x38;
	[tilespmem:$0xA088] =	vst v63  }
0xf1: {  	_ =	swait.ge [sflag:s21], $0x5000  }
0xf2: {  	[sflag:s21] =	ssyncset.done $0x0  }
0xf3: {  	s29 =	simm.s32 $0x0;
	[sflag:s21] =	ssyncadd.s32 $0xFFFFB000  }
0xf4: {  	v0 =	vld [tilespmem:s29+$0x10]  }
0xf5: {  	v1 =	vld [tilespmem:s29+$0x290]  }
0xf6: {  	v2 =	vld [tilespmem:s29+$0x510]  }
0xf7: {  	v3 =	vld [tilespmem:s29+$0x790]  }
0xf8: {  	v4 =	vld [tilespmem:s29+$0xA10]  }
0xf9: {  	v5 =	vld [tilespmem:s29+$0xC90]  }
0xfa: {  	v6 =	vld [tilespmem:s29+$0xF10]  }
0xfb: {  	v7 =	vld [tilespmem:s29+$0x1190]  }
0xfc: {  	v8 =	vld [tilespmem:s29+$0x1410]  }
0xfd: {  	v9 =	vld [tilespmem:s29+$0x1690]  }
0xfe: {  	v10 =	vld [tilespmem:s29+$0x1910]  }
0xff: {  	v11 =	vld [tilespmem:s29+$0x1B90]  }
0x100: {  	v12 =	vld [tilespmem:s29+$0x1E10]  }
0x101: {  	v13 =	vld [tilespmem:s29+$0x2090]  }
0x102: {  	v14 =	vld [tilespmem:s29+$0x2310]  }
0x103: {  	v15 =	vld [tilespmem:s29+$0x2590]  }
0x104: {  	v16 =	vld [tilespmem:s29+$0x2810]  }
0x105: {  	v17 =	vld [tilespmem:s29+$0x2A90]  }
0x106: {  	v18 =	vld [tilespmem:s29+$0x2D10]  }
0x107: {  	v19 =	vld [tilespmem:s29+$0x2F90]  }
0x108: {  	v20 =	vld [tilespmem:s29+$0x3210]  }
0x109: {  	v21 =	vld [tilespmem:s29+$0x3490]  }
0x10a: {  	v22 =	vld [tilespmem:s29+$0x3710]  }
0x10b: {  	v23 =	vld [tilespmem:s29+$0x3990]  }
0x10c: {  	v24 =	vld [tilespmem:s29+$0x3C10]  }
0x10d: {  	v25 =	vld [tilespmem:s29+$0x3E90]  }
0x10e: {  	v26 =	vld [tilespmem:s29+$0x4110]  }
0x10f: {  	v27 =	vld [tilespmem:s29+$0x4390]  }
0x110: {  	v28 =	vld [tilespmem:s29+$0x4610]  }
0x111: {  	v55 =	vld [tilespmem:s29+$0xA00];
	v0 =	vadd.s32 v0, v1  }
0x112: {  	v56 =	vld [tilespmem:s29+$0xC80];
	v0 =	vadd.s32 v2, v0  }
0x113: {  	v57 =	vld [tilespmem:s29+$0x1680];
	v0 =	vadd.s32 v3, v0  }
0x114: {  	v0 =	vadd.s32 v4, v0;
	v4 =	vld [tilespmem:s29+$0x0]  }
0x115: {  	v0 =	vadd.s32 v5, v0;
	v5 =	vld [tilespmem:s29+$0x280]  }
0x116: {  	v0 =	vadd.s32 v6, v0;
	v6 =	vld [tilespmem:s29+$0x500]  }
0x117: {  	v0 =	vadd.s32 v7, v0;
	v7 =	vld [tilespmem:s29+$0x780]  }
0x118: {  	v58 =	vld [tilespmem:s29+$0x1900];
	v0 =	vadd.s32 v8, v0  }
0x119: {  	v59 =	vld [tilespmem:s29+$0x2300];
	v0 =	vadd.s32 v9, v0  }
0x11a: {  	v0 =	vadd.s32 v10, v0;
	v4 =	vadd.s32 v4, v5;
	v5 =	vld [tilespmem:s29+$0xF00]  }
0x11b: {  	v0 =	vadd.s32 v11, v0;
	v4 =	vadd.s32 v6, v4;
	v6 =	vld [tilespmem:s29+$0x1180]  }
0x11c: {  	v0 =	vadd.s32 v12, v0;
	v4 =	vadd.s32 v7, v4;
	v7 =	vld [tilespmem:s29+$0x1400]  }
0x11d: {  	v60 =	vld [tilespmem:s29+$0x2580];
	v0 =	vadd.s32 v13, v0;
	v4 =	vadd.s32 v55, v4  }
0x11e: {  	v61 =	vld [tilespmem:s29+$0x2F80];
	v0 =	vadd.s32 v14, v0;
	v4 =	vadd.s32 v56, v4  }
0x11f: {  	v0 =	vadd.s32 v15, v0;
	v4 =	vadd.s32 v5, v4;
	v5 =	vld [tilespmem:s29+$0x1B80]  }
0x120: {  	v0 =	vadd.s32 v16, v0;
	v4 =	vadd.s32 v6, v4;
	v6 =	vld [tilespmem:s29+$0x1E00]  }
0x121: {  	v0 =	vadd.s32 v17, v0;
	v4 =	vadd.s32 v7, v4;
	v7 =	vld [tilespmem:s29+$0x2080]  }
0x122: {  	v62 =	vld [tilespmem:s29+$0x3200];
	v0 =	vadd.s32 v18, v0;
	v4 =	vadd.s32 v57, v4  }
0x123: {  	v1 =	vld [tilespmem:s29+$0x4890];
	v0 =	vadd.s32 v19, v0;
	v4 =	vadd.s32 v58, v4  }
0x124: {  	v0 =	vadd.s32 v20, v0;
	v4 =	vadd.s32 v5, v4;
	v5 =	vld [tilespmem:s29+$0x2800]  }
0x125: {  	v0 =	vadd.s32 v21, v0;
	v4 =	vadd.s32 v6, v4;
	v6 =	vld [tilespmem:s29+$0x2A80]  }
0x126: {  	v0 =	vadd.s32 v22, v0;
	v4 =	vadd.s32 v7, v4;
	v7 =	vld [tilespmem:s29+$0x2D00]  }
0x127: {  	v2 =	vld [tilespmem:s29+$0x4B10];
	v0 =	vadd.s32 v23, v0;
	v4 =	vadd.s32 v59, v4  }
0x128: {  	v3 =	vld [tilespmem:s29+$0x4D90];
	v0 =	vadd.s32 v24, v0;
	v4 =	vadd.s32 v60, v4  }
0x129: {  	v0 =	vadd.s32 v25, v0;
	v4 =	vadd.s32 v5, v4;
	v5 =	vld [tilespmem:s29+$0x3480]  }
0x12a: {  	v0 =	vadd.s32 v26, v0;
	v4 =	vadd.s32 v6, v4;
	v6 =	vld [tilespmem:s29+$0x3700]  }
0x12b: {  	v0 =	vadd.s32 v27, v0;
	v4 =	vadd.s32 v7, v4;
	v7 =	vld [tilespmem:s29+$0x3980]  }
0x12c: {  	v63 =	vld [tilespmem:s29+$0x3C00];
	v0 =	vadd.s32 v28, v0;
	v4 =	vadd.s32 v61, v4  }
0x12d: {  	v0 =	vadd.s32 v1, v0;
	v1 =	vadd.s32 v62, v4;
	v4 =	vld [tilespmem:s29+$0x3E80]  }
0x12e: {  	v0 =	vadd.s32 v2, v0;
	v2 =	vadd.s32 v5, v1;
	v1 =	vld [tilespmem:s29+$0x4100]  }
0x12f: {  	v3 =	vadd.s32 v3, v0;
	v2 =	vadd.s32 v6, v2;
	v0 =	vld [tilespmem:s29+$0x4380]  }
0x130: {  	vm15 =	vlt.s32 v3, $0x100;
	v5 =	vadd.s32 v7, v2;
	v2 =	vld [tilespmem:s29+$0x4600]  }
0x131: {  	v6 =	vnsel vm15, $0x100, v3;
	v5 =	vadd.s32 v63, v5;
	v3 =	vld [tilespmem:s29+$0x4880]  }
0x132: {  	s30 =	simm.s32 $0x0;
	s31 =	simm.s32 $0x80;
	[tilespmem:s29+$0x5290] =	vst v6;
	v5 =	vadd.s32 v4, v5;
	v4 =	vld [tilespmem:s29+$0x4B00]  }
.LBB2_4:
0x133: {  	s0 =	sshra.s32 s31, $0x2;
	v1 =	vadd.s32 v1, v5;
	v5 =	vld [tilespmem:s29+$0x4D80]  }
0x134: {  	s30 =	sadd.s32 $0x20, s30;
	v6 =	vld [tilespmem:s0+$0x10];
	v0 =	vadd.s32 v0, v1  }
0x135: {  	p2 =	slt.u32 s30, $0x260;
	v1 =	vld [tilespmem:s0+$0x290];
	v0 =	vadd.s32 v2, v0  }
0x136: {  	v2 =	vld [tilespmem:s0+$0x510];
	v0 =	vadd.s32 v3, v0  }
0x137: {  	v3 =	vld [tilespmem:s0+$0x790];
	v0 =	vadd.s32 v4, v0  }
0x138: {  	v4 =	vld [tilespmem:s0+$0xA10];
	v0 =	vadd.s32 v5, v0  }
0x139: {  	v5 =	vld [tilespmem:s0+$0xC90];
	vm0 =	vlt.s32 v0, $0x100  }
0x13a: {  	v1 =	vadd.s32 v6, v1;
	v6 =	vld [tilespmem:s0+$0xF10];
	v0 =	vnsel vm0, $0x100, v0  }
0x13b: {  	v1 =	vadd.s32 v2, v1;
	v2 =	vld [tilespmem:s0+$0x1190];
	[tilespmem:s29+$0x5280] =	vst v0;
	s29 =	smov.u32 s0  }
0x13c: {  	v0 =	vadd.s32 v3, v1;
	v1 =	vld [tilespmem:s29+$0x1410]  }
0x13d: {  	v0 =	vadd.s32 v4, v0;
	v3 =	vld [tilespmem:s29+$0x1690]  }
0x13e: {  	v0 =	vadd.s32 v5, v0;
	v4 =	vld [tilespmem:s29+$0x1910]  }
0x13f: {  	v0 =	vadd.s32 v6, v0;
	v5 =	vld [tilespmem:s29+$0x1B90]  }
0x140: {  	v0 =	vadd.s32 v2, v0;
	v2 =	vld [tilespmem:s29+$0x1E10]  }
0x141: {  	v0 =	vadd.s32 v1, v0;
	v1 =	vld [tilespmem:s29+$0x2090]  }
0x142: {  	v0 =	vadd.s32 v3, v0;
	v3 =	vld [tilespmem:s29+$0x2310]  }
0x143: {  	v0 =	vadd.s32 v4, v0;
	v4 =	vld [tilespmem:s29+$0x2590]  }
0x144: {  	v0 =	vadd.s32 v5, v0;
	v5 =	vld [tilespmem:s29+$0x2810]  }
0x145: {  	v0 =	vadd.s32 v2, v0;
	v2 =	vld [tilespmem:s29+$0x2A90]  }
0x146: {  	v0 =	vadd.s32 v1, v0;
	v1 =	vld [tilespmem:s29+$0x2D10]  }
0x147: {  	v0 =	vadd.s32 v3, v0;
	v3 =	vld [tilespmem:s29+$0x2F90]  }
0x148: {  	v0 =	vadd.s32 v4, v0;
	v4 =	vld [tilespmem:s29+$0x3210]  }
0x149: {  	v0 =	vadd.s32 v5, v0;
	v5 =	vld [tilespmem:s29+$0x3490]  }
0x14a: {  	v0 =	vadd.s32 v2, v0;
	v2 =	vld [tilespmem:s29+$0x3710]  }
0x14b: {  	v0 =	vadd.s32 v1, v0;
	v1 =	vld [tilespmem:s29+$0x3990]  }
0x14c: {  	v0 =	vadd.s32 v3, v0;
	v3 =	vld [tilespmem:s29+$0x3C10]  }
0x14d: {  	v0 =	vadd.s32 v4, v0;
	v4 =	vld [tilespmem:s29+$0x3E90]  }
0x14e: {  	v0 =	vadd.s32 v5, v0;
	v5 =	vld [tilespmem:s29+$0x4110]  }
0x14f: {  	v0 =	vadd.s32 v2, v0;
	v2 =	vld [tilespmem:s29+$0x4390]  }
0x150: {  	v0 =	vadd.s32 v1, v0;
	v1 =	vld [tilespmem:s29+$0x4610]  }
0x151: {  	v0 =	vadd.s32 v3, v0;
	v3 =	vld [tilespmem:s29+$0x4890]  }
0x152: {  	v0 =	vadd.s32 v4, v0;
	v4 =	vld [tilespmem:s29+$0x4B10]  }
0x153: {  	v0 =	vadd.s32 v5, v0;
	v5 =	vld [tilespmem:s29+$0x4D90]  }
0x154: {  	v6 =	vld [tilespmem:s29+$0x0];
	v0 =	vadd.s32 v2, v0  }
0x155: {  	v2 =	vld [tilespmem:s29+$0x280];
	v0 =	vadd.s32 v1, v0  }
0x156: {  	v1 =	vld [tilespmem:s29+$0x500];
	v0 =	vadd.s32 v3, v0  }
0x157: {  	v3 =	vld [tilespmem:s29+$0x780];
	v0 =	vadd.s32 v4, v0  }
0x158: {  	v4 =	vld [tilespmem:s29+$0xA00];
	v0 =	vadd.s32 v5, v0  }
0x159: {  	v5 =	vld [tilespmem:s29+$0xC80];
	vm0 =	vlt.s32 v0, $0x100  }
0x15a: {  	v2 =	vadd.s32 v6, v2;
	v6 =	vld [tilespmem:s29+$0xF00];
	v0 =	vnsel vm0, $0x100, v0  }
0x15b: {  	v1 =	vadd.s32 v1, v2;
	v2 =	vld [tilespmem:s29+$0x1180];
	[tilespmem:s29+$0x5290] =	vst v0  }
0x15c: {  	v0 =	vadd.s32 v3, v1;
	v1 =	vld [tilespmem:s29+$0x1400]  }
0x15d: {  	v0 =	vadd.s32 v4, v0;
	v3 =	vld [tilespmem:s29+$0x1680]  }
0x15e: {  	v0 =	vadd.s32 v5, v0;
	v4 =	vld [tilespmem:s29+$0x1900]  }
0x15f: {  	v0 =	vadd.s32 v6, v0;
	v5 =	vld [tilespmem:s29+$0x1B80]  }
0x160: {  	v0 =	vadd.s32 v2, v0;
	v2 =	vld [tilespmem:s29+$0x1E00]  }
0x161: {  	v0 =	vadd.s32 v1, v0;
	v1 =	vld [tilespmem:s29+$0x2080]  }
0x162: {  	v0 =	vadd.s32 v3, v0;
	v3 =	vld [tilespmem:s29+$0x2300]  }
0x163: {  	v0 =	vadd.s32 v4, v0;
	v4 =	vld [tilespmem:s29+$0x2580]  }
0x164: {  	v0 =	vadd.s32 v5, v0;
	v5 =	vld [tilespmem:s29+$0x2800]  }
0x165: {  	v0 =	vadd.s32 v2, v0;
	v2 =	vld [tilespmem:s29+$0x2A80]  }
0x166: {  	v0 =	vadd.s32 v1, v0;
	v1 =	vld [tilespmem:s29+$0x2D00]  }
0x167: {  	v0 =	vadd.s32 v3, v0;
	v3 =	vld [tilespmem:s29+$0x2F80]  }
0x168: {  	v0 =	vadd.s32 v4, v0;
	v4 =	vld [tilespmem:s29+$0x3200]  }
0x169: {  	v0 =	vadd.s32 v5, v0;
	v5 =	vld [tilespmem:s29+$0x3480]  }
0x16a: {  	v0 =	vadd.s32 v2, v0;
	v2 =	vld [tilespmem:s29+$0x3700]  }
0x16b: {  	v0 =	vadd.s32 v1, v0;
	v6 =	vld [tilespmem:s29+$0x3980]  }
0x16c: {  	v0 =	vadd.s32 v3, v0;
	v3 =	vld [tilespmem:s29+$0x3C00]  }
0x16d: {  	v0 =	vadd.s32 v4, v0;
	v4 =	vld [tilespmem:s29+$0x3E80]  }
.Ltmp3:
0x16e: {  	v0 =	vadd.s32 v5, v0;
	v1 =	vld [tilespmem:s29+$0x4100];
	(pc) =	sbr.rel @p2 .LBB2_4-.Ltmp3, $4  }
0x16f: {  	v2 =	vadd.s32 v2, v0;
	v0 =	vld [tilespmem:s29+$0x4380]  }
0x170: {  	v5 =	vadd.s32 v6, v2;
	v2 =	vld [tilespmem:s29+$0x4600]  }
0x171: {  	v5 =	vadd.s32 v3, v5;
	v3 =	vld [tilespmem:s29+$0x4880]  }
0x172: {  	s31 =	sadd.s32 $0x80, s31;
	v5 =	vadd.s32 v4, v5;
	v4 =	vld [tilespmem:s29+$0x4B00]  }
0x173: {  	v1 =	vadd.s32 v1, v5;
	v5 =	vld [tilespmem:s29+$0x4D80]  }
0x174: {  	v0 =	vadd.s32 v0, v1  }
0x175: {  	v0 =	vadd.s32 v2, v0  }
0x176: {  	v0 =	vadd.s32 v3, v0  }
0x177: {  	v0 =	vadd.s32 v4, v0  }
0x178: {  	v0 =	vadd.s32 v5, v0  }
0x179: {  	vm0 =	vlt.s32 v0, $0x100  }
0x17a: {  	v0 =	vnsel vm0, $0x100, v0  }
0x17b: {  	s0 =	simm.s32 $0x0;
	[tilespmem:s29+$0x5280] =	vst v0  }
0x17c: {  	[tilespmem:s0], [sflag:$0x3] =	stream.strided.gather [hbm4b:s6+s19], $0x5000, s20, s19, $0x38;
	[tilespmem:$0xA088] =	vst v63  }
0x17d: {  	_ =	swait.ge [sflag:s21], $0x5000  }
0x17e: {  	[sflag:s21] =	ssyncset.done $0x0  }
0x17f: {  	s29 =	simm.s32 $0x0;
	[sflag:s21] =	ssyncadd.s32 $0xFFFFB000  }
0x180: {  	v0 =	vld [tilespmem:s29+$0x10]  }
0x181: {  	v1 =	vld [tilespmem:s29+$0x290]  }
0x182: {  	v2 =	vld [tilespmem:s29+$0x510]  }
0x183: {  	v3 =	vld [tilespmem:s29+$0x790]  }
0x184: {  	v4 =	vld [tilespmem:s29+$0xA10]  }
0x185: {  	v5 =	vld [tilespmem:s29+$0xC90]  }
0x186: {  	v6 =	vld [tilespmem:s29+$0xF10]  }
0x187: {  	v7 =	vld [tilespmem:s29+$0x1190]  }
0x188: {  	v8 =	vld [tilespmem:s29+$0x1410]  }
0x189: {  	v9 =	vld [tilespmem:s29+$0x1690]  }
0x18a: {  	v10 =	vld [tilespmem:s29+$0x1910]  }
0x18b: {  	v11 =	vld [tilespmem:s29+$0x1B90]  }
0x18c: {  	v12 =	vld [tilespmem:s29+$0x1E10]  }
0x18d: {  	v13 =	vld [tilespmem:s29+$0x2090]  }
0x18e: {  	v14 =	vld [tilespmem:s29+$0x2310]  }
0x18f: {  	v15 =	vld [tilespmem:s29+$0x2590]  }
0x190: {  	v16 =	vld [tilespmem:s29+$0x2810]  }
0x191: {  	v17 =	vld [tilespmem:s29+$0x2A90]  }
0x192: {  	v18 =	vld [tilespmem:s29+$0x2D10]  }
0x193: {  	v19 =	vld [tilespmem:s29+$0x2F90]  }
0x194: {  	v20 =	vld [tilespmem:s29+$0x3210]  }
0x195: {  	v21 =	vld [tilespmem:s29+$0x3490]  }
0x196: {  	v22 =	vld [tilespmem:s29+$0x3710]  }
0x197: {  	v23 =	vld [tilespmem:s29+$0x3990]  }
0x198: {  	v24 =	vld [tilespmem:s29+$0x3C10]  }
0x199: {  	v25 =	vld [tilespmem:s29+$0x3E90]  }
0x19a: {  	v26 =	vld [tilespmem:s29+$0x4110]  }
0x19b: {  	v27 =	vld [tilespmem:s29+$0x4390]  }
0x19c: {  	v28 =	vld [tilespmem:s29+$0x4610]  }
0x19d: {  	v55 =	vld [tilespmem:s29+$0xA00];
	v0 =	vadd.s32 v0, v1  }
0x19e: {  	v56 =	vld [tilespmem:s29+$0xC80];
	v0 =	vadd.s32 v2, v0  }
0x19f: {  	v57 =	vld [tilespmem:s29+$0x1680];
	v0 =	vadd.s32 v3, v0  }
0x1a0: {  	v0 =	vadd.s32 v4, v0;
	v4 =	vld [tilespmem:s29+$0x0]  }
0x1a1: {  	v0 =	vadd.s32 v5, v0;
	v5 =	vld [tilespmem:s29+$0x280]  }
0x1a2: {  	v0 =	vadd.s32 v6, v0;
	v6 =	vld [tilespmem:s29+$0x500]  }
0x1a3: {  	v0 =	vadd.s32 v7, v0;
	v7 =	vld [tilespmem:s29+$0x780]  }
0x1a4: {  	v58 =	vld [tilespmem:s29+$0x1900];
	v0 =	vadd.s32 v8, v0  }
0x1a5: {  	v59 =	vld [tilespmem:s29+$0x2300];
	v0 =	vadd.s32 v9, v0  }
0x1a6: {  	v0 =	vadd.s32 v10, v0;
	v4 =	vadd.s32 v4, v5;
	v5 =	vld [tilespmem:s29+$0xF00]  }
0x1a7: {  	v0 =	vadd.s32 v11, v0;
	v4 =	vadd.s32 v6, v4;
	v6 =	vld [tilespmem:s29+$0x1180]  }
0x1a8: {  	v0 =	vadd.s32 v12, v0;
	v4 =	vadd.s32 v7, v4;
	v7 =	vld [tilespmem:s29+$0x1400]  }
0x1a9: {  	v60 =	vld [tilespmem:s29+$0x2580];
	v0 =	vadd.s32 v13, v0;
	v4 =	vadd.s32 v55, v4  }
0x1aa: {  	v61 =	vld [tilespmem:s29+$0x2F80];
	v0 =	vadd.s32 v14, v0;
	v4 =	vadd.s32 v56, v4  }
0x1ab: {  	v0 =	vadd.s32 v15, v0;
	v4 =	vadd.s32 v5, v4;
	v5 =	vld [tilespmem:s29+$0x1B80]  }
0x1ac: {  	v0 =	vadd.s32 v16, v0;
	v4 =	vadd.s32 v6, v4;
	v6 =	vld [tilespmem:s29+$0x1E00]  }
0x1ad: {  	v0 =	vadd.s32 v17, v0;
	v4 =	vadd.s32 v7, v4;
	v7 =	vld [tilespmem:s29+$0x2080]  }
0x1ae: {  	v62 =	vld [tilespmem:s29+$0x3200];
	v0 =	vadd.s32 v18, v0;
	v4 =	vadd.s32 v57, v4  }
0x1af: {  	v1 =	vld [tilespmem:s29+$0x4890];
	v0 =	vadd.s32 v19, v0;
	v4 =	vadd.s32 v58, v4  }
0x1b0: {  	v0 =	vadd.s32 v20, v0;
	v4 =	vadd.s32 v5, v4;
	v5 =	vld [tilespmem:s29+$0x2800]  }
0x1b1: {  	v0 =	vadd.s32 v21, v0;
	v4 =	vadd.s32 v6, v4;
	v6 =	vld [tilespmem:s29+$0x2A80]  }
0x1b2: {  	v0 =	vadd.s32 v22, v0;
	v4 =	vadd.s32 v7, v4;
	v7 =	vld [tilespmem:s29+$0x2D00]  }
0x1b3: {  	v2 =	vld [tilespmem:s29+$0x4B10];
	v0 =	vadd.s32 v23, v0;
	v4 =	vadd.s32 v59, v4  }
0x1b4: {  	v3 =	vld [tilespmem:s29+$0x4D90];
	v0 =	vadd.s32 v24, v0;
	v4 =	vadd.s32 v60, v4  }
0x1b5: {  	v0 =	vadd.s32 v25, v0;
	v4 =	vadd.s32 v5, v4;
	v5 =	vld [tilespmem:s29+$0x3480]  }
0x1b6: {  	v0 =	vadd.s32 v26, v0;
	v4 =	vadd.s32 v6, v4;
	v6 =	vld [tilespmem:s29+$0x3700]  }
0x1b7: {  	v0 =	vadd.s32 v27, v0;
	v4 =	vadd.s32 v7, v4;
	v7 =	vld [tilespmem:s29+$0x3980]  }
0x1b8: {  	v63 =	vld [tilespmem:s29+$0x3C00];
	v0 =	vadd.s32 v28, v0;
	v4 =	vadd.s32 v61, v4  }
0x1b9: {  	v0 =	vadd.s32 v1, v0;
	v1 =	vadd.s32 v62, v4;
	v4 =	vld [tilespmem:s29+$0x3E80]  }
0x1ba: {  	v0 =	vadd.s32 v2, v0;
	v2 =	vadd.s32 v5, v1;
	v1 =	vld [tilespmem:s29+$0x4100]  }
0x1bb: {  	v3 =	vadd.s32 v3, v0;
	v2 =	vadd.s32 v6, v2;
	v0 =	vld [tilespmem:s29+$0x4380]  }
0x1bc: {  	vm15 =	vlt.s32 v3, $0x100;
	v5 =	vadd.s32 v7, v2;
	v2 =	vld [tilespmem:s29+$0x4600]  }
0x1bd: {  	v6 =	vnsel vm15, $0x100, v3;
	v5 =	vadd.s32 v63, v5;
	v3 =	vld [tilespmem:s29+$0x4880]  }
0x1be: {  	s30 =	simm.s32 $0x0;
	s31 =	simm.s32 $0x80;
	[tilespmem:s29+$0x5510] =	vst v6;
	v5 =	vadd.s32 v4, v5;
	v4 =	vld [tilespmem:s29+$0x4B00]  }
.LBB2_6:
0x1bf: {  	s0 =	sshra.s32 s31, $0x2;
	v1 =	vadd.s32 v1, v5;
	v5 =	vld [tilespmem:s29+$0x4D80]  }
0x1c0: {  	s30 =	sadd.s32 $0x20, s30;
	v6 =	vld [tilespmem:s0+$0x10];
	v0 =	vadd.s32 v0, v1  }
0x1c1: {  	p2 =	slt.u32 s30, $0x260;
	v1 =	vld [tilespmem:s0+$0x290];
	v0 =	vadd.s32 v2, v0  }
0x1c2: {  	v2 =	vld [tilespmem:s0+$0x510];
	v0 =	vadd.s32 v3, v0  }
0x1c3: {  	v3 =	vld [tilespmem:s0+$0x790];
	v0 =	vadd.s32 v4, v0  }
0x1c4: {  	v4 =	vld [tilespmem:s0+$0xA10];
	v0 =	vadd.s32 v5, v0  }
0x1c5: {  	v5 =	vld [tilespmem:s0+$0xC90];
	vm0 =	vlt.s32 v0, $0x100  }
0x1c6: {  	v1 =	vadd.s32 v6, v1;
	v6 =	vld [tilespmem:s0+$0xF10];
	v0 =	vnsel vm0, $0x100, v0  }
0x1c7: {  	v1 =	vadd.s32 v2, v1;
	v2 =	vld [tilespmem:s0+$0x1190];
	[tilespmem:s29+$0x5500] =	vst v0;
	s29 =	smov.u32 s0  }
0x1c8: {  	v0 =	vadd.s32 v3, v1;
	v1 =	vld [tilespmem:s29+$0x1410]  }
0x1c9: {  	v0 =	vadd.s32 v4, v0;
	v3 =	vld [tilespmem:s29+$0x1690]  }
0x1ca: {  	v0 =	vadd.s32 v5, v0;
	v4 =	vld [tilespmem:s29+$0x1910]  }
0x1cb: {  	v0 =	vadd.s32 v6, v0;
	v5 =	vld [tilespmem:s29+$0x1B90]  }
0x1cc: {  	v0 =	vadd.s32 v2, v0;
	v2 =	vld [tilespmem:s29+$0x1E10]  }
0x1cd: {  	v0 =	vadd.s32 v1, v0;
	v1 =	vld [tilespmem:s29+$0x2090]  }
0x1ce: {  	v0 =	vadd.s32 v3, v0;
	v3 =	vld [tilespmem:s29+$0x2310]  }
0x1cf: {  	v0 =	vadd.s32 v4, v0;
	v4 =	vld [tilespmem:s29+$0x2590]  }
0x1d0: {  	v0 =	vadd.s32 v5, v0;
	v5 =	vld [tilespmem:s29+$0x2810]  }
0x1d1: {  	v0 =	vadd.s32 v2, v0;
	v2 =	vld [tilespmem:s29+$0x2A90]  }
0x1d2: {  	v0 =	vadd.s32 v1, v0;
	v1 =	vld [tilespmem:s29+$0x2D10]  }
0x1d3: {  	v0 =	vadd.s32 v3, v0;
	v3 =	vld [tilespmem:s29+$0x2F90]  }
0x1d4: {  	v0 =	vadd.s32 v4, v0;
	v4 =	vld [tilespmem:s29+$0x3210]  }
0x1d5: {  	v0 =	vadd.s32 v5, v0;
	v5 =	vld [tilespmem:s29+$0x3490]  }
0x1d6: {  	v0 =	vadd.s32 v2, v0;
	v2 =	vld [tilespmem:s29+$0x3710]  }
0x1d7: {  	v0 =	vadd.s32 v1, v0;
	v1 =	vld [tilespmem:s29+$0x3990]  }
0x1d8: {  	v0 =	vadd.s32 v3, v0;
	v3 =	vld [tilespmem:s29+$0x3C10]  }
0x1d9: {  	v0 =	vadd.s32 v4, v0;
	v4 =	vld [tilespmem:s29+$0x3E90]  }
0x1da: {  	v0 =	vadd.s32 v5, v0;
	v5 =	vld [tilespmem:s29+$0x4110]  }
0x1db: {  	v0 =	vadd.s32 v2, v0;
	v2 =	vld [tilespmem:s29+$0x4390]  }
0x1dc: {  	v0 =	vadd.s32 v1, v0;
	v1 =	vld [tilespmem:s29+$0x4610]  }
0x1dd: {  	v0 =	vadd.s32 v3, v0;
	v3 =	vld [tilespmem:s29+$0x4890]  }
0x1de: {  	v0 =	vadd.s32 v4, v0;
	v4 =	vld [tilespmem:s29+$0x4B10]  }
0x1df: {  	v0 =	vadd.s32 v5, v0;
	v5 =	vld [tilespmem:s29+$0x4D90]  }
0x1e0: {  	v6 =	vld [tilespmem:s29+$0x0];
	v0 =	vadd.s32 v2, v0  }
0x1e1: {  	v2 =	vld [tilespmem:s29+$0x280];
	v0 =	vadd.s32 v1, v0  }
0x1e2: {  	v1 =	vld [tilespmem:s29+$0x500];
	v0 =	vadd.s32 v3, v0  }
0x1e3: {  	v3 =	vld [tilespmem:s29+$0x780];
	v0 =	vadd.s32 v4, v0  }
0x1e4: {  	v4 =	vld [tilespmem:s29+$0xA00];
	v0 =	vadd.s32 v5, v0  }
0x1e5: {  	v5 =	vld [tilespmem:s29+$0xC80];
	vm0 =	vlt.s32 v0, $0x100  }
0x1e6: {  	v2 =	vadd.s32 v6, v2;
	v6 =	vld [tilespmem:s29+$0xF00];
	v0 =	vnsel vm0, $0x100, v0  }
0x1e7: {  	v1 =	vadd.s32 v1, v2;
	v2 =	vld [tilespmem:s29+$0x1180];
	[tilespmem:s29+$0x5510] =	vst v0  }
0x1e8: {  	v0 =	vadd.s32 v3, v1;
	v1 =	vld [tilespmem:s29+$0x1400]  }
0x1e9: {  	v0 =	vadd.s32 v4, v0;
	v3 =	vld [tilespmem:s29+$0x1680]  }
0x1ea: {  	v0 =	vadd.s32 v5, v0;
	v4 =	vld [tilespmem:s29+$0x1900]  }
0x1eb: {  	v0 =	vadd.s32 v6, v0;
	v5 =	vld [tilespmem:s29+$0x1B80]  }
0x1ec: {  	v0 =	vadd.s32 v2, v0;
	v2 =	vld [tilespmem:s29+$0x1E00]  }
0x1ed: {  	v0 =	vadd.s32 v1, v0;
	v1 =	vld [tilespmem:s29+$0x2080]  }
0x1ee: {  	v0 =	vadd.s32 v3, v0;
	v3 =	vld [tilespmem:s29+$0x2300]  }
0x1ef: {  	v0 =	vadd.s32 v4, v0;
	v4 =	vld [tilespmem:s29+$0x2580]  }
0x1f0: {  	v0 =	vadd.s32 v5, v0;
	v5 =	vld [tilespmem:s29+$0x2800]  }
0x1f1: {  	v0 =	vadd.s32 v2, v0;
	v2 =	vld [tilespmem:s29+$0x2A80]  }
0x1f2: {  	v0 =	vadd.s32 v1, v0;
	v1 =	vld [tilespmem:s29+$0x2D00]  }
0x1f3: {  	v0 =	vadd.s32 v3, v0;
	v3 =	vld [tilespmem:s29+$0x2F80]  }
0x1f4: {  	v0 =	vadd.s32 v4, v0;
	v4 =	vld [tilespmem:s29+$0x3200]  }
0x1f5: {  	v0 =	vadd.s32 v5, v0;
	v5 =	vld [tilespmem:s29+$0x3480]  }
0x1f6: {  	v0 =	vadd.s32 v2, v0;
	v2 =	vld [tilespmem:s29+$0x3700]  }
0x1f7: {  	v0 =	vadd.s32 v1, v0;
	v6 =	vld [tilespmem:s29+$0x3980]  }
0x1f8: {  	v0 =	vadd.s32 v3, v0;
	v3 =	vld [tilespmem:s29+$0x3C00]  }
0x1f9: {  	v0 =	vadd.s32 v4, v0;
	v4 =	vld [tilespmem:s29+$0x3E80]  }
.Ltmp4:
0x1fa: {  	v0 =	vadd.s32 v5, v0;
	v1 =	vld [tilespmem:s29+$0x4100];
	(pc) =	sbr.rel @p2 .LBB2_6-.Ltmp4, $4  }
0x1fb: {  	v2 =	vadd.s32 v2, v0;
	v0 =	vld [tilespmem:s29+$0x4380]  }
0x1fc: {  	v5 =	vadd.s32 v6, v2;
	v2 =	vld [tilespmem:s29+$0x4600]  }
0x1fd: {  	v5 =	vadd.s32 v3, v5;
	v3 =	vld [tilespmem:s29+$0x4880]  }
0x1fe: {  	s31 =	sadd.s32 $0x80, s31;
	v5 =	vadd.s32 v4, v5;
	v4 =	vld [tilespmem:s29+$0x4B00]  }
0x1ff: {  	v1 =	vadd.s32 v1, v5;
	v5 =	vld [tilespmem:s29+$0x4D80]  }
0x200: {  	v0 =	vadd.s32 v0, v1  }
0x201: {  	v0 =	vadd.s32 v2, v0  }
0x202: {  	v0 =	vadd.s32 v3, v0  }
0x203: {  	v0 =	vadd.s32 v4, v0  }
0x204: {  	v0 =	vadd.s32 v5, v0  }
0x205: {  	vm0 =	vlt.s32 v0, $0x100  }
0x206: {  	v0 =	vnsel vm0, $0x100, v0  }
0x207: {  	s0 =	simm.s32 $0x0;
	[tilespmem:s29+$0x5500] =	vst v0  }
0x208: {  	[tilespmem:s0], [sflag:$0x3] =	stream.strided.gather [hbm4b:s7+s19], $0x5000, s20, s19, $0x38;
	[tilespmem:$0xA088] =	vst v63  }
0x209: {  	_ =	swait.ge [sflag:s21], $0x5000  }
0x20a: {  	[sflag:s21] =	ssyncset.done $0x0  }
0x20b: {  	s29 =	simm.s32 $0x0;
	[sflag:s21] =	ssyncadd.s32 $0xFFFFB000  }
0x20c: {  	v0 =	vld [tilespmem:s29+$0x10]  }
0x20d: {  	v1 =	vld [tilespmem:s29+$0x290]  }
0x20e: {  	v2 =	vld [tilespmem:s29+$0x510]  }
0x20f: {  	v3 =	vld [tilespmem:s29+$0x790]  }
0x210: {  	v4 =	vld [tilespmem:s29+$0xA10]  }
0x211: {  	v5 =	vld [tilespmem:s29+$0xC90]  }
0x212: {  	v6 =	vld [tilespmem:s29+$0xF10]  }
0x213: {  	v7 =	vld [tilespmem:s29+$0x1190]  }
0x214: {  	v8 =	vld [tilespmem:s29+$0x1410]  }
0x215: {  	v9 =	vld [tilespmem:s29+$0x1690]  }
0x216: {  	v10 =	vld [tilespmem:s29+$0x1910]  }
0x217: {  	v11 =	vld [tilespmem:s29+$0x1B90]  }
0x218: {  	v12 =	vld [tilespmem:s29+$0x1E10]  }
0x219: {  	v13 =	vld [tilespmem:s29+$0x2090]  }
0x21a: {  	v14 =	vld [tilespmem:s29+$0x2310]  }
0x21b: {  	v15 =	vld [tilespmem:s29+$0x2590]  }
0x21c: {  	v16 =	vld [tilespmem:s29+$0x2810]  }
0x21d: {  	v17 =	vld [tilespmem:s29+$0x2A90]  }
0x21e: {  	v18 =	vld [tilespmem:s29+$0x2D10]  }
0x21f: {  	v19 =	vld [tilespmem:s29+$0x2F90]  }
0x220: {  	v20 =	vld [tilespmem:s29+$0x3210]  }
0x221: {  	v21 =	vld [tilespmem:s29+$0x3490]  }
0x222: {  	v22 =	vld [tilespmem:s29+$0x3710]  }
0x223: {  	v23 =	vld [tilespmem:s29+$0x3990]  }
0x224: {  	v24 =	vld [tilespmem:s29+$0x3C10]  }
0x225: {  	v25 =	vld [tilespmem:s29+$0x3E90]  }
0x226: {  	v26 =	vld [tilespmem:s29+$0x4110]  }
0x227: {  	v27 =	vld [tilespmem:s29+$0x4390]  }
0x228: {  	v28 =	vld [tilespmem:s29+$0x4610]  }
0x229: {  	v55 =	vld [tilespmem:s29+$0xA00];
	v0 =	vadd.s32 v0, v1  }
0x22a: {  	v56 =	vld [tilespmem:s29+$0xC80];
	v0 =	vadd.s32 v2, v0  }
0x22b: {  	v57 =	vld [tilespmem:s29+$0x1680];
	v0 =	vadd.s32 v3, v0  }
0x22c: {  	v0 =	vadd.s32 v4, v0;
	v4 =	vld [tilespmem:s29+$0x0]  }
0x22d: {  	v0 =	vadd.s32 v5, v0;
	v5 =	vld [tilespmem:s29+$0x280]  }
0x22e: {  	v0 =	vadd.s32 v6, v0;
	v6 =	vld [tilespmem:s29+$0x500]  }
0x22f: {  	v0 =	vadd.s32 v7, v0;
	v7 =	vld [tilespmem:s29+$0x780]  }
0x230: {  	v58 =	vld [tilespmem:s29+$0x1900];
	v0 =	vadd.s32 v8, v0  }
0x231: {  	v59 =	vld [tilespmem:s29+$0x2300];
	v0 =	vadd.s32 v9, v0  }
0x232: {  	v0 =	vadd.s32 v10, v0;
	v4 =	vadd.s32 v4, v5;
	v5 =	vld [tilespmem:s29+$0xF00]  }
0x233: {  	v0 =	vadd.s32 v11, v0;
	v4 =	vadd.s32 v6, v4;
	v6 =	vld [tilespmem:s29+$0x1180]  }
0x234: {  	v0 =	vadd.s32 v12, v0;
	v4 =	vadd.s32 v7, v4;
	v7 =	vld [tilespmem:s29+$0x1400]  }
0x235: {  	v60 =	vld [tilespmem:s29+$0x2580];
	v0 =	vadd.s32 v13, v0;
	v4 =	vadd.s32 v55, v4  }
0x236: {  	v61 =	vld [tilespmem:s29+$0x2F80];
	v0 =	vadd.s32 v14, v0;
	v4 =	vadd.s32 v56, v4  }
0x237: {  	v0 =	vadd.s32 v15, v0;
	v4 =	vadd.s32 v5, v4;
	v5 =	vld [tilespmem:s29+$0x1B80]  }
0x238: {  	v0 =	vadd.s32 v16, v0;
	v4 =	vadd.s32 v6, v4;
	v6 =	vld [tilespmem:s29+$0x1E00]  }
0x239: {  	v0 =	vadd.s32 v17, v0;
	v4 =	vadd.s32 v7, v4;
	v7 =	vld [tilespmem:s29+$0x2080]  }
0x23a: {  	v62 =	vld [tilespmem:s29+$0x3200];
	v0 =	vadd.s32 v18, v0;
	v4 =	vadd.s32 v57, v4  }
0x23b: {  	v1 =	vld [tilespmem:s29+$0x4890];
	v0 =	vadd.s32 v19, v0;
	v4 =	vadd.s32 v58, v4  }
0x23c: {  	v0 =	vadd.s32 v20, v0;
	v4 =	vadd.s32 v5, v4;
	v5 =	vld [tilespmem:s29+$0x2800]  }
0x23d: {  	v0 =	vadd.s32 v21, v0;
	v4 =	vadd.s32 v6, v4;
	v6 =	vld [tilespmem:s29+$0x2A80]  }
0x23e: {  	v0 =	vadd.s32 v22, v0;
	v4 =	vadd.s32 v7, v4;
	v7 =	vld [tilespmem:s29+$0x2D00]  }
0x23f: {  	v2 =	vld [tilespmem:s29+$0x4B10];
	v0 =	vadd.s32 v23, v0;
	v4 =	vadd.s32 v59, v4  }
0x240: {  	v3 =	vld [tilespmem:s29+$0x4D90];
	v0 =	vadd.s32 v24, v0;
	v4 =	vadd.s32 v60, v4  }
0x241: {  	v0 =	vadd.s32 v25, v0;
	v4 =	vadd.s32 v5, v4;
	v5 =	vld [tilespmem:s29+$0x3480]  }
0x242: {  	v0 =	vadd.s32 v26, v0;
	v4 =	vadd.s32 v6, v4;
	v6 =	vld [tilespmem:s29+$0x3700]  }
0x243: {  	v0 =	vadd.s32 v27, v0;
	v4 =	vadd.s32 v7, v4;
	v7 =	vld [tilespmem:s29+$0x3980]  }
0x244: {  	v63 =	vld [tilespmem:s29+$0x3C00];
	v0 =	vadd.s32 v28, v0;
	v4 =	vadd.s32 v61, v4  }
0x245: {  	v0 =	vadd.s32 v1, v0;
	v1 =	vadd.s32 v62, v4;
	v4 =	vld [tilespmem:s29+$0x3E80]  }
0x246: {  	v0 =	vadd.s32 v2, v0;
	v2 =	vadd.s32 v5, v1;
	v1 =	vld [tilespmem:s29+$0x4100]  }
0x247: {  	v3 =	vadd.s32 v3, v0;
	v2 =	vadd.s32 v6, v2;
	v0 =	vld [tilespmem:s29+$0x4380]  }
0x248: {  	vm15 =	vlt.s32 v3, $0x100;
	v5 =	vadd.s32 v7, v2;
	v2 =	vld [tilespmem:s29+$0x4600]  }
0x249: {  	v6 =	vnsel vm15, $0x100, v3;
	v5 =	vadd.s32 v63, v5;
	v3 =	vld [tilespmem:s29+$0x4880]  }
0x24a: {  	s30 =	simm.s32 $0x0;
	s31 =	simm.s32 $0x80;
	[tilespmem:s29+$0x5790] =	vst v6;
	v5 =	vadd.s32 v4, v5;
	v4 =	vld [tilespmem:s29+$0x4B00]  }
.LBB2_8:
0x24b: {  	s0 =	sshra.s32 s31, $0x2;
	v1 =	vadd.s32 v1, v5;
	v5 =	vld [tilespmem:s29+$0x4D80]  }
0x24c: {  	s30 =	sadd.s32 $0x20, s30;
	v6 =	vld [tilespmem:s0+$0x10];
	v0 =	vadd.s32 v0, v1  }
0x24d: {  	p2 =	slt.u32 s30, $0x260;
	v1 =	vld [tilespmem:s0+$0x290];
	v0 =	vadd.s32 v2, v0  }
0x24e: {  	v2 =	vld [tilespmem:s0+$0x510];
	v0 =	vadd.s32 v3, v0  }
0x24f: {  	v3 =	vld [tilespmem:s0+$0x790];
	v0 =	vadd.s32 v4, v0  }
0x250: {  	v4 =	vld [tilespmem:s0+$0xA10];
	v0 =	vadd.s32 v5, v0  }
0x251: {  	v5 =	vld [tilespmem:s0+$0xC90];
	vm0 =	vlt.s32 v0, $0x100  }
0x252: {  	v1 =	vadd.s32 v6, v1;
	v6 =	vld [tilespmem:s0+$0xF10];
	v0 =	vnsel vm0, $0x100, v0  }
0x253: {  	v1 =	vadd.s32 v2, v1;
	v2 =	vld [tilespmem:s0+$0x1190];
	[tilespmem:s29+$0x5780] =	vst v0;
	s29 =	smov.u32 s0  }
0x254: {  	v0 =	vadd.s32 v3, v1;
	v1 =	vld [tilespmem:s29+$0x1410]  }
0x255: {  	v0 =	vadd.s32 v4, v0;
	v3 =	vld [tilespmem:s29+$0x1690]  }
0x256: {  	v0 =	vadd.s32 v5, v0;
	v4 =	vld [tilespmem:s29+$0x1910]  }
0x257: {  	v0 =	vadd.s32 v6, v0;
	v5 =	vld [tilespmem:s29+$0x1B90]  }
0x258: {  	v0 =	vadd.s32 v2, v0;
	v2 =	vld [tilespmem:s29+$0x1E10]  }
0x259: {  	v0 =	vadd.s32 v1, v0;
	v1 =	vld [tilespmem:s29+$0x2090]  }
0x25a: {  	v0 =	vadd.s32 v3, v0;
	v3 =	vld [tilespmem:s29+$0x2310]  }
0x25b: {  	v0 =	vadd.s32 v4, v0;
	v4 =	vld [tilespmem:s29+$0x2590]  }
0x25c: {  	v0 =	vadd.s32 v5, v0;
	v5 =	vld [tilespmem:s29+$0x2810]  }
0x25d: {  	v0 =	vadd.s32 v2, v0;
	v2 =	vld [tilespmem:s29+$0x2A90]  }
0x25e: {  	v0 =	vadd.s32 v1, v0;
	v1 =	vld [tilespmem:s29+$0x2D10]  }
0x25f: {  	v0 =	vadd.s32 v3, v0;
	v3 =	vld [tilespmem:s29+$0x2F90]  }
0x260: {  	v0 =	vadd.s32 v4, v0;
	v4 =	vld [tilespmem:s29+$0x3210]  }
0x261: {  	v0 =	vadd.s32 v5, v0;
	v5 =	vld [tilespmem:s29+$0x3490]  }
0x262: {  	v0 =	vadd.s32 v2, v0;
	v2 =	vld [tilespmem:s29+$0x3710]  }
0x263: {  	v0 =	vadd.s32 v1, v0;
	v1 =	vld [tilespmem:s29+$0x3990]  }
0x264: {  	v0 =	vadd.s32 v3, v0;
	v3 =	vld [tilespmem:s29+$0x3C10]  }
0x265: {  	v0 =	vadd.s32 v4, v0;
	v4 =	vld [tilespmem:s29+$0x3E90]  }
0x266: {  	v0 =	vadd.s32 v5, v0;
	v5 =	vld [tilespmem:s29+$0x4110]  }
0x267: {  	v0 =	vadd.s32 v2, v0;
	v2 =	vld [tilespmem:s29+$0x4390]  }
0x268: {  	v0 =	vadd.s32 v1, v0;
	v1 =	vld [tilespmem:s29+$0x4610]  }
0x269: {  	v0 =	vadd.s32 v3, v0;
	v3 =	vld [tilespmem:s29+$0x4890]  }
0x26a: {  	v0 =	vadd.s32 v4, v0;
	v4 =	vld [tilespmem:s29+$0x4B10]  }
0x26b: {  	v0 =	vadd.s32 v5, v0;
	v5 =	vld [tilespmem:s29+$0x4D90]  }
0x26c: {  	v6 =	vld [tilespmem:s29+$0x0];
	v0 =	vadd.s32 v2, v0  }
0x26d: {  	v2 =	vld [tilespmem:s29+$0x280];
	v0 =	vadd.s32 v1, v0  }
0x26e: {  	v1 =	vld [tilespmem:s29+$0x500];
	v0 =	vadd.s32 v3, v0  }
0x26f: {  	v3 =	vld [tilespmem:s29+$0x780];
	v0 =	vadd.s32 v4, v0  }
0x270: {  	v4 =	vld [tilespmem:s29+$0xA00];
	v0 =	vadd.s32 v5, v0  }
0x271: {  	v5 =	vld [tilespmem:s29+$0xC80];
	vm0 =	vlt.s32 v0, $0x100  }
0x272: {  	v2 =	vadd.s32 v6, v2;
	v6 =	vld [tilespmem:s29+$0xF00];
	v0 =	vnsel vm0, $0x100, v0  }
0x273: {  	v1 =	vadd.s32 v1, v2;
	v2 =	vld [tilespmem:s29+$0x1180];
	[tilespmem:s29+$0x5790] =	vst v0  }
0x274: {  	v0 =	vadd.s32 v3, v1;
	v1 =	vld [tilespmem:s29+$0x1400]  }
0x275: {  	v0 =	vadd.s32 v4, v0;
	v3 =	vld [tilespmem:s29+$0x1680]  }
0x276: {  	v0 =	vadd.s32 v5, v0;
	v4 =	vld [tilespmem:s29+$0x1900]  }
0x277: {  	v0 =	vadd.s32 v6, v0;
	v5 =	vld [tilespmem:s29+$0x1B80]  }
0x278: {  	v0 =	vadd.s32 v2, v0;
	v2 =	vld [tilespmem:s29+$0x1E00]  }
0x279: {  	v0 =	vadd.s32 v1, v0;
	v1 =	vld [tilespmem:s29+$0x2080]  }
0x27a: {  	v0 =	vadd.s32 v3, v0;
	v3 =	vld [tilespmem:s29+$0x2300]  }
0x27b: {  	v0 =	vadd.s32 v4, v0;
	v4 =	vld [tilespmem:s29+$0x2580]  }
0x27c: {  	v0 =	vadd.s32 v5, v0;
	v5 =	vld [tilespmem:s29+$0x2800]  }
0x27d: {  	v0 =	vadd.s32 v2, v0;
	v2 =	vld [tilespmem:s29+$0x2A80]  }
0x27e: {  	v0 =	vadd.s32 v1, v0;
	v1 =	vld [tilespmem:s29+$0x2D00]  }
0x27f: {  	v0 =	vadd.s32 v3, v0;
	v3 =	vld [tilespmem:s29+$0x2F80]  }
0x280: {  	v0 =	vadd.s32 v4, v0;
	v4 =	vld [tilespmem:s29+$0x3200]  }
0x281: {  	v0 =	vadd.s32 v5, v0;
	v5 =	vld [tilespmem:s29+$0x3480]  }
0x282: {  	v0 =	vadd.s32 v2, v0;
	v2 =	vld [tilespmem:s29+$0x3700]  }
0x283: {  	v0 =	vadd.s32 v1, v0;
	v6 =	vld [tilespmem:s29+$0x3980]  }
0x284: {  	v0 =	vadd.s32 v3, v0;
	v3 =	vld [tilespmem:s29+$0x3C00]  }
0x285: {  	v0 =	vadd.s32 v4, v0;
	v4 =	vld [tilespmem:s29+$0x3E80]  }
.Ltmp5:
0x286: {  	v0 =	vadd.s32 v5, v0;
	v1 =	vld [tilespmem:s29+$0x4100];
	(pc) =	sbr.rel @p2 .LBB2_8-.Ltmp5, $4  }
0x287: {  	v2 =	vadd.s32 v2, v0;
	v0 =	vld [tilespmem:s29+$0x4380]  }
0x288: {  	v5 =	vadd.s32 v6, v2;
	v2 =	vld [tilespmem:s29+$0x4600]  }
0x289: {  	v5 =	vadd.s32 v3, v5;
	v3 =	vld [tilespmem:s29+$0x4880]  }
0x28a: {  	s31 =	sadd.s32 $0x80, s31;
	v5 =	vadd.s32 v4, v5;
	v4 =	vld [tilespmem:s29+$0x4B00]  }
0x28b: {  	v1 =	vadd.s32 v1, v5;
	v5 =	vld [tilespmem:s29+$0x4D80]  }
0x28c: {  	v0 =	vadd.s32 v0, v1  }
0x28d: {  	v0 =	vadd.s32 v2, v0  }
0x28e: {  	v0 =	vadd.s32 v3, v0  }
0x28f: {  	v0 =	vadd.s32 v4, v0  }
0x290: {  	v0 =	vadd.s32 v5, v0  }
0x291: {  	vm0 =	vlt.s32 v0, $0x100  }
0x292: {  	v0 =	vnsel vm0, $0x100, v0  }
0x293: {  	s0 =	simm.s32 $0x0;
	[tilespmem:s29+$0x5780] =	vst v0  }
0x294: {  	[tilespmem:s0], [sflag:$0x3] =	stream.strided.gather [hbm4b:s8+s19], $0x5000, s20, s19, $0x38;
	[tilespmem:$0xA088] =	vst v63  }
0x295: {  	_ =	swait.ge [sflag:s21], $0x5000  }
0x296: {  	[sflag:s21] =	ssyncset.done $0x0  }
0x297: {  	s29 =	simm.s32 $0x0;
	[sflag:s21] =	ssyncadd.s32 $0xFFFFB000  }
0x298: {  	v0 =	vld [tilespmem:s29+$0x10]  }
0x299: {  	v1 =	vld [tilespmem:s29+$0x290]  }
0x29a: {  	v2 =	vld [tilespmem:s29+$0x510]  }
0x29b: {  	v3 =	vld [tilespmem:s29+$0x790]  }
0x29c: {  	v4 =	vld [tilespmem:s29+$0xA10]  }
0x29d: {  	v5 =	vld [tilespmem:s29+$0xC90]  }
0x29e: {  	v6 =	vld [tilespmem:s29+$0xF10]  }
0x29f: {  	v7 =	vld [tilespmem:s29+$0x1190]  }
0x2a0: {  	v8 =	vld [tilespmem:s29+$0x1410]  }
0x2a1: {  	v9 =	vld [tilespmem:s29+$0x1690]  }
0x2a2: {  	v10 =	vld [tilespmem:s29+$0x1910]  }
0x2a3: {  	v11 =	vld [tilespmem:s29+$0x1B90]  }
0x2a4: {  	v12 =	vld [tilespmem:s29+$0x1E10]  }
0x2a5: {  	v13 =	vld [tilespmem:s29+$0x2090]  }
0x2a6: {  	v14 =	vld [tilespmem:s29+$0x2310]  }
0x2a7: {  	v15 =	vld [tilespmem:s29+$0x2590]  }
0x2a8: {  	v16 =	vld [tilespmem:s29+$0x2810]  }
0x2a9: {  	v17 =	vld [tilespmem:s29+$0x2A90]  }
0x2aa: {  	v18 =	vld [tilespmem:s29+$0x2D10]  }
0x2ab: {  	v19 =	vld [tilespmem:s29+$0x2F90]  }
0x2ac: {  	v20 =	vld [tilespmem:s29+$0x3210]  }
0x2ad: {  	v21 =	vld [tilespmem:s29+$0x3490]  }
0x2ae: {  	v22 =	vld [tilespmem:s29+$0x3710]  }
0x2af: {  	v23 =	vld [tilespmem:s29+$0x3990]  }
0x2b0: {  	v24 =	vld [tilespmem:s29+$0x3C10]  }
0x2b1: {  	v25 =	vld [tilespmem:s29+$0x3E90]  }
0x2b2: {  	v26 =	vld [tilespmem:s29+$0x4110]  }
0x2b3: {  	v27 =	vld [tilespmem:s29+$0x4390]  }
0x2b4: {  	v28 =	vld [tilespmem:s29+$0x4610]  }
0x2b5: {  	v55 =	vld [tilespmem:s29+$0xA00];
	v0 =	vadd.s32 v0, v1  }
0x2b6: {  	v56 =	vld [tilespmem:s29+$0xC80];
	v0 =	vadd.s32 v2, v0  }
0x2b7: {  	v57 =	vld [tilespmem:s29+$0x1680];
	v0 =	vadd.s32 v3, v0  }
0x2b8: {  	v0 =	vadd.s32 v4, v0;
	v4 =	vld [tilespmem:s29+$0x0]  }
0x2b9: {  	v0 =	vadd.s32 v5, v0;
	v5 =	vld [tilespmem:s29+$0x280]  }
0x2ba: {  	v0 =	vadd.s32 v6, v0;
	v6 =	vld [tilespmem:s29+$0x500]  }
0x2bb: {  	v0 =	vadd.s32 v7, v0;
	v7 =	vld [tilespmem:s29+$0x780]  }
0x2bc: {  	v58 =	vld [tilespmem:s29+$0x1900];
	v0 =	vadd.s32 v8, v0  }
0x2bd: {  	v59 =	vld [tilespmem:s29+$0x2300];
	v0 =	vadd.s32 v9, v0  }
0x2be: {  	v0 =	vadd.s32 v10, v0;
	v4 =	vadd.s32 v4, v5;
	v5 =	vld [tilespmem:s29+$0xF00]  }
0x2bf: {  	v0 =	vadd.s32 v11, v0;
	v4 =	vadd.s32 v6, v4;
	v6 =	vld [tilespmem:s29+$0x1180]  }
0x2c0: {  	v0 =	vadd.s32 v12, v0;
	v4 =	vadd.s32 v7, v4;
	v7 =	vld [tilespmem:s29+$0x1400]  }
0x2c1: {  	v60 =	vld [tilespmem:s29+$0x2580];
	v0 =	vadd.s32 v13, v0;
	v4 =	vadd.s32 v55, v4  }
0x2c2: {  	v61 =	vld [tilespmem:s29+$0x2F80];
	v0 =	vadd.s32 v14, v0;
	v4 =	vadd.s32 v56, v4  }
0x2c3: {  	v0 =	vadd.s32 v15, v0;
	v4 =	vadd.s32 v5, v4;
	v5 =	vld [tilespmem:s29+$0x1B80]  }
0x2c4: {  	v0 =	vadd.s32 v16, v0;
	v4 =	vadd.s32 v6, v4;
	v6 =	vld [tilespmem:s29+$0x1E00]  }
0x2c5: {  	v0 =	vadd.s32 v17, v0;
	v4 =	vadd.s32 v7, v4;
	v7 =	vld [tilespmem:s29+$0x2080]  }
0x2c6: {  	v62 =	vld [tilespmem:s29+$0x3200];
	v0 =	vadd.s32 v18, v0;
	v4 =	vadd.s32 v57, v4  }
0x2c7: {  	v1 =	vld [tilespmem:s29+$0x4890];
	v0 =	vadd.s32 v19, v0;
	v4 =	vadd.s32 v58, v4  }
0x2c8: {  	v0 =	vadd.s32 v20, v0;
	v4 =	vadd.s32 v5, v4;
	v5 =	vld [tilespmem:s29+$0x2800]  }
0x2c9: {  	v0 =	vadd.s32 v21, v0;
	v4 =	vadd.s32 v6, v4;
	v6 =	vld [tilespmem:s29+$0x2A80]  }
0x2ca: {  	v0 =	vadd.s32 v22, v0;
	v4 =	vadd.s32 v7, v4;
	v7 =	vld [tilespmem:s29+$0x2D00]  }
0x2cb: {  	v2 =	vld [tilespmem:s29+$0x4B10];
	v0 =	vadd.s32 v23, v0;
	v4 =	vadd.s32 v59, v4  }
0x2cc: {  	v3 =	vld [tilespmem:s29+$0x4D90];
	v0 =	vadd.s32 v24, v0;
	v4 =	vadd.s32 v60, v4  }
0x2cd: {  	v0 =	vadd.s32 v25, v0;
	v4 =	vadd.s32 v5, v4;
	v5 =	vld [tilespmem:s29+$0x3480]  }
0x2ce: {  	v0 =	vadd.s32 v26, v0;
	v4 =	vadd.s32 v6, v4;
	v6 =	vld [tilespmem:s29+$0x3700]  }
0x2cf: {  	v0 =	vadd.s32 v27, v0;
	v4 =	vadd.s32 v7, v4;
	v7 =	vld [tilespmem:s29+$0x3980]  }
0x2d0: {  	v63 =	vld [tilespmem:s29+$0x3C00];
	v0 =	vadd.s32 v28, v0;
	v4 =	vadd.s32 v61, v4  }
0x2d1: {  	v0 =	vadd.s32 v1, v0;
	v1 =	vadd.s32 v62, v4;
	v4 =	vld [tilespmem:s29+$0x3E80]  }
0x2d2: {  	v0 =	vadd.s32 v2, v0;
	v2 =	vadd.s32 v5, v1;
	v1 =	vld [tilespmem:s29+$0x4100]  }
0x2d3: {  	v3 =	vadd.s32 v3, v0;
	v2 =	vadd.s32 v6, v2;
	v0 =	vld [tilespmem:s29+$0x4380]  }
0x2d4: {  	vm15 =	vlt.s32 v3, $0x100;
	v5 =	vadd.s32 v7, v2;
	v2 =	vld [tilespmem:s29+$0x4600]  }
0x2d5: {  	v6 =	vnsel vm15, $0x100, v3;
	v5 =	vadd.s32 v63, v5;
	v3 =	vld [tilespmem:s29+$0x4880]  }
0x2d6: {  	s30 =	simm.s32 $0x0;
	s31 =	simm.s32 $0x80;
	[tilespmem:s29+$0x5A10] =	vst v6;
	v5 =	vadd.s32 v4, v5;
	v4 =	vld [tilespmem:s29+$0x4B00]  }
.LBB2_10:
0x2d7: {  	s0 =	sshra.s32 s31, $0x2;
	v1 =	vadd.s32 v1, v5;
	v5 =	vld [tilespmem:s29+$0x4D80]  }
0x2d8: {  	s30 =	sadd.s32 $0x20, s30;
	v6 =	vld [tilespmem:s0+$0x10];
	v0 =	vadd.s32 v0, v1  }
0x2d9: {  	p2 =	slt.u32 s30, $0x260;
	v1 =	vld [tilespmem:s0+$0x290];
	v0 =	vadd.s32 v2, v0  }
0x2da: {  	v2 =	vld [tilespmem:s0+$0x510];
	v0 =	vadd.s32 v3, v0  }
0x2db: {  	v3 =	vld [tilespmem:s0+$0x790];
	v0 =	vadd.s32 v4, v0  }
0x2dc: {  	v4 =	vld [tilespmem:s0+$0xA10];
	v0 =	vadd.s32 v5, v0  }
0x2dd: {  	v5 =	vld [tilespmem:s0+$0xC90];
	vm0 =	vlt.s32 v0, $0x100  }
0x2de: {  	v1 =	vadd.s32 v6, v1;
	v6 =	vld [tilespmem:s0+$0xF10];
	v0 =	vnsel vm0, $0x100, v0  }
0x2df: {  	v1 =	vadd.s32 v2, v1;
	v2 =	vld [tilespmem:s0+$0x1190];
	[tilespmem:s29+$0x5A00] =	vst v0;
	s29 =	smov.u32 s0  }
0x2e0: {  	v0 =	vadd.s32 v3, v1;
	v1 =	vld [tilespmem:s29+$0x1410]  }
0x2e1: {  	v0 =	vadd.s32 v4, v0;
	v3 =	vld [tilespmem:s29+$0x1690]  }
0x2e2: {  	v0 =	vadd.s32 v5, v0;
	v4 =	vld [tilespmem:s29+$0x1910]  }
0x2e3: {  	v0 =	vadd.s32 v6, v0;
	v5 =	vld [tilespmem:s29+$0x1B90]  }
0x2e4: {  	v0 =	vadd.s32 v2, v0;
	v2 =	vld [tilespmem:s29+$0x1E10]  }
0x2e5: {  	v0 =	vadd.s32 v1, v0;
	v1 =	vld [tilespmem:s29+$0x2090]  }
0x2e6: {  	v0 =	vadd.s32 v3, v0;
	v3 =	vld [tilespmem:s29+$0x2310]  }
0x2e7: {  	v0 =	vadd.s32 v4, v0;
	v4 =	vld [tilespmem:s29+$0x2590]  }
0x2e8: {  	v0 =	vadd.s32 v5, v0;
	v5 =	vld [tilespmem:s29+$0x2810]  }
0x2e9: {  	v0 =	vadd.s32 v2, v0;
	v2 =	vld [tilespmem:s29+$0x2A90]  }
0x2ea: {  	v0 =	vadd.s32 v1, v0;
	v1 =	vld [tilespmem:s29+$0x2D10]  }
0x2eb: {  	v0 =	vadd.s32 v3, v0;
	v3 =	vld [tilespmem:s29+$0x2F90]  }
0x2ec: {  	v0 =	vadd.s32 v4, v0;
	v4 =	vld [tilespmem:s29+$0x3210]  }
0x2ed: {  	v0 =	vadd.s32 v5, v0;
	v5 =	vld [tilespmem:s29+$0x3490]  }
0x2ee: {  	v0 =	vadd.s32 v2, v0;
	v2 =	vld [tilespmem:s29+$0x3710]  }
0x2ef: {  	v0 =	vadd.s32 v1, v0;
	v1 =	vld [tilespmem:s29+$0x3990]  }
0x2f0: {  	v0 =	vadd.s32 v3, v0;
	v3 =	vld [tilespmem:s29+$0x3C10]  }
0x2f1: {  	v0 =	vadd.s32 v4, v0;
	v4 =	vld [tilespmem:s29+$0x3E90]  }
0x2f2: {  	v0 =	vadd.s32 v5, v0;
	v5 =	vld [tilespmem:s29+$0x4110]  }
0x2f3: {  	v0 =	vadd.s32 v2, v0;
	v2 =	vld [tilespmem:s29+$0x4390]  }
0x2f4: {  	v0 =	vadd.s32 v1, v0;
	v1 =	vld [tilespmem:s29+$0x4610]  }
0x2f5: {  	v0 =	vadd.s32 v3, v0;
	v3 =	vld [tilespmem:s29+$0x4890]  }
0x2f6: {  	v0 =	vadd.s32 v4, v0;
	v4 =	vld [tilespmem:s29+$0x4B10]  }
0x2f7: {  	v0 =	vadd.s32 v5, v0;
	v5 =	vld [tilespmem:s29+$0x4D90]  }
0x2f8: {  	v6 =	vld [tilespmem:s29+$0x0];
	v0 =	vadd.s32 v2, v0  }
0x2f9: {  	v2 =	vld [tilespmem:s29+$0x280];
	v0 =	vadd.s32 v1, v0  }
0x2fa: {  	v1 =	vld [tilespmem:s29+$0x500];
	v0 =	vadd.s32 v3, v0  }
0x2fb: {  	v3 =	vld [tilespmem:s29+$0x780];
	v0 =	vadd.s32 v4, v0  }
0x2fc: {  	v4 =	vld [tilespmem:s29+$0xA00];
	v0 =	vadd.s32 v5, v0  }
0x2fd: {  	v5 =	vld [tilespmem:s29+$0xC80];
	vm0 =	vlt.s32 v0, $0x100  }
0x2fe: {  	v2 =	vadd.s32 v6, v2;
	v6 =	vld [tilespmem:s29+$0xF00];
	v0 =	vnsel vm0, $0x100, v0  }
0x2ff: {  	v1 =	vadd.s32 v1, v2;
	v2 =	vld [tilespmem:s29+$0x1180];
	[tilespmem:s29+$0x5A10] =	vst v0  }
0x300: {  	v0 =	vadd.s32 v3, v1;
	v1 =	vld [tilespmem:s29+$0x1400]  }
0x301: {  	v0 =	vadd.s32 v4, v0;
	v3 =	vld [tilespmem:s29+$0x1680]  }
0x302: {  	v0 =	vadd.s32 v5, v0;
	v4 =	vld [tilespmem:s29+$0x1900]  }
0x303: {  	v0 =	vadd.s32 v6, v0;
	v5 =	vld [tilespmem:s29+$0x1B80]  }
0x304: {  	v0 =	vadd.s32 v2, v0;
	v2 =	vld [tilespmem:s29+$0x1E00]  }
0x305: {  	v0 =	vadd.s32 v1, v0;
	v1 =	vld [tilespmem:s29+$0x2080]  }
0x306: {  	v0 =	vadd.s32 v3, v0;
	v3 =	vld [tilespmem:s29+$0x2300]  }
0x307: {  	v0 =	vadd.s32 v4, v0;
	v4 =	vld [tilespmem:s29+$0x2580]  }
0x308: {  	v0 =	vadd.s32 v5, v0;
	v5 =	vld [tilespmem:s29+$0x2800]  }
0x309: {  	v0 =	vadd.s32 v2, v0;
	v2 =	vld [tilespmem:s29+$0x2A80]  }
0x30a: {  	v0 =	vadd.s32 v1, v0;
	v1 =	vld [tilespmem:s29+$0x2D00]  }
0x30b: {  	v0 =	vadd.s32 v3, v0;
	v3 =	vld [tilespmem:s29+$0x2F80]  }
0x30c: {  	v0 =	vadd.s32 v4, v0;
	v4 =	vld [tilespmem:s29+$0x3200]  }
0x30d: {  	v0 =	vadd.s32 v5, v0;
	v5 =	vld [tilespmem:s29+$0x3480]  }
0x30e: {  	v0 =	vadd.s32 v2, v0;
	v2 =	vld [tilespmem:s29+$0x3700]  }
0x30f: {  	v0 =	vadd.s32 v1, v0;
	v6 =	vld [tilespmem:s29+$0x3980]  }
0x310: {  	v0 =	vadd.s32 v3, v0;
	v3 =	vld [tilespmem:s29+$0x3C00]  }
0x311: {  	v0 =	vadd.s32 v4, v0;
	v4 =	vld [tilespmem:s29+$0x3E80]  }
.Ltmp6:
0x312: {  	v0 =	vadd.s32 v5, v0;
	v1 =	vld [tilespmem:s29+$0x4100];
	(pc) =	sbr.rel @p2 .LBB2_10-.Ltmp6, $4  }
0x313: {  	v2 =	vadd.s32 v2, v0;
	v0 =	vld [tilespmem:s29+$0x4380]  }
0x314: {  	v5 =	vadd.s32 v6, v2;
	v2 =	vld [tilespmem:s29+$0x4600]  }
0x315: {  	v5 =	vadd.s32 v3, v5;
	v3 =	vld [tilespmem:s29+$0x4880]  }
0x316: {  	s31 =	sadd.s32 $0x80, s31;
	v5 =	vadd.s32 v4, v5;
	v4 =	vld [tilespmem:s29+$0x4B00]  }
0x317: {  	v1 =	vadd.s32 v1, v5;
	v63 =	vld [tilespmem:s29+$0x4D80]  }
0x318: {  	v0 =	vadd.s32 v0, v1  }
0x319: {  	v0 =	vadd.s32 v2, v0  }
0x31a: {  	v0 =	vadd.s32 v3, v0  }
0x31b: {  	v0 =	vadd.s32 v4, v0  }
0x31c: {  	v0 =	vadd.s32 v63, v0  }
0x31d: {  	vm0 =	vlt.s32 v0, $0x100  }
0x31e: {  	v0 =	vnsel vm0, $0x100, v0  }
0x31f: {  	[tilespmem:s29+$0x5A00] =	vst v0  }
0x320: {  	s0 =	simm.s32 $0x5000;
	[bflag:$0x0] =	sbarrier.arrive $0xFFFF  }
0x321: {  	[tilespmem:s23], [sflag:$0x1] =	stream.indirect.gather [spmem:s1], $0x40, s0, s22, $0xb8;
	[tilespmem:$0xA088] =	vst v63  }
.Ltmp7:
0x322: {  	s31 =	simm.s32 $0x5080;
	(pc) =	sbr.rel @p1 .LBB2_13-.Ltmp7, $4  }
0x323: {  	[tilespmem:s24], [sflag:$0x2] =	stream.indirect.gather [spmem:s1], $0x40, s31, s22, $0xb8;
	[tilespmem:$0xA088] =	vst v63  }
0x324: {  	_ =	swait.ge [sflag:s25], $0x2000  }
0x325: {  	[sflag:s25] =	ssyncset.done $0x0  }
0x326: {  	[sflag:s25] =	ssyncadd.s32 $0xFFFFE000  }
0x327: {  	s0 =	rddreg [dreg:$0x4]  }
0x328: {  	[hbm4b:s0+s2] =	stream.linear.scatter [tilespmem:s23], [sflag:$0x3], $0x2000, $0x38;
	[tilespmem:$0xA088] =	vst v63  }
0x329: {  	_ =	swait.ge [sflag:s21], $0x2000  }
0x32a: {  	[sflag:s21] =	ssyncset.done $0x0  }
0x32b: {  	s29 =	simm.s32 $0x5100;
	[sflag:s21] =	ssyncadd.s32 $0xFFFFE000  }
0x32c: {  	[tilespmem:s23], [sflag:$0x1] =	stream.indirect.gather [spmem:s1], $0x40, s29, s22, $0xb8;
	[tilespmem:$0xA088] =	vst v63  }
0x32d: {  	_ =	swait.ge [sflag:s26], $0x2000  }
0x32e: {  	[sflag:s26] =	ssyncset.done $0x0  }
0x32f: {  	s30 =	rddreg [dreg:$0x5];
	[sflag:s26] =	ssyncadd.s32 $0xFFFFE000  }
0x330: {  	[hbm4b:s30+s2] =	stream.linear.scatter [tilespmem:s24], [sflag:$0x3], $0x2000, $0x38;
	[tilespmem:$0xA088] =	vst v63  }
0x331: {  	_ =	swait.ge [sflag:s21], $0x2000  }
0x332: {  	[sflag:s21] =	ssyncset.done $0x0  }
0x333: {  	s31 =	simm.s32 $0x5180;
	[sflag:s21] =	ssyncadd.s32 $0xFFFFE000  }
0x334: {  	[tilespmem:s24], [sflag:$0x2] =	stream.indirect.gather [spmem:s1], $0x40, s31, s22, $0xb8;
	[tilespmem:$0xA088] =	vst v63  }
0x335: {  	_ =	swait.ge [sflag:s25], $0x2000  }
0x336: {  	[sflag:s25] =	ssyncset.done $0x0  }
0x337: {  	s29 =	rddreg [dreg:$0x6];
	[sflag:s25] =	ssyncadd.s32 $0xFFFFE000  }
0x338: {  	[hbm4b:s29+s2] =	stream.linear.scatter [tilespmem:s23], [sflag:$0x3], $0x2000, $0x38;
	[tilespmem:$0xA088] =	vst v63  }
0x339: {  	_ =	swait.ge [sflag:s21], $0x2000  }
0x33a: {  	[sflag:s21] =	ssyncset.done $0x0  }
0x33b: {  	s30 =	simm.s32 $0x5200;
	[sflag:s21] =	ssyncadd.s32 $0xFFFFE000  }
0x33c: {  	[tilespmem:s23], [sflag:$0x1] =	stream.indirect.gather [spmem:s1], $0x40, s30, s22, $0xb8;
	[tilespmem:$0xA088] =	vst v63  }
0x33d: {  	_ =	swait.ge [sflag:s26], $0x2000  }
0x33e: {  	[sflag:s26] =	ssyncset.done $0x0  }
0x33f: {  	s31 =	rddreg [dreg:$0x7];
	[sflag:s26] =	ssyncadd.s32 $0xFFFFE000  }
0x340: {  	[hbm4b:s31+s2] =	stream.linear.scatter [tilespmem:s24], [sflag:$0x3], $0x2000, $0x38;
	[tilespmem:$0xA088] =	vst v63  }
0x341: {  	_ =	swait.ge [sflag:s21], $0x2000  }
0x342: {  	[sflag:s21] =	ssyncset.done $0x0  }
0x343: {  	s29 =	simm.s32 $0x5280;
	[sflag:s21] =	ssyncadd.s32 $0xFFFFE000  }
0x344: {  	[tilespmem:s24], [sflag:$0x2] =	stream.indirect.gather [spmem:s1], $0x40, s29, s22, $0xb8;
	[tilespmem:$0xA088] =	vst v63  }
0x345: {  	_ =	swait.ge [sflag:s25], $0x2000  }
0x346: {  	[sflag:s25] =	ssyncset.done $0x0  }
0x347: {  	s30 =	rddreg [dreg:$0x8];
	[sflag:s25] =	ssyncadd.s32 $0xFFFFE000  }
0x348: {  	[hbm4b:s30+s2] =	stream.linear.scatter [tilespmem:s23], [sflag:$0x3], $0x2000, $0x38;
	[tilespmem:$0xA088] =	vst v63  }
0x349: {  	_ =	swait.ge [sflag:s21], $0x2000  }
0x34a: {  	[sflag:s21] =	ssyncset.done $0x0  }
0x34b: {  	s31 =	simm.s32 $0x5300;
	[sflag:s21] =	ssyncadd.s32 $0xFFFFE000  }
0x34c: {  	[tilespmem:s23], [sflag:$0x1] =	stream.indirect.gather [spmem:s1], $0x40, s31, s22, $0xb8;
	[tilespmem:$0xA088] =	vst v63  }
0x34d: {  	_ =	swait.ge [sflag:s26], $0x2000  }
0x34e: {  	[sflag:s26] =	ssyncset.done $0x0  }
0x34f: {  	s29 =	rddreg [dreg:$0x9];
	[sflag:s26] =	ssyncadd.s32 $0xFFFFE000  }
0x350: {  	[hbm4b:s29+s2] =	stream.linear.scatter [tilespmem:s24], [sflag:$0x3], $0x2000, $0x38;
	[tilespmem:$0xA088] =	vst v63  }
0x351: {  	_ =	swait.ge [sflag:s21], $0x2000  }
0x352: {  	[sflag:s21] =	ssyncset.done $0x0  }
0x353: {  	s30 =	simm.s32 $0x5380;
	[sflag:s21] =	ssyncadd.s32 $0xFFFFE000  }
0x354: {  	[tilespmem:s24], [sflag:$0x2] =	stream.indirect.gather [spmem:s1], $0x40, s30, s22, $0xb8;
	[tilespmem:$0xA088] =	vst v63  }
0x355: {  	_ =	swait.ge [sflag:s25], $0x2000  }
0x356: {  	[sflag:s25] =	ssyncset.done $0x0  }
0x357: {  	s31 =	rddreg [dreg:$0xa];
	[sflag:s25] =	ssyncadd.s32 $0xFFFFE000  }
0x358: {  	[hbm4b:s31+s2] =	stream.linear.scatter [tilespmem:s23], [sflag:$0x3], $0x2000, $0x38;
	[tilespmem:$0xA088] =	vst v63  }
0x359: {  	_ =	swait.ge [sflag:s21], $0x2000  }
0x35a: {  	[sflag:s21] =	ssyncset.done $0x0  }
0x35b: {  	s29 =	simm.s32 $0x5400;
	[sflag:s21] =	ssyncadd.s32 $0xFFFFE000  }
0x35c: {  	[tilespmem:s23], [sflag:$0x1] =	stream.indirect.gather [spmem:s1], $0x40, s29, s22, $0xb8;
	[tilespmem:$0xA088] =	vst v63  }
0x35d: {  	_ =	swait.ge [sflag:s26], $0x2000  }
0x35e: {  	[sflag:s26] =	ssyncset.done $0x0  }
0x35f: {  	s30 =	rddreg [dreg:$0xb];
	[sflag:s26] =	ssyncadd.s32 $0xFFFFE000  }
0x360: {  	[hbm4b:s30+s2] =	stream.linear.scatter [tilespmem:s24], [sflag:$0x3], $0x2000, $0x38;
	[tilespmem:$0xA088] =	vst v63  }
0x361: {  	_ =	swait.ge [sflag:s21], $0x2000  }
0x362: {  	[sflag:s21] =	ssyncset.done $0x0  }
0x363: {  	s31 =	simm.s32 $0x5480;
	[sflag:s21] =	ssyncadd.s32 $0xFFFFE000  }
0x364: {  	[tilespmem:s24], [sflag:$0x2] =	stream.indirect.gather [spmem:s1], $0x40, s31, s22, $0xb8;
	[tilespmem:$0xA088] =	vst v63  }
0x365: {  	_ =	swait.ge [sflag:s25], $0x2000  }
0x366: {  	[sflag:s25] =	ssyncset.done $0x0  }
0x367: {  	s29 =	rddreg [dreg:$0xc];
	[sflag:s25] =	ssyncadd.s32 $0xFFFFE000  }
0x368: {  	[hbm4b:s29+s2] =	stream.linear.scatter [tilespmem:s23], [sflag:$0x3], $0x2000, $0x38;
	[tilespmem:$0xA088] =	vst v63  }
0x369: {  	_ =	swait.ge [sflag:s21], $0x2000  }
0x36a: {  	[sflag:s21] =	ssyncset.done $0x0  }
0x36b: {  	s30 =	simm.s32 $0x5500;
	[sflag:s21] =	ssyncadd.s32 $0xFFFFE000  }
0x36c: {  	[tilespmem:s23], [sflag:$0x1] =	stream.indirect.gather [spmem:s1], $0x40, s30, s22, $0xb8;
	[tilespmem:$0xA088] =	vst v63  }
0x36d: {  	_ =	swait.ge [sflag:s26], $0x2000  }
0x36e: {  	[sflag:s26] =	ssyncset.done $0x0  }
0x36f: {  	s31 =	rddreg [dreg:$0xd];
	[sflag:s26] =	ssyncadd.s32 $0xFFFFE000  }
0x370: {  	[hbm4b:s31+s2] =	stream.linear.scatter [tilespmem:s24], [sflag:$0x3], $0x2000, $0x38;
	[tilespmem:$0xA088] =	vst v63  }
0x371: {  	_ =	swait.ge [sflag:s21], $0x2000  }
0x372: {  	[sflag:s21] =	ssyncset.done $0x0  }
0x373: {  	s29 =	simm.s32 $0x5580;
	[sflag:s21] =	ssyncadd.s32 $0xFFFFE000  }
0x374: {  	[tilespmem:s24], [sflag:$0x2] =	stream.indirect.gather [spmem:s1], $0x40, s29, s22, $0xb8;
	[tilespmem:$0xA088] =	vst v63  }
0x375: {  	_ =	swait.ge [sflag:s25], $0x2000  }
0x376: {  	[sflag:s25] =	ssyncset.done $0x0  }
0x377: {  	s30 =	rddreg [dreg:$0xe];
	[sflag:s25] =	ssyncadd.s32 $0xFFFFE000  }
0x378: {  	[hbm4b:s30+s2] =	stream.linear.scatter [tilespmem:s23], [sflag:$0x3], $0x2000, $0x38;
	[tilespmem:$0xA088] =	vst v63  }
0x379: {  	_ =	swait.ge [sflag:s21], $0x2000  }
0x37a: {  	[sflag:s21] =	ssyncset.done $0x0  }
0x37b: {  	s31 =	simm.s32 $0x5600;
	[sflag:s21] =	ssyncadd.s32 $0xFFFFE000  }
0x37c: {  	[tilespmem:s23], [sflag:$0x1] =	stream.indirect.gather [spmem:s1], $0x40, s31, s22, $0xb8;
	[tilespmem:$0xA088] =	vst v63  }
0x37d: {  	_ =	swait.ge [sflag:s26], $0x2000  }
0x37e: {  	[sflag:s26] =	ssyncset.done $0x0  }
0x37f: {  	s29 =	rddreg [dreg:$0xf];
	[sflag:s26] =	ssyncadd.s32 $0xFFFFE000  }
0x380: {  	[hbm4b:s29+s2] =	stream.linear.scatter [tilespmem:s24], [sflag:$0x3], $0x2000, $0x38;
	[tilespmem:$0xA088] =	vst v63  }
0x381: {  	_ =	swait.ge [sflag:s21], $0x2000  }
0x382: {  	[sflag:s21] =	ssyncset.done $0x0  }
0x383: {  	s30 =	simm.s32 $0x5680;
	[sflag:s21] =	ssyncadd.s32 $0xFFFFE000  }
0x384: {  	[tilespmem:s24], [sflag:$0x2] =	stream.indirect.gather [spmem:s1], $0x40, s30, s22, $0xb8;
	[tilespmem:$0xA088] =	vst v63  }
0x385: {  	_ =	swait.ge [sflag:s25], $0x2000  }
0x386: {  	[sflag:s25] =	ssyncset.done $0x0  }
0x387: {  	s31 =	rddreg [dreg:$0x12];
	[sflag:s25] =	ssyncadd.s32 $0xFFFFE000  }
0x388: {  	[hbm4b:s31+s2] =	stream.linear.scatter [tilespmem:s23], [sflag:$0x3], $0x2000, $0x38;
	[tilespmem:$0xA088] =	vst v63  }
0x389: {  	_ =	swait.ge [sflag:s21], $0x2000  }
0x38a: {  	[sflag:s21] =	ssyncset.done $0x0  }
0x38b: {  	s29 =	simm.s32 $0x5700;
	[sflag:s21] =	ssyncadd.s32 $0xFFFFE000  }
0x38c: {  	[tilespmem:s23], [sflag:$0x1] =	stream.indirect.gather [spmem:s1], $0x40, s29, s22, $0xb8;
	[tilespmem:$0xA088] =	vst v63  }
0x38d: {  	_ =	swait.ge [sflag:s26], $0x2000  }
0x38e: {  	[sflag:s26] =	ssyncset.done $0x0  }
0x38f: {  	s30 =	rddreg [dreg:$0x13];
	[sflag:s26] =	ssyncadd.s32 $0xFFFFE000  }
0x390: {  	[hbm4b:s30+s2] =	stream.linear.scatter [tilespmem:s24], [sflag:$0x3], $0x2000, $0x38;
	[tilespmem:$0xA088] =	vst v63  }
0x391: {  	_ =	swait.ge [sflag:s21], $0x2000  }
0x392: {  	[sflag:s21] =	ssyncset.done $0x0  }
0x393: {  	s31 =	simm.s32 $0x5780;
	[sflag:s21] =	ssyncadd.s32 $0xFFFFE000  }
0x394: {  	[tilespmem:s24], [sflag:$0x2] =	stream.indirect.gather [spmem:s1], $0x40, s31, s22, $0xb8;
	[tilespmem:$0xA088] =	vst v63  }
0x395: {  	_ =	swait.ge [sflag:s25], $0x2000  }
0x396: {  	[sflag:s25] =	ssyncset.done $0x0  }
0x397: {  	s29 =	rddreg [dreg:$0x14];
	[sflag:s25] =	ssyncadd.s32 $0xFFFFE000  }
0x398: {  	[hbm4b:s29+s2] =	stream.linear.scatter [tilespmem:s23], [sflag:$0x3], $0x2000, $0x38;
	[tilespmem:$0xA088] =	vst v63  }
0x399: {  	_ =	swait.ge [sflag:s21], $0x2000  }
0x39a: {  	[sflag:s21] =	ssyncset.done $0x0  }
0x39b: {  	s30 =	simm.s32 $0x5800;
	[sflag:s21] =	ssyncadd.s32 $0xFFFFE000  }
0x39c: {  	[tilespmem:s23], [sflag:$0x1] =	stream.indirect.gather [spmem:s1], $0x40, s30, s22, $0xb8;
	[tilespmem:$0xA088] =	vst v63  }
0x39d: {  	_ =	swait.ge [sflag:s26], $0x2000  }
0x39e: {  	[sflag:s26] =	ssyncset.done $0x0  }
0x39f: {  	s31 =	rddreg [dreg:$0x10];
	[sflag:s26] =	ssyncadd.s32 $0xFFFFE000  }
0x3a0: {  	[hbm4b:s31+s2] =	stream.linear.scatter [tilespmem:s24], [sflag:$0x3], $0x2000, $0x38;
	[tilespmem:$0xA088] =	vst v63  }
0x3a1: {  	_ =	swait.ge [sflag:s21], $0x2000  }
0x3a2: {  	[sflag:s21] =	ssyncset.done $0x0  }
0x3a3: {  	s29 =	simm.s32 $0x5880;
	[sflag:s21] =	ssyncadd.s32 $0xFFFFE000  }
0x3a4: {  	[tilespmem:s24], [sflag:$0x2] =	stream.indirect.gather [spmem:s1], $0x40, s29, s22, $0xb8;
	[tilespmem:$0xA088] =	vst v63  }
0x3a5: {  	_ =	swait.ge [sflag:s25], $0x2000  }
0x3a6: {  	[sflag:s25] =	ssyncset.done $0x0  }
0x3a7: {  	s30 =	rddreg [dreg:$0x15];
	[sflag:s25] =	ssyncadd.s32 $0xFFFFE000  }
0x3a8: {  	[hbm4b:s30+s2] =	stream.linear.scatter [tilespmem:s23], [sflag:$0x3], $0x2000, $0x38;
	[tilespmem:$0xA088] =	vst v63  }
0x3a9: {  	_ =	swait.ge [sflag:s21], $0x2000  }
0x3aa: {  	[sflag:s21] =	ssyncset.done $0x0  }
0x3ab: {  	s31 =	simm.s32 $0x5900;
	[sflag:s21] =	ssyncadd.s32 $0xFFFFE000  }
0x3ac: {  	[tilespmem:s23], [sflag:$0x1] =	stream.indirect.gather [spmem:s1], $0x40, s31, s22, $0xb8;
	[tilespmem:$0xA088] =	vst v63  }
0x3ad: {  	_ =	swait.ge [sflag:s26], $0x2000  }
0x3ae: {  	[sflag:s26] =	ssyncset.done $0x0  }
0x3af: {  	s29 =	rddreg [dreg:$0x16];
	[sflag:s26] =	ssyncadd.s32 $0xFFFFE000  }
0x3b0: {  	[hbm4b:s29+s2] =	stream.linear.scatter [tilespmem:s24], [sflag:$0x3], $0x2000, $0x38;
	[tilespmem:$0xA088] =	vst v63  }
0x3b1: {  	_ =	swait.ge [sflag:s21], $0x2000  }
0x3b2: {  	[sflag:s21] =	ssyncset.done $0x0  }
0x3b3: {  	s30 =	simm.s32 $0x5980;
	[sflag:s21] =	ssyncadd.s32 $0xFFFFE000  }
0x3b4: {  	[tilespmem:s24], [sflag:$0x2] =	stream.indirect.gather [spmem:s1], $0x40, s30, s22, $0xb8;
	[tilespmem:$0xA088] =	vst v63  }
0x3b5: {  	_ =	swait.ge [sflag:s25], $0x2000  }
0x3b6: {  	[sflag:s25] =	ssyncset.done $0x0  }
0x3b7: {  	s31 =	rddreg [dreg:$0x17];
	[sflag:s25] =	ssyncadd.s32 $0xFFFFE000  }
0x3b8: {  	[hbm4b:s31+s2] =	stream.linear.scatter [tilespmem:s23], [sflag:$0x3], $0x2000, $0x38;
	[tilespmem:$0xA088] =	vst v63  }
0x3b9: {  	_ =	swait.ge [sflag:s21], $0x2000  }
0x3ba: {  	[sflag:s21] =	ssyncset.done $0x0  }
0x3bb: {  	s29 =	simm.s32 $0x5A00;
	[sflag:s21] =	ssyncadd.s32 $0xFFFFE000  }
0x3bc: {  	[tilespmem:s23], [sflag:$0x1] =	stream.indirect.gather [spmem:s1], $0x40, s29, s22, $0xb8;
	[tilespmem:$0xA088] =	vst v63  }
0x3bd: {  	_ =	swait.ge [sflag:s26], $0x2000  }
0x3be: {  	[sflag:s26] =	ssyncset.done $0x0  }
0x3bf: {  	s30 =	rddreg [dreg:$0x18];
	[sflag:s26] =	ssyncadd.s32 $0xFFFFE000  }
0x3c0: {  	[hbm4b:s30+s2] =	stream.linear.scatter [tilespmem:s24], [sflag:$0x3], $0x2000, $0x38;
	[tilespmem:$0xA088] =	vst v63  }
0x3c1: {  	_ =	swait.ge [sflag:s21], $0x2000  }
0x3c2: {  	[sflag:s21] =	ssyncset.done $0x0  }
0x3c3: {  	s31 =	simm.s32 $0x5A80;
	[sflag:s21] =	ssyncadd.s32 $0xFFFFE000  }
0x3c4: {  	[tilespmem:s24], [sflag:$0x2] =	stream.indirect.gather [spmem:s1], $0x40, s31, s22, $0xb8;
	[tilespmem:$0xA088] =	vst v63  }
0x3c5: {  	_ =	swait.ge [sflag:s25], $0x2000  }
0x3c6: {  	[sflag:s25] =	ssyncset.done $0x0  }
0x3c7: {  	s29 =	rddreg [dreg:$0x11];
	[sflag:s25] =	ssyncadd.s32 $0xFFFFE000  }
0x3c8: {  	[hbm4b:s29+s2] =	stream.linear.scatter [tilespmem:s23], [sflag:$0x3], $0x2000, $0x38;
	[tilespmem:$0xA088] =	vst v63  }
0x3c9: {  	_ =	swait.ge [sflag:s21], $0x2000  }
0x3ca: {  	[sflag:s21] =	ssyncset.done $0x0  }
0x3cb: {  	s30 =	simm.s32 $0x5B00;
	[sflag:s21] =	ssyncadd.s32 $0xFFFFE000  }
0x3cc: {  	[tilespmem:s23], [sflag:$0x1] =	stream.indirect.gather [spmem:s1], $0x40, s30, s22, $0xb8;
	[tilespmem:$0xA088] =	vst v63  }
0x3cd: {  	_ =	swait.ge [sflag:s26], $0x2000  }
0x3ce: {  	[sflag:s26] =	ssyncset.done $0x0  }
0x3cf: {  	s31 =	rddreg [dreg:$0x19];
	[sflag:s26] =	ssyncadd.s32 $0xFFFFE000  }
0x3d0: {  	[hbm4b:s31+s2] =	stream.linear.scatter [tilespmem:s24], [sflag:$0x3], $0x2000, $0x38;
	[tilespmem:$0xA088] =	vst v63  }
0x3d1: {  	_ =	swait.ge [sflag:s21], $0x2000  }
0x3d2: {  	[sflag:s21] =	ssyncset.done $0x0  }
0x3d3: {  	s29 =	simm.s32 $0x5B80;
	[sflag:s21] =	ssyncadd.s32 $0xFFFFE000  }
0x3d4: {  	[tilespmem:s24], [sflag:$0x2] =	stream.indirect.gather [spmem:s1], $0x40, s29, s22, $0xb8;
	[tilespmem:$0xA088] =	vst v63  }
0x3d5: {  	_ =	swait.ge [sflag:s25], $0x2000  }
0x3d6: {  	[sflag:s25] =	ssyncset.done $0x0  }
0x3d7: {  	s30 =	rddreg [dreg:$0x1a];
	[sflag:s25] =	ssyncadd.s32 $0xFFFFE000  }
0x3d8: {  	[hbm4b:s30+s2] =	stream.linear.scatter [tilespmem:s23], [sflag:$0x3], $0x2000, $0x38;
	[tilespmem:$0xA088] =	vst v63  }
0x3d9: {  	_ =	swait.ge [sflag:s21], $0x2000  }
0x3da: {  	[sflag:s21] =	ssyncset.done $0x0  }
0x3db: {  	s31 =	simm.s32 $0x5C00;
	[sflag:s21] =	ssyncadd.s32 $0xFFFFE000  }
0x3dc: {  	[tilespmem:s23], [sflag:$0x1] =	stream.indirect.gather [spmem:s1], $0x40, s31, s22, $0xb8;
	[tilespmem:$0xA088] =	vst v63  }
0x3dd: {  	_ =	swait.ge [sflag:s26], $0x2000  }
0x3de: {  	[sflag:s26] =	ssyncset.done $0x0  }
0x3df: {  	[sflag:s26] =	ssyncadd.s32 $0xFFFFE000  }
0x3e0: {  	[hbm4b:s9+s2] =	stream.linear.scatter [tilespmem:s24], [sflag:$0x3], $0x2000, $0x38;
	[tilespmem:$0xA088] =	vst v63  }
0x3e1: {  	_ =	swait.ge [sflag:s21], $0x2000  }
0x3e2: {  	[sflag:s21] =	ssyncset.done $0x0  }
0x3e3: {  	[sflag:s21] =	ssyncadd.s32 $0xFFFFE000  }
0x3e4: {  	_ =	swait.ge [sflag:s25], $0x2000  }
0x3e5: {  	[sflag:s25] =	ssyncset.done $0x0  }
.Ltmp8:
0x3e6: {  	[sflag:s25] =	ssyncadd.s32 $0xFFFFE000;
	(pc) =	sbr.rel .LBB2_14-.Ltmp8, $4  }
0x3e7: {  	[hbm4b:s10+s2] =	stream.linear.scatter [tilespmem:s23], [sflag:$0x3], $0x2000, $0x38;
	[tilespmem:$0xA088] =	vst v63  }
0x3e8: {  	_ =	swait.ge [sflag:s21], $0x2000  }
0x3e9: {  	[sflag:s21] =	ssyncset.done $0x0  }
0x3ea: {  	[sflag:s21] =	ssyncadd.s32 $0xFFFFE000  }
.LBB2_15:
0x3eb: {  	_ =	sfence.sel $0x180000  }
0x3ec: {  	[bflag:$0x0] =	sbarrier.arrive $0xFFFF  }
0x3ed: {  	_ =	strace $0x9000004A  }
0x3ee: {  	[bflag:$0x2] =	sbarrier.arrive $0xFFFF  }
0x3ef: {  	s0 =	rddreg [dreg:$0x3]  }
0x3f0: {  	s0 =	sadd.s32 @!p0 $0x100000, s0  }
0x3f1: {  	[sflag:s0] =	ssyncadd.tile.s32 @!p0 $0x1;
	_ =	shalt  }
.Lfunc_end2:
_tile_overlayer_lowered:
.L_overlay_start_2:
0x3f2: {  	(tag) =	ssettag $0x2  }
0x3f3: {  	s0 =	rddreg [dreg:$0x0];
	s2 =	stileid.u32  }
0x3f4: {  	s1 =	rddreg [dreg:$0x1];
	p0 =	sne.s32 s2, $0x0  }
0x3f5: {  	s3 =	rddreg [dreg:$0x2];
	[bflag:$0x3] =	sbarrier.arrive $0xFFFF;
	s2 =	simm.s32 @!p0 $0x1C03  }
0x3f6: {  	[timem:s3], [sflag:s2] =	dma.local @!p0 [hbm:s0], s1  }
0x3f7: {  	s0 =	simm.s32 @!p0 $0x3  }
0x3f8: {  	_ =	swait.ge @!p0 [sflag:s0], s1  }
0x3f9: {  	s1 =	ssub.s32 @!p0 $0x0, s1;
	[sflag:s0] =	ssyncset.done @!p0 $0x0  }
0x3fa: {  	[sflag:s0] =	ssyncadd.s32 @!p0 s1  }
0x3fb: {  	[bflag:$0x3] =	sbarrier.arrive $0xFFFF  }
0x3fc: {  	_ =	shalt  }

</sc_bundles>
